<compile_context>
chip_gen: v7x
topology: tpu7x:2x2x1
jax: 0.10.2.dev20260603
libtpu: 0.0.44.dev20260713+nightly
codegen_flags: <defaults>
</compile_context>

<pallas_src>
import functools
import math

import jax
import jax.numpy as jnp
import numpy as np
from jax import lax
from jax.experimental import pallas as pl
from jax.experimental.pallas import tpu as pltpu
from jax.experimental.pallas import tpu_sc as plsc

N = 10000
E = 160000
D = 16
HID = 256

NC = 2
NS = 16
NW = NC * NS
CH = 128
NCH = 40
PER_W = NCH * CH
E_PAD = NW * PER_W
ZR = N // NS



def _sc_gather_body(nf_hbm, src_hbm, out_hbm, idx_v, rows_v, sem):
    c = lax.axis_index("c")
    s = lax.axis_index("s")
    wid = s * NC + c
    pltpu.sync_copy(src_hbm.at[wid], idx_v)
    for g in range(0, NCH, 8):
        cps = [
            pltpu.async_copy(nf_hbm.at[idx_v.at[g + b]], rows_v.at[g + b], sem)
            for b in range(8)
        ]
        for cp in cps:
            cp.wait()
    pltpu.sync_copy(rows_v, out_hbm.at[wid])




def _sc_scatter_body(ef_hbm, dst_hbm, zero_hbm, part_hbm, idx_v, ef_v, acc, sem):
    c = lax.axis_index("c")
    s = lax.axis_index("s")
    wid = s * NC + c
    pltpu.sync_copy(zero_hbm.at[pl.ds(s * ZR, ZR)], acc.at[pl.ds(s * ZR, ZR)])
    pltpu.sync_copy(dst_hbm.at[wid], idx_v)
    pltpu.sync_copy(ef_hbm.at[wid], ef_v)
    plsc.subcore_barrier()
    for g in range(0, NCH, 8):
        cps = [
            pltpu.async_copy(ef_v.at[g + b], acc.at[idx_v.at[g + b]], sem, add=True)
            for b in range(8)
        ]
        for cp in cps:
            cp.wait()
    plsc.subcore_barrier()
    pltpu.sync_copy(acc.at[pl.ds(s * ZR, ZR)], part_hbm.at[c, pl.ds(s * ZR, ZR)])



_BLK = 16384
_INV_SQRT3 = 1.0 / math.sqrt(3.0)


def _tc_edge_body(sat_ref, x_ref, apk_ref, w1t_ref, w2_ref, arep_ref, rbig_ref, sbig_ref, out_ref):
    z_t = jnp.dot(
        w1t_ref[...], sat_ref[...].astype(jnp.bfloat16),
        preferred_element_type=jnp.float32,
    )
    h_t = jnp.maximum(z_t, 0.0).astype(jnp.bfloat16)
    w = lax.dot_general(
        h_t, w2_ref[...], (((0,), (0,)), ((), ())),
        preferred_element_type=jnp.float32,
    )
    wre = w.reshape(_BLK // 8, 8 * HID)
    attr_rep = jnp.dot(apk_ref[...], arep_ref[...], preferred_element_type=jnp.float32)
    xa = (x_ref[...] * attr_rep).astype(jnp.bfloat16)
    xr = jnp.dot(xa, rbig_ref[...], preferred_element_type=jnp.float32)
    prod = (xr * wre).astype(jnp.bfloat16)
    out_ref[...] = jnp.dot(prod, sbig_ref[...], preferred_element_type=jnp.float32)


def _tc_edge(sat, x_packed, apk, w1t, w2, arep, rbig, sbig):
    return pl.pallas_call(
        _tc_edge_body,
        grid=(E_PAD // _BLK,),
        in_specs=[
            pl.BlockSpec((3, _BLK), lambda i: (0, i)),
            pl.BlockSpec((_BLK // 8, 128), lambda i: (i, 0)),
            pl.BlockSpec((_BLK // 8, 8), lambda i: (i, 0)),
            pl.BlockSpec((HID, 3), lambda i: (0, 0)),
            pl.BlockSpec((HID, HID), lambda i: (0, 0)),
            pl.BlockSpec((8, 128), lambda i: (0, 0)),
            pl.BlockSpec((128, 8 * HID), lambda i: (0, 0)),
            pl.BlockSpec((8 * HID, 128), lambda i: (0, 0)),
        ],
        out_specs=pl.BlockSpec((_BLK // 8, 128), lambda i: (i, 0)),
        out_shape=jax.ShapeDtypeStruct((E_PAD // 8, 128), jnp.float32),
    )(sat, x_packed, apk, w1t, w2, arep, rbig, sbig)


def _tc_combine_body(p_ref, o_ref):
    o_ref[...] = p_ref[0] + p_ref[1]


_PROWS = N * D // 128


def _tc_combine(parts_lin):
    return pl.pallas_call(
        _tc_combine_body,
        out_shape=jax.ShapeDtypeStruct((_PROWS, 128), jnp.float32),
    )(parts_lin)




@functools.cache
def _sc_kernels():
    mesh = plsc.VectorSubcoreMesh(core_axis_name="c", subcore_axis_name="s")
    gather = pl.kernel(
        _sc_gather_body,
        out_type=jax.ShapeDtypeStruct((NW, NCH, CH, D), jnp.float32),
        mesh=mesh,
        scratch_types=[
            pltpu.VMEM((NCH, CH), jnp.int32),
            pltpu.VMEM((NCH, CH, D), jnp.float32),
            pltpu.SemaphoreType.DMA,
        ],
        compiler_params=pltpu.CompilerParams(use_tc_tiling_on_sc=False),
    )
    scatter = pl.kernel(
        _sc_scatter_body,
        out_type=jax.ShapeDtypeStruct((NC, N, D), jnp.float32),
        mesh=mesh,
        scratch_types=[
            pltpu.VMEM((NCH, CH), jnp.int32),
            pltpu.VMEM((NCH, CH, D), jnp.float32),
            pltpu.VMEM_SHARED((N, D), jnp.float32),
            pltpu.SemaphoreType.DMA,
        ],
        compiler_params=pltpu.CompilerParams(use_tc_tiling_on_sc=False),
    )
    return gather, scatter


def kernel(node_features, edge_src, edge_dst, edge_attr, edge_scalars, W1, W2):
    _sc_gather, _sc_scatter = _sc_kernels()
    pad = E_PAD - E
    src = jnp.pad(edge_src, (0, pad)).reshape(NW, NCH, CH)
    dst = jnp.pad(edge_dst, (0, pad)).reshape(NW, NCH, CH)
    sat = jnp.pad(edge_scalars.T, ((0, 0), (0, pad)))
    apk = jnp.pad(edge_attr[:, 0], (0, pad)).reshape(E_PAD // 8, 8)

    w1t = (W1 * (_INV_SQRT3 / 256.0)).T.astype(jnp.bfloat16)
    w2b = W2.astype(jnp.bfloat16)
    m8 = np.arange(8)
    l128 = np.arange(128)
    c2048 = np.arange(8 * HID)
    arep = (m8[:, None] == l128[None, :] // D).astype(np.float32)
    rbig = (l128[:, None] == (c2048[None, :] // HID) * D + (c2048[None, :] % HID) // D
            ).astype(jnp.bfloat16)
    sbig = ((c2048[:, None] // HID == l128[None, :] // D)
            & (c2048[:, None] % D == l128[None, :] % D)).astype(jnp.bfloat16)

    x_packed = _sc_gather(node_features, src).reshape(E_PAD // 8, 128)
    ef = _tc_edge(sat, x_packed, apk, w1t, w2b, arep, rbig, sbig).reshape(
        NW, NCH, CH, D
    )
    zeros = jnp.zeros((N, D), jnp.float32)
    parts = _sc_scatter(ef, dst, zeros)
    return _tc_combine(parts.reshape(NC, _PROWS, 128)).reshape(N, D)

# --- scband reference (transcript-rebuilt; emitter-appended) ---
"""Pipeline reference for scband-convolution-23708219474701 (READ-ONLY COPY).

The authoritative reference and input builder live on the scoring server;
editing this copy changes nothing except your own understanding.
"""

import jax, jax.numpy as jnp
import numpy as np

N = 10000
E = 160000
D_IN = 16    # irreps_in = 16x0e
SH = 1       # irreps_sh = 1x0e
D_OUT = 16   # irreps_out = 16x0e
HID = 256
WN = D_IN * SH * D_OUT  # tp.weight_numel = 256
NUM_NEIGHBORS = 16.0


def setup_inputs(seed: int = 0) -> dict:
    key = jax.random.key(seed)
    ks = jax.random.split(key, 7)
    node_features = jax.random.normal(ks[0], (N, D_IN), dtype=jnp.float32)
    edge_src = jax.random.randint(ks[1], (E,), 0, N, dtype=jnp.int32)
    edge_dst = jax.random.randint(ks[2], (E,), 0, N, dtype=jnp.int32)
    edge_attr = jax.random.normal(ks[3], (E, SH), dtype=jnp.float32)
    edge_scalars = jax.random.normal(ks[4], (E, 3), dtype=jnp.float32)
    # FullyConnectedNet([3, 256, WN], relu): unit-normal weights, 1/sqrt(fan_in) norm, no bias
    W1 = jax.random.normal(ks[5], (3, HID), dtype=jnp.float32)
    W2 = jax.random.normal(ks[6], (HID, WN), dtype=jnp.float32)
    return {
        "node_features": node_features,
        "edge_src": edge_src,
        "edge_dst": edge_dst,
        "edge_attr": edge_attr,
        "edge_scalars": edge_scalars,
        "W1": W1,
        "W2": W2,
    }


def reference(node_features, edge_src, edge_dst, edge_attr, edge_scalars, W1, W2):
    # fc: FullyConnectedNet([3, 256, WN], relu) with e3nn fan-in normalization
    h = jax.nn.relu(jnp.dot(edge_scalars, W1) / jnp.sqrt(3.0))
    weight = jnp.dot(h, W2) / jnp.sqrt(float(HID))  # [E, WN] per-edge TP weights
    # FullyConnectedTensorProduct over scalar irreps (16x0e) x (1x0e) -> (16x0e)
    # path normalization 1/sqrt(D_IN*SH)
    w = weight.reshape(E, D_IN, SH, D_OUT)
    x_src = jnp.take(node_features, edge_src, axis=0)  # gather [E, D_IN]
    edge_features = jnp.einsum("ei,es,eiso->eo", x_src, edge_attr, w) / jnp.sqrt(float(D_IN * SH))
    # scatter-add over destination nodes, then divide by sqrt(num_neighbors)
    out = jnp.zeros((N, D_OUT), dtype=jnp.float32).at[edge_dst].add(edge_features)
    out = out / jnp.sqrt(NUM_NEIGHBORS)
    return out

if __name__ == "__main__":
    import jax
    _d = setup_inputs()
    print(jax.jit(kernel)(*tuple(_d.values())))

</pallas_src>

<mosaic_0001>
#map = affine_map<(d0, d1) -> (0, 0)>
#map1 = affine_map<(d0, d1) -> (0, 0, 0)>
#map2 = affine_map<(d0, d1) -> (0, 0, 0, 0)>
module attributes {stable_mosaic.version = 14 : i64} {
  func.func @_sc_gather_body(%arg0: i32, %arg1: i32, %arg2: memref<10000x16xf32, #tpu.memory_space<hbm>>, %arg3: memref<32x40x128xi32, #tpu.memory_space<hbm>>, %arg4: memref<32x40x128x16xf32, #tpu.memory_space<hbm>>, %arg5: memref<40x128xi32, #tpu.memory_space<vmem>>, %arg6: memref<40x128x16xf32, #tpu.memory_space<vmem>>, %arg7: memref<!tpu.dma_semaphore, #tpu.memory_space<semaphore_mem>>) attributes {dimension_semantics = [#tpu.dimension_semantics<core_parallel>, #tpu.dimension_semantics<subcore_parallel>], iteration_bounds = array<i64: 2, 16>, scalar_prefetch = 0 : i64, scratch_operands = 3 : i64, tpu.core_type = #tpu.core_type<sc_vector_subcore>, window_params = [{transform_indices = #map}, {transform_indices = #map1}, {transform_indices = #map2}]} {
    %mul3A = arith.constant 2 : i32
    %mul3A_0 = arith.muli %arg1, %mul3A : i32
    %add3A = arith.addi %mul3A_0, %arg0 : i32
    "tpu.region"() ({
      %run_scoped3A = tpu.sem_alloc : memref<!tpu.dma_semaphore, #tpu.memory_space<semaphore_mem>>
      %dma_start3A_959 = arith.constant 0 : i32
      %dma_start3A_960 = arith.constant 0 : i32
      %dma_start3A_961 = tpu.memref_slice %arg3[%add3A, %dma_start3A_959, %dma_start3A_960] : memref<32x40x128xi32, #tpu.memory_space<hbm>> -> memref<1x40x128xi32, #tpu.memory_space<hbm>>
      %dma_start3A_962 = tpu.memref_squeeze %dma_start3A_961 : memref<1x40x128xi32, #tpu.memory_space<hbm>> -> memref<40x128xi32, #tpu.memory_space<hbm>>
      %dma_start3A_963 = arith.constant 0 : i32
      %dma_start3A_964 = arith.constant 0 : i32
      %dma_start3A_965 = tpu.memref_slice %arg3[%add3A, %dma_start3A_963, %dma_start3A_964] : memref<32x40x128xi32, #tpu.memory_space<hbm>> -> memref<1x40x128xi32, #tpu.memory_space<hbm>>
      %dma_start3A_966 = tpu.memref_squeeze %dma_start3A_965 : memref<1x40x128xi32, #tpu.memory_space<hbm>> -> memref<40x128xi32, #tpu.memory_space<hbm>>
      tpu.enqueue_dma source(%dma_start3A_966 : memref<40x128xi32, #tpu.memory_space<hbm>>) target(%arg5 : memref<40x128xi32, #tpu.memory_space<vmem>>) target_semaphore(%run_scoped3A : memref<!tpu.dma_semaphore, #tpu.memory_space<semaphore_mem>>)
      %dma_wait3A_967 = arith.constant 0 : i32
      %dma_wait3A_968 = arith.constant 0 : i32
      %dma_wait3A_969 = tpu.memref_slice %arg3[%add3A, %dma_wait3A_967, %dma_wait3A_968] : memref<32x40x128xi32, #tpu.memory_space<hbm>> -> memref<1x40x128xi32, #tpu.memory_space<hbm>>
      %dma_wait3A_970 = tpu.memref_squeeze %dma_wait3A_969 : memref<1x40x128xi32, #tpu.memory_space<hbm>> -> memref<40x128xi32, #tpu.memory_space<hbm>>
      %dma_wait3A_971 = arith.constant 0 : i32
      %dma_wait3A_972 = arith.constant 0 : i32
      %dma_wait3A_973 = tpu.memref_slice %arg3[%add3A, %dma_wait3A_971, %dma_wait3A_972] : memref<32x40x128xi32, #tpu.memory_space<hbm>> -> memref<1x40x128xi32, #tpu.memory_space<hbm>>
      %dma_wait3A_974 = tpu.memref_squeeze %dma_wait3A_973 : memref<1x40x128xi32, #tpu.memory_space<hbm>> -> memref<40x128xi32, #tpu.memory_space<hbm>>
      tpu.wait_dma2 semaphore(%run_scoped3A : memref<!tpu.dma_semaphore, #tpu.memory_space<semaphore_mem>>) src(%dma_wait3A_974 : memref<40x128xi32, #tpu.memory_space<hbm>>) dst(%arg5 : memref<40x128xi32, #tpu.memory_space<vmem>>)
      tpu.yield
    }) : () -> ()
    %dma_start3A = arith.constant 0 : i32
    %dma_start3A_1 = arith.constant 0 : i32
    %dma_start3A_2 = arith.constant 0 : i32
    %dma_start3A_3 = arith.constant 0 : i32
    %dma_start3A_4 = tpu.memref_slice %arg6[%dma_start3A_1, %dma_start3A_2, %dma_start3A_3] : memref<40x128x16xf32, #tpu.memory_space<vmem>> -> memref<1x128x16xf32, #tpu.memory_space<vmem>>
    %dma_start3A_5 = tpu.memref_squeeze %dma_start3A_4 : memref<1x128x16xf32, #tpu.memory_space<vmem>> -> memref<128x16xf32, #tpu.memory_space<vmem>>
    %dma_start3A_6 = arith.constant 0 : i32
    %dma_start3A_7 = tpu.memref_slice %arg5[%dma_start3A, %dma_start3A_6] : memref<40x128xi32, #tpu.memory_space<vmem>> -> memref<1x128xi32, #tpu.memory_space<vmem>>
    %dma_start3A_8 = tpu.memref_squeeze %dma_start3A_7 : memref<1x128xi32, #tpu.memory_space<vmem>> -> memref<128xi32, #tpu.memory_space<vmem>>
    %dma_start3A_9 = arith.constant 0 : i32
    %dma_start3A_10 = arith.constant 0 : i32
    %dma_start3A_11 = tpu.memref_slice %arg2[%dma_start3A_9, %dma_start3A_10] : memref<10000x16xf32, #tpu.memory_space<hbm>> -> memref<10000x16xf32, #tpu.memory_space<hbm>>
    tpu.enqueue_indirect_dma source(%dma_start3A_11 : memref<10000x16xf32, #tpu.memory_space<hbm>>) target(%dma_start3A_5 : memref<128x16xf32, #tpu.memory_space<vmem>>) offsets(%dma_start3A_8 : memref<128xi32, #tpu.memory_space<vmem>>) semaphore(%arg7 : memref<!tpu.dma_semaphore, #tpu.memory_space<semaphore_mem>>)
    %dma_start3A_12 = arith.constant 1 : i32
    %dma_start3A_13 = arith.constant 1 : i32
    %dma_start3A_14 = arith.constant 0 : i32
    %dma_start3A_15 = arith.constant 0 : i32
    %dma_start3A_16 = tpu.memref_slice %arg6[%dma_start3A_13, %dma_start3A_14, %dma_start3A_15] : memref<40x128x16xf32, #tpu.memory_space<vmem>> -> memref<1x128x16xf32, #tpu.memory_space<vmem>>
    %dma_start3A_17 = tpu.memref_squeeze %dma_start3A_16 : memref<1x128x16xf32, #tpu.memory_space<vmem>> -> memref<128x16xf32, #tpu.memory_space<vmem>>
    %dma_start3A_18 = arith.constant 0 : i32
    %dma_start3A_19 = tpu.memref_slice %arg5[%dma_start3A_12, %dma_start3A_18] : memref<40x128xi32, #tpu.memory_space<vmem>> -> memref<1x128xi32, #tpu.memory_space<vmem>>
    %dma_start3A_20 = tpu.memref_squeeze %dma_start3A_19 : memref<1x128xi32, #tpu.memory_space<vmem>> -> memref<128xi32, #tpu.memory_space<vmem>>
    %dma_start3A_21 = arith.constant 0 : i32
    %dma_start3A_22 = arith.constant 0 : i32
    %dma_start3A_23 = tpu.memref_slice %arg2[%dma_start3A_21, %dma_start3A_22] : memref<10000x16xf32, #tpu.memory_space<hbm>> -> memref<10000x16xf32, #tpu.memory_space<hbm>>
    tpu.enqueue_indirect_dma source(%dma_start3A_23 : memref<10000x16xf32, #tpu.memory_space<hbm>>) target(%dma_start3A_17 : memref<128x16xf32, #tpu.memory_space<vmem>>) offsets(%dma_start3A_20 : memref<128xi32, #tpu.memory_space<vmem>>) semaphore(%arg7 : memref<!tpu.dma_semaphore, #tpu.memory_space<semaphore_mem>>)
    %dma_start3A_24 = arith.constant 2 : i32
    %dma_start3A_25 = arith.constant 2 : i32
    %dma_start3A_26 = arith.constant 0 : i32
    %dma_start3A_27 = arith.constant 0 : i32
    %dma_start3A_28 = tpu.memref_slice %arg6[%dma_start3A_25, %dma_start3A_26, %dma_start3A_27] : memref<40x128x16xf32, #tpu.memory_space<vmem>> -> memref<1x128x16xf32, #tpu.memory_space<vmem>>
    %dma_start3A_29 = tpu.memref_squeeze %dma_start3A_28 : memref<1x128x16xf32, #tpu.memory_space<vmem>> -> memref<128x16xf32, #tpu.memory_space<vmem>>
    %dma_start3A_30 = arith.constant 0 : i32
    %dma_start3A_31 = tpu.memref_slice %arg5[%dma_start3A_24, %dma_start3A_30] : memref<40x128xi32, #tpu.memory_space<vmem>> -> memref<1x128xi32, #tpu.memory_space<vmem>>
    %dma_start3A_32 = tpu.memref_squeeze %dma_start3A_31 : memref<1x128xi32, #tpu.memory_space<vmem>> -> memref<128xi32, #tpu.memory_space<vmem>>
    %dma_start3A_33 = arith.constant 0 : i32
    %dma_start3A_34 = arith.constant 0 : i32
    %dma_start3A_35 = tpu.memref_slice %arg2[%dma_start3A_33, %dma_start3A_34] : memref<10000x16xf32, #tpu.memory_space<hbm>> -> memref<10000x16xf32, #tpu.memory_space<hbm>>
    tpu.enqueue_indirect_dma source(%dma_start3A_35 : memref<10000x16xf32, #tpu.memory_space<hbm>>) target(%dma_start3A_29 : memref<128x16xf32, #tpu.memory_space<vmem>>) offsets(%dma_start3A_32 : memref<128xi32, #tpu.memory_space<vmem>>) semaphore(%arg7 : memref<!tpu.dma_semaphore, #tpu.memory_space<semaphore_mem>>)
    %dma_start3A_36 = arith.constant 3 : i32
    %dma_start3A_37 = arith.constant 3 : i32
    %dma_start3A_38 = arith.constant 0 : i32
    %dma_start3A_39 = arith.constant 0 : i32
    %dma_start3A_40 = tpu.memref_slice %arg6[%dma_start3A_37, %dma_start3A_38, %dma_start3A_39] : memref<40x128x16xf32, #tpu.memory_space<vmem>> -> memref<1x128x16xf32, #tpu.memory_space<vmem>>
    %dma_start3A_41 = tpu.memref_squeeze %dma_start3A_40 : memref<1x128x16xf32, #tpu.memory_space<vmem>> -> memref<128x16xf32, #tpu.memory_space<vmem>>
    %dma_start3A_42 = arith.constant 0 : i32
    %dma_start3A_43 = tpu.memref_slice %arg5[%dma_start3A_36, %dma_start3A_42] : memref<40x128xi32, #tpu.memory_space<vmem>> -> memref<1x128xi32, #tpu.memory_space<vmem>>
    %dma_start3A_44 = tpu.memref_squeeze %dma_start3A_43 : memref<1x128xi32, #tpu.memory_space<vmem>> -> memref<128xi32, #tpu.memory_space<vmem>>
    %dma_start3A_45 = arith.constant 0 : i32
    %dma_start3A_46 = arith.constant 0 : i32
    %dma_start3A_47 = tpu.memref_slice %arg2[%dma_start3A_45, %dma_start3A_46] : memref<10000x16xf32, #tpu.memory_space<hbm>> -> memref<10000x16xf32, #tpu.memory_space<hbm>>
    tpu.enqueue_indirect_dma source(%dma_start3A_47 : memref<10000x16xf32, #tpu.memory_space<hbm>>) target(%dma_start3A_41 : memref<128x16xf32, #tpu.memory_space<vmem>>) offsets(%dma_start3A_44 : memref<128xi32, #tpu.memory_space<vmem>>) semaphore(%arg7 : memref<!tpu.dma_semaphore, #tpu.memory_space<semaphore_mem>>)
    %dma_start3A_48 = arith.constant 4 : i32
    %dma_start3A_49 = arith.constant 4 : i32
    %dma_start3A_50 = arith.constant 0 : i32
    %dma_start3A_51 = arith.constant 0 : i32
    %dma_start3A_52 = tpu.memref_slice %arg6[%dma_start3A_49, %dma_start3A_50, %dma_start3A_51] : memref<40x128x16xf32, #tpu.memory_space<vmem>> -> memref<1x128x16xf32, #tpu.memory_space<vmem>>
    %dma_start3A_53 = tpu.memref_squeeze %dma_start3A_52 : memref<1x128x16xf32, #tpu.memory_space<vmem>> -> memref<128x16xf32, #tpu.memory_space<vmem>>
    %dma_start3A_54 = arith.constant 0 : i32
    %dma_start3A_55 = tpu.memref_slice %arg5[%dma_start3A_48, %dma_start3A_54] : memref<40x128xi32, #tpu.memory_space<vmem>> -> memref<1x128xi32, #tpu.memory_space<vmem>>
    %dma_start3A_56 = tpu.memref_squeeze %dma_start3A_55 : memref<1x128xi32, #tpu.memory_space<vmem>> -> memref<128xi32, #tpu.memory_space<vmem>>
    %dma_start3A_57 = arith.constant 0 : i32
    %dma_start3A_58 = arith.constant 0 : i32
    %dma_start3A_59 = tpu.memref_slice %arg2[%dma_start3A_57, %dma_start3A_58] : memref<10000x16xf32, #tpu.memory_space<hbm>> -> memref<10000x16xf32, #tpu.memory_space<hbm>>
    tpu.enqueue_indirect_dma source(%dma_start3A_59 : memref<10000x16xf32, #tpu.memory_space<hbm>>) target(%dma_start3A_53 : memref<128x16xf32, #tpu.memory_space<vmem>>) offsets(%dma_start3A_56 : memref<128xi32, #tpu.memory_space<vmem>>) semaphore(%arg7 : memref<!tpu.dma_semaphore, #tpu.memory_space<semaphore_mem>>)
    %dma_start3A_60 = arith.constant 5 : i32
    %dma_start3A_61 = arith.constant 5 : i32
    %dma_start3A_62 = arith.constant 0 : i32
    %dma_start3A_63 = arith.constant 0 : i32
    %dma_start3A_64 = tpu.memref_slice %arg6[%dma_start3A_61, %dma_start3A_62, %dma_start3A_63] : memref<40x128x16xf32, #tpu.memory_space<vmem>> -> memref<1x128x16xf32, #tpu.memory_space<vmem>>
    %dma_start3A_65 = tpu.memref_squeeze %dma_start3A_64 : memref<1x128x16xf32, #tpu.memory_space<vmem>> -> memref<128x16xf32, #tpu.memory_space<vmem>>
    %dma_start3A_66 = arith.constant 0 : i32
    %dma_start3A_67 = tpu.memref_slice %arg5[%dma_start3A_60, %dma_start3A_66] : memref<40x128xi32, #tpu.memory_space<vmem>> -> memref<1x128xi32, #tpu.memory_space<vmem>>
    %dma_start3A_68 = tpu.memref_squeeze %dma_start3A_67 : memref<1x128xi32, #tpu.memory_space<vmem>> -> memref<128xi32, #tpu.memory_space<vmem>>
    %dma_start3A_69 = arith.constant 0 : i32
    %dma_start3A_70 = arith.constant 0 : i32
    %dma_start3A_71 = tpu.memref_slice %arg2[%dma_start3A_69, %dma_start3A_70] : memref<10000x16xf32, #tpu.memory_space<hbm>> -> memref<10000x16xf32, #tpu.memory_space<hbm>>
    tpu.enqueue_indirect_dma source(%dma_start3A_71 : memref<10000x16xf32, #tpu.memory_space<hbm>>) target(%dma_start3A_65 : memref<128x16xf32, #tpu.memory_space<vmem>>) offsets(%dma_start3A_68 : memref<128xi32, #tpu.memory_space<vmem>>) semaphore(%arg7 : memref<!tpu.dma_semaphore, #tpu.memory_space<semaphore_mem>>)
    %dma_start3A_72 = arith.constant 6 : i32
    %dma_start3A_73 = arith.constant 6 : i32
    %dma_start3A_74 = arith.constant 0 : i32
    %dma_start3A_75 = arith.constant 0 : i32
    %dma_start3A_76 = tpu.memref_slice %arg6[%dma_start3A_73, %dma_start3A_74, %dma_start3A_75] : memref<40x128x16xf32, #tpu.memory_space<vmem>> -> memref<1x128x16xf32, #tpu.memory_space<vmem>>
    %dma_start3A_77 = tpu.memref_squeeze %dma_start3A_76 : memref<1x128x16xf32, #tpu.memory_space<vmem>> -> memref<128x16xf32, #tpu.memory_space<vmem>>
    %dma_start3A_78 = arith.constant 0 : i32
    %dma_start3A_79 = tpu.memref_slice %arg5[%dma_start3A_72, %dma_start3A_78] : memref<40x128xi32, #tpu.memory_space<vmem>> -> memref<1x128xi32, #tpu.memory_space<vmem>>
    %dma_start3A_80 = tpu.memref_squeeze %dma_start3A_79 : memref<1x128xi32, #tpu.memory_space<vmem>> -> memref<128xi32, #tpu.memory_space<vmem>>
    %dma_start3A_81 = arith.constant 0 : i32
    %dma_start3A_82 = arith.constant 0 : i32
    %dma_start3A_83 = tpu.memref_slice %arg2[%dma_start3A_81, %dma_start3A_82] : memref<10000x16xf32, #tpu.memory_space<hbm>> -> memref<10000x16xf32, #tpu.memory_space<hbm>>
    tpu.enqueue_indirect_dma source(%dma_start3A_83 : memref<10000x16xf32, #tpu.memory_space<hbm>>) target(%dma_start3A_77 : memref<128x16xf32, #tpu.memory_space<vmem>>) offsets(%dma_start3A_80 : memref<128xi32, #tpu.memory_space<vmem>>) semaphore(%arg7 : memref<!tpu.dma_semaphore, #tpu.memory_space<semaphore_mem>>)
    %dma_start3A_84 = arith.constant 7 : i32
    %dma_start3A_85 = arith.constant 7 : i32
    %dma_start3A_86 = arith.constant 0 : i32
    %dma_start3A_87 = arith.constant 0 : i32
    %dma_start3A_88 = tpu.memref_slice %arg6[%dma_start3A_85, %dma_start3A_86, %dma_start3A_87] : memref<40x128x16xf32, #tpu.memory_space<vmem>> -> memref<1x128x16xf32, #tpu.memory_space<vmem>>
    %dma_start3A_89 = tpu.memref_squeeze %dma_start3A_88 : memref<1x128x16xf32, #tpu.memory_space<vmem>> -> memref<128x16xf32, #tpu.memory_space<vmem>>
    %dma_start3A_90 = arith.constant 0 : i32
    %dma_start3A_91 = tpu.memref_slice %arg5[%dma_start3A_84, %dma_start3A_90] : memref<40x128xi32, #tpu.memory_space<vmem>> -> memref<1x128xi32, #tpu.memory_space<vmem>>
    %dma_start3A_92 = tpu.memref_squeeze %dma_start3A_91 : memref<1x128xi32, #tpu.memory_space<vmem>> -> memref<128xi32, #tpu.memory_space<vmem>>
    %dma_start3A_93 = arith.constant 0 : i32
    %dma_start3A_94 = arith.constant 0 : i32
    %dma_start3A_95 = tpu.memref_slice %arg2[%dma_start3A_93, %dma_start3A_94] : memref<10000x16xf32, #tpu.memory_space<hbm>> -> memref<10000x16xf32, #tpu.memory_space<hbm>>
    tpu.enqueue_indirect_dma source(%dma_start3A_95 : memref<10000x16xf32, #tpu.memory_space<hbm>>) target(%dma_start3A_89 : memref<128x16xf32, #tpu.memory_space<vmem>>) offsets(%dma_start3A_92 : memref<128xi32, #tpu.memory_space<vmem>>) semaphore(%arg7 : memref<!tpu.dma_semaphore, #tpu.memory_space<semaphore_mem>>)
    %dma_wait3A = arith.constant 0 : i32
    %dma_wait3A_96 = arith.constant 0 : i32
    %dma_wait3A_97 = arith.constant 0 : i32
    %dma_wait3A_98 = arith.constant 0 : i32
    %dma_wait3A_99 = tpu.memref_slice %arg6[%dma_wait3A_96, %dma_wait3A_97, %dma_wait3A_98] : memref<40x128x16xf32, #tpu.memory_space<vmem>> -> memref<1x128x16xf32, #tpu.memory_space<vmem>>
    %dma_wait3A_100 = tpu.memref_squeeze %dma_wait3A_99 : memref<1x128x16xf32, #tpu.memory_space<vmem>> -> memref<128x16xf32, #tpu.memory_space<vmem>>
    %dma_wait3A_101 = arith.constant 0 : i32
    %dma_wait3A_102 = tpu.memref_slice %arg5[%dma_wait3A, %dma_wait3A_101] : memref<40x128xi32, #tpu.memory_space<vmem>> -> memref<1x128xi32, #tpu.memory_space<vmem>>
    %dma_wait3A_103 = tpu.memref_squeeze %dma_wait3A_102 : memref<1x128xi32, #tpu.memory_space<vmem>> -> memref<128xi32, #tpu.memory_space<vmem>>
    %dma_wait3A_104 = arith.constant 0 : i32
    %dma_wait3A_105 = arith.constant 0 : i32
    %dma_wait3A_106 = tpu.memref_slice %arg2[%dma_wait3A_104, %dma_wait3A_105] : memref<10000x16xf32, #tpu.memory_space<hbm>> -> memref<10000x16xf32, #tpu.memory_space<hbm>>
    tpu.wait_indirect_dma semaphore(%arg7 : memref<!tpu.dma_semaphore, #tpu.memory_space<semaphore_mem>>) src(%dma_wait3A_106 : memref<10000x16xf32, #tpu.memory_space<hbm>>) dst(%dma_wait3A_100 : memref<128x16xf32, #tpu.memory_space<vmem>>)
    %dma_wait3A_107 = arith.constant 1 : i32
    %dma_wait3A_108 = arith.constant 1 : i32
    %dma_wait3A_109 = arith.constant 0 : i32
    %dma_wait3A_110 = arith.constant 0 : i32
    %dma_wait3A_111 = tpu.memref_slice %arg6[%dma_wait3A_108, %dma_wait3A_109, %dma_wait3A_110] : memref<40x128x16xf32, #tpu.memory_space<vmem>> -> memref<1x128x16xf32, #tpu.memory_space<vmem>>
    %dma_wait3A_112 = tpu.memref_squeeze %dma_wait3A_111 : memref<1x128x16xf32, #tpu.memory_space<vmem>> -> memref<128x16xf32, #tpu.memory_space<vmem>>
    %dma_wait3A_113 = arith.constant 0 : i32
    %dma_wait3A_114 = tpu.memref_slice %arg5[%dma_wait3A_107, %dma_wait3A_113] : memref<40x128xi32, #tpu.memory_space<vmem>> -> memref<1x128xi32, #tpu.memory_space<vmem>>
    %dma_wait3A_115 = tpu.memref_squeeze %dma_wait3A_114 : memref<1x128xi32, #tpu.memory_space<vmem>> -> memref<128xi32, #tpu.memory_space<vmem>>
    %dma_wait3A_116 = arith.constant 0 : i32
    %dma_wait3A_117 = arith.constant 0 : i32
    %dma_wait3A_118 = tpu.memref_slice %arg2[%dma_wait3A_116, %dma_wait3A_117] : memref<10000x16xf32, #tpu.memory_space<hbm>> -> memref<10000x16xf32, #tpu.memory_space<hbm>>
    tpu.wait_indirect_dma semaphore(%arg7 : memref<!tpu.dma_semaphore, #tpu.memory_space<semaphore_mem>>) src(%dma_wait3A_118 : memref<10000x16xf32, #tpu.memory_space<hbm>>) dst(%dma_wait3A_112 : memref<128x16xf32, #tpu.memory_space<vmem>>)
    %dma_wait3A_119 = arith.constant 2 : i32
    %dma_wait3A_120 = arith.constant 2 : i32
    %dma_wait3A_121 = arith.constant 0 : i32
    %dma_wait3A_122 = arith.constant 0 : i32
    %dma_wait3A_123 = tpu.memref_slice %arg6[%dma_wait3A_120, %dma_wait3A_121, %dma_wait3A_122] : memref<40x128x16xf32, #tpu.memory_space<vmem>> -> memref<1x128x16xf32, #tpu.memory_space<vmem>>
    %dma_wait3A_124 = tpu.memref_squeeze %dma_wait3A_123 : memref<1x128x16xf32, #tpu.memory_space<vmem>> -> memref<128x16xf32, #tpu.memory_space<vmem>>
    %dma_wait3A_125 = arith.constant 0 : i32
    %dma_wait3A_126 = tpu.memref_slice %arg5[%dma_wait3A_119, %dma_wait3A_125] : memref<40x128xi32, #tpu.memory_space<vmem>> -> memref<1x128xi32, #tpu.memory_space<vmem>>
    %dma_wait3A_127 = tpu.memref_squeeze %dma_wait3A_126 : memref<1x128xi32, #tpu.memory_space<vmem>> -> memref<128xi32, #tpu.memory_space<vmem>>
    %dma_wait3A_128 = arith.constant 0 : i32
    %dma_wait3A_129 = arith.constant 0 : i32
    %dma_wait3A_130 = tpu.memref_slice %arg2[%dma_wait3A_128, %dma_wait3A_129] : memref<10000x16xf32, #tpu.memory_space<hbm>> -> memref<10000x16xf32, #tpu.memory_space<hbm>>
    tpu.wait_indirect_dma semaphore(%arg7 : memref<!tpu.dma_semaphore, #tpu.memory_space<semaphore_mem>>) src(%dma_wait3A_130 : memref<10000x16xf32, #tpu.memory_space<hbm>>) dst(%dma_wait3A_124 : memref<128x16xf32, #tpu.memory_space<vmem>>)
    %dma_wait3A_131 = arith.constant 3 : i32
    %dma_wait3A_132 = arith.constant 3 : i32
    %dma_wait3A_133 = arith.constant 0 : i32
    %dma_wait3A_134 = arith.constant 0 : i32
    %dma_wait3A_135 = tpu.memref_slice %arg6[%dma_wait3A_132, %dma_wait3A_133, %dma_wait3A_134] : memref<40x128x16xf32, #tpu.memory_space<vmem>> -> memref<1x128x16xf32, #tpu.memory_space<vmem>>
    %dma_wait3A_136 = tpu.memref_squeeze %dma_wait3A_135 : memref<1x128x16xf32, #tpu.memory_space<vmem>> -> memref<128x16xf32, #tpu.memory_space<vmem>>
    %dma_wait3A_137 = arith.constant 0 : i32
    %dma_wait3A_138 = tpu.memref_slice %arg5[%dma_wait3A_131, %dma_wait3A_137] : memref<40x128xi32, #tpu.memory_space<vmem>> -> memref<1x128xi32, #tpu.memory_space<vmem>>
    %dma_wait3A_139 = tpu.memref_squeeze %dma_wait3A_138 : memref<1x128xi32, #tpu.memory_space<vmem>> -> memref<128xi32, #tpu.memory_space<vmem>>
    %dma_wait3A_140 = arith.constant 0 : i32
    %dma_wait3A_141 = arith.constant 0 : i32
    %dma_wait3A_142 = tpu.memref_slice %arg2[%dma_wait3A_140, %dma_wait3A_141] : memref<10000x16xf32, #tpu.memory_space<hbm>> -> memref<10000x16xf32, #tpu.memory_space<hbm>>
    tpu.wait_indirect_dma semaphore(%arg7 : memref<!tpu.dma_semaphore, #tpu.memory_space<semaphore_mem>>) src(%dma_wait3A_142 : memref<10000x16xf32, #tpu.memory_space<hbm>>) dst(%dma_wait3A_136 : memref<128x16xf32, #tpu.memory_space<vmem>>)
    %dma_wait3A_143 = arith.constant 4 : i32
    %dma_wait3A_144 = arith.constant 4 : i32
    %dma_wait3A_145 = arith.constant 0 : i32
    %dma_wait3A_146 = arith.constant 0 : i32
    %dma_wait3A_147 = tpu.memref_slice %arg6[%dma_wait3A_144, %dma_wait3A_145, %dma_wait3A_146] : memref<40x128x16xf32, #tpu.memory_space<vmem>> -> memref<1x128x16xf32, #tpu.memory_space<vmem>>
    %dma_wait3A_148 = tpu.memref_squeeze %dma_wait3A_147 : memref<1x128x16xf32, #tpu.memory_space<vmem>> -> memref<128x16xf32, #tpu.memory_space<vmem>>
    %dma_wait3A_149 = arith.constant 0 : i32
    %dma_wait3A_150 = tpu.memref_slice %arg5[%dma_wait3A_143, %dma_wait3A_149] : memref<40x128xi32, #tpu.memory_space<vmem>> -> memref<1x128xi32, #tpu.memory_space<vmem>>
    %dma_wait3A_151 = tpu.memref_squeeze %dma_wait3A_150 : memref<1x128xi32, #tpu.memory_space<vmem>> -> memref<128xi32, #tpu.memory_space<vmem>>
    %dma_wait3A_152 = arith.constant 0 : i32
    %dma_wait3A_153 = arith.constant 0 : i32
    %dma_wait3A_154 = tpu.memref_slice %arg2[%dma_wait3A_152, %dma_wait3A_153] : memref<10000x16xf32, #tpu.memory_space<hbm>> -> memref<10000x16xf32, #tpu.memory_space<hbm>>
    tpu.wait_indirect_dma semaphore(%arg7 : memref<!tpu.dma_semaphore, #tpu.memory_space<semaphore_mem>>) src(%dma_wait3A_154 : memref<10000x16xf32, #tpu.memory_space<hbm>>) dst(%dma_wait3A_148 : memref<128x16xf32, #tpu.memory_space<vmem>>)
    %dma_wait3A_155 = arith.constant 5 : i32
    %dma_wait3A_156 = arith.constant 5 : i32
    %dma_wait3A_157 = arith.constant 0 : i32
    %dma_wait3A_158 = arith.constant 0 : i32
    %dma_wait3A_159 = tpu.memref_slice %arg6[%dma_wait3A_156, %dma_wait3A_157, %dma_wait3A_158] : memref<40x128x16xf32, #tpu.memory_space<vmem>> -> memref<1x128x16xf32, #tpu.memory_space<vmem>>
    %dma_wait3A_160 = tpu.memref_squeeze %dma_wait3A_159 : memref<1x128x16xf32, #tpu.memory_space<vmem>> -> memref<128x16xf32, #tpu.memory_space<vmem>>
    %dma_wait3A_161 = arith.constant 0 : i32
    %dma_wait3A_162 = tpu.memref_slice %arg5[%dma_wait3A_155, %dma_wait3A_161] : memref<40x128xi32, #tpu.memory_space<vmem>> -> memref<1x128xi32, #tpu.memory_space<vmem>>
    %dma_wait3A_163 = tpu.memref_squeeze %dma_wait3A_162 : memref<1x128xi32, #tpu.memory_space<vmem>> -> memref<128xi32, #tpu.memory_space<vmem>>
    %dma_wait3A_164 = arith.constant 0 : i32
    %dma_wait3A_165 = arith.constant 0 : i32
    %dma_wait3A_166 = tpu.memref_slice %arg2[%dma_wait3A_164, %dma_wait3A_165] : memref<10000x16xf32, #tpu.memory_space<hbm>> -> memref<10000x16xf32, #tpu.memory_space<hbm>>
    tpu.wait_indirect_dma semaphore(%arg7 : memref<!tpu.dma_semaphore, #tpu.memory_space<semaphore_mem>>) src(%dma_wait3A_166 : memref<10000x16xf32, #tpu.memory_space<hbm>>) dst(%dma_wait3A_160 : memref<128x16xf32, #tpu.memory_space<vmem>>)
    %dma_wait3A_167 = arith.constant 6 : i32
    %dma_wait3A_168 = arith.constant 6 : i32
    %dma_wait3A_169 = arith.constant 0 : i32
    %dma_wait3A_170 = arith.constant 0 : i32
    %dma_wait3A_171 = tpu.memref_slice %arg6[%dma_wait3A_168, %dma_wait3A_169, %dma_wait3A_170] : memref<40x128x16xf32, #tpu.memory_space<vmem>> -> memref<1x128x16xf32, #tpu.memory_space<vmem>>
    %dma_wait3A_172 = tpu.memref_squeeze %dma_wait3A_171 : memref<1x128x16xf32, #tpu.memory_space<vmem>> -> memref<128x16xf32, #tpu.memory_space<vmem>>
    %dma_wait3A_173 = arith.constant 0 : i32
    %dma_wait3A_174 = tpu.memref_slice %arg5[%dma_wait3A_167, %dma_wait3A_173] : memref<40x128xi32, #tpu.memory_space<vmem>> -> memref<1x128xi32, #tpu.memory_space<vmem>>
    %dma_wait3A_175 = tpu.memref_squeeze %dma_wait3A_174 : memref<1x128xi32, #tpu.memory_space<vmem>> -> memref<128xi32, #tpu.memory_space<vmem>>
    %dma_wait3A_176 = arith.constant 0 : i32
    %dma_wait3A_177 = arith.constant 0 : i32
    %dma_wait3A_178 = tpu.memref_slice %arg2[%dma_wait3A_176, %dma_wait3A_177] : memref<10000x16xf32, #tpu.memory_space<hbm>> -> memref<10000x16xf32, #tpu.memory_space<hbm>>
    tpu.wait_indirect_dma semaphore(%arg7 : memref<!tpu.dma_semaphore, #tpu.memory_space<semaphore_mem>>) src(%dma_wait3A_178 : memref<10000x16xf32, #tpu.memory_space<hbm>>) dst(%dma_wait3A_172 : memref<128x16xf32, #tpu.memory_space<vmem>>)
    %dma_wait3A_179 = arith.constant 7 : i32
    %dma_wait3A_180 = arith.constant 7 : i32
    %dma_wait3A_181 = arith.constant 0 : i32
    %dma_wait3A_182 = arith.constant 0 : i32
    %dma_wait3A_183 = tpu.memref_slice %arg6[%dma_wait3A_180, %dma_wait3A_181, %dma_wait3A_182] : memref<40x128x16xf32, #tpu.memory_space<vmem>> -> memref<1x128x16xf32, #tpu.memory_space<vmem>>
    %dma_wait3A_184 = tpu.memref_squeeze %dma_wait3A_183 : memref<1x128x16xf32, #tpu.memory_space<vmem>> -> memref<128x16xf32, #tpu.memory_space<vmem>>
    %dma_wait3A_185 = arith.constant 0 : i32
    %dma_wait3A_186 = tpu.memref_slice %arg5[%dma_wait3A_179, %dma_wait3A_185] : memref<40x128xi32, #tpu.memory_space<vmem>> -> memref<1x128xi32, #tpu.memory_space<vmem>>
    %dma_wait3A_187 = tpu.memref_squeeze %dma_wait3A_186 : memref<1x128xi32, #tpu.memory_space<vmem>> -> memref<128xi32, #tpu.memory_space<vmem>>
    %dma_wait3A_188 = arith.constant 0 : i32
    %dma_wait3A_189 = arith.constant 0 : i32
    %dma_wait3A_190 = tpu.memref_slice %arg2[%dma_wait3A_188, %dma_wait3A_189] : memref<10000x16xf32, #tpu.memory_space<hbm>> -> memref<10000x16xf32, #tpu.memory_space<hbm>>
    tpu.wait_indirect_dma semaphore(%arg7 : memref<!tpu.dma_semaphore, #tpu.memory_space<semaphore_mem>>) src(%dma_wait3A_190 : memref<10000x16xf32, #tpu.memory_space<hbm>>) dst(%dma_wait3A_184 : memref<128x16xf32, #tpu.memory_space<vmem>>)
    %dma_start3A_191 = arith.constant 8 : i32
    %dma_start3A_192 = arith.constant 8 : i32
    %dma_start3A_193 = arith.constant 0 : i32
    %dma_start3A_194 = arith.constant 0 : i32
    %dma_start3A_195 = tpu.memref_slice %arg6[%dma_start3A_192, %dma_start3A_193, %dma_start3A_194] : memref<40x128x16xf32, #tpu.memory_space<vmem>> -> memref<1x128x16xf32, #tpu.memory_space<vmem>>
    %dma_start3A_196 = tpu.memref_squeeze %dma_start3A_195 : memref<1x128x16xf32, #tpu.memory_space<vmem>> -> memref<128x16xf32, #tpu.memory_space<vmem>>
    %dma_start3A_197 = arith.constant 0 : i32
    %dma_start3A_198 = tpu.memref_slice %arg5[%dma_start3A_191, %dma_start3A_197] : memref<40x128xi32, #tpu.memory_space<vmem>> -> memref<1x128xi32, #tpu.memory_space<vmem>>
    %dma_start3A_199 = tpu.memref_squeeze %dma_start3A_198 : memref<1x128xi32, #tpu.memory_space<vmem>> -> memref<128xi32, #tpu.memory_space<vmem>>
    %dma_start3A_200 = arith.constant 0 : i32
    %dma_start3A_201 = arith.constant 0 : i32
    %dma_start3A_202 = tpu.memref_slice %arg2[%dma_start3A_200, %dma_start3A_201] : memref<10000x16xf32, #tpu.memory_space<hbm>> -> memref<10000x16xf32, #tpu.memory_space<hbm>>
    tpu.enqueue_indirect_dma source(%dma_start3A_202 : memref<10000x16xf32, #tpu.memory_space<hbm>>) target(%dma_start3A_196 : memref<128x16xf32, #tpu.memory_space<vmem>>) offsets(%dma_start3A_199 : memref<128xi32, #tpu.memory_space<vmem>>) semaphore(%arg7 : memref<!tpu.dma_semaphore, #tpu.memory_space<semaphore_mem>>)
    %dma_start3A_203 = arith.constant 9 : i32
    %dma_start3A_204 = arith.constant 9 : i32
    %dma_start3A_205 = arith.constant 0 : i32
    %dma_start3A_206 = arith.constant 0 : i32
    %dma_start3A_207 = tpu.memref_slice %arg6[%dma_start3A_204, %dma_start3A_205, %dma_start3A_206] : memref<40x128x16xf32, #tpu.memory_space<vmem>> -> memref<1x128x16xf32, #tpu.memory_space<vmem>>
    %dma_start3A_208 = tpu.memref_squeeze %dma_start3A_207 : memref<1x128x16xf32, #tpu.memory_space<vmem>> -> memref<128x16xf32, #tpu.memory_space<vmem>>
    %dma_start3A_209 = arith.constant 0 : i32
    %dma_start3A_210 = tpu.memref_slice %arg5[%dma_start3A_203, %dma_start3A_209] : memref<40x128xi32, #tpu.memory_space<vmem>> -> memref<1x128xi32, #tpu.memory_space<vmem>>
    %dma_start3A_211 = tpu.memref_squeeze %dma_start3A_210 : memref<1x128xi32, #tpu.memory_space<vmem>> -> memref<128xi32, #tpu.memory_space<vmem>>
    %dma_start3A_212 = arith.constant 0 : i32
    %dma_start3A_213 = arith.constant 0 : i32
    %dma_start3A_214 = tpu.memref_slice %arg2[%dma_start3A_212, %dma_start3A_213] : memref<10000x16xf32, #tpu.memory_space<hbm>> -> memref<10000x16xf32, #tpu.memory_space<hbm>>
    tpu.enqueue_indirect_dma source(%dma_start3A_214 : memref<10000x16xf32, #tpu.memory_space<hbm>>) target(%dma_start3A_208 : memref<128x16xf32, #tpu.memory_space<vmem>>) offsets(%dma_start3A_211 : memref<128xi32, #tpu.memory_space<vmem>>) semaphore(%arg7 : memref<!tpu.dma_semaphore, #tpu.memory_space<semaphore_mem>>)
    %dma_start3A_215 = arith.constant 10 : i32
    %dma_start3A_216 = arith.constant 10 : i32
    %dma_start3A_217 = arith.constant 0 : i32
    %dma_start3A_218 = arith.constant 0 : i32
    %dma_start3A_219 = tpu.memref_slice %arg6[%dma_start3A_216, %dma_start3A_217, %dma_start3A_218] : memref<40x128x16xf32, #tpu.memory_space<vmem>> -> memref<1x128x16xf32, #tpu.memory_space<vmem>>
    %dma_start3A_220 = tpu.memref_squeeze %dma_start3A_219 : memref<1x128x16xf32, #tpu.memory_space<vmem>> -> memref<128x16xf32, #tpu.memory_space<vmem>>
    %dma_start3A_221 = arith.constant 0 : i32
    %dma_start3A_222 = tpu.memref_slice %arg5[%dma_start3A_215, %dma_start3A_221] : memref<40x128xi32, #tpu.memory_space<vmem>> -> memref<1x128xi32, #tpu.memory_space<vmem>>
    %dma_start3A_223 = tpu.memref_squeeze %dma_start3A_222 : memref<1x128xi32, #tpu.memory_space<vmem>> -> memref<128xi32, #tpu.memory_space<vmem>>
    %dma_start3A_224 = arith.constant 0 : i32
    %dma_start3A_225 = arith.constant 0 : i32
    %dma_start3A_226 = tpu.memref_slice %arg2[%dma_start3A_224, %dma_start3A_225] : memref<10000x16xf32, #tpu.memory_space<hbm>> -> memref<10000x16xf32, #tpu.memory_space<hbm>>
    tpu.enqueue_indirect_dma source(%dma_start3A_226 : memref<10000x16xf32, #tpu.memory_space<hbm>>) target(%dma_start3A_220 : memref<128x16xf32, #tpu.memory_space<vmem>>) offsets(%dma_start3A_223 : memref<128xi32, #tpu.memory_space<vmem>>) semaphore(%arg7 : memref<!tpu.dma_semaphore, #tpu.memory_space<semaphore_mem>>)
    %dma_start3A_227 = arith.constant 11 : i32
    %dma_start3A_228 = arith.constant 11 : i32
    %dma_start3A_229 = arith.constant 0 : i32
    %dma_start3A_230 = arith.constant 0 : i32
    %dma_start3A_231 = tpu.memref_slice %arg6[%dma_start3A_228, %dma_start3A_229, %dma_start3A_230] : memref<40x128x16xf32, #tpu.memory_space<vmem>> -> memref<1x128x16xf32, #tpu.memory_space<vmem>>
    %dma_start3A_232 = tpu.memref_squeeze %dma_start3A_231 : memref<1x128x16xf32, #tpu.memory_space<vmem>> -> memref<128x16xf32, #tpu.memory_space<vmem>>
    %dma_start3A_233 = arith.constant 0 : i32
    %dma_start3A_234 = tpu.memref_slice %arg5[%dma_start3A_227, %dma_start3A_233] : memref<40x128xi32, #tpu.memory_space<vmem>> -> memref<1x128xi32, #tpu.memory_space<vmem>>
    %dma_start3A_235 = tpu.memref_squeeze %dma_start3A_234 : memref<1x128xi32, #tpu.memory_space<vmem>> -> memref<128xi32, #tpu.memory_space<vmem>>
    %dma_start3A_236 = arith.constant 0 : i32
    %dma_start3A_237 = arith.constant 0 : i32
    %dma_start3A_238 = tpu.memref_slice %arg2[%dma_start3A_236, %dma_start3A_237] : memref<10000x16xf32, #tpu.memory_space<hbm>> -> memref<10000x16xf32, #tpu.memory_space<hbm>>
    tpu.enqueue_indirect_dma source(%dma_start3A_238 : memref<10000x16xf32, #tpu.memory_space<hbm>>) target(%dma_start3A_232 : memref<128x16xf32, #tpu.memory_space<vmem>>) offsets(%dma_start3A_235 : memref<128xi32, #tpu.memory_space<vmem>>) semaphore(%arg7 : memref<!tpu.dma_semaphore, #tpu.memory_space<semaphore_mem>>)
    %dma_start3A_239 = arith.constant 12 : i32
    %dma_start3A_240 = arith.constant 12 : i32
    %dma_start3A_241 = arith.constant 0 : i32
    %dma_start3A_242 = arith.constant 0 : i32
    %dma_start3A_243 = tpu.memref_slice %arg6[%dma_start3A_240, %dma_start3A_241, %dma_start3A_242] : memref<40x128x16xf32, #tpu.memory_space<vmem>> -> memref<1x128x16xf32, #tpu.memory_space<vmem>>
    %dma_start3A_244 = tpu.memref_squeeze %dma_start3A_243 : memref<1x128x16xf32, #tpu.memory_space<vmem>> -> memref<128x16xf32, #tpu.memory_space<vmem>>
    %dma_start3A_245 = arith.constant 0 : i32
    %dma_start3A_246 = tpu.memref_slice %arg5[%dma_start3A_239, %dma_start3A_245] : memref<40x128xi32, #tpu.memory_space<vmem>> -> memref<1x128xi32, #tpu.memory_space<vmem>>
    %dma_start3A_247 = tpu.memref_squeeze %dma_start3A_246 : memref<1x128xi32, #tpu.memory_space<vmem>> -> memref<128xi32, #tpu.memory_space<vmem>>
    %dma_start3A_248 = arith.constant 0 : i32
    %dma_start3A_249 = arith.constant 0 : i32
    %dma_start3A_250 = tpu.memref_slice %arg2[%dma_start3A_248, %dma_start3A_249] : memref<10000x16xf32, #tpu.memory_space<hbm>> -> memref<10000x16xf32, #tpu.memory_space<hbm>>
    tpu.enqueue_indirect_dma source(%dma_start3A_250 : memref<10000x16xf32, #tpu.memory_space<hbm>>) target(%dma_start3A_244 : memref<128x16xf32, #tpu.memory_space<vmem>>) offsets(%dma_start3A_247 : memref<128xi32, #tpu.memory_space<vmem>>) semaphore(%arg7 : memref<!tpu.dma_semaphore, #tpu.memory_space<semaphore_mem>>)
    %dma_start3A_251 = arith.constant 13 : i32
    %dma_start3A_252 = arith.constant 13 : i32
    %dma_start3A_253 = arith.constant 0 : i32
    %dma_start3A_254 = arith.constant 0 : i32
    %dma_start3A_255 = tpu.memref_slice %arg6[%dma_start3A_252, %dma_start3A_253, %dma_start3A_254] : memref<40x128x16xf32, #tpu.memory_space<vmem>> -> memref<1x128x16xf32, #tpu.memory_space<vmem>>
    %dma_start3A_256 = tpu.memref_squeeze %dma_start3A_255 : memref<1x128x16xf32, #tpu.memory_space<vmem>> -> memref<128x16xf32, #tpu.memory_space<vmem>>
    %dma_start3A_257 = arith.constant 0 : i32
    %dma_start3A_258 = tpu.memref_slice %arg5[%dma_start3A_251, %dma_start3A_257] : memref<40x128xi32, #tpu.memory_space<vmem>> -> memref<1x128xi32, #tpu.memory_space<vmem>>
    %dma_start3A_259 = tpu.memref_squeeze %dma_start3A_258 : memref<1x128xi32, #tpu.memory_space<vmem>> -> memref<128xi32, #tpu.memory_space<vmem>>
    %dma_start3A_260 = arith.constant 0 : i32
    %dma_start3A_261 = arith.constant 0 : i32
    %dma_start3A_262 = tpu.memref_slice %arg2[%dma_start3A_260, %dma_start3A_261] : memref<10000x16xf32, #tpu.memory_space<hbm>> -> memref<10000x16xf32, #tpu.memory_space<hbm>>
    tpu.enqueue_indirect_dma source(%dma_start3A_262 : memref<10000x16xf32, #tpu.memory_space<hbm>>) target(%dma_start3A_256 : memref<128x16xf32, #tpu.memory_space<vmem>>) offsets(%dma_start3A_259 : memref<128xi32, #tpu.memory_space<vmem>>) semaphore(%arg7 : memref<!tpu.dma_semaphore, #tpu.memory_space<semaphore_mem>>)
    %dma_start3A_263 = arith.constant 14 : i32
    %dma_start3A_264 = arith.constant 14 : i32
    %dma_start3A_265 = arith.constant 0 : i32
    %dma_start3A_266 = arith.constant 0 : i32
    %dma_start3A_267 = tpu.memref_slice %arg6[%dma_start3A_264, %dma_start3A_265, %dma_start3A_266] : memref<40x128x16xf32, #tpu.memory_space<vmem>> -> memref<1x128x16xf32, #tpu.memory_space<vmem>>
    %dma_start3A_268 = tpu.memref_squeeze %dma_start3A_267 : memref<1x128x16xf32, #tpu.memory_space<vmem>> -> memref<128x16xf32, #tpu.memory_space<vmem>>
    %dma_start3A_269 = arith.constant 0 : i32
    %dma_start3A_270 = tpu.memref_slice %arg5[%dma_start3A_263, %dma_start3A_269] : memref<40x128xi32, #tpu.memory_space<vmem>> -> memref<1x128xi32, #tpu.memory_space<vmem>>
    %dma_start3A_271 = tpu.memref_squeeze %dma_start3A_270 : memref<1x128xi32, #tpu.memory_space<vmem>> -> memref<128xi32, #tpu.memory_space<vmem>>
    %dma_start3A_272 = arith.constant 0 : i32
    %dma_start3A_273 = arith.constant 0 : i32
    %dma_start3A_274 = tpu.memref_slice %arg2[%dma_start3A_272, %dma_start3A_273] : memref<10000x16xf32, #tpu.memory_space<hbm>> -> memref<10000x16xf32, #tpu.memory_space<hbm>>
    tpu.enqueue_indirect_dma source(%dma_start3A_274 : memref<10000x16xf32, #tpu.memory_space<hbm>>) target(%dma_start3A_268 : memref<128x16xf32, #tpu.memory_space<vmem>>) offsets(%dma_start3A_271 : memref<128xi32, #tpu.memory_space<vmem>>) semaphore(%arg7 : memref<!tpu.dma_semaphore, #tpu.memory_space<semaphore_mem>>)
    %dma_start3A_275 = arith.constant 15 : i32
    %dma_start3A_276 = arith.constant 15 : i32
    %dma_start3A_277 = arith.constant 0 : i32
    %dma_start3A_278 = arith.constant 0 : i32
    %dma_start3A_279 = tpu.memref_slice %arg6[%dma_start3A_276, %dma_start3A_277, %dma_start3A_278] : memref<40x128x16xf32, #tpu.memory_space<vmem>> -> memref<1x128x16xf32, #tpu.memory_space<vmem>>
    %dma_start3A_280 = tpu.memref_squeeze %dma_start3A_279 : memref<1x128x16xf32, #tpu.memory_space<vmem>> -> memref<128x16xf32, #tpu.memory_space<vmem>>
    %dma_start3A_281 = arith.constant 0 : i32
    %dma_start3A_282 = tpu.memref_slice %arg5[%dma_start3A_275, %dma_start3A_281] : memref<40x128xi32, #tpu.memory_space<vmem>> -> memref<1x128xi32, #tpu.memory_space<vmem>>
    %dma_start3A_283 = tpu.memref_squeeze %dma_start3A_282 : memref<1x128xi32, #tpu.memory_space<vmem>> -> memref<128xi32, #tpu.memory_space<vmem>>
    %dma_start3A_284 = arith.constant 0 : i32
    %dma_start3A_285 = arith.constant 0 : i32
    %dma_start3A_286 = tpu.memref_slice %arg2[%dma_start3A_284, %dma_start3A_285] : memref<10000x16xf32, #tpu.memory_space<hbm>> -> memref<10000x16xf32, #tpu.memory_space<hbm>>
    tpu.enqueue_indirect_dma source(%dma_start3A_286 : memref<10000x16xf32, #tpu.memory_space<hbm>>) target(%dma_start3A_280 : memref<128x16xf32, #tpu.memory_space<vmem>>) offsets(%dma_start3A_283 : memref<128xi32, #tpu.memory_space<vmem>>) semaphore(%arg7 : memref<!tpu.dma_semaphore, #tpu.memory_space<semaphore_mem>>)
    %dma_wait3A_287 = arith.constant 8 : i32
    %dma_wait3A_288 = arith.constant 8 : i32
    %dma_wait3A_289 = arith.constant 0 : i32
    %dma_wait3A_290 = arith.constant 0 : i32
    %dma_wait3A_291 = tpu.memref_slice %arg6[%dma_wait3A_288, %dma_wait3A_289, %dma_wait3A_290] : memref<40x128x16xf32, #tpu.memory_space<vmem>> -> memref<1x128x16xf32, #tpu.memory_space<vmem>>
    %dma_wait3A_292 = tpu.memref_squeeze %dma_wait3A_291 : memref<1x128x16xf32, #tpu.memory_space<vmem>> -> memref<128x16xf32, #tpu.memory_space<vmem>>
    %dma_wait3A_293 = arith.constant 0 : i32
    %dma_wait3A_294 = tpu.memref_slice %arg5[%dma_wait3A_287, %dma_wait3A_293] : memref<40x128xi32, #tpu.memory_space<vmem>> -> memref<1x128xi32, #tpu.memory_space<vmem>>
    %dma_wait3A_295 = tpu.memref_squeeze %dma_wait3A_294 : memref<1x128xi32, #tpu.memory_space<vmem>> -> memref<128xi32, #tpu.memory_space<vmem>>
    %dma_wait3A_296 = arith.constant 0 : i32
    %dma_wait3A_297 = arith.constant 0 : i32
    %dma_wait3A_298 = tpu.memref_slice %arg2[%dma_wait3A_296, %dma_wait3A_297] : memref<10000x16xf32, #tpu.memory_space<hbm>> -> memref<10000x16xf32, #tpu.memory_space<hbm>>
    tpu.wait_indirect_dma semaphore(%arg7 : memref<!tpu.dma_semaphore, #tpu.memory_space<semaphore_mem>>) src(%dma_wait3A_298 : memref<10000x16xf32, #tpu.memory_space<hbm>>) dst(%dma_wait3A_292 : memref<128x16xf32, #tpu.memory_space<vmem>>)
    %dma_wait3A_299 = arith.constant 9 : i32
    %dma_wait3A_300 = arith.constant 9 : i32
    %dma_wait3A_301 = arith.constant 0 : i32
    %dma_wait3A_302 = arith.constant 0 : i32
    %dma_wait3A_303 = tpu.memref_slice %arg6[%dma_wait3A_300, %dma_wait3A_301, %dma_wait3A_302] : memref<40x128x16xf32, #tpu.memory_space<vmem>> -> memref<1x128x16xf32, #tpu.memory_space<vmem>>
    %dma_wait3A_304 = tpu.memref_squeeze %dma_wait3A_303 : memref<1x128x16xf32, #tpu.memory_space<vmem>> -> memref<128x16xf32, #tpu.memory_space<vmem>>
    %dma_wait3A_305 = arith.constant 0 : i32
    %dma_wait3A_306 = tpu.memref_slice %arg5[%dma_wait3A_299, %dma_wait3A_305] : memref<40x128xi32, #tpu.memory_space<vmem>> -> memref<1x128xi32, #tpu.memory_space<vmem>>
    %dma_wait3A_307 = tpu.memref_squeeze %dma_wait3A_306 : memref<1x128xi32, #tpu.memory_space<vmem>> -> memref<128xi32, #tpu.memory_space<vmem>>
    %dma_wait3A_308 = arith.constant 0 : i32
    %dma_wait3A_309 = arith.constant 0 : i32
    %dma_wait3A_310 = tpu.memref_slice %arg2[%dma_wait3A_308, %dma_wait3A_309] : memref<10000x16xf32, #tpu.memory_space<hbm>> -> memref<10000x16xf32, #tpu.memory_space<hbm>>
    tpu.wait_indirect_dma semaphore(%arg7 : memref<!tpu.dma_semaphore, #tpu.memory_space<semaphore_mem>>) src(%dma_wait3A_310 : memref<10000x16xf32, #tpu.memory_space<hbm>>) dst(%dma_wait3A_304 : memref<128x16xf32, #tpu.memory_space<vmem>>)
    %dma_wait3A_311 = arith.constant 10 : i32
    %dma_wait3A_312 = arith.constant 10 : i32
    %dma_wait3A_313 = arith.constant 0 : i32
    %dma_wait3A_314 = arith.constant 0 : i32
    %dma_wait3A_315 = tpu.memref_slice %arg6[%dma_wait3A_312, %dma_wait3A_313, %dma_wait3A_314] : memref<40x128x16xf32, #tpu.memory_space<vmem>> -> memref<1x128x16xf32, #tpu.memory_space<vmem>>
    %dma_wait3A_316 = tpu.memref_squeeze %dma_wait3A_315 : memref<1x128x16xf32, #tpu.memory_space<vmem>> -> memref<128x16xf32, #tpu.memory_space<vmem>>
    %dma_wait3A_317 = arith.constant 0 : i32
    %dma_wait3A_318 = tpu.memref_slice %arg5[%dma_wait3A_311, %dma_wait3A_317] : memref<40x128xi32, #tpu.memory_space<vmem>> -> memref<1x128xi32, #tpu.memory_space<vmem>>
    %dma_wait3A_319 = tpu.memref_squeeze %dma_wait3A_318 : memref<1x128xi32, #tpu.memory_space<vmem>> -> memref<128xi32, #tpu.memory_space<vmem>>
    %dma_wait3A_320 = arith.constant 0 : i32
    %dma_wait3A_321 = arith.constant 0 : i32
    %dma_wait3A_322 = tpu.memref_slice %arg2[%dma_wait3A_320, %dma_wait3A_321] : memref<10000x16xf32, #tpu.memory_space<hbm>> -> memref<10000x16xf32, #tpu.memory_space<hbm>>
    tpu.wait_indirect_dma semaphore(%arg7 : memref<!tpu.dma_semaphore, #tpu.memory_space<semaphore_mem>>) src(%dma_wait3A_322 : memref<10000x16xf32, #tpu.memory_space<hbm>>) dst(%dma_wait3A_316 : memref<128x16xf32, #tpu.memory_space<vmem>>)
    %dma_wait3A_323 = arith.constant 11 : i32
    %dma_wait3A_324 = arith.constant 11 : i32
    %dma_wait3A_325 = arith.constant 0 : i32
    %dma_wait3A_326 = arith.constant 0 : i32
    %dma_wait3A_327 = tpu.memref_slice %arg6[%dma_wait3A_324, %dma_wait3A_325, %dma_wait3A_326] : memref<40x128x16xf32, #tpu.memory_space<vmem>> -> memref<1x128x16xf32, #tpu.memory_space<vmem>>
    %dma_wait3A_328 = tpu.memref_squeeze %dma_wait3A_327 : memref<1x128x16xf32, #tpu.memory_space<vmem>> -> memref<128x16xf32, #tpu.memory_space<vmem>>
    %dma_wait3A_329 = arith.constant 0 : i32
    %dma_wait3A_330 = tpu.memref_slice %arg5[%dma_wait3A_323, %dma_wait3A_329] : memref<40x128xi32, #tpu.memory_space<vmem>> -> memref<1x128xi32, #tpu.memory_space<vmem>>
    %dma_wait3A_331 = tpu.memref_squeeze %dma_wait3A_330 : memref<1x128xi32, #tpu.memory_space<vmem>> -> memref<128xi32, #tpu.memory_space<vmem>>
    %dma_wait3A_332 = arith.constant 0 : i32
    %dma_wait3A_333 = arith.constant 0 : i32
    %dma_wait3A_334 = tpu.memref_slice %arg2[%dma_wait3A_332, %dma_wait3A_333] : memref<10000x16xf32, #tpu.memory_space<hbm>> -> memref<10000x16xf32, #tpu.memory_space<hbm>>
    tpu.wait_indirect_dma semaphore(%arg7 : memref<!tpu.dma_semaphore, #tpu.memory_space<semaphore_mem>>) src(%dma_wait3A_334 : memref<10000x16xf32, #tpu.memory_space<hbm>>) dst(%dma_wait3A_328 : memref<128x16xf32, #tpu.memory_space<vmem>>)
    %dma_wait3A_335 = arith.constant 12 : i32
    %dma_wait3A_336 = arith.constant 12 : i32
    %dma_wait3A_337 = arith.constant 0 : i32
    %dma_wait3A_338 = arith.constant 0 : i32
    %dma_wait3A_339 = tpu.memref_slice %arg6[%dma_wait3A_336, %dma_wait3A_337, %dma_wait3A_338] : memref<40x128x16xf32, #tpu.memory_space<vmem>> -> memref<1x128x16xf32, #tpu.memory_space<vmem>>
    %dma_wait3A_340 = tpu.memref_squeeze %dma_wait3A_339 : memref<1x128x16xf32, #tpu.memory_space<vmem>> -> memref<128x16xf32, #tpu.memory_space<vmem>>
    %dma_wait3A_341 = arith.constant 0 : i32
    %dma_wait3A_342 = tpu.memref_slice %arg5[%dma_wait3A_335, %dma_wait3A_341] : memref<40x128xi32, #tpu.memory_space<vmem>> -> memref<1x128xi32, #tpu.memory_space<vmem>>
    %dma_wait3A_343 = tpu.memref_squeeze %dma_wait3A_342 : memref<1x128xi32, #tpu.memory_space<vmem>> -> memref<128xi32, #tpu.memory_space<vmem>>
    %dma_wait3A_344 = arith.constant 0 : i32
    %dma_wait3A_345 = arith.constant 0 : i32
    %dma_wait3A_346 = tpu.memref_slice %arg2[%dma_wait3A_344, %dma_wait3A_345] : memref<10000x16xf32, #tpu.memory_space<hbm>> -> memref<10000x16xf32, #tpu.memory_space<hbm>>
    tpu.wait_indirect_dma semaphore(%arg7 : memref<!tpu.dma_semaphore, #tpu.memory_space<semaphore_mem>>) src(%dma_wait3A_346 : memref<10000x16xf32, #tpu.memory_space<hbm>>) dst(%dma_wait3A_340 : memref<128x16xf32, #tpu.memory_space<vmem>>)
    %dma_wait3A_347 = arith.constant 13 : i32
    %dma_wait3A_348 = arith.constant 13 : i32
    %dma_wait3A_349 = arith.constant 0 : i32
    %dma_wait3A_350 = arith.constant 0 : i32
    %dma_wait3A_351 = tpu.memref_slice %arg6[%dma_wait3A_348, %dma_wait3A_349, %dma_wait3A_350] : memref<40x128x16xf32, #tpu.memory_space<vmem>> -> memref<1x128x16xf32, #tpu.memory_space<vmem>>
    %dma_wait3A_352 = tpu.memref_squeeze %dma_wait3A_351 : memref<1x128x16xf32, #tpu.memory_space<vmem>> -> memref<128x16xf32, #tpu.memory_space<vmem>>
    %dma_wait3A_353 = arith.constant 0 : i32
    %dma_wait3A_354 = tpu.memref_slice %arg5[%dma_wait3A_347, %dma_wait3A_353] : memref<40x128xi32, #tpu.memory_space<vmem>> -> memref<1x128xi32, #tpu.memory_space<vmem>>
    %dma_wait3A_355 = tpu.memref_squeeze %dma_wait3A_354 : memref<1x128xi32, #tpu.memory_space<vmem>> -> memref<128xi32, #tpu.memory_space<vmem>>
    %dma_wait3A_356 = arith.constant 0 : i32
    %dma_wait3A_357 = arith.constant 0 : i32
    %dma_wait3A_358 = tpu.memref_slice %arg2[%dma_wait3A_356, %dma_wait3A_357] : memref<10000x16xf32, #tpu.memory_space<hbm>> -> memref<10000x16xf32, #tpu.memory_space<hbm>>
    tpu.wait_indirect_dma semaphore(%arg7 : memref<!tpu.dma_semaphore, #tpu.memory_space<semaphore_mem>>) src(%dma_wait3A_358 : memref<10000x16xf32, #tpu.memory_space<hbm>>) dst(%dma_wait3A_352 : memref<128x16xf32, #tpu.memory_space<vmem>>)
    %dma_wait3A_359 = arith.constant 14 : i32
    %dma_wait3A_360 = arith.constant 14 : i32
    %dma_wait3A_361 = arith.constant 0 : i32
    %dma_wait3A_362 = arith.constant 0 : i32
    %dma_wait3A_363 = tpu.memref_slice %arg6[%dma_wait3A_360, %dma_wait3A_361, %dma_wait3A_362] : memref<40x128x16xf32, #tpu.memory_space<vmem>> -> memref<1x128x16xf32, #tpu.memory_space<vmem>>
    %dma_wait3A_364 = tpu.memref_squeeze %dma_wait3A_363 : memref<1x128x16xf32, #tpu.memory_space<vmem>> -> memref<128x16xf32, #tpu.memory_space<vmem>>
    %dma_wait3A_365 = arith.constant 0 : i32
    %dma_wait3A_366 = tpu.memref_slice %arg5[%dma_wait3A_359, %dma_wait3A_365] : memref<40x128xi32, #tpu.memory_space<vmem>> -> memref<1x128xi32, #tpu.memory_space<vmem>>
    %dma_wait3A_367 = tpu.memref_squeeze %dma_wait3A_366 : memref<1x128xi32, #tpu.memory_space<vmem>> -> memref<128xi32, #tpu.memory_space<vmem>>
    %dma_wait3A_368 = arith.constant 0 : i32
    %dma_wait3A_369 = arith.constant 0 : i32
    %dma_wait3A_370 = tpu.memref_slice %arg2[%dma_wait3A_368, %dma_wait3A_369] : memref<10000x16xf32, #tpu.memory_space<hbm>> -> memref<10000x16xf32, #tpu.memory_space<hbm>>
    tpu.wait_indirect_dma semaphore(%arg7 : memref<!tpu.dma_semaphore, #tpu.memory_space<semaphore_mem>>) src(%dma_wait3A_370 : memref<10000x16xf32, #tpu.memory_space<hbm>>) dst(%dma_wait3A_364 : memref<128x16xf32, #tpu.memory_space<vmem>>)
    %dma_wait3A_371 = arith.constant 15 : i32
    %dma_wait3A_372 = arith.constant 15 : i32
    %dma_wait3A_373 = arith.constant 0 : i32
    %dma_wait3A_374 = arith.constant 0 : i32
    %dma_wait3A_375 = tpu.memref_slice %arg6[%dma_wait3A_372, %dma_wait3A_373, %dma_wait3A_374] : memref<40x128x16xf32, #tpu.memory_space<vmem>> -> memref<1x128x16xf32, #tpu.memory_space<vmem>>
    %dma_wait3A_376 = tpu.memref_squeeze %dma_wait3A_375 : memref<1x128x16xf32, #tpu.memory_space<vmem>> -> memref<128x16xf32, #tpu.memory_space<vmem>>
    %dma_wait3A_377 = arith.constant 0 : i32
    %dma_wait3A_378 = tpu.memref_slice %arg5[%dma_wait3A_371, %dma_wait3A_377] : memref<40x128xi32, #tpu.memory_space<vmem>> -> memref<1x128xi32, #tpu.memory_space<vmem>>
    %dma_wait3A_379 = tpu.memref_squeeze %dma_wait3A_378 : memref<1x128xi32, #tpu.memory_space<vmem>> -> memref<128xi32, #tpu.memory_space<vmem>>
    %dma_wait3A_380 = arith.constant 0 : i32
    %dma_wait3A_381 = arith.constant 0 : i32
    %dma_wait3A_382 = tpu.memref_slice %arg2[%dma_wait3A_380, %dma_wait3A_381] : memref<10000x16xf32, #tpu.memory_space<hbm>> -> memref<10000x16xf32, #tpu.memory_space<hbm>>
    tpu.wait_indirect_dma semaphore(%arg7 : memref<!tpu.dma_semaphore, #tpu.memory_space<semaphore_mem>>) src(%dma_wait3A_382 : memref<10000x16xf32, #tpu.memory_space<hbm>>) dst(%dma_wait3A_376 : memref<128x16xf32, #tpu.memory_space<vmem>>)
    %dma_start3A_383 = arith.constant 16 : i32
    %dma_start3A_384 = arith.constant 16 : i32
    %dma_start3A_385 = arith.constant 0 : i32
    %dma_start3A_386 = arith.constant 0 : i32
    %dma_start3A_387 = tpu.memref_slice %arg6[%dma_start3A_384, %dma_start3A_385, %dma_start3A_386] : memref<40x128x16xf32, #tpu.memory_space<vmem>> -> memref<1x128x16xf32, #tpu.memory_space<vmem>>
    %dma_start3A_388 = tpu.memref_squeeze %dma_start3A_387 : memref<1x128x16xf32, #tpu.memory_space<vmem>> -> memref<128x16xf32, #tpu.memory_space<vmem>>
    %dma_start3A_389 = arith.constant 0 : i32
    %dma_start3A_390 = tpu.memref_slice %arg5[%dma_start3A_383, %dma_start3A_389] : memref<40x128xi32, #tpu.memory_space<vmem>> -> memref<1x128xi32, #tpu.memory_space<vmem>>
    %dma_start3A_391 = tpu.memref_squeeze %dma_start3A_390 : memref<1x128xi32, #tpu.memory_space<vmem>> -> memref<128xi32, #tpu.memory_space<vmem>>
    %dma_start3A_392 = arith.constant 0 : i32
    %dma_start3A_393 = arith.constant 0 : i32
    %dma_start3A_394 = tpu.memref_slice %arg2[%dma_start3A_392, %dma_start3A_393] : memref<10000x16xf32, #tpu.memory_space<hbm>> -> memref<10000x16xf32, #tpu.memory_space<hbm>>
    tpu.enqueue_indirect_dma source(%dma_start3A_394 : memref<10000x16xf32, #tpu.memory_space<hbm>>) target(%dma_start3A_388 : memref<128x16xf32, #tpu.memory_space<vmem>>) offsets(%dma_start3A_391 : memref<128xi32, #tpu.memory_space<vmem>>) semaphore(%arg7 : memref<!tpu.dma_semaphore, #tpu.memory_space<semaphore_mem>>)
    %dma_start3A_395 = arith.constant 17 : i32
    %dma_start3A_396 = arith.constant 17 : i32
    %dma_start3A_397 = arith.constant 0 : i32
    %dma_start3A_398 = arith.constant 0 : i32
    %dma_start3A_399 = tpu.memref_slice %arg6[%dma_start3A_396, %dma_start3A_397, %dma_start3A_398] : memref<40x128x16xf32, #tpu.memory_space<vmem>> -> memref<1x128x16xf32, #tpu.memory_space<vmem>>
    %dma_start3A_400 = tpu.memref_squeeze %dma_start3A_399 : memref<1x128x16xf32, #tpu.memory_space<vmem>> -> memref<128x16xf32, #tpu.memory_space<vmem>>
    %dma_start3A_401 = arith.constant 0 : i32
    %dma_start3A_402 = tpu.memref_slice %arg5[%dma_start3A_395, %dma_start3A_401] : memref<40x128xi32, #tpu.memory_space<vmem>> -> memref<1x128xi32, #tpu.memory_space<vmem>>
    %dma_start3A_403 = tpu.memref_squeeze %dma_start3A_402 : memref<1x128xi32, #tpu.memory_space<vmem>> -> memref<128xi32, #tpu.memory_space<vmem>>
    %dma_start3A_404 = arith.constant 0 : i32
    %dma_start3A_405 = arith.constant 0 : i32
    %dma_start3A_406 = tpu.memref_slice %arg2[%dma_start3A_404, %dma_start3A_405] : memref<10000x16xf32, #tpu.memory_space<hbm>> -> memref<10000x16xf32, #tpu.memory_space<hbm>>
    tpu.enqueue_indirect_dma source(%dma_start3A_406 : memref<10000x16xf32, #tpu.memory_space<hbm>>) target(%dma_start3A_400 : memref<128x16xf32, #tpu.memory_space<vmem>>) offsets(%dma_start3A_403 : memref<128xi32, #tpu.memory_space<vmem>>) semaphore(%arg7 : memref<!tpu.dma_semaphore, #tpu.memory_space<semaphore_mem>>)
    %dma_start3A_407 = arith.constant 18 : i32
    %dma_start3A_408 = arith.constant 18 : i32
    %dma_start3A_409 = arith.constant 0 : i32
    %dma_start3A_410 = arith.constant 0 : i32
    %dma_start3A_411 = tpu.memref_slice %arg6[%dma_start3A_408, %dma_start3A_409, %dma_start3A_410] : memref<40x128x16xf32, #tpu.memory_space<vmem>> -> memref<1x128x16xf32, #tpu.memory_space<vmem>>
    %dma_start3A_412 = tpu.memref_squeeze %dma_start3A_411 : memref<1x128x16xf32, #tpu.memory_space<vmem>> -> memref<128x16xf32, #tpu.memory_space<vmem>>
    %dma_start3A_413 = arith.constant 0 : i32
    %dma_start3A_414 = tpu.memref_slice %arg5[%dma_start3A_407, %dma_start3A_413] : memref<40x128xi32, #tpu.memory_space<vmem>> -> memref<1x128xi32, #tpu.memory_space<vmem>>
    %dma_start3A_415 = tpu.memref_squeeze %dma_start3A_414 : memref<1x128xi32, #tpu.memory_space<vmem>> -> memref<128xi32, #tpu.memory_space<vmem>>
    %dma_start3A_416 = arith.constant 0 : i32
    %dma_start3A_417 = arith.constant 0 : i32
    %dma_start3A_418 = tpu.memref_slice %arg2[%dma_start3A_416, %dma_start3A_417] : memref<10000x16xf32, #tpu.memory_space<hbm>> -> memref<10000x16xf32, #tpu.memory_space<hbm>>
    tpu.enqueue_indirect_dma source(%dma_start3A_418 : memref<10000x16xf32, #tpu.memory_space<hbm>>) target(%dma_start3A_412 : memref<128x16xf32, #tpu.memory_space<vmem>>) offsets(%dma_start3A_415 : memref<128xi32, #tpu.memory_space<vmem>>) semaphore(%arg7 : memref<!tpu.dma_semaphore, #tpu.memory_space<semaphore_mem>>)
    %dma_start3A_419 = arith.constant 19 : i32
    %dma_start3A_420 = arith.constant 19 : i32
    %dma_start3A_421 = arith.constant 0 : i32
    %dma_start3A_422 = arith.constant 0 : i32
    %dma_start3A_423 = tpu.memref_slice %arg6[%dma_start3A_420, %dma_start3A_421, %dma_start3A_422] : memref<40x128x16xf32, #tpu.memory_space<vmem>> -> memref<1x128x16xf32, #tpu.memory_space<vmem>>
    %dma_start3A_424 = tpu.memref_squeeze %dma_start3A_423 : memref<1x128x16xf32, #tpu.memory_space<vmem>> -> memref<128x16xf32, #tpu.memory_space<vmem>>
    %dma_start3A_425 = arith.constant 0 : i32
    %dma_start3A_426 = tpu.memref_slice %arg5[%dma_start3A_419, %dma_start3A_425] : memref<40x128xi32, #tpu.memory_space<vmem>> -> memref<1x128xi32, #tpu.memory_space<vmem>>
    %dma_start3A_427 = tpu.memref_squeeze %dma_start3A_426 : memref<1x128xi32, #tpu.memory_space<vmem>> -> memref<128xi32, #tpu.memory_space<vmem>>
    %dma_start3A_428 = arith.constant 0 : i32
    %dma_start3A_429 = arith.constant 0 : i32
    %dma_start3A_430 = tpu.memref_slice %arg2[%dma_start3A_428, %dma_start3A_429] : memref<10000x16xf32, #tpu.memory_space<hbm>> -> memref<10000x16xf32, #tpu.memory_space<hbm>>
    tpu.enqueue_indirect_dma source(%dma_start3A_430 : memref<10000x16xf32, #tpu.memory_space<hbm>>) target(%dma_start3A_424 : memref<128x16xf32, #tpu.memory_space<vmem>>) offsets(%dma_start3A_427 : memref<128xi32, #tpu.memory_space<vmem>>) semaphore(%arg7 : memref<!tpu.dma_semaphore, #tpu.memory_space<semaphore_mem>>)
    %dma_start3A_431 = arith.constant 20 : i32
    %dma_start3A_432 = arith.constant 20 : i32
    %dma_start3A_433 = arith.constant 0 : i32
    %dma_start3A_434 = arith.constant 0 : i32
    %dma_start3A_435 = tpu.memref_slice %arg6[%dma_start3A_432, %dma_start3A_433, %dma_start3A_434] : memref<40x128x16xf32, #tpu.memory_space<vmem>> -> memref<1x128x16xf32, #tpu.memory_space<vmem>>
    %dma_start3A_436 = tpu.memref_squeeze %dma_start3A_435 : memref<1x128x16xf32, #tpu.memory_space<vmem>> -> memref<128x16xf32, #tpu.memory_space<vmem>>
    %dma_start3A_437 = arith.constant 0 : i32
    %dma_start3A_438 = tpu.memref_slice %arg5[%dma_start3A_431, %dma_start3A_437] : memref<40x128xi32, #tpu.memory_space<vmem>> -> memref<1x128xi32, #tpu.memory_space<vmem>>
    %dma_start3A_439 = tpu.memref_squeeze %dma_start3A_438 : memref<1x128xi32, #tpu.memory_space<vmem>> -> memref<128xi32, #tpu.memory_space<vmem>>
    %dma_start3A_440 = arith.constant 0 : i32
    %dma_start3A_441 = arith.constant 0 : i32
    %dma_start3A_442 = tpu.memref_slice %arg2[%dma_start3A_440, %dma_start3A_441] : memref<10000x16xf32, #tpu.memory_space<hbm>> -> memref<10000x16xf32, #tpu.memory_space<hbm>>
    tpu.enqueue_indirect_dma source(%dma_start3A_442 : memref<10000x16xf32, #tpu.memory_space<hbm>>) target(%dma_start3A_436 : memref<128x16xf32, #tpu.memory_space<vmem>>) offsets(%dma_start3A_439 : memref<128xi32, #tpu.memory_space<vmem>>) semaphore(%arg7 : memref<!tpu.dma_semaphore, #tpu.memory_space<semaphore_mem>>)
    %dma_start3A_443 = arith.constant 21 : i32
    %dma_start3A_444 = arith.constant 21 : i32
    %dma_start3A_445 = arith.constant 0 : i32
    %dma_start3A_446 = arith.constant 0 : i32
    %dma_start3A_447 = tpu.memref_slice %arg6[%dma_start3A_444, %dma_start3A_445, %dma_start3A_446] : memref<40x128x16xf32, #tpu.memory_space<vmem>> -> memref<1x128x16xf32, #tpu.memory_space<vmem>>
    %dma_start3A_448 = tpu.memref_squeeze %dma_start3A_447 : memref<1x128x16xf32, #tpu.memory_space<vmem>> -> memref<128x16xf32, #tpu.memory_space<vmem>>
    %dma_start3A_449 = arith.constant 0 : i32
    %dma_start3A_450 = tpu.memref_slice %arg5[%dma_start3A_443, %dma_start3A_449] : memref<40x128xi32, #tpu.memory_space<vmem>> -> memref<1x128xi32, #tpu.memory_space<vmem>>
    %dma_start3A_451 = tpu.memref_squeeze %dma_start3A_450 : memref<1x128xi32, #tpu.memory_space<vmem>> -> memref<128xi32, #tpu.memory_space<vmem>>
    %dma_start3A_452 = arith.constant 0 : i32
    %dma_start3A_453 = arith.constant 0 : i32
    %dma_start3A_454 = tpu.memref_slice %arg2[%dma_start3A_452, %dma_start3A_453] : memref<10000x16xf32, #tpu.memory_space<hbm>> -> memref<10000x16xf32, #tpu.memory_space<hbm>>
    tpu.enqueue_indirect_dma source(%dma_start3A_454 : memref<10000x16xf32, #tpu.memory_space<hbm>>) target(%dma_start3A_448 : memref<128x16xf32, #tpu.memory_space<vmem>>) offsets(%dma_start3A_451 : memref<128xi32, #tpu.memory_space<vmem>>) semaphore(%arg7 : memref<!tpu.dma_semaphore, #tpu.memory_space<semaphore_mem>>)
    %dma_start3A_455 = arith.constant 22 : i32
    %dma_start3A_456 = arith.constant 22 : i32
    %dma_start3A_457 = arith.constant 0 : i32
    %dma_start3A_458 = arith.constant 0 : i32
    %dma_start3A_459 = tpu.memref_slice %arg6[%dma_start3A_456, %dma_start3A_457, %dma_start3A_458] : memref<40x128x16xf32, #tpu.memory_space<vmem>> -> memref<1x128x16xf32, #tpu.memory_space<vmem>>
    %dma_start3A_460 = tpu.memref_squeeze %dma_start3A_459 : memref<1x128x16xf32, #tpu.memory_space<vmem>> -> memref<128x16xf32, #tpu.memory_space<vmem>>
    %dma_start3A_461 = arith.constant 0 : i32
    %dma_start3A_462 = tpu.memref_slice %arg5[%dma_start3A_455, %dma_start3A_461] : memref<40x128xi32, #tpu.memory_space<vmem>> -> memref<1x128xi32, #tpu.memory_space<vmem>>
    %dma_start3A_463 = tpu.memref_squeeze %dma_start3A_462 : memref<1x128xi32, #tpu.memory_space<vmem>> -> memref<128xi32, #tpu.memory_space<vmem>>
    %dma_start3A_464 = arith.constant 0 : i32
    %dma_start3A_465 = arith.constant 0 : i32
    %dma_start3A_466 = tpu.memref_slice %arg2[%dma_start3A_464, %dma_start3A_465] : memref<10000x16xf32, #tpu.memory_space<hbm>> -> memref<10000x16xf32, #tpu.memory_space<hbm>>
    tpu.enqueue_indirect_dma source(%dma_start3A_466 : memref<10000x16xf32, #tpu.memory_space<hbm>>) target(%dma_start3A_460 : memref<128x16xf32, #tpu.memory_space<vmem>>) offsets(%dma_start3A_463 : memref<128xi32, #tpu.memory_space<vmem>>) semaphore(%arg7 : memref<!tpu.dma_semaphore, #tpu.memory_space<semaphore_mem>>)
    %dma_start3A_467 = arith.constant 23 : i32
    %dma_start3A_468 = arith.constant 23 : i32
    %dma_start3A_469 = arith.constant 0 : i32
    %dma_start3A_470 = arith.constant 0 : i32
    %dma_start3A_471 = tpu.memref_slice %arg6[%dma_start3A_468, %dma_start3A_469, %dma_start3A_470] : memref<40x128x16xf32, #tpu.memory_space<vmem>> -> memref<1x128x16xf32, #tpu.memory_space<vmem>>
    %dma_start3A_472 = tpu.memref_squeeze %dma_start3A_471 : memref<1x128x16xf32, #tpu.memory_space<vmem>> -> memref<128x16xf32, #tpu.memory_space<vmem>>
    %dma_start3A_473 = arith.constant 0 : i32
    %dma_start3A_474 = tpu.memref_slice %arg5[%dma_start3A_467, %dma_start3A_473] : memref<40x128xi32, #tpu.memory_space<vmem>> -> memref<1x128xi32, #tpu.memory_space<vmem>>
    %dma_start3A_475 = tpu.memref_squeeze %dma_start3A_474 : memref<1x128xi32, #tpu.memory_space<vmem>> -> memref<128xi32, #tpu.memory_space<vmem>>
    %dma_start3A_476 = arith.constant 0 : i32
    %dma_start3A_477 = arith.constant 0 : i32
    %dma_start3A_478 = tpu.memref_slice %arg2[%dma_start3A_476, %dma_start3A_477] : memref<10000x16xf32, #tpu.memory_space<hbm>> -> memref<10000x16xf32, #tpu.memory_space<hbm>>
    tpu.enqueue_indirect_dma source(%dma_start3A_478 : memref<10000x16xf32, #tpu.memory_space<hbm>>) target(%dma_start3A_472 : memref<128x16xf32, #tpu.memory_space<vmem>>) offsets(%dma_start3A_475 : memref<128xi32, #tpu.memory_space<vmem>>) semaphore(%arg7 : memref<!tpu.dma_semaphore, #tpu.memory_space<semaphore_mem>>)
    %dma_wait3A_479 = arith.constant 16 : i32
    %dma_wait3A_480 = arith.constant 16 : i32
    %dma_wait3A_481 = arith.constant 0 : i32
    %dma_wait3A_482 = arith.constant 0 : i32
    %dma_wait3A_483 = tpu.memref_slice %arg6[%dma_wait3A_480, %dma_wait3A_481, %dma_wait3A_482] : memref<40x128x16xf32, #tpu.memory_space<vmem>> -> memref<1x128x16xf32, #tpu.memory_space<vmem>>
    %dma_wait3A_484 = tpu.memref_squeeze %dma_wait3A_483 : memref<1x128x16xf32, #tpu.memory_space<vmem>> -> memref<128x16xf32, #tpu.memory_space<vmem>>
    %dma_wait3A_485 = arith.constant 0 : i32
    %dma_wait3A_486 = tpu.memref_slice %arg5[%dma_wait3A_479, %dma_wait3A_485] : memref<40x128xi32, #tpu.memory_space<vmem>> -> memref<1x128xi32, #tpu.memory_space<vmem>>
    %dma_wait3A_487 = tpu.memref_squeeze %dma_wait3A_486 : memref<1x128xi32, #tpu.memory_space<vmem>> -> memref<128xi32, #tpu.memory_space<vmem>>
    %dma_wait3A_488 = arith.constant 0 : i32
    %dma_wait3A_489 = arith.constant 0 : i32
    %dma_wait3A_490 = tpu.memref_slice %arg2[%dma_wait3A_488, %dma_wait3A_489] : memref<10000x16xf32, #tpu.memory_space<hbm>> -> memref<10000x16xf32, #tpu.memory_space<hbm>>
    tpu.wait_indirect_dma semaphore(%arg7 : memref<!tpu.dma_semaphore, #tpu.memory_space<semaphore_mem>>) src(%dma_wait3A_490 : memref<10000x16xf32, #tpu.memory_space<hbm>>) dst(%dma_wait3A_484 : memref<128x16xf32, #tpu.memory_space<vmem>>)
    %dma_wait3A_491 = arith.constant 17 : i32
    %dma_wait3A_492 = arith.constant 17 : i32
    %dma_wait3A_493 = arith.constant 0 : i32
    %dma_wait3A_494 = arith.constant 0 : i32
    %dma_wait3A_495 = tpu.memref_slice %arg6[%dma_wait3A_492, %dma_wait3A_493, %dma_wait3A_494] : memref<40x128x16xf32, #tpu.memory_space<vmem>> -> memref<1x128x16xf32, #tpu.memory_space<vmem>>
    %dma_wait3A_496 = tpu.memref_squeeze %dma_wait3A_495 : memref<1x128x16xf32, #tpu.memory_space<vmem>> -> memref<128x16xf32, #tpu.memory_space<vmem>>
    %dma_wait3A_497 = arith.constant 0 : i32
    %dma_wait3A_498 = tpu.memref_slice %arg5[%dma_wait3A_491, %dma_wait3A_497] : memref<40x128xi32, #tpu.memory_space<vmem>> -> memref<1x128xi32, #tpu.memory_space<vmem>>
    %dma_wait3A_499 = tpu.memref_squeeze %dma_wait3A_498 : memref<1x128xi32, #tpu.memory_space<vmem>> -> memref<128xi32, #tpu.memory_space<vmem>>
    %dma_wait3A_500 = arith.constant 0 : i32
    %dma_wait3A_501 = arith.constant 0 : i32
    %dma_wait3A_502 = tpu.memref_slice %arg2[%dma_wait3A_500, %dma_wait3A_501] : memref<10000x16xf32, #tpu.memory_space<hbm>> -> memref<10000x16xf32, #tpu.memory_space<hbm>>
    tpu.wait_indirect_dma semaphore(%arg7 : memref<!tpu.dma_semaphore, #tpu.memory_space<semaphore_mem>>) src(%dma_wait3A_502 : memref<10000x16xf32, #tpu.memory_space<hbm>>) dst(%dma_wait3A_496 : memref<128x16xf32, #tpu.memory_space<vmem>>)
    %dma_wait3A_503 = arith.constant 18 : i32
    %dma_wait3A_504 = arith.constant 18 : i32
    %dma_wait3A_505 = arith.constant 0 : i32
    %dma_wait3A_506 = arith.constant 0 : i32
    %dma_wait3A_507 = tpu.memref_slice %arg6[%dma_wait3A_504, %dma_wait3A_505, %dma_wait3A_506] : memref<40x128x16xf32, #tpu.memory_space<vmem>> -> memref<1x128x16xf32, #tpu.memory_space<vmem>>
    %dma_wait3A_508 = tpu.memref_squeeze %dma_wait3A_507 : memref<1x128x16xf32, #tpu.memory_space<vmem>> -> memref<128x16xf32, #tpu.memory_space<vmem>>
    %dma_wait3A_509 = arith.constant 0 : i32
    %dma_wait3A_510 = tpu.memref_slice %arg5[%dma_wait3A_503, %dma_wait3A_509] : memref<40x128xi32, #tpu.memory_space<vmem>> -> memref<1x128xi32, #tpu.memory_space<vmem>>
    %dma_wait3A_511 = tpu.memref_squeeze %dma_wait3A_510 : memref<1x128xi32, #tpu.memory_space<vmem>> -> memref<128xi32, #tpu.memory_space<vmem>>
    %dma_wait3A_512 = arith.constant 0 : i32
    %dma_wait3A_513 = arith.constant 0 : i32
    %dma_wait3A_514 = tpu.memref_slice %arg2[%dma_wait3A_512, %dma_wait3A_513] : memref<10000x16xf32, #tpu.memory_space<hbm>> -> memref<10000x16xf32, #tpu.memory_space<hbm>>
    tpu.wait_indirect_dma semaphore(%arg7 : memref<!tpu.dma_semaphore, #tpu.memory_space<semaphore_mem>>) src(%dma_wait3A_514 : memref<10000x16xf32, #tpu.memory_space<hbm>>) dst(%dma_wait3A_508 : memref<128x16xf32, #tpu.memory_space<vmem>>)
    %dma_wait3A_515 = arith.constant 19 : i32
    %dma_wait3A_516 = arith.constant 19 : i32
    %dma_wait3A_517 = arith.constant 0 : i32
    %dma_wait3A_518 = arith.constant 0 : i32
    %dma_wait3A_519 = tpu.memref_slice %arg6[%dma_wait3A_516, %dma_wait3A_517, %dma_wait3A_518] : memref<40x128x16xf32, #tpu.memory_space<vmem>> -> memref<1x128x16xf32, #tpu.memory_space<vmem>>
    %dma_wait3A_520 = tpu.memref_squeeze %dma_wait3A_519 : memref<1x128x16xf32, #tpu.memory_space<vmem>> -> memref<128x16xf32, #tpu.memory_space<vmem>>
    %dma_wait3A_521 = arith.constant 0 : i32
    %dma_wait3A_522 = tpu.memref_slice %arg5[%dma_wait3A_515, %dma_wait3A_521] : memref<40x128xi32, #tpu.memory_space<vmem>> -> memref<1x128xi32, #tpu.memory_space<vmem>>
    %dma_wait3A_523 = tpu.memref_squeeze %dma_wait3A_522 : memref<1x128xi32, #tpu.memory_space<vmem>> -> memref<128xi32, #tpu.memory_space<vmem>>
    %dma_wait3A_524 = arith.constant 0 : i32
    %dma_wait3A_525 = arith.constant 0 : i32
    %dma_wait3A_526 = tpu.memref_slice %arg2[%dma_wait3A_524, %dma_wait3A_525] : memref<10000x16xf32, #tpu.memory_space<hbm>> -> memref<10000x16xf32, #tpu.memory_space<hbm>>
    tpu.wait_indirect_dma semaphore(%arg7 : memref<!tpu.dma_semaphore, #tpu.memory_space<semaphore_mem>>) src(%dma_wait3A_526 : memref<10000x16xf32, #tpu.memory_space<hbm>>) dst(%dma_wait3A_520 : memref<128x16xf32, #tpu.memory_space<vmem>>)
    %dma_wait3A_527 = arith.constant 20 : i32
    %dma_wait3A_528 = arith.constant 20 : i32
    %dma_wait3A_529 = arith.constant 0 : i32
    %dma_wait3A_530 = arith.constant 0 : i32
    %dma_wait3A_531 = tpu.memref_slice %arg6[%dma_wait3A_528, %dma_wait3A_529, %dma_wait3A_530] : memref<40x128x16xf32, #tpu.memory_space<vmem>> -> memref<1x128x16xf32, #tpu.memory_space<vmem>>
    %dma_wait3A_532 = tpu.memref_squeeze %dma_wait3A_531 : memref<1x128x16xf32, #tpu.memory_space<vmem>> -> memref<128x16xf32, #tpu.memory_space<vmem>>
    %dma_wait3A_533 = arith.constant 0 : i32
    %dma_wait3A_534 = tpu.memref_slice %arg5[%dma_wait3A_527, %dma_wait3A_533] : memref<40x128xi32, #tpu.memory_space<vmem>> -> memref<1x128xi32, #tpu.memory_space<vmem>>
    %dma_wait3A_535 = tpu.memref_squeeze %dma_wait3A_534 : memref<1x128xi32, #tpu.memory_space<vmem>> -> memref<128xi32, #tpu.memory_space<vmem>>
    %dma_wait3A_536 = arith.constant 0 : i32
    %dma_wait3A_537 = arith.constant 0 : i32
    %dma_wait3A_538 = tpu.memref_slice %arg2[%dma_wait3A_536, %dma_wait3A_537] : memref<10000x16xf32, #tpu.memory_space<hbm>> -> memref<10000x16xf32, #tpu.memory_space<hbm>>
    tpu.wait_indirect_dma semaphore(%arg7 : memref<!tpu.dma_semaphore, #tpu.memory_space<semaphore_mem>>) src(%dma_wait3A_538 : memref<10000x16xf32, #tpu.memory_space<hbm>>) dst(%dma_wait3A_532 : memref<128x16xf32, #tpu.memory_space<vmem>>)
    %dma_wait3A_539 = arith.constant 21 : i32
    %dma_wait3A_540 = arith.constant 21 : i32
    %dma_wait3A_541 = arith.constant 0 : i32
    %dma_wait3A_542 = arith.constant 0 : i32
    %dma_wait3A_543 = tpu.memref_slice %arg6[%dma_wait3A_540, %dma_wait3A_541, %dma_wait3A_542] : memref<40x128x16xf32, #tpu.memory_space<vmem>> -> memref<1x128x16xf32, #tpu.memory_space<vmem>>
    %dma_wait3A_544 = tpu.memref_squeeze %dma_wait3A_543 : memref<1x128x16xf32, #tpu.memory_space<vmem>> -> memref<128x16xf32, #tpu.memory_space<vmem>>
    %dma_wait3A_545 = arith.constant 0 : i32
    %dma_wait3A_546 = tpu.memref_slice %arg5[%dma_wait3A_539, %dma_wait3A_545] : memref<40x128xi32, #tpu.memory_space<vmem>> -> memref<1x128xi32, #tpu.memory_space<vmem>>
    %dma_wait3A_547 = tpu.memref_squeeze %dma_wait3A_546 : memref<1x128xi32, #tpu.memory_space<vmem>> -> memref<128xi32, #tpu.memory_space<vmem>>
    %dma_wait3A_548 = arith.constant 0 : i32
    %dma_wait3A_549 = arith.constant 0 : i32
    %dma_wait3A_550 = tpu.memref_slice %arg2[%dma_wait3A_548, %dma_wait3A_549] : memref<10000x16xf32, #tpu.memory_space<hbm>> -> memref<10000x16xf32, #tpu.memory_space<hbm>>
    tpu.wait_indirect_dma semaphore(%arg7 : memref<!tpu.dma_semaphore, #tpu.memory_space<semaphore_mem>>) src(%dma_wait3A_550 : memref<10000x16xf32, #tpu.memory_space<hbm>>) dst(%dma_wait3A_544 : memref<128x16xf32, #tpu.memory_space<vmem>>)
    %dma_wait3A_551 = arith.constant 22 : i32
    %dma_wait3A_552 = arith.constant 22 : i32
    %dma_wait3A_553 = arith.constant 0 : i32
    %dma_wait3A_554 = arith.constant 0 : i32
    %dma_wait3A_555 = tpu.memref_slice %arg6[%dma_wait3A_552, %dma_wait3A_553, %dma_wait3A_554] : memref<40x128x16xf32, #tpu.memory_space<vmem>> -> memref<1x128x16xf32, #tpu.memory_space<vmem>>
    %dma_wait3A_556 = tpu.memref_squeeze %dma_wait3A_555 : memref<1x128x16xf32, #tpu.memory_space<vmem>> -> memref<128x16xf32, #tpu.memory_space<vmem>>
    %dma_wait3A_557 = arith.constant 0 : i32
    %dma_wait3A_558 = tpu.memref_slice %arg5[%dma_wait3A_551, %dma_wait3A_557] : memref<40x128xi32, #tpu.memory_space<vmem>> -> memref<1x128xi32, #tpu.memory_space<vmem>>
    %dma_wait3A_559 = tpu.memref_squeeze %dma_wait3A_558 : memref<1x128xi32, #tpu.memory_space<vmem>> -> memref<128xi32, #tpu.memory_space<vmem>>
    %dma_wait3A_560 = arith.constant 0 : i32
    %dma_wait3A_561 = arith.constant 0 : i32
    %dma_wait3A_562 = tpu.memref_slice %arg2[%dma_wait3A_560, %dma_wait3A_561] : memref<10000x16xf32, #tpu.memory_space<hbm>> -> memref<10000x16xf32, #tpu.memory_space<hbm>>
    tpu.wait_indirect_dma semaphore(%arg7 : memref<!tpu.dma_semaphore, #tpu.memory_space<semaphore_mem>>) src(%dma_wait3A_562 : memref<10000x16xf32, #tpu.memory_space<hbm>>) dst(%dma_wait3A_556 : memref<128x16xf32, #tpu.memory_space<vmem>>)
    %dma_wait3A_563 = arith.constant 23 : i32
    %dma_wait3A_564 = arith.constant 23 : i32
    %dma_wait3A_565 = arith.constant 0 : i32
    %dma_wait3A_566 = arith.constant 0 : i32
    %dma_wait3A_567 = tpu.memref_slice %arg6[%dma_wait3A_564, %dma_wait3A_565, %dma_wait3A_566] : memref<40x128x16xf32, #tpu.memory_space<vmem>> -> memref<1x128x16xf32, #tpu.memory_space<vmem>>
    %dma_wait3A_568 = tpu.memref_squeeze %dma_wait3A_567 : memref<1x128x16xf32, #tpu.memory_space<vmem>> -> memref<128x16xf32, #tpu.memory_space<vmem>>
    %dma_wait3A_569 = arith.constant 0 : i32
    %dma_wait3A_570 = tpu.memref_slice %arg5[%dma_wait3A_563, %dma_wait3A_569] : memref<40x128xi32, #tpu.memory_space<vmem>> -> memref<1x128xi32, #tpu.memory_space<vmem>>
    %dma_wait3A_571 = tpu.memref_squeeze %dma_wait3A_570 : memref<1x128xi32, #tpu.memory_space<vmem>> -> memref<128xi32, #tpu.memory_space<vmem>>
    %dma_wait3A_572 = arith.constant 0 : i32
    %dma_wait3A_573 = arith.constant 0 : i32
    %dma_wait3A_574 = tpu.memref_slice %arg2[%dma_wait3A_572, %dma_wait3A_573] : memref<10000x16xf32, #tpu.memory_space<hbm>> -> memref<10000x16xf32, #tpu.memory_space<hbm>>
    tpu.wait_indirect_dma semaphore(%arg7 : memref<!tpu.dma_semaphore, #tpu.memory_space<semaphore_mem>>) src(%dma_wait3A_574 : memref<10000x16xf32, #tpu.memory_space<hbm>>) dst(%dma_wait3A_568 : memref<128x16xf32, #tpu.memory_space<vmem>>)
    %dma_start3A_575 = arith.constant 24 : i32
    %dma_start3A_576 = arith.constant 24 : i32
    %dma_start3A_577 = arith.constant 0 : i32
    %dma_start3A_578 = arith.constant 0 : i32
    %dma_start3A_579 = tpu.memref_slice %arg6[%dma_start3A_576, %dma_start3A_577, %dma_start3A_578] : memref<40x128x16xf32, #tpu.memory_space<vmem>> -> memref<1x128x16xf32, #tpu.memory_space<vmem>>
    %dma_start3A_580 = tpu.memref_squeeze %dma_start3A_579 : memref<1x128x16xf32, #tpu.memory_space<vmem>> -> memref<128x16xf32, #tpu.memory_space<vmem>>
    %dma_start3A_581 = arith.constant 0 : i32
    %dma_start3A_582 = tpu.memref_slice %arg5[%dma_start3A_575, %dma_start3A_581] : memref<40x128xi32, #tpu.memory_space<vmem>> -> memref<1x128xi32, #tpu.memory_space<vmem>>
    %dma_start3A_583 = tpu.memref_squeeze %dma_start3A_582 : memref<1x128xi32, #tpu.memory_space<vmem>> -> memref<128xi32, #tpu.memory_space<vmem>>
    %dma_start3A_584 = arith.constant 0 : i32
    %dma_start3A_585 = arith.constant 0 : i32
    %dma_start3A_586 = tpu.memref_slice %arg2[%dma_start3A_584, %dma_start3A_585] : memref<10000x16xf32, #tpu.memory_space<hbm>> -> memref<10000x16xf32, #tpu.memory_space<hbm>>
    tpu.enqueue_indirect_dma source(%dma_start3A_586 : memref<10000x16xf32, #tpu.memory_space<hbm>>) target(%dma_start3A_580 : memref<128x16xf32, #tpu.memory_space<vmem>>) offsets(%dma_start3A_583 : memref<128xi32, #tpu.memory_space<vmem>>) semaphore(%arg7 : memref<!tpu.dma_semaphore, #tpu.memory_space<semaphore_mem>>)
    %dma_start3A_587 = arith.constant 25 : i32
    %dma_start3A_588 = arith.constant 25 : i32
    %dma_start3A_589 = arith.constant 0 : i32
    %dma_start3A_590 = arith.constant 0 : i32
    %dma_start3A_591 = tpu.memref_slice %arg6[%dma_start3A_588, %dma_start3A_589, %dma_start3A_590] : memref<40x128x16xf32, #tpu.memory_space<vmem>> -> memref<1x128x16xf32, #tpu.memory_space<vmem>>
    %dma_start3A_592 = tpu.memref_squeeze %dma_start3A_591 : memref<1x128x16xf32, #tpu.memory_space<vmem>> -> memref<128x16xf32, #tpu.memory_space<vmem>>
    %dma_start3A_593 = arith.constant 0 : i32
    %dma_start3A_594 = tpu.memref_slice %arg5[%dma_start3A_587, %dma_start3A_593] : memref<40x128xi32, #tpu.memory_space<vmem>> -> memref<1x128xi32, #tpu.memory_space<vmem>>
    %dma_start3A_595 = tpu.memref_squeeze %dma_start3A_594 : memref<1x128xi32, #tpu.memory_space<vmem>> -> memref<128xi32, #tpu.memory_space<vmem>>
    %dma_start3A_596 = arith.constant 0 : i32
    %dma_start3A_597 = arith.constant 0 : i32
    %dma_start3A_598 = tpu.memref_slice %arg2[%dma_start3A_596, %dma_start3A_597] : memref<10000x16xf32, #tpu.memory_space<hbm>> -> memref<10000x16xf32, #tpu.memory_space<hbm>>
    tpu.enqueue_indirect_dma source(%dma_start3A_598 : memref<10000x16xf32, #tpu.memory_space<hbm>>) target(%dma_start3A_592 : memref<128x16xf32, #tpu.memory_space<vmem>>) offsets(%dma_start3A_595 : memref<128xi32, #tpu.memory_space<vmem>>) semaphore(%arg7 : memref<!tpu.dma_semaphore, #tpu.memory_space<semaphore_mem>>)
    %dma_start3A_599 = arith.constant 26 : i32
    %dma_start3A_600 = arith.constant 26 : i32
    %dma_start3A_601 = arith.constant 0 : i32
    %dma_start3A_602 = arith.constant 0 : i32
    %dma_start3A_603 = tpu.memref_slice %arg6[%dma_start3A_600, %dma_start3A_601, %dma_start3A_602] : memref<40x128x16xf32, #tpu.memory_space<vmem>> -> memref<1x128x16xf32, #tpu.memory_space<vmem>>
    %dma_start3A_604 = tpu.memref_squeeze %dma_start3A_603 : memref<1x128x16xf32, #tpu.memory_space<vmem>> -> memref<128x16xf32, #tpu.memory_space<vmem>>
    %dma_start3A_605 = arith.constant 0 : i32
    %dma_start3A_606 = tpu.memref_slice %arg5[%dma_start3A_599, %dma_start3A_605] : memref<40x128xi32, #tpu.memory_space<vmem>> -> memref<1x128xi32, #tpu.memory_space<vmem>>
    %dma_start3A_607 = tpu.memref_squeeze %dma_start3A_606 : memref<1x128xi32, #tpu.memory_space<vmem>> -> memref<128xi32, #tpu.memory_space<vmem>>
    %dma_start3A_608 = arith.constant 0 : i32
    %dma_start3A_609 = arith.constant 0 : i32
    %dma_start3A_610 = tpu.memref_slice %arg2[%dma_start3A_608, %dma_start3A_609] : memref<10000x16xf32, #tpu.memory_space<hbm>> -> memref<10000x16xf32, #tpu.memory_space<hbm>>
    tpu.enqueue_indirect_dma source(%dma_start3A_610 : memref<10000x16xf32, #tpu.memory_space<hbm>>) target(%dma_start3A_604 : memref<128x16xf32, #tpu.memory_space<vmem>>) offsets(%dma_start3A_607 : memref<128xi32, #tpu.memory_space<vmem>>) semaphore(%arg7 : memref<!tpu.dma_semaphore, #tpu.memory_space<semaphore_mem>>)
    %dma_start3A_611 = arith.constant 27 : i32
    %dma_start3A_612 = arith.constant 27 : i32
    %dma_start3A_613 = arith.constant 0 : i32
    %dma_start3A_614 = arith.constant 0 : i32
    %dma_start3A_615 = tpu.memref_slice %arg6[%dma_start3A_612, %dma_start3A_613, %dma_start3A_614] : memref<40x128x16xf32, #tpu.memory_space<vmem>> -> memref<1x128x16xf32, #tpu.memory_space<vmem>>
    %dma_start3A_616 = tpu.memref_squeeze %dma_start3A_615 : memref<1x128x16xf32, #tpu.memory_space<vmem>> -> memref<128x16xf32, #tpu.memory_space<vmem>>
    %dma_start3A_617 = arith.constant 0 : i32
    %dma_start3A_618 = tpu.memref_slice %arg5[%dma_start3A_611, %dma_start3A_617] : memref<40x128xi32, #tpu.memory_space<vmem>> -> memref<1x128xi32, #tpu.memory_space<vmem>>
    %dma_start3A_619 = tpu.memref_squeeze %dma_start3A_618 : memref<1x128xi32, #tpu.memory_space<vmem>> -> memref<128xi32, #tpu.memory_space<vmem>>
    %dma_start3A_620 = arith.constant 0 : i32
    %dma_start3A_621 = arith.constant 0 : i32
    %dma_start3A_622 = tpu.memref_slice %arg2[%dma_start3A_620, %dma_start3A_621] : memref<10000x16xf32, #tpu.memory_space<hbm>> -> memref<10000x16xf32, #tpu.memory_space<hbm>>
    tpu.enqueue_indirect_dma source(%dma_start3A_622 : memref<10000x16xf32, #tpu.memory_space<hbm>>) target(%dma_start3A_616 : memref<128x16xf32, #tpu.memory_space<vmem>>) offsets(%dma_start3A_619 : memref<128xi32, #tpu.memory_space<vmem>>) semaphore(%arg7 : memref<!tpu.dma_semaphore, #tpu.memory_space<semaphore_mem>>)
    %dma_start3A_623 = arith.constant 28 : i32
    %dma_start3A_624 = arith.constant 28 : i32
    %dma_start3A_625 = arith.constant 0 : i32
    %dma_start3A_626 = arith.constant 0 : i32
    %dma_start3A_627 = tpu.memref_slice %arg6[%dma_start3A_624, %dma_start3A_625, %dma_start3A_626] : memref<40x128x16xf32, #tpu.memory_space<vmem>> -> memref<1x128x16xf32, #tpu.memory_space<vmem>>
    %dma_start3A_628 = tpu.memref_squeeze %dma_start3A_627 : memref<1x128x16xf32, #tpu.memory_space<vmem>> -> memref<128x16xf32, #tpu.memory_space<vmem>>
    %dma_start3A_629 = arith.constant 0 : i32
    %dma_start3A_630 = tpu.memref_slice %arg5[%dma_start3A_623, %dma_start3A_629] : memref<40x128xi32, #tpu.memory_space<vmem>> -> memref<1x128xi32, #tpu.memory_space<vmem>>
    %dma_start3A_631 = tpu.memref_squeeze %dma_start3A_630 : memref<1x128xi32, #tpu.memory_space<vmem>> -> memref<128xi32, #tpu.memory_space<vmem>>
    %dma_start3A_632 = arith.constant 0 : i32
    %dma_start3A_633 = arith.constant 0 : i32
    %dma_start3A_634 = tpu.memref_slice %arg2[%dma_start3A_632, %dma_start3A_633] : memref<10000x16xf32, #tpu.memory_space<hbm>> -> memref<10000x16xf32, #tpu.memory_space<hbm>>
    tpu.enqueue_indirect_dma source(%dma_start3A_634 : memref<10000x16xf32, #tpu.memory_space<hbm>>) target(%dma_start3A_628 : memref<128x16xf32, #tpu.memory_space<vmem>>) offsets(%dma_start3A_631 : memref<128xi32, #tpu.memory_space<vmem>>) semaphore(%arg7 : memref<!tpu.dma_semaphore, #tpu.memory_space<semaphore_mem>>)
    %dma_start3A_635 = arith.constant 29 : i32
    %dma_start3A_636 = arith.constant 29 : i32
    %dma_start3A_637 = arith.constant 0 : i32
    %dma_start3A_638 = arith.constant 0 : i32
    %dma_start3A_639 = tpu.memref_slice %arg6[%dma_start3A_636, %dma_start3A_637, %dma_start3A_638] : memref<40x128x16xf32, #tpu.memory_space<vmem>> -> memref<1x128x16xf32, #tpu.memory_space<vmem>>
    %dma_start3A_640 = tpu.memref_squeeze %dma_start3A_639 : memref<1x128x16xf32, #tpu.memory_space<vmem>> -> memref<128x16xf32, #tpu.memory_space<vmem>>
    %dma_start3A_641 = arith.constant 0 : i32
    %dma_start3A_642 = tpu.memref_slice %arg5[%dma_start3A_635, %dma_start3A_641] : memref<40x128xi32, #tpu.memory_space<vmem>> -> memref<1x128xi32, #tpu.memory_space<vmem>>
    %dma_start3A_643 = tpu.memref_squeeze %dma_start3A_642 : memref<1x128xi32, #tpu.memory_space<vmem>> -> memref<128xi32, #tpu.memory_space<vmem>>
    %dma_start3A_644 = arith.constant 0 : i32
    %dma_start3A_645 = arith.constant 0 : i32
    %dma_start3A_646 = tpu.memref_slice %arg2[%dma_start3A_644, %dma_start3A_645] : memref<10000x16xf32, #tpu.memory_space<hbm>> -> memref<10000x16xf32, #tpu.memory_space<hbm>>
    tpu.enqueue_indirect_dma source(%dma_start3A_646 : memref<10000x16xf32, #tpu.memory_space<hbm>>) target(%dma_start3A_640 : memref<128x16xf32, #tpu.memory_space<vmem>>) offsets(%dma_start3A_643 : memref<128xi32, #tpu.memory_space<vmem>>) semaphore(%arg7 : memref<!tpu.dma_semaphore, #tpu.memory_space<semaphore_mem>>)
    %dma_start3A_647 = arith.constant 30 : i32
    %dma_start3A_648 = arith.constant 30 : i32
    %dma_start3A_649 = arith.constant 0 : i32
    %dma_start3A_650 = arith.constant 0 : i32
    %dma_start3A_651 = tpu.memref_slice %arg6[%dma_start3A_648, %dma_start3A_649, %dma_start3A_650] : memref<40x128x16xf32, #tpu.memory_space<vmem>> -> memref<1x128x16xf32, #tpu.memory_space<vmem>>
    %dma_start3A_652 = tpu.memref_squeeze %dma_start3A_651 : memref<1x128x16xf32, #tpu.memory_space<vmem>> -> memref<128x16xf32, #tpu.memory_space<vmem>>
    %dma_start3A_653 = arith.constant 0 : i32
    %dma_start3A_654 = tpu.memref_slice %arg5[%dma_start3A_647, %dma_start3A_653] : memref<40x128xi32, #tpu.memory_space<vmem>> -> memref<1x128xi32, #tpu.memory_space<vmem>>
    %dma_start3A_655 = tpu.memref_squeeze %dma_start3A_654 : memref<1x128xi32, #tpu.memory_space<vmem>> -> memref<128xi32, #tpu.memory_space<vmem>>
    %dma_start3A_656 = arith.constant 0 : i32
    %dma_start3A_657 = arith.constant 0 : i32
    %dma_start3A_658 = tpu.memref_slice %arg2[%dma_start3A_656, %dma_start3A_657] : memref<10000x16xf32, #tpu.memory_space<hbm>> -> memref<10000x16xf32, #tpu.memory_space<hbm>>
    tpu.enqueue_indirect_dma source(%dma_start3A_658 : memref<10000x16xf32, #tpu.memory_space<hbm>>) target(%dma_start3A_652 : memref<128x16xf32, #tpu.memory_space<vmem>>) offsets(%dma_start3A_655 : memref<128xi32, #tpu.memory_space<vmem>>) semaphore(%arg7 : memref<!tpu.dma_semaphore, #tpu.memory_space<semaphore_mem>>)
    %dma_start3A_659 = arith.constant 31 : i32
    %dma_start3A_660 = arith.constant 31 : i32
    %dma_start3A_661 = arith.constant 0 : i32
    %dma_start3A_662 = arith.constant 0 : i32
    %dma_start3A_663 = tpu.memref_slice %arg6[%dma_start3A_660, %dma_start3A_661, %dma_start3A_662] : memref<40x128x16xf32, #tpu.memory_space<vmem>> -> memref<1x128x16xf32, #tpu.memory_space<vmem>>
    %dma_start3A_664 = tpu.memref_squeeze %dma_start3A_663 : memref<1x128x16xf32, #tpu.memory_space<vmem>> -> memref<128x16xf32, #tpu.memory_space<vmem>>
    %dma_start3A_665 = arith.constant 0 : i32
    %dma_start3A_666 = tpu.memref_slice %arg5[%dma_start3A_659, %dma_start3A_665] : memref<40x128xi32, #tpu.memory_space<vmem>> -> memref<1x128xi32, #tpu.memory_space<vmem>>
    %dma_start3A_667 = tpu.memref_squeeze %dma_start3A_666 : memref<1x128xi32, #tpu.memory_space<vmem>> -> memref<128xi32, #tpu.memory_space<vmem>>
    %dma_start3A_668 = arith.constant 0 : i32
    %dma_start3A_669 = arith.constant 0 : i32
    %dma_start3A_670 = tpu.memref_slice %arg2[%dma_start3A_668, %dma_start3A_669] : memref<10000x16xf32, #tpu.memory_space<hbm>> -> memref<10000x16xf32, #tpu.memory_space<hbm>>
    tpu.enqueue_indirect_dma source(%dma_start3A_670 : memref<10000x16xf32, #tpu.memory_space<hbm>>) target(%dma_start3A_664 : memref<128x16xf32, #tpu.memory_space<vmem>>) offsets(%dma_start3A_667 : memref<128xi32, #tpu.memory_space<vmem>>) semaphore(%arg7 : memref<!tpu.dma_semaphore, #tpu.memory_space<semaphore_mem>>)
    %dma_wait3A_671 = arith.constant 24 : i32
    %dma_wait3A_672 = arith.constant 24 : i32
    %dma_wait3A_673 = arith.constant 0 : i32
    %dma_wait3A_674 = arith.constant 0 : i32
    %dma_wait3A_675 = tpu.memref_slice %arg6[%dma_wait3A_672, %dma_wait3A_673, %dma_wait3A_674] : memref<40x128x16xf32, #tpu.memory_space<vmem>> -> memref<1x128x16xf32, #tpu.memory_space<vmem>>
    %dma_wait3A_676 = tpu.memref_squeeze %dma_wait3A_675 : memref<1x128x16xf32, #tpu.memory_space<vmem>> -> memref<128x16xf32, #tpu.memory_space<vmem>>
    %dma_wait3A_677 = arith.constant 0 : i32
    %dma_wait3A_678 = tpu.memref_slice %arg5[%dma_wait3A_671, %dma_wait3A_677] : memref<40x128xi32, #tpu.memory_space<vmem>> -> memref<1x128xi32, #tpu.memory_space<vmem>>
    %dma_wait3A_679 = tpu.memref_squeeze %dma_wait3A_678 : memref<1x128xi32, #tpu.memory_space<vmem>> -> memref<128xi32, #tpu.memory_space<vmem>>
    %dma_wait3A_680 = arith.constant 0 : i32
    %dma_wait3A_681 = arith.constant 0 : i32
    %dma_wait3A_682 = tpu.memref_slice %arg2[%dma_wait3A_680, %dma_wait3A_681] : memref<10000x16xf32, #tpu.memory_space<hbm>> -> memref<10000x16xf32, #tpu.memory_space<hbm>>
    tpu.wait_indirect_dma semaphore(%arg7 : memref<!tpu.dma_semaphore, #tpu.memory_space<semaphore_mem>>) src(%dma_wait3A_682 : memref<10000x16xf32, #tpu.memory_space<hbm>>) dst(%dma_wait3A_676 : memref<128x16xf32, #tpu.memory_space<vmem>>)
    %dma_wait3A_683 = arith.constant 25 : i32
    %dma_wait3A_684 = arith.constant 25 : i32
    %dma_wait3A_685 = arith.constant 0 : i32
    %dma_wait3A_686 = arith.constant 0 : i32
    %dma_wait3A_687 = tpu.memref_slice %arg6[%dma_wait3A_684, %dma_wait3A_685, %dma_wait3A_686] : memref<40x128x16xf32, #tpu.memory_space<vmem>> -> memref<1x128x16xf32, #tpu.memory_space<vmem>>
    %dma_wait3A_688 = tpu.memref_squeeze %dma_wait3A_687 : memref<1x128x16xf32, #tpu.memory_space<vmem>> -> memref<128x16xf32, #tpu.memory_space<vmem>>
    %dma_wait3A_689 = arith.constant 0 : i32
    %dma_wait3A_690 = tpu.memref_slice %arg5[%dma_wait3A_683, %dma_wait3A_689] : memref<40x128xi32, #tpu.memory_space<vmem>> -> memref<1x128xi32, #tpu.memory_space<vmem>>
    %dma_wait3A_691 = tpu.memref_squeeze %dma_wait3A_690 : memref<1x128xi32, #tpu.memory_space<vmem>> -> memref<128xi32, #tpu.memory_space<vmem>>
    %dma_wait3A_692 = arith.constant 0 : i32
    %dma_wait3A_693 = arith.constant 0 : i32
    %dma_wait3A_694 = tpu.memref_slice %arg2[%dma_wait3A_692, %dma_wait3A_693] : memref<10000x16xf32, #tpu.memory_space<hbm>> -> memref<10000x16xf32, #tpu.memory_space<hbm>>
    tpu.wait_indirect_dma semaphore(%arg7 : memref<!tpu.dma_semaphore, #tpu.memory_space<semaphore_mem>>) src(%dma_wait3A_694 : memref<10000x16xf32, #tpu.memory_space<hbm>>) dst(%dma_wait3A_688 : memref<128x16xf32, #tpu.memory_space<vmem>>)
    %dma_wait3A_695 = arith.constant 26 : i32
    %dma_wait3A_696 = arith.constant 26 : i32
    %dma_wait3A_697 = arith.constant 0 : i32
    %dma_wait3A_698 = arith.constant 0 : i32
    %dma_wait3A_699 = tpu.memref_slice %arg6[%dma_wait3A_696, %dma_wait3A_697, %dma_wait3A_698] : memref<40x128x16xf32, #tpu.memory_space<vmem>> -> memref<1x128x16xf32, #tpu.memory_space<vmem>>
    %dma_wait3A_700 = tpu.memref_squeeze %dma_wait3A_699 : memref<1x128x16xf32, #tpu.memory_space<vmem>> -> memref<128x16xf32, #tpu.memory_space<vmem>>
    %dma_wait3A_701 = arith.constant 0 : i32
    %dma_wait3A_702 = tpu.memref_slice %arg5[%dma_wait3A_695, %dma_wait3A_701] : memref<40x128xi32, #tpu.memory_space<vmem>> -> memref<1x128xi32, #tpu.memory_space<vmem>>
    %dma_wait3A_703 = tpu.memref_squeeze %dma_wait3A_702 : memref<1x128xi32, #tpu.memory_space<vmem>> -> memref<128xi32, #tpu.memory_space<vmem>>
    %dma_wait3A_704 = arith.constant 0 : i32
    %dma_wait3A_705 = arith.constant 0 : i32
    %dma_wait3A_706 = tpu.memref_slice %arg2[%dma_wait3A_704, %dma_wait3A_705] : memref<10000x16xf32, #tpu.memory_space<hbm>> -> memref<10000x16xf32, #tpu.memory_space<hbm>>
    tpu.wait_indirect_dma semaphore(%arg7 : memref<!tpu.dma_semaphore, #tpu.memory_space<semaphore_mem>>) src(%dma_wait3A_706 : memref<10000x16xf32, #tpu.memory_space<hbm>>) dst(%dma_wait3A_700 : memref<128x16xf32, #tpu.memory_space<vmem>>)
    %dma_wait3A_707 = arith.constant 27 : i32
    %dma_wait3A_708 = arith.constant 27 : i32
    %dma_wait3A_709 = arith.constant 0 : i32
    %dma_wait3A_710 = arith.constant 0 : i32
    %dma_wait3A_711 = tpu.memref_slice %arg6[%dma_wait3A_708, %dma_wait3A_709, %dma_wait3A_710] : memref<40x128x16xf32, #tpu.memory_space<vmem>> -> memref<1x128x16xf32, #tpu.memory_space<vmem>>
    %dma_wait3A_712 = tpu.memref_squeeze %dma_wait3A_711 : memref<1x128x16xf32, #tpu.memory_space<vmem>> -> memref<128x16xf32, #tpu.memory_space<vmem>>
    %dma_wait3A_713 = arith.constant 0 : i32
    %dma_wait3A_714 = tpu.memref_slice %arg5[%dma_wait3A_707, %dma_wait3A_713] : memref<40x128xi32, #tpu.memory_space<vmem>> -> memref<1x128xi32, #tpu.memory_space<vmem>>
    %dma_wait3A_715 = tpu.memref_squeeze %dma_wait3A_714 : memref<1x128xi32, #tpu.memory_space<vmem>> -> memref<128xi32, #tpu.memory_space<vmem>>
    %dma_wait3A_716 = arith.constant 0 : i32
    %dma_wait3A_717 = arith.constant 0 : i32
    %dma_wait3A_718 = tpu.memref_slice %arg2[%dma_wait3A_716, %dma_wait3A_717] : memref<10000x16xf32, #tpu.memory_space<hbm>> -> memref<10000x16xf32, #tpu.memory_space<hbm>>
    tpu.wait_indirect_dma semaphore(%arg7 : memref<!tpu.dma_semaphore, #tpu.memory_space<semaphore_mem>>) src(%dma_wait3A_718 : memref<10000x16xf32, #tpu.memory_space<hbm>>) dst(%dma_wait3A_712 : memref<128x16xf32, #tpu.memory_space<vmem>>)
    %dma_wait3A_719 = arith.constant 28 : i32
    %dma_wait3A_720 = arith.constant 28 : i32
    %dma_wait3A_721 = arith.constant 0 : i32
    %dma_wait3A_722 = arith.constant 0 : i32
    %dma_wait3A_723 = tpu.memref_slice %arg6[%dma_wait3A_720, %dma_wait3A_721, %dma_wait3A_722] : memref<40x128x16xf32, #tpu.memory_space<vmem>> -> memref<1x128x16xf32, #tpu.memory_space<vmem>>
    %dma_wait3A_724 = tpu.memref_squeeze %dma_wait3A_723 : memref<1x128x16xf32, #tpu.memory_space<vmem>> -> memref<128x16xf32, #tpu.memory_space<vmem>>
    %dma_wait3A_725 = arith.constant 0 : i32
    %dma_wait3A_726 = tpu.memref_slice %arg5[%dma_wait3A_719, %dma_wait3A_725] : memref<40x128xi32, #tpu.memory_space<vmem>> -> memref<1x128xi32, #tpu.memory_space<vmem>>
    %dma_wait3A_727 = tpu.memref_squeeze %dma_wait3A_726 : memref<1x128xi32, #tpu.memory_space<vmem>> -> memref<128xi32, #tpu.memory_space<vmem>>
    %dma_wait3A_728 = arith.constant 0 : i32
    %dma_wait3A_729 = arith.constant 0 : i32
    %dma_wait3A_730 = tpu.memref_slice %arg2[%dma_wait3A_728, %dma_wait3A_729] : memref<10000x16xf32, #tpu.memory_space<hbm>> -> memref<10000x16xf32, #tpu.memory_space<hbm>>
    tpu.wait_indirect_dma semaphore(%arg7 : memref<!tpu.dma_semaphore, #tpu.memory_space<semaphore_mem>>) src(%dma_wait3A_730 : memref<10000x16xf32, #tpu.memory_space<hbm>>) dst(%dma_wait3A_724 : memref<128x16xf32, #tpu.memory_space<vmem>>)
    %dma_wait3A_731 = arith.constant 29 : i32
    %dma_wait3A_732 = arith.constant 29 : i32
    %dma_wait3A_733 = arith.constant 0 : i32
    %dma_wait3A_734 = arith.constant 0 : i32
    %dma_wait3A_735 = tpu.memref_slice %arg6[%dma_wait3A_732, %dma_wait3A_733, %dma_wait3A_734] : memref<40x128x16xf32, #tpu.memory_space<vmem>> -> memref<1x128x16xf32, #tpu.memory_space<vmem>>
    %dma_wait3A_736 = tpu.memref_squeeze %dma_wait3A_735 : memref<1x128x16xf32, #tpu.memory_space<vmem>> -> memref<128x16xf32, #tpu.memory_space<vmem>>
    %dma_wait3A_737 = arith.constant 0 : i32
    %dma_wait3A_738 = tpu.memref_slice %arg5[%dma_wait3A_731, %dma_wait3A_737] : memref<40x128xi32, #tpu.memory_space<vmem>> -> memref<1x128xi32, #tpu.memory_space<vmem>>
    %dma_wait3A_739 = tpu.memref_squeeze %dma_wait3A_738 : memref<1x128xi32, #tpu.memory_space<vmem>> -> memref<128xi32, #tpu.memory_space<vmem>>
    %dma_wait3A_740 = arith.constant 0 : i32
    %dma_wait3A_741 = arith.constant 0 : i32
    %dma_wait3A_742 = tpu.memref_slice %arg2[%dma_wait3A_740, %dma_wait3A_741] : memref<10000x16xf32, #tpu.memory_space<hbm>> -> memref<10000x16xf32, #tpu.memory_space<hbm>>
    tpu.wait_indirect_dma semaphore(%arg7 : memref<!tpu.dma_semaphore, #tpu.memory_space<semaphore_mem>>) src(%dma_wait3A_742 : memref<10000x16xf32, #tpu.memory_space<hbm>>) dst(%dma_wait3A_736 : memref<128x16xf32, #tpu.memory_space<vmem>>)
    %dma_wait3A_743 = arith.constant 30 : i32
    %dma_wait3A_744 = arith.constant 30 : i32
    %dma_wait3A_745 = arith.constant 0 : i32
    %dma_wait3A_746 = arith.constant 0 : i32
    %dma_wait3A_747 = tpu.memref_slice %arg6[%dma_wait3A_744, %dma_wait3A_745, %dma_wait3A_746] : memref<40x128x16xf32, #tpu.memory_space<vmem>> -> memref<1x128x16xf32, #tpu.memory_space<vmem>>
    %dma_wait3A_748 = tpu.memref_squeeze %dma_wait3A_747 : memref<1x128x16xf32, #tpu.memory_space<vmem>> -> memref<128x16xf32, #tpu.memory_space<vmem>>
    %dma_wait3A_749 = arith.constant 0 : i32
    %dma_wait3A_750 = tpu.memref_slice %arg5[%dma_wait3A_743, %dma_wait3A_749] : memref<40x128xi32, #tpu.memory_space<vmem>> -> memref<1x128xi32, #tpu.memory_space<vmem>>
    %dma_wait3A_751 = tpu.memref_squeeze %dma_wait3A_750 : memref<1x128xi32, #tpu.memory_space<vmem>> -> memref<128xi32, #tpu.memory_space<vmem>>
    %dma_wait3A_752 = arith.constant 0 : i32
    %dma_wait3A_753 = arith.constant 0 : i32
    %dma_wait3A_754 = tpu.memref_slice %arg2[%dma_wait3A_752, %dma_wait3A_753] : memref<10000x16xf32, #tpu.memory_space<hbm>> -> memref<10000x16xf32, #tpu.memory_space<hbm>>
    tpu.wait_indirect_dma semaphore(%arg7 : memref<!tpu.dma_semaphore, #tpu.memory_space<semaphore_mem>>) src(%dma_wait3A_754 : memref<10000x16xf32, #tpu.memory_space<hbm>>) dst(%dma_wait3A_748 : memref<128x16xf32, #tpu.memory_space<vmem>>)
    %dma_wait3A_755 = arith.constant 31 : i32
    %dma_wait3A_756 = arith.constant 31 : i32
    %dma_wait3A_757 = arith.constant 0 : i32
    %dma_wait3A_758 = arith.constant 0 : i32
    %dma_wait3A_759 = tpu.memref_slice %arg6[%dma_wait3A_756, %dma_wait3A_757, %dma_wait3A_758] : memref<40x128x16xf32, #tpu.memory_space<vmem>> -> memref<1x128x16xf32, #tpu.memory_space<vmem>>
    %dma_wait3A_760 = tpu.memref_squeeze %dma_wait3A_759 : memref<1x128x16xf32, #tpu.memory_space<vmem>> -> memref<128x16xf32, #tpu.memory_space<vmem>>
    %dma_wait3A_761 = arith.constant 0 : i32
    %dma_wait3A_762 = tpu.memref_slice %arg5[%dma_wait3A_755, %dma_wait3A_761] : memref<40x128xi32, #tpu.memory_space<vmem>> -> memref<1x128xi32, #tpu.memory_space<vmem>>
    %dma_wait3A_763 = tpu.memref_squeeze %dma_wait3A_762 : memref<1x128xi32, #tpu.memory_space<vmem>> -> memref<128xi32, #tpu.memory_space<vmem>>
    %dma_wait3A_764 = arith.constant 0 : i32
    %dma_wait3A_765 = arith.constant 0 : i32
    %dma_wait3A_766 = tpu.memref_slice %arg2[%dma_wait3A_764, %dma_wait3A_765] : memref<10000x16xf32, #tpu.memory_space<hbm>> -> memref<10000x16xf32, #tpu.memory_space<hbm>>
    tpu.wait_indirect_dma semaphore(%arg7 : memref<!tpu.dma_semaphore, #tpu.memory_space<semaphore_mem>>) src(%dma_wait3A_766 : memref<10000x16xf32, #tpu.memory_space<hbm>>) dst(%dma_wait3A_760 : memref<128x16xf32, #tpu.memory_space<vmem>>)
    %dma_start3A_767 = arith.constant 32 : i32
    %dma_start3A_768 = arith.constant 32 : i32
    %dma_start3A_769 = arith.constant 0 : i32
    %dma_start3A_770 = arith.constant 0 : i32
    %dma_start3A_771 = tpu.memref_slice %arg6[%dma_start3A_768, %dma_start3A_769, %dma_start3A_770] : memref<40x128x16xf32, #tpu.memory_space<vmem>> -> memref<1x128x16xf32, #tpu.memory_space<vmem>>
    %dma_start3A_772 = tpu.memref_squeeze %dma_start3A_771 : memref<1x128x16xf32, #tpu.memory_space<vmem>> -> memref<128x16xf32, #tpu.memory_space<vmem>>
    %dma_start3A_773 = arith.constant 0 : i32
    %dma_start3A_774 = tpu.memref_slice %arg5[%dma_start3A_767, %dma_start3A_773] : memref<40x128xi32, #tpu.memory_space<vmem>> -> memref<1x128xi32, #tpu.memory_space<vmem>>
    %dma_start3A_775 = tpu.memref_squeeze %dma_start3A_774 : memref<1x128xi32, #tpu.memory_space<vmem>> -> memref<128xi32, #tpu.memory_space<vmem>>
    %dma_start3A_776 = arith.constant 0 : i32
    %dma_start3A_777 = arith.constant 0 : i32
    %dma_start3A_778 = tpu.memref_slice %arg2[%dma_start3A_776, %dma_start3A_777] : memref<10000x16xf32, #tpu.memory_space<hbm>> -> memref<10000x16xf32, #tpu.memory_space<hbm>>
    tpu.enqueue_indirect_dma source(%dma_start3A_778 : memref<10000x16xf32, #tpu.memory_space<hbm>>) target(%dma_start3A_772 : memref<128x16xf32, #tpu.memory_space<vmem>>) offsets(%dma_start3A_775 : memref<128xi32, #tpu.memory_space<vmem>>) semaphore(%arg7 : memref<!tpu.dma_semaphore, #tpu.memory_space<semaphore_mem>>)
    %dma_start3A_779 = arith.constant 33 : i32
    %dma_start3A_780 = arith.constant 33 : i32
    %dma_start3A_781 = arith.constant 0 : i32
    %dma_start3A_782 = arith.constant 0 : i32
    %dma_start3A_783 = tpu.memref_slice %arg6[%dma_start3A_780, %dma_start3A_781, %dma_start3A_782] : memref<40x128x16xf32, #tpu.memory_space<vmem>> -> memref<1x128x16xf32, #tpu.memory_space<vmem>>
    %dma_start3A_784 = tpu.memref_squeeze %dma_start3A_783 : memref<1x128x16xf32, #tpu.memory_space<vmem>> -> memref<128x16xf32, #tpu.memory_space<vmem>>
    %dma_start3A_785 = arith.constant 0 : i32
    %dma_start3A_786 = tpu.memref_slice %arg5[%dma_start3A_779, %dma_start3A_785] : memref<40x128xi32, #tpu.memory_space<vmem>> -> memref<1x128xi32, #tpu.memory_space<vmem>>
    %dma_start3A_787 = tpu.memref_squeeze %dma_start3A_786 : memref<1x128xi32, #tpu.memory_space<vmem>> -> memref<128xi32, #tpu.memory_space<vmem>>
    %dma_start3A_788 = arith.constant 0 : i32
    %dma_start3A_789 = arith.constant 0 : i32
    %dma_start3A_790 = tpu.memref_slice %arg2[%dma_start3A_788, %dma_start3A_789] : memref<10000x16xf32, #tpu.memory_space<hbm>> -> memref<10000x16xf32, #tpu.memory_space<hbm>>
    tpu.enqueue_indirect_dma source(%dma_start3A_790 : memref<10000x16xf32, #tpu.memory_space<hbm>>) target(%dma_start3A_784 : memref<128x16xf32, #tpu.memory_space<vmem>>) offsets(%dma_start3A_787 : memref<128xi32, #tpu.memory_space<vmem>>) semaphore(%arg7 : memref<!tpu.dma_semaphore, #tpu.memory_space<semaphore_mem>>)
    %dma_start3A_791 = arith.constant 34 : i32
    %dma_start3A_792 = arith.constant 34 : i32
    %dma_start3A_793 = arith.constant 0 : i32
    %dma_start3A_794 = arith.constant 0 : i32
    %dma_start3A_795 = tpu.memref_slice %arg6[%dma_start3A_792, %dma_start3A_793, %dma_start3A_794] : memref<40x128x16xf32, #tpu.memory_space<vmem>> -> memref<1x128x16xf32, #tpu.memory_space<vmem>>
    %dma_start3A_796 = tpu.memref_squeeze %dma_start3A_795 : memref<1x128x16xf32, #tpu.memory_space<vmem>> -> memref<128x16xf32, #tpu.memory_space<vmem>>
    %dma_start3A_797 = arith.constant 0 : i32
    %dma_start3A_798 = tpu.memref_slice %arg5[%dma_start3A_791, %dma_start3A_797] : memref<40x128xi32, #tpu.memory_space<vmem>> -> memref<1x128xi32, #tpu.memory_space<vmem>>
    %dma_start3A_799 = tpu.memref_squeeze %dma_start3A_798 : memref<1x128xi32, #tpu.memory_space<vmem>> -> memref<128xi32, #tpu.memory_space<vmem>>
    %dma_start3A_800 = arith.constant 0 : i32
    %dma_start3A_801 = arith.constant 0 : i32
    %dma_start3A_802 = tpu.memref_slice %arg2[%dma_start3A_800, %dma_start3A_801] : memref<10000x16xf32, #tpu.memory_space<hbm>> -> memref<10000x16xf32, #tpu.memory_space<hbm>>
    tpu.enqueue_indirect_dma source(%dma_start3A_802 : memref<10000x16xf32, #tpu.memory_space<hbm>>) target(%dma_start3A_796 : memref<128x16xf32, #tpu.memory_space<vmem>>) offsets(%dma_start3A_799 : memref<128xi32, #tpu.memory_space<vmem>>) semaphore(%arg7 : memref<!tpu.dma_semaphore, #tpu.memory_space<semaphore_mem>>)
    %dma_start3A_803 = arith.constant 35 : i32
    %dma_start3A_804 = arith.constant 35 : i32
    %dma_start3A_805 = arith.constant 0 : i32
    %dma_start3A_806 = arith.constant 0 : i32
    %dma_start3A_807 = tpu.memref_slice %arg6[%dma_start3A_804, %dma_start3A_805, %dma_start3A_806] : memref<40x128x16xf32, #tpu.memory_space<vmem>> -> memref<1x128x16xf32, #tpu.memory_space<vmem>>
    %dma_start3A_808 = tpu.memref_squeeze %dma_start3A_807 : memref<1x128x16xf32, #tpu.memory_space<vmem>> -> memref<128x16xf32, #tpu.memory_space<vmem>>
    %dma_start3A_809 = arith.constant 0 : i32
    %dma_start3A_810 = tpu.memref_slice %arg5[%dma_start3A_803, %dma_start3A_809] : memref<40x128xi32, #tpu.memory_space<vmem>> -> memref<1x128xi32, #tpu.memory_space<vmem>>
    %dma_start3A_811 = tpu.memref_squeeze %dma_start3A_810 : memref<1x128xi32, #tpu.memory_space<vmem>> -> memref<128xi32, #tpu.memory_space<vmem>>
    %dma_start3A_812 = arith.constant 0 : i32
    %dma_start3A_813 = arith.constant 0 : i32
    %dma_start3A_814 = tpu.memref_slice %arg2[%dma_start3A_812, %dma_start3A_813] : memref<10000x16xf32, #tpu.memory_space<hbm>> -> memref<10000x16xf32, #tpu.memory_space<hbm>>
    tpu.enqueue_indirect_dma source(%dma_start3A_814 : memref<10000x16xf32, #tpu.memory_space<hbm>>) target(%dma_start3A_808 : memref<128x16xf32, #tpu.memory_space<vmem>>) offsets(%dma_start3A_811 : memref<128xi32, #tpu.memory_space<vmem>>) semaphore(%arg7 : memref<!tpu.dma_semaphore, #tpu.memory_space<semaphore_mem>>)
    %dma_start3A_815 = arith.constant 36 : i32
    %dma_start3A_816 = arith.constant 36 : i32
    %dma_start3A_817 = arith.constant 0 : i32
    %dma_start3A_818 = arith.constant 0 : i32
    %dma_start3A_819 = tpu.memref_slice %arg6[%dma_start3A_816, %dma_start3A_817, %dma_start3A_818] : memref<40x128x16xf32, #tpu.memory_space<vmem>> -> memref<1x128x16xf32, #tpu.memory_space<vmem>>
    %dma_start3A_820 = tpu.memref_squeeze %dma_start3A_819 : memref<1x128x16xf32, #tpu.memory_space<vmem>> -> memref<128x16xf32, #tpu.memory_space<vmem>>
    %dma_start3A_821 = arith.constant 0 : i32
    %dma_start3A_822 = tpu.memref_slice %arg5[%dma_start3A_815, %dma_start3A_821] : memref<40x128xi32, #tpu.memory_space<vmem>> -> memref<1x128xi32, #tpu.memory_space<vmem>>
    %dma_start3A_823 = tpu.memref_squeeze %dma_start3A_822 : memref<1x128xi32, #tpu.memory_space<vmem>> -> memref<128xi32, #tpu.memory_space<vmem>>
    %dma_start3A_824 = arith.constant 0 : i32
    %dma_start3A_825 = arith.constant 0 : i32
    %dma_start3A_826 = tpu.memref_slice %arg2[%dma_start3A_824, %dma_start3A_825] : memref<10000x16xf32, #tpu.memory_space<hbm>> -> memref<10000x16xf32, #tpu.memory_space<hbm>>
    tpu.enqueue_indirect_dma source(%dma_start3A_826 : memref<10000x16xf32, #tpu.memory_space<hbm>>) target(%dma_start3A_820 : memref<128x16xf32, #tpu.memory_space<vmem>>) offsets(%dma_start3A_823 : memref<128xi32, #tpu.memory_space<vmem>>) semaphore(%arg7 : memref<!tpu.dma_semaphore, #tpu.memory_space<semaphore_mem>>)
    %dma_start3A_827 = arith.constant 37 : i32
    %dma_start3A_828 = arith.constant 37 : i32
    %dma_start3A_829 = arith.constant 0 : i32
    %dma_start3A_830 = arith.constant 0 : i32
    %dma_start3A_831 = tpu.memref_slice %arg6[%dma_start3A_828, %dma_start3A_829, %dma_start3A_830] : memref<40x128x16xf32, #tpu.memory_space<vmem>> -> memref<1x128x16xf32, #tpu.memory_space<vmem>>
    %dma_start3A_832 = tpu.memref_squeeze %dma_start3A_831 : memref<1x128x16xf32, #tpu.memory_space<vmem>> -> memref<128x16xf32, #tpu.memory_space<vmem>>
    %dma_start3A_833 = arith.constant 0 : i32
    %dma_start3A_834 = tpu.memref_slice %arg5[%dma_start3A_827, %dma_start3A_833] : memref<40x128xi32, #tpu.memory_space<vmem>> -> memref<1x128xi32, #tpu.memory_space<vmem>>
    %dma_start3A_835 = tpu.memref_squeeze %dma_start3A_834 : memref<1x128xi32, #tpu.memory_space<vmem>> -> memref<128xi32, #tpu.memory_space<vmem>>
    %dma_start3A_836 = arith.constant 0 : i32
    %dma_start3A_837 = arith.constant 0 : i32
    %dma_start3A_838 = tpu.memref_slice %arg2[%dma_start3A_836, %dma_start3A_837] : memref<10000x16xf32, #tpu.memory_space<hbm>> -> memref<10000x16xf32, #tpu.memory_space<hbm>>
    tpu.enqueue_indirect_dma source(%dma_start3A_838 : memref<10000x16xf32, #tpu.memory_space<hbm>>) target(%dma_start3A_832 : memref<128x16xf32, #tpu.memory_space<vmem>>) offsets(%dma_start3A_835 : memref<128xi32, #tpu.memory_space<vmem>>) semaphore(%arg7 : memref<!tpu.dma_semaphore, #tpu.memory_space<semaphore_mem>>)
    %dma_start3A_839 = arith.constant 38 : i32
    %dma_start3A_840 = arith.constant 38 : i32
    %dma_start3A_841 = arith.constant 0 : i32
    %dma_start3A_842 = arith.constant 0 : i32
    %dma_start3A_843 = tpu.memref_slice %arg6[%dma_start3A_840, %dma_start3A_841, %dma_start3A_842] : memref<40x128x16xf32, #tpu.memory_space<vmem>> -> memref<1x128x16xf32, #tpu.memory_space<vmem>>
    %dma_start3A_844 = tpu.memref_squeeze %dma_start3A_843 : memref<1x128x16xf32, #tpu.memory_space<vmem>> -> memref<128x16xf32, #tpu.memory_space<vmem>>
    %dma_start3A_845 = arith.constant 0 : i32
    %dma_start3A_846 = tpu.memref_slice %arg5[%dma_start3A_839, %dma_start3A_845] : memref<40x128xi32, #tpu.memory_space<vmem>> -> memref<1x128xi32, #tpu.memory_space<vmem>>
    %dma_start3A_847 = tpu.memref_squeeze %dma_start3A_846 : memref<1x128xi32, #tpu.memory_space<vmem>> -> memref<128xi32, #tpu.memory_space<vmem>>
    %dma_start3A_848 = arith.constant 0 : i32
    %dma_start3A_849 = arith.constant 0 : i32
    %dma_start3A_850 = tpu.memref_slice %arg2[%dma_start3A_848, %dma_start3A_849] : memref<10000x16xf32, #tpu.memory_space<hbm>> -> memref<10000x16xf32, #tpu.memory_space<hbm>>
    tpu.enqueue_indirect_dma source(%dma_start3A_850 : memref<10000x16xf32, #tpu.memory_space<hbm>>) target(%dma_start3A_844 : memref<128x16xf32, #tpu.memory_space<vmem>>) offsets(%dma_start3A_847 : memref<128xi32, #tpu.memory_space<vmem>>) semaphore(%arg7 : memref<!tpu.dma_semaphore, #tpu.memory_space<semaphore_mem>>)
    %dma_start3A_851 = arith.constant 39 : i32
    %dma_start3A_852 = arith.constant 39 : i32
    %dma_start3A_853 = arith.constant 0 : i32
    %dma_start3A_854 = arith.constant 0 : i32
    %dma_start3A_855 = tpu.memref_slice %arg6[%dma_start3A_852, %dma_start3A_853, %dma_start3A_854] : memref<40x128x16xf32, #tpu.memory_space<vmem>> -> memref<1x128x16xf32, #tpu.memory_space<vmem>>
    %dma_start3A_856 = tpu.memref_squeeze %dma_start3A_855 : memref<1x128x16xf32, #tpu.memory_space<vmem>> -> memref<128x16xf32, #tpu.memory_space<vmem>>
    %dma_start3A_857 = arith.constant 0 : i32
    %dma_start3A_858 = tpu.memref_slice %arg5[%dma_start3A_851, %dma_start3A_857] : memref<40x128xi32, #tpu.memory_space<vmem>> -> memref<1x128xi32, #tpu.memory_space<vmem>>
    %dma_start3A_859 = tpu.memref_squeeze %dma_start3A_858 : memref<1x128xi32, #tpu.memory_space<vmem>> -> memref<128xi32, #tpu.memory_space<vmem>>
    %dma_start3A_860 = arith.constant 0 : i32
    %dma_start3A_861 = arith.constant 0 : i32
    %dma_start3A_862 = tpu.memref_slice %arg2[%dma_start3A_860, %dma_start3A_861] : memref<10000x16xf32, #tpu.memory_space<hbm>> -> memref<10000x16xf32, #tpu.memory_space<hbm>>
    tpu.enqueue_indirect_dma source(%dma_start3A_862 : memref<10000x16xf32, #tpu.memory_space<hbm>>) target(%dma_start3A_856 : memref<128x16xf32, #tpu.memory_space<vmem>>) offsets(%dma_start3A_859 : memref<128xi32, #tpu.memory_space<vmem>>) semaphore(%arg7 : memref<!tpu.dma_semaphore, #tpu.memory_space<semaphore_mem>>)
    %dma_wait3A_863 = arith.constant 32 : i32
    %dma_wait3A_864 = arith.constant 32 : i32
    %dma_wait3A_865 = arith.constant 0 : i32
    %dma_wait3A_866 = arith.constant 0 : i32
    %dma_wait3A_867 = tpu.memref_slice %arg6[%dma_wait3A_864, %dma_wait3A_865, %dma_wait3A_866] : memref<40x128x16xf32, #tpu.memory_space<vmem>> -> memref<1x128x16xf32, #tpu.memory_space<vmem>>
    %dma_wait3A_868 = tpu.memref_squeeze %dma_wait3A_867 : memref<1x128x16xf32, #tpu.memory_space<vmem>> -> memref<128x16xf32, #tpu.memory_space<vmem>>
    %dma_wait3A_869 = arith.constant 0 : i32
    %dma_wait3A_870 = tpu.memref_slice %arg5[%dma_wait3A_863, %dma_wait3A_869] : memref<40x128xi32, #tpu.memory_space<vmem>> -> memref<1x128xi32, #tpu.memory_space<vmem>>
    %dma_wait3A_871 = tpu.memref_squeeze %dma_wait3A_870 : memref<1x128xi32, #tpu.memory_space<vmem>> -> memref<128xi32, #tpu.memory_space<vmem>>
    %dma_wait3A_872 = arith.constant 0 : i32
    %dma_wait3A_873 = arith.constant 0 : i32
    %dma_wait3A_874 = tpu.memref_slice %arg2[%dma_wait3A_872, %dma_wait3A_873] : memref<10000x16xf32, #tpu.memory_space<hbm>> -> memref<10000x16xf32, #tpu.memory_space<hbm>>
    tpu.wait_indirect_dma semaphore(%arg7 : memref<!tpu.dma_semaphore, #tpu.memory_space<semaphore_mem>>) src(%dma_wait3A_874 : memref<10000x16xf32, #tpu.memory_space<hbm>>) dst(%dma_wait3A_868 : memref<128x16xf32, #tpu.memory_space<vmem>>)
    %dma_wait3A_875 = arith.constant 33 : i32
    %dma_wait3A_876 = arith.constant 33 : i32
    %dma_wait3A_877 = arith.constant 0 : i32
    %dma_wait3A_878 = arith.constant 0 : i32
    %dma_wait3A_879 = tpu.memref_slice %arg6[%dma_wait3A_876, %dma_wait3A_877, %dma_wait3A_878] : memref<40x128x16xf32, #tpu.memory_space<vmem>> -> memref<1x128x16xf32, #tpu.memory_space<vmem>>
    %dma_wait3A_880 = tpu.memref_squeeze %dma_wait3A_879 : memref<1x128x16xf32, #tpu.memory_space<vmem>> -> memref<128x16xf32, #tpu.memory_space<vmem>>
    %dma_wait3A_881 = arith.constant 0 : i32
    %dma_wait3A_882 = tpu.memref_slice %arg5[%dma_wait3A_875, %dma_wait3A_881] : memref<40x128xi32, #tpu.memory_space<vmem>> -> memref<1x128xi32, #tpu.memory_space<vmem>>
    %dma_wait3A_883 = tpu.memref_squeeze %dma_wait3A_882 : memref<1x128xi32, #tpu.memory_space<vmem>> -> memref<128xi32, #tpu.memory_space<vmem>>
    %dma_wait3A_884 = arith.constant 0 : i32
    %dma_wait3A_885 = arith.constant 0 : i32
    %dma_wait3A_886 = tpu.memref_slice %arg2[%dma_wait3A_884, %dma_wait3A_885] : memref<10000x16xf32, #tpu.memory_space<hbm>> -> memref<10000x16xf32, #tpu.memory_space<hbm>>
    tpu.wait_indirect_dma semaphore(%arg7 : memref<!tpu.dma_semaphore, #tpu.memory_space<semaphore_mem>>) src(%dma_wait3A_886 : memref<10000x16xf32, #tpu.memory_space<hbm>>) dst(%dma_wait3A_880 : memref<128x16xf32, #tpu.memory_space<vmem>>)
    %dma_wait3A_887 = arith.constant 34 : i32
    %dma_wait3A_888 = arith.constant 34 : i32
    %dma_wait3A_889 = arith.constant 0 : i32
    %dma_wait3A_890 = arith.constant 0 : i32
    %dma_wait3A_891 = tpu.memref_slice %arg6[%dma_wait3A_888, %dma_wait3A_889, %dma_wait3A_890] : memref<40x128x16xf32, #tpu.memory_space<vmem>> -> memref<1x128x16xf32, #tpu.memory_space<vmem>>
    %dma_wait3A_892 = tpu.memref_squeeze %dma_wait3A_891 : memref<1x128x16xf32, #tpu.memory_space<vmem>> -> memref<128x16xf32, #tpu.memory_space<vmem>>
    %dma_wait3A_893 = arith.constant 0 : i32
    %dma_wait3A_894 = tpu.memref_slice %arg5[%dma_wait3A_887, %dma_wait3A_893] : memref<40x128xi32, #tpu.memory_space<vmem>> -> memref<1x128xi32, #tpu.memory_space<vmem>>
    %dma_wait3A_895 = tpu.memref_squeeze %dma_wait3A_894 : memref<1x128xi32, #tpu.memory_space<vmem>> -> memref<128xi32, #tpu.memory_space<vmem>>
    %dma_wait3A_896 = arith.constant 0 : i32
    %dma_wait3A_897 = arith.constant 0 : i32
    %dma_wait3A_898 = tpu.memref_slice %arg2[%dma_wait3A_896, %dma_wait3A_897] : memref<10000x16xf32, #tpu.memory_space<hbm>> -> memref<10000x16xf32, #tpu.memory_space<hbm>>
    tpu.wait_indirect_dma semaphore(%arg7 : memref<!tpu.dma_semaphore, #tpu.memory_space<semaphore_mem>>) src(%dma_wait3A_898 : memref<10000x16xf32, #tpu.memory_space<hbm>>) dst(%dma_wait3A_892 : memref<128x16xf32, #tpu.memory_space<vmem>>)
    %dma_wait3A_899 = arith.constant 35 : i32
    %dma_wait3A_900 = arith.constant 35 : i32
    %dma_wait3A_901 = arith.constant 0 : i32
    %dma_wait3A_902 = arith.constant 0 : i32
    %dma_wait3A_903 = tpu.memref_slice %arg6[%dma_wait3A_900, %dma_wait3A_901, %dma_wait3A_902] : memref<40x128x16xf32, #tpu.memory_space<vmem>> -> memref<1x128x16xf32, #tpu.memory_space<vmem>>
    %dma_wait3A_904 = tpu.memref_squeeze %dma_wait3A_903 : memref<1x128x16xf32, #tpu.memory_space<vmem>> -> memref<128x16xf32, #tpu.memory_space<vmem>>
    %dma_wait3A_905 = arith.constant 0 : i32
    %dma_wait3A_906 = tpu.memref_slice %arg5[%dma_wait3A_899, %dma_wait3A_905] : memref<40x128xi32, #tpu.memory_space<vmem>> -> memref<1x128xi32, #tpu.memory_space<vmem>>
    %dma_wait3A_907 = tpu.memref_squeeze %dma_wait3A_906 : memref<1x128xi32, #tpu.memory_space<vmem>> -> memref<128xi32, #tpu.memory_space<vmem>>
    %dma_wait3A_908 = arith.constant 0 : i32
    %dma_wait3A_909 = arith.constant 0 : i32
    %dma_wait3A_910 = tpu.memref_slice %arg2[%dma_wait3A_908, %dma_wait3A_909] : memref<10000x16xf32, #tpu.memory_space<hbm>> -> memref<10000x16xf32, #tpu.memory_space<hbm>>
    tpu.wait_indirect_dma semaphore(%arg7 : memref<!tpu.dma_semaphore, #tpu.memory_space<semaphore_mem>>) src(%dma_wait3A_910 : memref<10000x16xf32, #tpu.memory_space<hbm>>) dst(%dma_wait3A_904 : memref<128x16xf32, #tpu.memory_space<vmem>>)
    %dma_wait3A_911 = arith.constant 36 : i32
    %dma_wait3A_912 = arith.constant 36 : i32
    %dma_wait3A_913 = arith.constant 0 : i32
    %dma_wait3A_914 = arith.constant 0 : i32
    %dma_wait3A_915 = tpu.memref_slice %arg6[%dma_wait3A_912, %dma_wait3A_913, %dma_wait3A_914] : memref<40x128x16xf32, #tpu.memory_space<vmem>> -> memref<1x128x16xf32, #tpu.memory_space<vmem>>
    %dma_wait3A_916 = tpu.memref_squeeze %dma_wait3A_915 : memref<1x128x16xf32, #tpu.memory_space<vmem>> -> memref<128x16xf32, #tpu.memory_space<vmem>>
    %dma_wait3A_917 = arith.constant 0 : i32
    %dma_wait3A_918 = tpu.memref_slice %arg5[%dma_wait3A_911, %dma_wait3A_917] : memref<40x128xi32, #tpu.memory_space<vmem>> -> memref<1x128xi32, #tpu.memory_space<vmem>>
    %dma_wait3A_919 = tpu.memref_squeeze %dma_wait3A_918 : memref<1x128xi32, #tpu.memory_space<vmem>> -> memref<128xi32, #tpu.memory_space<vmem>>
    %dma_wait3A_920 = arith.constant 0 : i32
    %dma_wait3A_921 = arith.constant 0 : i32
    %dma_wait3A_922 = tpu.memref_slice %arg2[%dma_wait3A_920, %dma_wait3A_921] : memref<10000x16xf32, #tpu.memory_space<hbm>> -> memref<10000x16xf32, #tpu.memory_space<hbm>>
    tpu.wait_indirect_dma semaphore(%arg7 : memref<!tpu.dma_semaphore, #tpu.memory_space<semaphore_mem>>) src(%dma_wait3A_922 : memref<10000x16xf32, #tpu.memory_space<hbm>>) dst(%dma_wait3A_916 : memref<128x16xf32, #tpu.memory_space<vmem>>)
    %dma_wait3A_923 = arith.constant 37 : i32
    %dma_wait3A_924 = arith.constant 37 : i32
    %dma_wait3A_925 = arith.constant 0 : i32
    %dma_wait3A_926 = arith.constant 0 : i32
    %dma_wait3A_927 = tpu.memref_slice %arg6[%dma_wait3A_924, %dma_wait3A_925, %dma_wait3A_926] : memref<40x128x16xf32, #tpu.memory_space<vmem>> -> memref<1x128x16xf32, #tpu.memory_space<vmem>>
    %dma_wait3A_928 = tpu.memref_squeeze %dma_wait3A_927 : memref<1x128x16xf32, #tpu.memory_space<vmem>> -> memref<128x16xf32, #tpu.memory_space<vmem>>
    %dma_wait3A_929 = arith.constant 0 : i32
    %dma_wait3A_930 = tpu.memref_slice %arg5[%dma_wait3A_923, %dma_wait3A_929] : memref<40x128xi32, #tpu.memory_space<vmem>> -> memref<1x128xi32, #tpu.memory_space<vmem>>
    %dma_wait3A_931 = tpu.memref_squeeze %dma_wait3A_930 : memref<1x128xi32, #tpu.memory_space<vmem>> -> memref<128xi32, #tpu.memory_space<vmem>>
    %dma_wait3A_932 = arith.constant 0 : i32
    %dma_wait3A_933 = arith.constant 0 : i32
    %dma_wait3A_934 = tpu.memref_slice %arg2[%dma_wait3A_932, %dma_wait3A_933] : memref<10000x16xf32, #tpu.memory_space<hbm>> -> memref<10000x16xf32, #tpu.memory_space<hbm>>
    tpu.wait_indirect_dma semaphore(%arg7 : memref<!tpu.dma_semaphore, #tpu.memory_space<semaphore_mem>>) src(%dma_wait3A_934 : memref<10000x16xf32, #tpu.memory_space<hbm>>) dst(%dma_wait3A_928 : memref<128x16xf32, #tpu.memory_space<vmem>>)
    %dma_wait3A_935 = arith.constant 38 : i32
    %dma_wait3A_936 = arith.constant 38 : i32
    %dma_wait3A_937 = arith.constant 0 : i32
    %dma_wait3A_938 = arith.constant 0 : i32
    %dma_wait3A_939 = tpu.memref_slice %arg6[%dma_wait3A_936, %dma_wait3A_937, %dma_wait3A_938] : memref<40x128x16xf32, #tpu.memory_space<vmem>> -> memref<1x128x16xf32, #tpu.memory_space<vmem>>
    %dma_wait3A_940 = tpu.memref_squeeze %dma_wait3A_939 : memref<1x128x16xf32, #tpu.memory_space<vmem>> -> memref<128x16xf32, #tpu.memory_space<vmem>>
    %dma_wait3A_941 = arith.constant 0 : i32
    %dma_wait3A_942 = tpu.memref_slice %arg5[%dma_wait3A_935, %dma_wait3A_941] : memref<40x128xi32, #tpu.memory_space<vmem>> -> memref<1x128xi32, #tpu.memory_space<vmem>>
    %dma_wait3A_943 = tpu.memref_squeeze %dma_wait3A_942 : memref<1x128xi32, #tpu.memory_space<vmem>> -> memref<128xi32, #tpu.memory_space<vmem>>
    %dma_wait3A_944 = arith.constant 0 : i32
    %dma_wait3A_945 = arith.constant 0 : i32
    %dma_wait3A_946 = tpu.memref_slice %arg2[%dma_wait3A_944, %dma_wait3A_945] : memref<10000x16xf32, #tpu.memory_space<hbm>> -> memref<10000x16xf32, #tpu.memory_space<hbm>>
    tpu.wait_indirect_dma semaphore(%arg7 : memref<!tpu.dma_semaphore, #tpu.memory_space<semaphore_mem>>) src(%dma_wait3A_946 : memref<10000x16xf32, #tpu.memory_space<hbm>>) dst(%dma_wait3A_940 : memref<128x16xf32, #tpu.memory_space<vmem>>)
    %dma_wait3A_947 = arith.constant 39 : i32
    %dma_wait3A_948 = arith.constant 39 : i32
    %dma_wait3A_949 = arith.constant 0 : i32
    %dma_wait3A_950 = arith.constant 0 : i32
    %dma_wait3A_951 = tpu.memref_slice %arg6[%dma_wait3A_948, %dma_wait3A_949, %dma_wait3A_950] : memref<40x128x16xf32, #tpu.memory_space<vmem>> -> memref<1x128x16xf32, #tpu.memory_space<vmem>>
    %dma_wait3A_952 = tpu.memref_squeeze %dma_wait3A_951 : memref<1x128x16xf32, #tpu.memory_space<vmem>> -> memref<128x16xf32, #tpu.memory_space<vmem>>
    %dma_wait3A_953 = arith.constant 0 : i32
    %dma_wait3A_954 = tpu.memref_slice %arg5[%dma_wait3A_947, %dma_wait3A_953] : memref<40x128xi32, #tpu.memory_space<vmem>> -> memref<1x128xi32, #tpu.memory_space<vmem>>
    %dma_wait3A_955 = tpu.memref_squeeze %dma_wait3A_954 : memref<1x128xi32, #tpu.memory_space<vmem>> -> memref<128xi32, #tpu.memory_space<vmem>>
    %dma_wait3A_956 = arith.constant 0 : i32
    %dma_wait3A_957 = arith.constant 0 : i32
    %dma_wait3A_958 = tpu.memref_slice %arg2[%dma_wait3A_956, %dma_wait3A_957] : memref<10000x16xf32, #tpu.memory_space<hbm>> -> memref<10000x16xf32, #tpu.memory_space<hbm>>
    tpu.wait_indirect_dma semaphore(%arg7 : memref<!tpu.dma_semaphore, #tpu.memory_space<semaphore_mem>>) src(%dma_wait3A_958 : memref<10000x16xf32, #tpu.memory_space<hbm>>) dst(%dma_wait3A_952 : memref<128x16xf32, #tpu.memory_space<vmem>>)
    "tpu.region"() ({
      %run_scoped3A = tpu.sem_alloc : memref<!tpu.dma_semaphore, #tpu.memory_space<semaphore_mem>>
      %dma_start3A_959 = arith.constant 0 : i32
      %dma_start3A_960 = arith.constant 0 : i32
      %dma_start3A_961 = arith.constant 0 : i32
      %dma_start3A_962 = tpu.memref_slice %arg4[%add3A, %dma_start3A_959, %dma_start3A_960, %dma_start3A_961] : memref<32x40x128x16xf32, #tpu.memory_space<hbm>> -> memref<1x40x128x16xf32, #tpu.memory_space<hbm>>
      %dma_start3A_963 = tpu.memref_squeeze %dma_start3A_962 : memref<1x40x128x16xf32, #tpu.memory_space<hbm>> -> memref<40x128x16xf32, #tpu.memory_space<hbm>>
      %dma_start3A_964 = arith.constant 0 : i32
      %dma_start3A_965 = arith.constant 0 : i32
      %dma_start3A_966 = arith.constant 0 : i32
      %dma_start3A_967 = tpu.memref_slice %arg4[%add3A, %dma_start3A_964, %dma_start3A_965, %dma_start3A_966] : memref<32x40x128x16xf32, #tpu.memory_space<hbm>> -> memref<1x40x128x16xf32, #tpu.memory_space<hbm>>
      %dma_start3A_968 = tpu.memref_squeeze %dma_start3A_967 : memref<1x40x128x16xf32, #tpu.memory_space<hbm>> -> memref<40x128x16xf32, #tpu.memory_space<hbm>>
      tpu.enqueue_dma source(%arg6 : memref<40x128x16xf32, #tpu.memory_space<vmem>>) target(%dma_start3A_968 : memref<40x128x16xf32, #tpu.memory_space<hbm>>) target_semaphore(%run_scoped3A : memref<!tpu.dma_semaphore, #tpu.memory_space<semaphore_mem>>)
      %dma_wait3A_969 = arith.constant 0 : i32
      %dma_wait3A_970 = arith.constant 0 : i32
      %dma_wait3A_971 = arith.constant 0 : i32
      %dma_wait3A_972 = tpu.memref_slice %arg4[%add3A, %dma_wait3A_969, %dma_wait3A_970, %dma_wait3A_971] : memref<32x40x128x16xf32, #tpu.memory_space<hbm>> -> memref<1x40x128x16xf32, #tpu.memory_space<hbm>>
      %dma_wait3A_973 = tpu.memref_squeeze %dma_wait3A_972 : memref<1x40x128x16xf32, #tpu.memory_space<hbm>> -> memref<40x128x16xf32, #tpu.memory_space<hbm>>
      %dma_wait3A_974 = arith.constant 0 : i32
      %dma_wait3A_975 = arith.constant 0 : i32
      %dma_wait3A_976 = arith.constant 0 : i32
      %dma_wait3A_977 = tpu.memref_slice %arg4[%add3A, %dma_wait3A_974, %dma_wait3A_975, %dma_wait3A_976] : memref<32x40x128x16xf32, #tpu.memory_space<hbm>> -> memref<1x40x128x16xf32, #tpu.memory_space<hbm>>
      %dma_wait3A_978 = tpu.memref_squeeze %dma_wait3A_977 : memref<1x40x128x16xf32, #tpu.memory_space<hbm>> -> memref<40x128x16xf32, #tpu.memory_space<hbm>>
      tpu.wait_dma2 semaphore(%run_scoped3A : memref<!tpu.dma_semaphore, #tpu.memory_space<semaphore_mem>>) src(%arg6 : memref<40x128x16xf32, #tpu.memory_space<vmem>>) dst(%dma_wait3A_978 : memref<40x128x16xf32, #tpu.memory_space<hbm>>)
      tpu.yield
    }) : () -> ()
    return
  }
}

#map = affine_map<(d0, d1) -> (0, 0, 0, 0)>
#map1 = affine_map<(d0, d1) -> (0, 0, 0)>
#map2 = affine_map<(d0, d1) -> (0, 0)>
module attributes {stable_mosaic.version = 14 : i64} {
  func.func @_sc_scatter_body(%arg0: i32, %arg1: i32, %arg2: memref<32x40x128x16xf32, #tpu.memory_space<hbm>>, %arg3: memref<32x40x128xi32, #tpu.memory_space<hbm>>, %arg4: memref<10000x16xf32, #tpu.memory_space<hbm>>, %arg5: memref<2x10000x16xf32, #tpu.memory_space<hbm>>, %arg6: memref<40x128xi32, #tpu.memory_space<vmem>>, %arg7: memref<40x128x16xf32, #tpu.memory_space<vmem>>, %arg8: memref<10000x16xf32, #tpu.memory_space<vmem_shared>>, %arg9: memref<!tpu.dma_semaphore, #tpu.memory_space<semaphore_mem>>) attributes {dimension_semantics = [#tpu.dimension_semantics<core_parallel>, #tpu.dimension_semantics<subcore_parallel>], iteration_bounds = array<i64: 2, 16>, scalar_prefetch = 0 : i64, scratch_operands = 4 : i64, tpu.core_type = #tpu.core_type<sc_vector_subcore>, window_params = [{transform_indices = #map}, {transform_indices = #map1}, {transform_indices = #map2}, {transform_indices = #map1}]} {
    %mul3A = arith.constant 2 : i32
    %mul3A_0 = arith.muli %arg1, %mul3A : i32
    %add3A = arith.addi %mul3A_0, %arg0 : i32
    %mul3A_1 = arith.constant 625 : i32
    %mul3A_2 = arith.muli %arg1, %mul3A_1 : i32
    %mul3A_3 = arith.constant 625 : i32
    %mul3A_4 = arith.muli %arg1, %mul3A_3 : i32
    "tpu.region"() ({
      %run_scoped3A = tpu.sem_alloc : memref<!tpu.dma_semaphore, #tpu.memory_space<semaphore_mem>>
      %dma_start3A_968 = arith.constant 0 : i32
      %dma_start3A_969 = tpu.memref_slice %arg8[%mul3A_4, %dma_start3A_968] : memref<10000x16xf32, #tpu.memory_space<vmem_shared>> -> memref<625x16xf32, #tpu.memory_space<vmem_shared>>
      %dma_start3A_970 = arith.constant 0 : i32
      %dma_start3A_971 = tpu.memref_slice %arg4[%mul3A_2, %dma_start3A_970] : memref<10000x16xf32, #tpu.memory_space<hbm>> -> memref<625x16xf32, #tpu.memory_space<hbm>>
      tpu.enqueue_dma source(%dma_start3A_971 : memref<625x16xf32, #tpu.memory_space<hbm>>) target(%dma_start3A_969 : memref<625x16xf32, #tpu.memory_space<vmem_shared>>) target_semaphore(%run_scoped3A : memref<!tpu.dma_semaphore, #tpu.memory_space<semaphore_mem>>)
      %dma_wait3A_972 = arith.constant 0 : i32
      %dma_wait3A_973 = tpu.memref_slice %arg8[%mul3A_4, %dma_wait3A_972] : memref<10000x16xf32, #tpu.memory_space<vmem_shared>> -> memref<625x16xf32, #tpu.memory_space<vmem_shared>>
      %dma_wait3A_974 = arith.constant 0 : i32
      %dma_wait3A_975 = tpu.memref_slice %arg4[%mul3A_2, %dma_wait3A_974] : memref<10000x16xf32, #tpu.memory_space<hbm>> -> memref<625x16xf32, #tpu.memory_space<hbm>>
      tpu.wait_dma2 semaphore(%run_scoped3A : memref<!tpu.dma_semaphore, #tpu.memory_space<semaphore_mem>>) src(%dma_wait3A_975 : memref<625x16xf32, #tpu.memory_space<hbm>>) dst(%dma_wait3A_973 : memref<625x16xf32, #tpu.memory_space<vmem_shared>>)
      tpu.yield
    }) : () -> ()
    "tpu.region"() ({
      %run_scoped3A = tpu.sem_alloc : memref<!tpu.dma_semaphore, #tpu.memory_space<semaphore_mem>>
      %dma_start3A_968 = arith.constant 0 : i32
      %dma_start3A_969 = arith.constant 0 : i32
      %dma_start3A_970 = tpu.memref_slice %arg3[%add3A, %dma_start3A_968, %dma_start3A_969] : memref<32x40x128xi32, #tpu.memory_space<hbm>> -> memref<1x40x128xi32, #tpu.memory_space<hbm>>
      %dma_start3A_971 = tpu.memref_squeeze %dma_start3A_970 : memref<1x40x128xi32, #tpu.memory_space<hbm>> -> memref<40x128xi32, #tpu.memory_space<hbm>>
      %dma_start3A_972 = arith.constant 0 : i32
      %dma_start3A_973 = arith.constant 0 : i32
      %dma_start3A_974 = tpu.memref_slice %arg3[%add3A, %dma_start3A_972, %dma_start3A_973] : memref<32x40x128xi32, #tpu.memory_space<hbm>> -> memref<1x40x128xi32, #tpu.memory_space<hbm>>
      %dma_start3A_975 = tpu.memref_squeeze %dma_start3A_974 : memref<1x40x128xi32, #tpu.memory_space<hbm>> -> memref<40x128xi32, #tpu.memory_space<hbm>>
      tpu.enqueue_dma source(%dma_start3A_975 : memref<40x128xi32, #tpu.memory_space<hbm>>) target(%arg6 : memref<40x128xi32, #tpu.memory_space<vmem>>) target_semaphore(%run_scoped3A : memref<!tpu.dma_semaphore, #tpu.memory_space<semaphore_mem>>)
      %dma_wait3A_976 = arith.constant 0 : i32
      %dma_wait3A_977 = arith.constant 0 : i32
      %dma_wait3A_978 = tpu.memref_slice %arg3[%add3A, %dma_wait3A_976, %dma_wait3A_977] : memref<32x40x128xi32, #tpu.memory_space<hbm>> -> memref<1x40x128xi32, #tpu.memory_space<hbm>>
      %dma_wait3A_979 = tpu.memref_squeeze %dma_wait3A_978 : memref<1x40x128xi32, #tpu.memory_space<hbm>> -> memref<40x128xi32, #tpu.memory_space<hbm>>
      %dma_wait3A_980 = arith.constant 0 : i32
      %dma_wait3A_981 = arith.constant 0 : i32
      %dma_wait3A_982 = tpu.memref_slice %arg3[%add3A, %dma_wait3A_980, %dma_wait3A_981] : memref<32x40x128xi32, #tpu.memory_space<hbm>> -> memref<1x40x128xi32, #tpu.memory_space<hbm>>
      %dma_wait3A_983 = tpu.memref_squeeze %dma_wait3A_982 : memref<1x40x128xi32, #tpu.memory_space<hbm>> -> memref<40x128xi32, #tpu.memory_space<hbm>>
      tpu.wait_dma2 semaphore(%run_scoped3A : memref<!tpu.dma_semaphore, #tpu.memory_space<semaphore_mem>>) src(%dma_wait3A_983 : memref<40x128xi32, #tpu.memory_space<hbm>>) dst(%arg6 : memref<40x128xi32, #tpu.memory_space<vmem>>)
      tpu.yield
    }) : () -> ()
    "tpu.region"() ({
      %run_scoped3A = tpu.sem_alloc : memref<!tpu.dma_semaphore, #tpu.memory_space<semaphore_mem>>
      %dma_start3A_968 = arith.constant 0 : i32
      %dma_start3A_969 = arith.constant 0 : i32
      %dma_start3A_970 = arith.constant 0 : i32
      %dma_start3A_971 = tpu.memref_slice %arg2[%add3A, %dma_start3A_968, %dma_start3A_969, %dma_start3A_970] : memref<32x40x128x16xf32, #tpu.memory_space<hbm>> -> memref<1x40x128x16xf32, #tpu.memory_space<hbm>>
      %dma_start3A_972 = tpu.memref_squeeze %dma_start3A_971 : memref<1x40x128x16xf32, #tpu.memory_space<hbm>> -> memref<40x128x16xf32, #tpu.memory_space<hbm>>
      %dma_start3A_973 = arith.constant 0 : i32
      %dma_start3A_974 = arith.constant 0 : i32
      %dma_start3A_975 = arith.constant 0 : i32
      %dma_start3A_976 = tpu.memref_slice %arg2[%add3A, %dma_start3A_973, %dma_start3A_974, %dma_start3A_975] : memref<32x40x128x16xf32, #tpu.memory_space<hbm>> -> memref<1x40x128x16xf32, #tpu.memory_space<hbm>>
      %dma_start3A_977 = tpu.memref_squeeze %dma_start3A_976 : memref<1x40x128x16xf32, #tpu.memory_space<hbm>> -> memref<40x128x16xf32, #tpu.memory_space<hbm>>
      tpu.enqueue_dma source(%dma_start3A_977 : memref<40x128x16xf32, #tpu.memory_space<hbm>>) target(%arg7 : memref<40x128x16xf32, #tpu.memory_space<vmem>>) target_semaphore(%run_scoped3A : memref<!tpu.dma_semaphore, #tpu.memory_space<semaphore_mem>>)
      %dma_wait3A_978 = arith.constant 0 : i32
      %dma_wait3A_979 = arith.constant 0 : i32
      %dma_wait3A_980 = arith.constant 0 : i32
      %dma_wait3A_981 = tpu.memref_slice %arg2[%add3A, %dma_wait3A_978, %dma_wait3A_979, %dma_wait3A_980] : memref<32x40x128x16xf32, #tpu.memory_space<hbm>> -> memref<1x40x128x16xf32, #tpu.memory_space<hbm>>
      %dma_wait3A_982 = tpu.memref_squeeze %dma_wait3A_981 : memref<1x40x128x16xf32, #tpu.memory_space<hbm>> -> memref<40x128x16xf32, #tpu.memory_space<hbm>>
      %dma_wait3A_983 = arith.constant 0 : i32
      %dma_wait3A_984 = arith.constant 0 : i32
      %dma_wait3A_985 = arith.constant 0 : i32
      %dma_wait3A_986 = tpu.memref_slice %arg2[%add3A, %dma_wait3A_983, %dma_wait3A_984, %dma_wait3A_985] : memref<32x40x128x16xf32, #tpu.memory_space<hbm>> -> memref<1x40x128x16xf32, #tpu.memory_space<hbm>>
      %dma_wait3A_987 = tpu.memref_squeeze %dma_wait3A_986 : memref<1x40x128x16xf32, #tpu.memory_space<hbm>> -> memref<40x128x16xf32, #tpu.memory_space<hbm>>
      tpu.wait_dma2 semaphore(%run_scoped3A : memref<!tpu.dma_semaphore, #tpu.memory_space<semaphore_mem>>) src(%dma_wait3A_987 : memref<40x128x16xf32, #tpu.memory_space<hbm>>) dst(%arg7 : memref<40x128x16xf32, #tpu.memory_space<vmem>>)
      tpu.yield
    }) : () -> ()
    %barrier3A = arith.constant 0 : index
    tpu.barrier barrier_id(%barrier3A)
    %dma_start3A = arith.constant 0 : i32
    %dma_start3A_5 = arith.constant 0 : i32
    %dma_start3A_6 = arith.constant 0 : i32
    %dma_start3A_7 = arith.constant 0 : i32
    %dma_start3A_8 = tpu.memref_slice %arg7[%dma_start3A, %dma_start3A_6, %dma_start3A_7] : memref<40x128x16xf32, #tpu.memory_space<vmem>> -> memref<1x128x16xf32, #tpu.memory_space<vmem>>
    %dma_start3A_9 = tpu.memref_squeeze %dma_start3A_8 : memref<1x128x16xf32, #tpu.memory_space<vmem>> -> memref<128x16xf32, #tpu.memory_space<vmem>>
    %dma_start3A_10 = arith.constant 0 : i32
    %dma_start3A_11 = tpu.memref_slice %arg6[%dma_start3A_5, %dma_start3A_10] : memref<40x128xi32, #tpu.memory_space<vmem>> -> memref<1x128xi32, #tpu.memory_space<vmem>>
    %dma_start3A_12 = tpu.memref_squeeze %dma_start3A_11 : memref<1x128xi32, #tpu.memory_space<vmem>> -> memref<128xi32, #tpu.memory_space<vmem>>
    %dma_start3A_13 = arith.constant 0 : i32
    %dma_start3A_14 = arith.constant 0 : i32
    %dma_start3A_15 = tpu.memref_slice %arg8[%dma_start3A_13, %dma_start3A_14] : memref<10000x16xf32, #tpu.memory_space<vmem_shared>> -> memref<10000x16xf32, #tpu.memory_space<vmem_shared>>
    tpu.enqueue_indirect_dma source(%dma_start3A_9 : memref<128x16xf32, #tpu.memory_space<vmem>>) target(%dma_start3A_15 : memref<10000x16xf32, #tpu.memory_space<vmem_shared>>) offsets(%dma_start3A_12 : memref<128xi32, #tpu.memory_space<vmem>>) semaphore(%arg9 : memref<!tpu.dma_semaphore, #tpu.memory_space<semaphore_mem>>) {add = true}
    %dma_start3A_16 = arith.constant 1 : i32
    %dma_start3A_17 = arith.constant 1 : i32
    %dma_start3A_18 = arith.constant 0 : i32
    %dma_start3A_19 = arith.constant 0 : i32
    %dma_start3A_20 = tpu.memref_slice %arg7[%dma_start3A_16, %dma_start3A_18, %dma_start3A_19] : memref<40x128x16xf32, #tpu.memory_space<vmem>> -> memref<1x128x16xf32, #tpu.memory_space<vmem>>
    %dma_start3A_21 = tpu.memref_squeeze %dma_start3A_20 : memref<1x128x16xf32, #tpu.memory_space<vmem>> -> memref<128x16xf32, #tpu.memory_space<vmem>>
    %dma_start3A_22 = arith.constant 0 : i32
    %dma_start3A_23 = tpu.memref_slice %arg6[%dma_start3A_17, %dma_start3A_22] : memref<40x128xi32, #tpu.memory_space<vmem>> -> memref<1x128xi32, #tpu.memory_space<vmem>>
    %dma_start3A_24 = tpu.memref_squeeze %dma_start3A_23 : memref<1x128xi32, #tpu.memory_space<vmem>> -> memref<128xi32, #tpu.memory_space<vmem>>
    %dma_start3A_25 = arith.constant 0 : i32
    %dma_start3A_26 = arith.constant 0 : i32
    %dma_start3A_27 = tpu.memref_slice %arg8[%dma_start3A_25, %dma_start3A_26] : memref<10000x16xf32, #tpu.memory_space<vmem_shared>> -> memref<10000x16xf32, #tpu.memory_space<vmem_shared>>
    tpu.enqueue_indirect_dma source(%dma_start3A_21 : memref<128x16xf32, #tpu.memory_space<vmem>>) target(%dma_start3A_27 : memref<10000x16xf32, #tpu.memory_space<vmem_shared>>) offsets(%dma_start3A_24 : memref<128xi32, #tpu.memory_space<vmem>>) semaphore(%arg9 : memref<!tpu.dma_semaphore, #tpu.memory_space<semaphore_mem>>) {add = true}
    %dma_start3A_28 = arith.constant 2 : i32
    %dma_start3A_29 = arith.constant 2 : i32
    %dma_start3A_30 = arith.constant 0 : i32
    %dma_start3A_31 = arith.constant 0 : i32
    %dma_start3A_32 = tpu.memref_slice %arg7[%dma_start3A_28, %dma_start3A_30, %dma_start3A_31] : memref<40x128x16xf32, #tpu.memory_space<vmem>> -> memref<1x128x16xf32, #tpu.memory_space<vmem>>
    %dma_start3A_33 = tpu.memref_squeeze %dma_start3A_32 : memref<1x128x16xf32, #tpu.memory_space<vmem>> -> memref<128x16xf32, #tpu.memory_space<vmem>>
    %dma_start3A_34 = arith.constant 0 : i32
    %dma_start3A_35 = tpu.memref_slice %arg6[%dma_start3A_29, %dma_start3A_34] : memref<40x128xi32, #tpu.memory_space<vmem>> -> memref<1x128xi32, #tpu.memory_space<vmem>>
    %dma_start3A_36 = tpu.memref_squeeze %dma_start3A_35 : memref<1x128xi32, #tpu.memory_space<vmem>> -> memref<128xi32, #tpu.memory_space<vmem>>
    %dma_start3A_37 = arith.constant 0 : i32
    %dma_start3A_38 = arith.constant 0 : i32
    %dma_start3A_39 = tpu.memref_slice %arg8[%dma_start3A_37, %dma_start3A_38] : memref<10000x16xf32, #tpu.memory_space<vmem_shared>> -> memref<10000x16xf32, #tpu.memory_space<vmem_shared>>
    tpu.enqueue_indirect_dma source(%dma_start3A_33 : memref<128x16xf32, #tpu.memory_space<vmem>>) target(%dma_start3A_39 : memref<10000x16xf32, #tpu.memory_space<vmem_shared>>) offsets(%dma_start3A_36 : memref<128xi32, #tpu.memory_space<vmem>>) semaphore(%arg9 : memref<!tpu.dma_semaphore, #tpu.memory_space<semaphore_mem>>) {add = true}
    %dma_start3A_40 = arith.constant 3 : i32
    %dma_start3A_41 = arith.constant 3 : i32
    %dma_start3A_42 = arith.constant 0 : i32
    %dma_start3A_43 = arith.constant 0 : i32
    %dma_start3A_44 = tpu.memref_slice %arg7[%dma_start3A_40, %dma_start3A_42, %dma_start3A_43] : memref<40x128x16xf32, #tpu.memory_space<vmem>> -> memref<1x128x16xf32, #tpu.memory_space<vmem>>
    %dma_start3A_45 = tpu.memref_squeeze %dma_start3A_44 : memref<1x128x16xf32, #tpu.memory_space<vmem>> -> memref<128x16xf32, #tpu.memory_space<vmem>>
    %dma_start3A_46 = arith.constant 0 : i32
    %dma_start3A_47 = tpu.memref_slice %arg6[%dma_start3A_41, %dma_start3A_46] : memref<40x128xi32, #tpu.memory_space<vmem>> -> memref<1x128xi32, #tpu.memory_space<vmem>>
    %dma_start3A_48 = tpu.memref_squeeze %dma_start3A_47 : memref<1x128xi32, #tpu.memory_space<vmem>> -> memref<128xi32, #tpu.memory_space<vmem>>
    %dma_start3A_49 = arith.constant 0 : i32
    %dma_start3A_50 = arith.constant 0 : i32
    %dma_start3A_51 = tpu.memref_slice %arg8[%dma_start3A_49, %dma_start3A_50] : memref<10000x16xf32, #tpu.memory_space<vmem_shared>> -> memref<10000x16xf32, #tpu.memory_space<vmem_shared>>
    tpu.enqueue_indirect_dma source(%dma_start3A_45 : memref<128x16xf32, #tpu.memory_space<vmem>>) target(%dma_start3A_51 : memref<10000x16xf32, #tpu.memory_space<vmem_shared>>) offsets(%dma_start3A_48 : memref<128xi32, #tpu.memory_space<vmem>>) semaphore(%arg9 : memref<!tpu.dma_semaphore, #tpu.memory_space<semaphore_mem>>) {add = true}
    %dma_start3A_52 = arith.constant 4 : i32
    %dma_start3A_53 = arith.constant 4 : i32
    %dma_start3A_54 = arith.constant 0 : i32
    %dma_start3A_55 = arith.constant 0 : i32
    %dma_start3A_56 = tpu.memref_slice %arg7[%dma_start3A_52, %dma_start3A_54, %dma_start3A_55] : memref<40x128x16xf32, #tpu.memory_space<vmem>> -> memref<1x128x16xf32, #tpu.memory_space<vmem>>
    %dma_start3A_57 = tpu.memref_squeeze %dma_start3A_56 : memref<1x128x16xf32, #tpu.memory_space<vmem>> -> memref<128x16xf32, #tpu.memory_space<vmem>>
    %dma_start3A_58 = arith.constant 0 : i32
    %dma_start3A_59 = tpu.memref_slice %arg6[%dma_start3A_53, %dma_start3A_58] : memref<40x128xi32, #tpu.memory_space<vmem>> -> memref<1x128xi32, #tpu.memory_space<vmem>>
    %dma_start3A_60 = tpu.memref_squeeze %dma_start3A_59 : memref<1x128xi32, #tpu.memory_space<vmem>> -> memref<128xi32, #tpu.memory_space<vmem>>
    %dma_start3A_61 = arith.constant 0 : i32
    %dma_start3A_62 = arith.constant 0 : i32
    %dma_start3A_63 = tpu.memref_slice %arg8[%dma_start3A_61, %dma_start3A_62] : memref<10000x16xf32, #tpu.memory_space<vmem_shared>> -> memref<10000x16xf32, #tpu.memory_space<vmem_shared>>
    tpu.enqueue_indirect_dma source(%dma_start3A_57 : memref<128x16xf32, #tpu.memory_space<vmem>>) target(%dma_start3A_63 : memref<10000x16xf32, #tpu.memory_space<vmem_shared>>) offsets(%dma_start3A_60 : memref<128xi32, #tpu.memory_space<vmem>>) semaphore(%arg9 : memref<!tpu.dma_semaphore, #tpu.memory_space<semaphore_mem>>) {add = true}
    %dma_start3A_64 = arith.constant 5 : i32
    %dma_start3A_65 = arith.constant 5 : i32
    %dma_start3A_66 = arith.constant 0 : i32
    %dma_start3A_67 = arith.constant 0 : i32
    %dma_start3A_68 = tpu.memref_slice %arg7[%dma_start3A_64, %dma_start3A_66, %dma_start3A_67] : memref<40x128x16xf32, #tpu.memory_space<vmem>> -> memref<1x128x16xf32, #tpu.memory_space<vmem>>
    %dma_start3A_69 = tpu.memref_squeeze %dma_start3A_68 : memref<1x128x16xf32, #tpu.memory_space<vmem>> -> memref<128x16xf32, #tpu.memory_space<vmem>>
    %dma_start3A_70 = arith.constant 0 : i32
    %dma_start3A_71 = tpu.memref_slice %arg6[%dma_start3A_65, %dma_start3A_70] : memref<40x128xi32, #tpu.memory_space<vmem>> -> memref<1x128xi32, #tpu.memory_space<vmem>>
    %dma_start3A_72 = tpu.memref_squeeze %dma_start3A_71 : memref<1x128xi32, #tpu.memory_space<vmem>> -> memref<128xi32, #tpu.memory_space<vmem>>
    %dma_start3A_73 = arith.constant 0 : i32
    %dma_start3A_74 = arith.constant 0 : i32
    %dma_start3A_75 = tpu.memref_slice %arg8[%dma_start3A_73, %dma_start3A_74] : memref<10000x16xf32, #tpu.memory_space<vmem_shared>> -> memref<10000x16xf32, #tpu.memory_space<vmem_shared>>
    tpu.enqueue_indirect_dma source(%dma_start3A_69 : memref<128x16xf32, #tpu.memory_space<vmem>>) target(%dma_start3A_75 : memref<10000x16xf32, #tpu.memory_space<vmem_shared>>) offsets(%dma_start3A_72 : memref<128xi32, #tpu.memory_space<vmem>>) semaphore(%arg9 : memref<!tpu.dma_semaphore, #tpu.memory_space<semaphore_mem>>) {add = true}
    %dma_start3A_76 = arith.constant 6 : i32
    %dma_start3A_77 = arith.constant 6 : i32
    %dma_start3A_78 = arith.constant 0 : i32
    %dma_start3A_79 = arith.constant 0 : i32
    %dma_start3A_80 = tpu.memref_slice %arg7[%dma_start3A_76, %dma_start3A_78, %dma_start3A_79] : memref<40x128x16xf32, #tpu.memory_space<vmem>> -> memref<1x128x16xf32, #tpu.memory_space<vmem>>
    %dma_start3A_81 = tpu.memref_squeeze %dma_start3A_80 : memref<1x128x16xf32, #tpu.memory_space<vmem>> -> memref<128x16xf32, #tpu.memory_space<vmem>>
    %dma_start3A_82 = arith.constant 0 : i32
    %dma_start3A_83 = tpu.memref_slice %arg6[%dma_start3A_77, %dma_start3A_82] : memref<40x128xi32, #tpu.memory_space<vmem>> -> memref<1x128xi32, #tpu.memory_space<vmem>>
    %dma_start3A_84 = tpu.memref_squeeze %dma_start3A_83 : memref<1x128xi32, #tpu.memory_space<vmem>> -> memref<128xi32, #tpu.memory_space<vmem>>
    %dma_start3A_85 = arith.constant 0 : i32
    %dma_start3A_86 = arith.constant 0 : i32
    %dma_start3A_87 = tpu.memref_slice %arg8[%dma_start3A_85, %dma_start3A_86] : memref<10000x16xf32, #tpu.memory_space<vmem_shared>> -> memref<10000x16xf32, #tpu.memory_space<vmem_shared>>
    tpu.enqueue_indirect_dma source(%dma_start3A_81 : memref<128x16xf32, #tpu.memory_space<vmem>>) target(%dma_start3A_87 : memref<10000x16xf32, #tpu.memory_space<vmem_shared>>) offsets(%dma_start3A_84 : memref<128xi32, #tpu.memory_space<vmem>>) semaphore(%arg9 : memref<!tpu.dma_semaphore, #tpu.memory_space<semaphore_mem>>) {add = true}
    %dma_start3A_88 = arith.constant 7 : i32
    %dma_start3A_89 = arith.constant 7 : i32
    %dma_start3A_90 = arith.constant 0 : i32
    %dma_start3A_91 = arith.constant 0 : i32
    %dma_start3A_92 = tpu.memref_slice %arg7[%dma_start3A_88, %dma_start3A_90, %dma_start3A_91] : memref<40x128x16xf32, #tpu.memory_space<vmem>> -> memref<1x128x16xf32, #tpu.memory_space<vmem>>
    %dma_start3A_93 = tpu.memref_squeeze %dma_start3A_92 : memref<1x128x16xf32, #tpu.memory_space<vmem>> -> memref<128x16xf32, #tpu.memory_space<vmem>>
    %dma_start3A_94 = arith.constant 0 : i32
    %dma_start3A_95 = tpu.memref_slice %arg6[%dma_start3A_89, %dma_start3A_94] : memref<40x128xi32, #tpu.memory_space<vmem>> -> memref<1x128xi32, #tpu.memory_space<vmem>>
    %dma_start3A_96 = tpu.memref_squeeze %dma_start3A_95 : memref<1x128xi32, #tpu.memory_space<vmem>> -> memref<128xi32, #tpu.memory_space<vmem>>
    %dma_start3A_97 = arith.constant 0 : i32
    %dma_start3A_98 = arith.constant 0 : i32
    %dma_start3A_99 = tpu.memref_slice %arg8[%dma_start3A_97, %dma_start3A_98] : memref<10000x16xf32, #tpu.memory_space<vmem_shared>> -> memref<10000x16xf32, #tpu.memory_space<vmem_shared>>
    tpu.enqueue_indirect_dma source(%dma_start3A_93 : memref<128x16xf32, #tpu.memory_space<vmem>>) target(%dma_start3A_99 : memref<10000x16xf32, #tpu.memory_space<vmem_shared>>) offsets(%dma_start3A_96 : memref<128xi32, #tpu.memory_space<vmem>>) semaphore(%arg9 : memref<!tpu.dma_semaphore, #tpu.memory_space<semaphore_mem>>) {add = true}
    %dma_wait3A = arith.constant 0 : i32
    %dma_wait3A_100 = arith.constant 0 : i32
    %dma_wait3A_101 = arith.constant 0 : i32
    %dma_wait3A_102 = arith.constant 0 : i32
    %dma_wait3A_103 = tpu.memref_slice %arg7[%dma_wait3A, %dma_wait3A_101, %dma_wait3A_102] : memref<40x128x16xf32, #tpu.memory_space<vmem>> -> memref<1x128x16xf32, #tpu.memory_space<vmem>>
    %dma_wait3A_104 = tpu.memref_squeeze %dma_wait3A_103 : memref<1x128x16xf32, #tpu.memory_space<vmem>> -> memref<128x16xf32, #tpu.memory_space<vmem>>
    %dma_wait3A_105 = arith.constant 0 : i32
    %dma_wait3A_106 = tpu.memref_slice %arg6[%dma_wait3A_100, %dma_wait3A_105] : memref<40x128xi32, #tpu.memory_space<vmem>> -> memref<1x128xi32, #tpu.memory_space<vmem>>
    %dma_wait3A_107 = tpu.memref_squeeze %dma_wait3A_106 : memref<1x128xi32, #tpu.memory_space<vmem>> -> memref<128xi32, #tpu.memory_space<vmem>>
    %dma_wait3A_108 = arith.constant 0 : i32
    %dma_wait3A_109 = arith.constant 0 : i32
    %dma_wait3A_110 = tpu.memref_slice %arg8[%dma_wait3A_108, %dma_wait3A_109] : memref<10000x16xf32, #tpu.memory_space<vmem_shared>> -> memref<10000x16xf32, #tpu.memory_space<vmem_shared>>
    tpu.wait_indirect_dma semaphore(%arg9 : memref<!tpu.dma_semaphore, #tpu.memory_space<semaphore_mem>>) src(%dma_wait3A_104 : memref<128x16xf32, #tpu.memory_space<vmem>>) dst(%dma_wait3A_110 : memref<10000x16xf32, #tpu.memory_space<vmem_shared>>)
    %dma_wait3A_111 = arith.constant 1 : i32
    %dma_wait3A_112 = arith.constant 1 : i32
    %dma_wait3A_113 = arith.constant 0 : i32
    %dma_wait3A_114 = arith.constant 0 : i32
    %dma_wait3A_115 = tpu.memref_slice %arg7[%dma_wait3A_111, %dma_wait3A_113, %dma_wait3A_114] : memref<40x128x16xf32, #tpu.memory_space<vmem>> -> memref<1x128x16xf32, #tpu.memory_space<vmem>>
    %dma_wait3A_116 = tpu.memref_squeeze %dma_wait3A_115 : memref<1x128x16xf32, #tpu.memory_space<vmem>> -> memref<128x16xf32, #tpu.memory_space<vmem>>
    %dma_wait3A_117 = arith.constant 0 : i32
    %dma_wait3A_118 = tpu.memref_slice %arg6[%dma_wait3A_112, %dma_wait3A_117] : memref<40x128xi32, #tpu.memory_space<vmem>> -> memref<1x128xi32, #tpu.memory_space<vmem>>
    %dma_wait3A_119 = tpu.memref_squeeze %dma_wait3A_118 : memref<1x128xi32, #tpu.memory_space<vmem>> -> memref<128xi32, #tpu.memory_space<vmem>>
    %dma_wait3A_120 = arith.constant 0 : i32
    %dma_wait3A_121 = arith.constant 0 : i32
    %dma_wait3A_122 = tpu.memref_slice %arg8[%dma_wait3A_120, %dma_wait3A_121] : memref<10000x16xf32, #tpu.memory_space<vmem_shared>> -> memref<10000x16xf32, #tpu.memory_space<vmem_shared>>
    tpu.wait_indirect_dma semaphore(%arg9 : memref<!tpu.dma_semaphore, #tpu.memory_space<semaphore_mem>>) src(%dma_wait3A_116 : memref<128x16xf32, #tpu.memory_space<vmem>>) dst(%dma_wait3A_122 : memref<10000x16xf32, #tpu.memory_space<vmem_shared>>)
    %dma_wait3A_123 = arith.constant 2 : i32
    %dma_wait3A_124 = arith.constant 2 : i32
    %dma_wait3A_125 = arith.constant 0 : i32
    %dma_wait3A_126 = arith.constant 0 : i32
    %dma_wait3A_127 = tpu.memref_slice %arg7[%dma_wait3A_123, %dma_wait3A_125, %dma_wait3A_126] : memref<40x128x16xf32, #tpu.memory_space<vmem>> -> memref<1x128x16xf32, #tpu.memory_space<vmem>>
    %dma_wait3A_128 = tpu.memref_squeeze %dma_wait3A_127 : memref<1x128x16xf32, #tpu.memory_space<vmem>> -> memref<128x16xf32, #tpu.memory_space<vmem>>
    %dma_wait3A_129 = arith.constant 0 : i32
    %dma_wait3A_130 = tpu.memref_slice %arg6[%dma_wait3A_124, %dma_wait3A_129] : memref<40x128xi32, #tpu.memory_space<vmem>> -> memref<1x128xi32, #tpu.memory_space<vmem>>
    %dma_wait3A_131 = tpu.memref_squeeze %dma_wait3A_130 : memref<1x128xi32, #tpu.memory_space<vmem>> -> memref<128xi32, #tpu.memory_space<vmem>>
    %dma_wait3A_132 = arith.constant 0 : i32
    %dma_wait3A_133 = arith.constant 0 : i32
    %dma_wait3A_134 = tpu.memref_slice %arg8[%dma_wait3A_132, %dma_wait3A_133] : memref<10000x16xf32, #tpu.memory_space<vmem_shared>> -> memref<10000x16xf32, #tpu.memory_space<vmem_shared>>
    tpu.wait_indirect_dma semaphore(%arg9 : memref<!tpu.dma_semaphore, #tpu.memory_space<semaphore_mem>>) src(%dma_wait3A_128 : memref<128x16xf32, #tpu.memory_space<vmem>>) dst(%dma_wait3A_134 : memref<10000x16xf32, #tpu.memory_space<vmem_shared>>)
    %dma_wait3A_135 = arith.constant 3 : i32
    %dma_wait3A_136 = arith.constant 3 : i32
    %dma_wait3A_137 = arith.constant 0 : i32
    %dma_wait3A_138 = arith.constant 0 : i32
    %dma_wait3A_139 = tpu.memref_slice %arg7[%dma_wait3A_135, %dma_wait3A_137, %dma_wait3A_138] : memref<40x128x16xf32, #tpu.memory_space<vmem>> -> memref<1x128x16xf32, #tpu.memory_space<vmem>>
    %dma_wait3A_140 = tpu.memref_squeeze %dma_wait3A_139 : memref<1x128x16xf32, #tpu.memory_space<vmem>> -> memref<128x16xf32, #tpu.memory_space<vmem>>
    %dma_wait3A_141 = arith.constant 0 : i32
    %dma_wait3A_142 = tpu.memref_slice %arg6[%dma_wait3A_136, %dma_wait3A_141] : memref<40x128xi32, #tpu.memory_space<vmem>> -> memref<1x128xi32, #tpu.memory_space<vmem>>
    %dma_wait3A_143 = tpu.memref_squeeze %dma_wait3A_142 : memref<1x128xi32, #tpu.memory_space<vmem>> -> memref<128xi32, #tpu.memory_space<vmem>>
    %dma_wait3A_144 = arith.constant 0 : i32
    %dma_wait3A_145 = arith.constant 0 : i32
    %dma_wait3A_146 = tpu.memref_slice %arg8[%dma_wait3A_144, %dma_wait3A_145] : memref<10000x16xf32, #tpu.memory_space<vmem_shared>> -> memref<10000x16xf32, #tpu.memory_space<vmem_shared>>
    tpu.wait_indirect_dma semaphore(%arg9 : memref<!tpu.dma_semaphore, #tpu.memory_space<semaphore_mem>>) src(%dma_wait3A_140 : memref<128x16xf32, #tpu.memory_space<vmem>>) dst(%dma_wait3A_146 : memref<10000x16xf32, #tpu.memory_space<vmem_shared>>)
    %dma_wait3A_147 = arith.constant 4 : i32
    %dma_wait3A_148 = arith.constant 4 : i32
    %dma_wait3A_149 = arith.constant 0 : i32
    %dma_wait3A_150 = arith.constant 0 : i32
    %dma_wait3A_151 = tpu.memref_slice %arg7[%dma_wait3A_147, %dma_wait3A_149, %dma_wait3A_150] : memref<40x128x16xf32, #tpu.memory_space<vmem>> -> memref<1x128x16xf32, #tpu.memory_space<vmem>>
    %dma_wait3A_152 = tpu.memref_squeeze %dma_wait3A_151 : memref<1x128x16xf32, #tpu.memory_space<vmem>> -> memref<128x16xf32, #tpu.memory_space<vmem>>
    %dma_wait3A_153 = arith.constant 0 : i32
    %dma_wait3A_154 = tpu.memref_slice %arg6[%dma_wait3A_148, %dma_wait3A_153] : memref<40x128xi32, #tpu.memory_space<vmem>> -> memref<1x128xi32, #tpu.memory_space<vmem>>
    %dma_wait3A_155 = tpu.memref_squeeze %dma_wait3A_154 : memref<1x128xi32, #tpu.memory_space<vmem>> -> memref<128xi32, #tpu.memory_space<vmem>>
    %dma_wait3A_156 = arith.constant 0 : i32
    %dma_wait3A_157 = arith.constant 0 : i32
    %dma_wait3A_158 = tpu.memref_slice %arg8[%dma_wait3A_156, %dma_wait3A_157] : memref<10000x16xf32, #tpu.memory_space<vmem_shared>> -> memref<10000x16xf32, #tpu.memory_space<vmem_shared>>
    tpu.wait_indirect_dma semaphore(%arg9 : memref<!tpu.dma_semaphore, #tpu.memory_space<semaphore_mem>>) src(%dma_wait3A_152 : memref<128x16xf32, #tpu.memory_space<vmem>>) dst(%dma_wait3A_158 : memref<10000x16xf32, #tpu.memory_space<vmem_shared>>)
    %dma_wait3A_159 = arith.constant 5 : i32
    %dma_wait3A_160 = arith.constant 5 : i32
    %dma_wait3A_161 = arith.constant 0 : i32
    %dma_wait3A_162 = arith.constant 0 : i32
    %dma_wait3A_163 = tpu.memref_slice %arg7[%dma_wait3A_159, %dma_wait3A_161, %dma_wait3A_162] : memref<40x128x16xf32, #tpu.memory_space<vmem>> -> memref<1x128x16xf32, #tpu.memory_space<vmem>>
    %dma_wait3A_164 = tpu.memref_squeeze %dma_wait3A_163 : memref<1x128x16xf32, #tpu.memory_space<vmem>> -> memref<128x16xf32, #tpu.memory_space<vmem>>
    %dma_wait3A_165 = arith.constant 0 : i32
    %dma_wait3A_166 = tpu.memref_slice %arg6[%dma_wait3A_160, %dma_wait3A_165] : memref<40x128xi32, #tpu.memory_space<vmem>> -> memref<1x128xi32, #tpu.memory_space<vmem>>
    %dma_wait3A_167 = tpu.memref_squeeze %dma_wait3A_166 : memref<1x128xi32, #tpu.memory_space<vmem>> -> memref<128xi32, #tpu.memory_space<vmem>>
    %dma_wait3A_168 = arith.constant 0 : i32
    %dma_wait3A_169 = arith.constant 0 : i32
    %dma_wait3A_170 = tpu.memref_slice %arg8[%dma_wait3A_168, %dma_wait3A_169] : memref<10000x16xf32, #tpu.memory_space<vmem_shared>> -> memref<10000x16xf32, #tpu.memory_space<vmem_shared>>
    tpu.wait_indirect_dma semaphore(%arg9 : memref<!tpu.dma_semaphore, #tpu.memory_space<semaphore_mem>>) src(%dma_wait3A_164 : memref<128x16xf32, #tpu.memory_space<vmem>>) dst(%dma_wait3A_170 : memref<10000x16xf32, #tpu.memory_space<vmem_shared>>)
    %dma_wait3A_171 = arith.constant 6 : i32
    %dma_wait3A_172 = arith.constant 6 : i32
    %dma_wait3A_173 = arith.constant 0 : i32
    %dma_wait3A_174 = arith.constant 0 : i32
    %dma_wait3A_175 = tpu.memref_slice %arg7[%dma_wait3A_171, %dma_wait3A_173, %dma_wait3A_174] : memref<40x128x16xf32, #tpu.memory_space<vmem>> -> memref<1x128x16xf32, #tpu.memory_space<vmem>>
    %dma_wait3A_176 = tpu.memref_squeeze %dma_wait3A_175 : memref<1x128x16xf32, #tpu.memory_space<vmem>> -> memref<128x16xf32, #tpu.memory_space<vmem>>
    %dma_wait3A_177 = arith.constant 0 : i32
    %dma_wait3A_178 = tpu.memref_slice %arg6[%dma_wait3A_172, %dma_wait3A_177] : memref<40x128xi32, #tpu.memory_space<vmem>> -> memref<1x128xi32, #tpu.memory_space<vmem>>
    %dma_wait3A_179 = tpu.memref_squeeze %dma_wait3A_178 : memref<1x128xi32, #tpu.memory_space<vmem>> -> memref<128xi32, #tpu.memory_space<vmem>>
    %dma_wait3A_180 = arith.constant 0 : i32
    %dma_wait3A_181 = arith.constant 0 : i32
    %dma_wait3A_182 = tpu.memref_slice %arg8[%dma_wait3A_180, %dma_wait3A_181] : memref<10000x16xf32, #tpu.memory_space<vmem_shared>> -> memref<10000x16xf32, #tpu.memory_space<vmem_shared>>
    tpu.wait_indirect_dma semaphore(%arg9 : memref<!tpu.dma_semaphore, #tpu.memory_space<semaphore_mem>>) src(%dma_wait3A_176 : memref<128x16xf32, #tpu.memory_space<vmem>>) dst(%dma_wait3A_182 : memref<10000x16xf32, #tpu.memory_space<vmem_shared>>)
    %dma_wait3A_183 = arith.constant 7 : i32
    %dma_wait3A_184 = arith.constant 7 : i32
    %dma_wait3A_185 = arith.constant 0 : i32
    %dma_wait3A_186 = arith.constant 0 : i32
    %dma_wait3A_187 = tpu.memref_slice %arg7[%dma_wait3A_183, %dma_wait3A_185, %dma_wait3A_186] : memref<40x128x16xf32, #tpu.memory_space<vmem>> -> memref<1x128x16xf32, #tpu.memory_space<vmem>>
    %dma_wait3A_188 = tpu.memref_squeeze %dma_wait3A_187 : memref<1x128x16xf32, #tpu.memory_space<vmem>> -> memref<128x16xf32, #tpu.memory_space<vmem>>
    %dma_wait3A_189 = arith.constant 0 : i32
    %dma_wait3A_190 = tpu.memref_slice %arg6[%dma_wait3A_184, %dma_wait3A_189] : memref<40x128xi32, #tpu.memory_space<vmem>> -> memref<1x128xi32, #tpu.memory_space<vmem>>
    %dma_wait3A_191 = tpu.memref_squeeze %dma_wait3A_190 : memref<1x128xi32, #tpu.memory_space<vmem>> -> memref<128xi32, #tpu.memory_space<vmem>>
    %dma_wait3A_192 = arith.constant 0 : i32
    %dma_wait3A_193 = arith.constant 0 : i32
    %dma_wait3A_194 = tpu.memref_slice %arg8[%dma_wait3A_192, %dma_wait3A_193] : memref<10000x16xf32, #tpu.memory_space<vmem_shared>> -> memref<10000x16xf32, #tpu.memory_space<vmem_shared>>
    tpu.wait_indirect_dma semaphore(%arg9 : memref<!tpu.dma_semaphore, #tpu.memory_space<semaphore_mem>>) src(%dma_wait3A_188 : memref<128x16xf32, #tpu.memory_space<vmem>>) dst(%dma_wait3A_194 : memref<10000x16xf32, #tpu.memory_space<vmem_shared>>)
    %dma_start3A_195 = arith.constant 8 : i32
    %dma_start3A_196 = arith.constant 8 : i32
    %dma_start3A_197 = arith.constant 0 : i32
    %dma_start3A_198 = arith.constant 0 : i32
    %dma_start3A_199 = tpu.memref_slice %arg7[%dma_start3A_195, %dma_start3A_197, %dma_start3A_198] : memref<40x128x16xf32, #tpu.memory_space<vmem>> -> memref<1x128x16xf32, #tpu.memory_space<vmem>>
    %dma_start3A_200 = tpu.memref_squeeze %dma_start3A_199 : memref<1x128x16xf32, #tpu.memory_space<vmem>> -> memref<128x16xf32, #tpu.memory_space<vmem>>
    %dma_start3A_201 = arith.constant 0 : i32
    %dma_start3A_202 = tpu.memref_slice %arg6[%dma_start3A_196, %dma_start3A_201] : memref<40x128xi32, #tpu.memory_space<vmem>> -> memref<1x128xi32, #tpu.memory_space<vmem>>
    %dma_start3A_203 = tpu.memref_squeeze %dma_start3A_202 : memref<1x128xi32, #tpu.memory_space<vmem>> -> memref<128xi32, #tpu.memory_space<vmem>>
    %dma_start3A_204 = arith.constant 0 : i32
    %dma_start3A_205 = arith.constant 0 : i32
    %dma_start3A_206 = tpu.memref_slice %arg8[%dma_start3A_204, %dma_start3A_205] : memref<10000x16xf32, #tpu.memory_space<vmem_shared>> -> memref<10000x16xf32, #tpu.memory_space<vmem_shared>>
    tpu.enqueue_indirect_dma source(%dma_start3A_200 : memref<128x16xf32, #tpu.memory_space<vmem>>) target(%dma_start3A_206 : memref<10000x16xf32, #tpu.memory_space<vmem_shared>>) offsets(%dma_start3A_203 : memref<128xi32, #tpu.memory_space<vmem>>) semaphore(%arg9 : memref<!tpu.dma_semaphore, #tpu.memory_space<semaphore_mem>>) {add = true}
    %dma_start3A_207 = arith.constant 9 : i32
    %dma_start3A_208 = arith.constant 9 : i32
    %dma_start3A_209 = arith.constant 0 : i32
    %dma_start3A_210 = arith.constant 0 : i32
    %dma_start3A_211 = tpu.memref_slice %arg7[%dma_start3A_207, %dma_start3A_209, %dma_start3A_210] : memref<40x128x16xf32, #tpu.memory_space<vmem>> -> memref<1x128x16xf32, #tpu.memory_space<vmem>>
    %dma_start3A_212 = tpu.memref_squeeze %dma_start3A_211 : memref<1x128x16xf32, #tpu.memory_space<vmem>> -> memref<128x16xf32, #tpu.memory_space<vmem>>
    %dma_start3A_213 = arith.constant 0 : i32
    %dma_start3A_214 = tpu.memref_slice %arg6[%dma_start3A_208, %dma_start3A_213] : memref<40x128xi32, #tpu.memory_space<vmem>> -> memref<1x128xi32, #tpu.memory_space<vmem>>
    %dma_start3A_215 = tpu.memref_squeeze %dma_start3A_214 : memref<1x128xi32, #tpu.memory_space<vmem>> -> memref<128xi32, #tpu.memory_space<vmem>>
    %dma_start3A_216 = arith.constant 0 : i32
    %dma_start3A_217 = arith.constant 0 : i32
    %dma_start3A_218 = tpu.memref_slice %arg8[%dma_start3A_216, %dma_start3A_217] : memref<10000x16xf32, #tpu.memory_space<vmem_shared>> -> memref<10000x16xf32, #tpu.memory_space<vmem_shared>>
    tpu.enqueue_indirect_dma source(%dma_start3A_212 : memref<128x16xf32, #tpu.memory_space<vmem>>) target(%dma_start3A_218 : memref<10000x16xf32, #tpu.memory_space<vmem_shared>>) offsets(%dma_start3A_215 : memref<128xi32, #tpu.memory_space<vmem>>) semaphore(%arg9 : memref<!tpu.dma_semaphore, #tpu.memory_space<semaphore_mem>>) {add = true}
    %dma_start3A_219 = arith.constant 10 : i32
    %dma_start3A_220 = arith.constant 10 : i32
    %dma_start3A_221 = arith.constant 0 : i32
    %dma_start3A_222 = arith.constant 0 : i32
    %dma_start3A_223 = tpu.memref_slice %arg7[%dma_start3A_219, %dma_start3A_221, %dma_start3A_222] : memref<40x128x16xf32, #tpu.memory_space<vmem>> -> memref<1x128x16xf32, #tpu.memory_space<vmem>>
    %dma_start3A_224 = tpu.memref_squeeze %dma_start3A_223 : memref<1x128x16xf32, #tpu.memory_space<vmem>> -> memref<128x16xf32, #tpu.memory_space<vmem>>
    %dma_start3A_225 = arith.constant 0 : i32
    %dma_start3A_226 = tpu.memref_slice %arg6[%dma_start3A_220, %dma_start3A_225] : memref<40x128xi32, #tpu.memory_space<vmem>> -> memref<1x128xi32, #tpu.memory_space<vmem>>
    %dma_start3A_227 = tpu.memref_squeeze %dma_start3A_226 : memref<1x128xi32, #tpu.memory_space<vmem>> -> memref<128xi32, #tpu.memory_space<vmem>>
    %dma_start3A_228 = arith.constant 0 : i32
    %dma_start3A_229 = arith.constant 0 : i32
    %dma_start3A_230 = tpu.memref_slice %arg8[%dma_start3A_228, %dma_start3A_229] : memref<10000x16xf32, #tpu.memory_space<vmem_shared>> -> memref<10000x16xf32, #tpu.memory_space<vmem_shared>>
    tpu.enqueue_indirect_dma source(%dma_start3A_224 : memref<128x16xf32, #tpu.memory_space<vmem>>) target(%dma_start3A_230 : memref<10000x16xf32, #tpu.memory_space<vmem_shared>>) offsets(%dma_start3A_227 : memref<128xi32, #tpu.memory_space<vmem>>) semaphore(%arg9 : memref<!tpu.dma_semaphore, #tpu.memory_space<semaphore_mem>>) {add = true}
    %dma_start3A_231 = arith.constant 11 : i32
    %dma_start3A_232 = arith.constant 11 : i32
    %dma_start3A_233 = arith.constant 0 : i32
    %dma_start3A_234 = arith.constant 0 : i32
    %dma_start3A_235 = tpu.memref_slice %arg7[%dma_start3A_231, %dma_start3A_233, %dma_start3A_234] : memref<40x128x16xf32, #tpu.memory_space<vmem>> -> memref<1x128x16xf32, #tpu.memory_space<vmem>>
    %dma_start3A_236 = tpu.memref_squeeze %dma_start3A_235 : memref<1x128x16xf32, #tpu.memory_space<vmem>> -> memref<128x16xf32, #tpu.memory_space<vmem>>
    %dma_start3A_237 = arith.constant 0 : i32
    %dma_start3A_238 = tpu.memref_slice %arg6[%dma_start3A_232, %dma_start3A_237] : memref<40x128xi32, #tpu.memory_space<vmem>> -> memref<1x128xi32, #tpu.memory_space<vmem>>
    %dma_start3A_239 = tpu.memref_squeeze %dma_start3A_238 : memref<1x128xi32, #tpu.memory_space<vmem>> -> memref<128xi32, #tpu.memory_space<vmem>>
    %dma_start3A_240 = arith.constant 0 : i32
    %dma_start3A_241 = arith.constant 0 : i32
    %dma_start3A_242 = tpu.memref_slice %arg8[%dma_start3A_240, %dma_start3A_241] : memref<10000x16xf32, #tpu.memory_space<vmem_shared>> -> memref<10000x16xf32, #tpu.memory_space<vmem_shared>>
    tpu.enqueue_indirect_dma source(%dma_start3A_236 : memref<128x16xf32, #tpu.memory_space<vmem>>) target(%dma_start3A_242 : memref<10000x16xf32, #tpu.memory_space<vmem_shared>>) offsets(%dma_start3A_239 : memref<128xi32, #tpu.memory_space<vmem>>) semaphore(%arg9 : memref<!tpu.dma_semaphore, #tpu.memory_space<semaphore_mem>>) {add = true}
    %dma_start3A_243 = arith.constant 12 : i32
    %dma_start3A_244 = arith.constant 12 : i32
    %dma_start3A_245 = arith.constant 0 : i32
    %dma_start3A_246 = arith.constant 0 : i32
    %dma_start3A_247 = tpu.memref_slice %arg7[%dma_start3A_243, %dma_start3A_245, %dma_start3A_246] : memref<40x128x16xf32, #tpu.memory_space<vmem>> -> memref<1x128x16xf32, #tpu.memory_space<vmem>>
    %dma_start3A_248 = tpu.memref_squeeze %dma_start3A_247 : memref<1x128x16xf32, #tpu.memory_space<vmem>> -> memref<128x16xf32, #tpu.memory_space<vmem>>
    %dma_start3A_249 = arith.constant 0 : i32
    %dma_start3A_250 = tpu.memref_slice %arg6[%dma_start3A_244, %dma_start3A_249] : memref<40x128xi32, #tpu.memory_space<vmem>> -> memref<1x128xi32, #tpu.memory_space<vmem>>
    %dma_start3A_251 = tpu.memref_squeeze %dma_start3A_250 : memref<1x128xi32, #tpu.memory_space<vmem>> -> memref<128xi32, #tpu.memory_space<vmem>>
    %dma_start3A_252 = arith.constant 0 : i32
    %dma_start3A_253 = arith.constant 0 : i32
    %dma_start3A_254 = tpu.memref_slice %arg8[%dma_start3A_252, %dma_start3A_253] : memref<10000x16xf32, #tpu.memory_space<vmem_shared>> -> memref<10000x16xf32, #tpu.memory_space<vmem_shared>>
    tpu.enqueue_indirect_dma source(%dma_start3A_248 : memref<128x16xf32, #tpu.memory_space<vmem>>) target(%dma_start3A_254 : memref<10000x16xf32, #tpu.memory_space<vmem_shared>>) offsets(%dma_start3A_251 : memref<128xi32, #tpu.memory_space<vmem>>) semaphore(%arg9 : memref<!tpu.dma_semaphore, #tpu.memory_space<semaphore_mem>>) {add = true}
    %dma_start3A_255 = arith.constant 13 : i32
    %dma_start3A_256 = arith.constant 13 : i32
    %dma_start3A_257 = arith.constant 0 : i32
    %dma_start3A_258 = arith.constant 0 : i32
    %dma_start3A_259 = tpu.memref_slice %arg7[%dma_start3A_255, %dma_start3A_257, %dma_start3A_258] : memref<40x128x16xf32, #tpu.memory_space<vmem>> -> memref<1x128x16xf32, #tpu.memory_space<vmem>>
    %dma_start3A_260 = tpu.memref_squeeze %dma_start3A_259 : memref<1x128x16xf32, #tpu.memory_space<vmem>> -> memref<128x16xf32, #tpu.memory_space<vmem>>
    %dma_start3A_261 = arith.constant 0 : i32
    %dma_start3A_262 = tpu.memref_slice %arg6[%dma_start3A_256, %dma_start3A_261] : memref<40x128xi32, #tpu.memory_space<vmem>> -> memref<1x128xi32, #tpu.memory_space<vmem>>
    %dma_start3A_263 = tpu.memref_squeeze %dma_start3A_262 : memref<1x128xi32, #tpu.memory_space<vmem>> -> memref<128xi32, #tpu.memory_space<vmem>>
    %dma_start3A_264 = arith.constant 0 : i32
    %dma_start3A_265 = arith.constant 0 : i32
    %dma_start3A_266 = tpu.memref_slice %arg8[%dma_start3A_264, %dma_start3A_265] : memref<10000x16xf32, #tpu.memory_space<vmem_shared>> -> memref<10000x16xf32, #tpu.memory_space<vmem_shared>>
    tpu.enqueue_indirect_dma source(%dma_start3A_260 : memref<128x16xf32, #tpu.memory_space<vmem>>) target(%dma_start3A_266 : memref<10000x16xf32, #tpu.memory_space<vmem_shared>>) offsets(%dma_start3A_263 : memref<128xi32, #tpu.memory_space<vmem>>) semaphore(%arg9 : memref<!tpu.dma_semaphore, #tpu.memory_space<semaphore_mem>>) {add = true}
    %dma_start3A_267 = arith.constant 14 : i32
    %dma_start3A_268 = arith.constant 14 : i32
    %dma_start3A_269 = arith.constant 0 : i32
    %dma_start3A_270 = arith.constant 0 : i32
    %dma_start3A_271 = tpu.memref_slice %arg7[%dma_start3A_267, %dma_start3A_269, %dma_start3A_270] : memref<40x128x16xf32, #tpu.memory_space<vmem>> -> memref<1x128x16xf32, #tpu.memory_space<vmem>>
    %dma_start3A_272 = tpu.memref_squeeze %dma_start3A_271 : memref<1x128x16xf32, #tpu.memory_space<vmem>> -> memref<128x16xf32, #tpu.memory_space<vmem>>
    %dma_start3A_273 = arith.constant 0 : i32
    %dma_start3A_274 = tpu.memref_slice %arg6[%dma_start3A_268, %dma_start3A_273] : memref<40x128xi32, #tpu.memory_space<vmem>> -> memref<1x128xi32, #tpu.memory_space<vmem>>
    %dma_start3A_275 = tpu.memref_squeeze %dma_start3A_274 : memref<1x128xi32, #tpu.memory_space<vmem>> -> memref<128xi32, #tpu.memory_space<vmem>>
    %dma_start3A_276 = arith.constant 0 : i32
    %dma_start3A_277 = arith.constant 0 : i32
    %dma_start3A_278 = tpu.memref_slice %arg8[%dma_start3A_276, %dma_start3A_277] : memref<10000x16xf32, #tpu.memory_space<vmem_shared>> -> memref<10000x16xf32, #tpu.memory_space<vmem_shared>>
    tpu.enqueue_indirect_dma source(%dma_start3A_272 : memref<128x16xf32, #tpu.memory_space<vmem>>) target(%dma_start3A_278 : memref<10000x16xf32, #tpu.memory_space<vmem_shared>>) offsets(%dma_start3A_275 : memref<128xi32, #tpu.memory_space<vmem>>) semaphore(%arg9 : memref<!tpu.dma_semaphore, #tpu.memory_space<semaphore_mem>>) {add = true}
    %dma_start3A_279 = arith.constant 15 : i32
    %dma_start3A_280 = arith.constant 15 : i32
    %dma_start3A_281 = arith.constant 0 : i32
    %dma_start3A_282 = arith.constant 0 : i32
    %dma_start3A_283 = tpu.memref_slice %arg7[%dma_start3A_279, %dma_start3A_281, %dma_start3A_282] : memref<40x128x16xf32, #tpu.memory_space<vmem>> -> memref<1x128x16xf32, #tpu.memory_space<vmem>>
    %dma_start3A_284 = tpu.memref_squeeze %dma_start3A_283 : memref<1x128x16xf32, #tpu.memory_space<vmem>> -> memref<128x16xf32, #tpu.memory_space<vmem>>
    %dma_start3A_285 = arith.constant 0 : i32
    %dma_start3A_286 = tpu.memref_slice %arg6[%dma_start3A_280, %dma_start3A_285] : memref<40x128xi32, #tpu.memory_space<vmem>> -> memref<1x128xi32, #tpu.memory_space<vmem>>
    %dma_start3A_287 = tpu.memref_squeeze %dma_start3A_286 : memref<1x128xi32, #tpu.memory_space<vmem>> -> memref<128xi32, #tpu.memory_space<vmem>>
    %dma_start3A_288 = arith.constant 0 : i32
    %dma_start3A_289 = arith.constant 0 : i32
    %dma_start3A_290 = tpu.memref_slice %arg8[%dma_start3A_288, %dma_start3A_289] : memref<10000x16xf32, #tpu.memory_space<vmem_shared>> -> memref<10000x16xf32, #tpu.memory_space<vmem_shared>>
    tpu.enqueue_indirect_dma source(%dma_start3A_284 : memref<128x16xf32, #tpu.memory_space<vmem>>) target(%dma_start3A_290 : memref<10000x16xf32, #tpu.memory_space<vmem_shared>>) offsets(%dma_start3A_287 : memref<128xi32, #tpu.memory_space<vmem>>) semaphore(%arg9 : memref<!tpu.dma_semaphore, #tpu.memory_space<semaphore_mem>>) {add = true}
    %dma_wait3A_291 = arith.constant 8 : i32
    %dma_wait3A_292 = arith.constant 8 : i32
    %dma_wait3A_293 = arith.constant 0 : i32
    %dma_wait3A_294 = arith.constant 0 : i32
    %dma_wait3A_295 = tpu.memref_slice %arg7[%dma_wait3A_291, %dma_wait3A_293, %dma_wait3A_294] : memref<40x128x16xf32, #tpu.memory_space<vmem>> -> memref<1x128x16xf32, #tpu.memory_space<vmem>>
    %dma_wait3A_296 = tpu.memref_squeeze %dma_wait3A_295 : memref<1x128x16xf32, #tpu.memory_space<vmem>> -> memref<128x16xf32, #tpu.memory_space<vmem>>
    %dma_wait3A_297 = arith.constant 0 : i32
    %dma_wait3A_298 = tpu.memref_slice %arg6[%dma_wait3A_292, %dma_wait3A_297] : memref<40x128xi32, #tpu.memory_space<vmem>> -> memref<1x128xi32, #tpu.memory_space<vmem>>
    %dma_wait3A_299 = tpu.memref_squeeze %dma_wait3A_298 : memref<1x128xi32, #tpu.memory_space<vmem>> -> memref<128xi32, #tpu.memory_space<vmem>>
    %dma_wait3A_300 = arith.constant 0 : i32
    %dma_wait3A_301 = arith.constant 0 : i32
    %dma_wait3A_302 = tpu.memref_slice %arg8[%dma_wait3A_300, %dma_wait3A_301] : memref<10000x16xf32, #tpu.memory_space<vmem_shared>> -> memref<10000x16xf32, #tpu.memory_space<vmem_shared>>
    tpu.wait_indirect_dma semaphore(%arg9 : memref<!tpu.dma_semaphore, #tpu.memory_space<semaphore_mem>>) src(%dma_wait3A_296 : memref<128x16xf32, #tpu.memory_space<vmem>>) dst(%dma_wait3A_302 : memref<10000x16xf32, #tpu.memory_space<vmem_shared>>)
    %dma_wait3A_303 = arith.constant 9 : i32
    %dma_wait3A_304 = arith.constant 9 : i32
    %dma_wait3A_305 = arith.constant 0 : i32
    %dma_wait3A_306 = arith.constant 0 : i32
    %dma_wait3A_307 = tpu.memref_slice %arg7[%dma_wait3A_303, %dma_wait3A_305, %dma_wait3A_306] : memref<40x128x16xf32, #tpu.memory_space<vmem>> -> memref<1x128x16xf32, #tpu.memory_space<vmem>>
    %dma_wait3A_308 = tpu.memref_squeeze %dma_wait3A_307 : memref<1x128x16xf32, #tpu.memory_space<vmem>> -> memref<128x16xf32, #tpu.memory_space<vmem>>
    %dma_wait3A_309 = arith.constant 0 : i32
    %dma_wait3A_310 = tpu.memref_slice %arg6[%dma_wait3A_304, %dma_wait3A_309] : memref<40x128xi32, #tpu.memory_space<vmem>> -> memref<1x128xi32, #tpu.memory_space<vmem>>
    %dma_wait3A_311 = tpu.memref_squeeze %dma_wait3A_310 : memref<1x128xi32, #tpu.memory_space<vmem>> -> memref<128xi32, #tpu.memory_space<vmem>>
    %dma_wait3A_312 = arith.constant 0 : i32
    %dma_wait3A_313 = arith.constant 0 : i32
    %dma_wait3A_314 = tpu.memref_slice %arg8[%dma_wait3A_312, %dma_wait3A_313] : memref<10000x16xf32, #tpu.memory_space<vmem_shared>> -> memref<10000x16xf32, #tpu.memory_space<vmem_shared>>
    tpu.wait_indirect_dma semaphore(%arg9 : memref<!tpu.dma_semaphore, #tpu.memory_space<semaphore_mem>>) src(%dma_wait3A_308 : memref<128x16xf32, #tpu.memory_space<vmem>>) dst(%dma_wait3A_314 : memref<10000x16xf32, #tpu.memory_space<vmem_shared>>)
    %dma_wait3A_315 = arith.constant 10 : i32
    %dma_wait3A_316 = arith.constant 10 : i32
    %dma_wait3A_317 = arith.constant 0 : i32
    %dma_wait3A_318 = arith.constant 0 : i32
    %dma_wait3A_319 = tpu.memref_slice %arg7[%dma_wait3A_315, %dma_wait3A_317, %dma_wait3A_318] : memref<40x128x16xf32, #tpu.memory_space<vmem>> -> memref<1x128x16xf32, #tpu.memory_space<vmem>>
    %dma_wait3A_320 = tpu.memref_squeeze %dma_wait3A_319 : memref<1x128x16xf32, #tpu.memory_space<vmem>> -> memref<128x16xf32, #tpu.memory_space<vmem>>
    %dma_wait3A_321 = arith.constant 0 : i32
    %dma_wait3A_322 = tpu.memref_slice %arg6[%dma_wait3A_316, %dma_wait3A_321] : memref<40x128xi32, #tpu.memory_space<vmem>> -> memref<1x128xi32, #tpu.memory_space<vmem>>
    %dma_wait3A_323 = tpu.memref_squeeze %dma_wait3A_322 : memref<1x128xi32, #tpu.memory_space<vmem>> -> memref<128xi32, #tpu.memory_space<vmem>>
    %dma_wait3A_324 = arith.constant 0 : i32
    %dma_wait3A_325 = arith.constant 0 : i32
    %dma_wait3A_326 = tpu.memref_slice %arg8[%dma_wait3A_324, %dma_wait3A_325] : memref<10000x16xf32, #tpu.memory_space<vmem_shared>> -> memref<10000x16xf32, #tpu.memory_space<vmem_shared>>
    tpu.wait_indirect_dma semaphore(%arg9 : memref<!tpu.dma_semaphore, #tpu.memory_space<semaphore_mem>>) src(%dma_wait3A_320 : memref<128x16xf32, #tpu.memory_space<vmem>>) dst(%dma_wait3A_326 : memref<10000x16xf32, #tpu.memory_space<vmem_shared>>)
    %dma_wait3A_327 = arith.constant 11 : i32
    %dma_wait3A_328 = arith.constant 11 : i32
    %dma_wait3A_329 = arith.constant 0 : i32
    %dma_wait3A_330 = arith.constant 0 : i32
    %dma_wait3A_331 = tpu.memref_slice %arg7[%dma_wait3A_327, %dma_wait3A_329, %dma_wait3A_330] : memref<40x128x16xf32, #tpu.memory_space<vmem>> -> memref<1x128x16xf32, #tpu.memory_space<vmem>>
    %dma_wait3A_332 = tpu.memref_squeeze %dma_wait3A_331 : memref<1x128x16xf32, #tpu.memory_space<vmem>> -> memref<128x16xf32, #tpu.memory_space<vmem>>
    %dma_wait3A_333 = arith.constant 0 : i32
    %dma_wait3A_334 = tpu.memref_slice %arg6[%dma_wait3A_328, %dma_wait3A_333] : memref<40x128xi32, #tpu.memory_space<vmem>> -> memref<1x128xi32, #tpu.memory_space<vmem>>
    %dma_wait3A_335 = tpu.memref_squeeze %dma_wait3A_334 : memref<1x128xi32, #tpu.memory_space<vmem>> -> memref<128xi32, #tpu.memory_space<vmem>>
    %dma_wait3A_336 = arith.constant 0 : i32
    %dma_wait3A_337 = arith.constant 0 : i32
    %dma_wait3A_338 = tpu.memref_slice %arg8[%dma_wait3A_336, %dma_wait3A_337] : memref<10000x16xf32, #tpu.memory_space<vmem_shared>> -> memref<10000x16xf32, #tpu.memory_space<vmem_shared>>
    tpu.wait_indirect_dma semaphore(%arg9 : memref<!tpu.dma_semaphore, #tpu.memory_space<semaphore_mem>>) src(%dma_wait3A_332 : memref<128x16xf32, #tpu.memory_space<vmem>>) dst(%dma_wait3A_338 : memref<10000x16xf32, #tpu.memory_space<vmem_shared>>)
    %dma_wait3A_339 = arith.constant 12 : i32
    %dma_wait3A_340 = arith.constant 12 : i32
    %dma_wait3A_341 = arith.constant 0 : i32
    %dma_wait3A_342 = arith.constant 0 : i32
    %dma_wait3A_343 = tpu.memref_slice %arg7[%dma_wait3A_339, %dma_wait3A_341, %dma_wait3A_342] : memref<40x128x16xf32, #tpu.memory_space<vmem>> -> memref<1x128x16xf32, #tpu.memory_space<vmem>>
    %dma_wait3A_344 = tpu.memref_squeeze %dma_wait3A_343 : memref<1x128x16xf32, #tpu.memory_space<vmem>> -> memref<128x16xf32, #tpu.memory_space<vmem>>
    %dma_wait3A_345 = arith.constant 0 : i32
    %dma_wait3A_346 = tpu.memref_slice %arg6[%dma_wait3A_340, %dma_wait3A_345] : memref<40x128xi32, #tpu.memory_space<vmem>> -> memref<1x128xi32, #tpu.memory_space<vmem>>
    %dma_wait3A_347 = tpu.memref_squeeze %dma_wait3A_346 : memref<1x128xi32, #tpu.memory_space<vmem>> -> memref<128xi32, #tpu.memory_space<vmem>>
    %dma_wait3A_348 = arith.constant 0 : i32
    %dma_wait3A_349 = arith.constant 0 : i32
    %dma_wait3A_350 = tpu.memref_slice %arg8[%dma_wait3A_348, %dma_wait3A_349] : memref<10000x16xf32, #tpu.memory_space<vmem_shared>> -> memref<10000x16xf32, #tpu.memory_space<vmem_shared>>
    tpu.wait_indirect_dma semaphore(%arg9 : memref<!tpu.dma_semaphore, #tpu.memory_space<semaphore_mem>>) src(%dma_wait3A_344 : memref<128x16xf32, #tpu.memory_space<vmem>>) dst(%dma_wait3A_350 : memref<10000x16xf32, #tpu.memory_space<vmem_shared>>)
    %dma_wait3A_351 = arith.constant 13 : i32
    %dma_wait3A_352 = arith.constant 13 : i32
    %dma_wait3A_353 = arith.constant 0 : i32
    %dma_wait3A_354 = arith.constant 0 : i32
    %dma_wait3A_355 = tpu.memref_slice %arg7[%dma_wait3A_351, %dma_wait3A_353, %dma_wait3A_354] : memref<40x128x16xf32, #tpu.memory_space<vmem>> -> memref<1x128x16xf32, #tpu.memory_space<vmem>>
    %dma_wait3A_356 = tpu.memref_squeeze %dma_wait3A_355 : memref<1x128x16xf32, #tpu.memory_space<vmem>> -> memref<128x16xf32, #tpu.memory_space<vmem>>
    %dma_wait3A_357 = arith.constant 0 : i32
    %dma_wait3A_358 = tpu.memref_slice %arg6[%dma_wait3A_352, %dma_wait3A_357] : memref<40x128xi32, #tpu.memory_space<vmem>> -> memref<1x128xi32, #tpu.memory_space<vmem>>
    %dma_wait3A_359 = tpu.memref_squeeze %dma_wait3A_358 : memref<1x128xi32, #tpu.memory_space<vmem>> -> memref<128xi32, #tpu.memory_space<vmem>>
    %dma_wait3A_360 = arith.constant 0 : i32
    %dma_wait3A_361 = arith.constant 0 : i32
    %dma_wait3A_362 = tpu.memref_slice %arg8[%dma_wait3A_360, %dma_wait3A_361] : memref<10000x16xf32, #tpu.memory_space<vmem_shared>> -> memref<10000x16xf32, #tpu.memory_space<vmem_shared>>
    tpu.wait_indirect_dma semaphore(%arg9 : memref<!tpu.dma_semaphore, #tpu.memory_space<semaphore_mem>>) src(%dma_wait3A_356 : memref<128x16xf32, #tpu.memory_space<vmem>>) dst(%dma_wait3A_362 : memref<10000x16xf32, #tpu.memory_space<vmem_shared>>)
    %dma_wait3A_363 = arith.constant 14 : i32
    %dma_wait3A_364 = arith.constant 14 : i32
    %dma_wait3A_365 = arith.constant 0 : i32
    %dma_wait3A_366 = arith.constant 0 : i32
    %dma_wait3A_367 = tpu.memref_slice %arg7[%dma_wait3A_363, %dma_wait3A_365, %dma_wait3A_366] : memref<40x128x16xf32, #tpu.memory_space<vmem>> -> memref<1x128x16xf32, #tpu.memory_space<vmem>>
    %dma_wait3A_368 = tpu.memref_squeeze %dma_wait3A_367 : memref<1x128x16xf32, #tpu.memory_space<vmem>> -> memref<128x16xf32, #tpu.memory_space<vmem>>
    %dma_wait3A_369 = arith.constant 0 : i32
    %dma_wait3A_370 = tpu.memref_slice %arg6[%dma_wait3A_364, %dma_wait3A_369] : memref<40x128xi32, #tpu.memory_space<vmem>> -> memref<1x128xi32, #tpu.memory_space<vmem>>
    %dma_wait3A_371 = tpu.memref_squeeze %dma_wait3A_370 : memref<1x128xi32, #tpu.memory_space<vmem>> -> memref<128xi32, #tpu.memory_space<vmem>>
    %dma_wait3A_372 = arith.constant 0 : i32
    %dma_wait3A_373 = arith.constant 0 : i32
    %dma_wait3A_374 = tpu.memref_slice %arg8[%dma_wait3A_372, %dma_wait3A_373] : memref<10000x16xf32, #tpu.memory_space<vmem_shared>> -> memref<10000x16xf32, #tpu.memory_space<vmem_shared>>
    tpu.wait_indirect_dma semaphore(%arg9 : memref<!tpu.dma_semaphore, #tpu.memory_space<semaphore_mem>>) src(%dma_wait3A_368 : memref<128x16xf32, #tpu.memory_space<vmem>>) dst(%dma_wait3A_374 : memref<10000x16xf32, #tpu.memory_space<vmem_shared>>)
    %dma_wait3A_375 = arith.constant 15 : i32
    %dma_wait3A_376 = arith.constant 15 : i32
    %dma_wait3A_377 = arith.constant 0 : i32
    %dma_wait3A_378 = arith.constant 0 : i32
    %dma_wait3A_379 = tpu.memref_slice %arg7[%dma_wait3A_375, %dma_wait3A_377, %dma_wait3A_378] : memref<40x128x16xf32, #tpu.memory_space<vmem>> -> memref<1x128x16xf32, #tpu.memory_space<vmem>>
    %dma_wait3A_380 = tpu.memref_squeeze %dma_wait3A_379 : memref<1x128x16xf32, #tpu.memory_space<vmem>> -> memref<128x16xf32, #tpu.memory_space<vmem>>
    %dma_wait3A_381 = arith.constant 0 : i32
    %dma_wait3A_382 = tpu.memref_slice %arg6[%dma_wait3A_376, %dma_wait3A_381] : memref<40x128xi32, #tpu.memory_space<vmem>> -> memref<1x128xi32, #tpu.memory_space<vmem>>
    %dma_wait3A_383 = tpu.memref_squeeze %dma_wait3A_382 : memref<1x128xi32, #tpu.memory_space<vmem>> -> memref<128xi32, #tpu.memory_space<vmem>>
    %dma_wait3A_384 = arith.constant 0 : i32
    %dma_wait3A_385 = arith.constant 0 : i32
    %dma_wait3A_386 = tpu.memref_slice %arg8[%dma_wait3A_384, %dma_wait3A_385] : memref<10000x16xf32, #tpu.memory_space<vmem_shared>> -> memref<10000x16xf32, #tpu.memory_space<vmem_shared>>
    tpu.wait_indirect_dma semaphore(%arg9 : memref<!tpu.dma_semaphore, #tpu.memory_space<semaphore_mem>>) src(%dma_wait3A_380 : memref<128x16xf32, #tpu.memory_space<vmem>>) dst(%dma_wait3A_386 : memref<10000x16xf32, #tpu.memory_space<vmem_shared>>)
    %dma_start3A_387 = arith.constant 16 : i32
    %dma_start3A_388 = arith.constant 16 : i32
    %dma_start3A_389 = arith.constant 0 : i32
    %dma_start3A_390 = arith.constant 0 : i32
    %dma_start3A_391 = tpu.memref_slice %arg7[%dma_start3A_387, %dma_start3A_389, %dma_start3A_390] : memref<40x128x16xf32, #tpu.memory_space<vmem>> -> memref<1x128x16xf32, #tpu.memory_space<vmem>>
    %dma_start3A_392 = tpu.memref_squeeze %dma_start3A_391 : memref<1x128x16xf32, #tpu.memory_space<vmem>> -> memref<128x16xf32, #tpu.memory_space<vmem>>
    %dma_start3A_393 = arith.constant 0 : i32
    %dma_start3A_394 = tpu.memref_slice %arg6[%dma_start3A_388, %dma_start3A_393] : memref<40x128xi32, #tpu.memory_space<vmem>> -> memref<1x128xi32, #tpu.memory_space<vmem>>
    %dma_start3A_395 = tpu.memref_squeeze %dma_start3A_394 : memref<1x128xi32, #tpu.memory_space<vmem>> -> memref<128xi32, #tpu.memory_space<vmem>>
    %dma_start3A_396 = arith.constant 0 : i32
    %dma_start3A_397 = arith.constant 0 : i32
    %dma_start3A_398 = tpu.memref_slice %arg8[%dma_start3A_396, %dma_start3A_397] : memref<10000x16xf32, #tpu.memory_space<vmem_shared>> -> memref<10000x16xf32, #tpu.memory_space<vmem_shared>>
    tpu.enqueue_indirect_dma source(%dma_start3A_392 : memref<128x16xf32, #tpu.memory_space<vmem>>) target(%dma_start3A_398 : memref<10000x16xf32, #tpu.memory_space<vmem_shared>>) offsets(%dma_start3A_395 : memref<128xi32, #tpu.memory_space<vmem>>) semaphore(%arg9 : memref<!tpu.dma_semaphore, #tpu.memory_space<semaphore_mem>>) {add = true}
    %dma_start3A_399 = arith.constant 17 : i32
    %dma_start3A_400 = arith.constant 17 : i32
    %dma_start3A_401 = arith.constant 0 : i32
    %dma_start3A_402 = arith.constant 0 : i32
    %dma_start3A_403 = tpu.memref_slice %arg7[%dma_start3A_399, %dma_start3A_401, %dma_start3A_402] : memref<40x128x16xf32, #tpu.memory_space<vmem>> -> memref<1x128x16xf32, #tpu.memory_space<vmem>>
    %dma_start3A_404 = tpu.memref_squeeze %dma_start3A_403 : memref<1x128x16xf32, #tpu.memory_space<vmem>> -> memref<128x16xf32, #tpu.memory_space<vmem>>
    %dma_start3A_405 = arith.constant 0 : i32
    %dma_start3A_406 = tpu.memref_slice %arg6[%dma_start3A_400, %dma_start3A_405] : memref<40x128xi32, #tpu.memory_space<vmem>> -> memref<1x128xi32, #tpu.memory_space<vmem>>
    %dma_start3A_407 = tpu.memref_squeeze %dma_start3A_406 : memref<1x128xi32, #tpu.memory_space<vmem>> -> memref<128xi32, #tpu.memory_space<vmem>>
    %dma_start3A_408 = arith.constant 0 : i32
    %dma_start3A_409 = arith.constant 0 : i32
    %dma_start3A_410 = tpu.memref_slice %arg8[%dma_start3A_408, %dma_start3A_409] : memref<10000x16xf32, #tpu.memory_space<vmem_shared>> -> memref<10000x16xf32, #tpu.memory_space<vmem_shared>>
    tpu.enqueue_indirect_dma source(%dma_start3A_404 : memref<128x16xf32, #tpu.memory_space<vmem>>) target(%dma_start3A_410 : memref<10000x16xf32, #tpu.memory_space<vmem_shared>>) offsets(%dma_start3A_407 : memref<128xi32, #tpu.memory_space<vmem>>) semaphore(%arg9 : memref<!tpu.dma_semaphore, #tpu.memory_space<semaphore_mem>>) {add = true}
    %dma_start3A_411 = arith.constant 18 : i32
    %dma_start3A_412 = arith.constant 18 : i32
    %dma_start3A_413 = arith.constant 0 : i32
    %dma_start3A_414 = arith.constant 0 : i32
    %dma_start3A_415 = tpu.memref_slice %arg7[%dma_start3A_411, %dma_start3A_413, %dma_start3A_414] : memref<40x128x16xf32, #tpu.memory_space<vmem>> -> memref<1x128x16xf32, #tpu.memory_space<vmem>>
    %dma_start3A_416 = tpu.memref_squeeze %dma_start3A_415 : memref<1x128x16xf32, #tpu.memory_space<vmem>> -> memref<128x16xf32, #tpu.memory_space<vmem>>
    %dma_start3A_417 = arith.constant 0 : i32
    %dma_start3A_418 = tpu.memref_slice %arg6[%dma_start3A_412, %dma_start3A_417] : memref<40x128xi32, #tpu.memory_space<vmem>> -> memref<1x128xi32, #tpu.memory_space<vmem>>
    %dma_start3A_419 = tpu.memref_squeeze %dma_start3A_418 : memref<1x128xi32, #tpu.memory_space<vmem>> -> memref<128xi32, #tpu.memory_space<vmem>>
    %dma_start3A_420 = arith.constant 0 : i32
    %dma_start3A_421 = arith.constant 0 : i32
    %dma_start3A_422 = tpu.memref_slice %arg8[%dma_start3A_420, %dma_start3A_421] : memref<10000x16xf32, #tpu.memory_space<vmem_shared>> -> memref<10000x16xf32, #tpu.memory_space<vmem_shared>>
    tpu.enqueue_indirect_dma source(%dma_start3A_416 : memref<128x16xf32, #tpu.memory_space<vmem>>) target(%dma_start3A_422 : memref<10000x16xf32, #tpu.memory_space<vmem_shared>>) offsets(%dma_start3A_419 : memref<128xi32, #tpu.memory_space<vmem>>) semaphore(%arg9 : memref<!tpu.dma_semaphore, #tpu.memory_space<semaphore_mem>>) {add = true}
    %dma_start3A_423 = arith.constant 19 : i32
    %dma_start3A_424 = arith.constant 19 : i32
    %dma_start3A_425 = arith.constant 0 : i32
    %dma_start3A_426 = arith.constant 0 : i32
    %dma_start3A_427 = tpu.memref_slice %arg7[%dma_start3A_423, %dma_start3A_425, %dma_start3A_426] : memref<40x128x16xf32, #tpu.memory_space<vmem>> -> memref<1x128x16xf32, #tpu.memory_space<vmem>>
    %dma_start3A_428 = tpu.memref_squeeze %dma_start3A_427 : memref<1x128x16xf32, #tpu.memory_space<vmem>> -> memref<128x16xf32, #tpu.memory_space<vmem>>
    %dma_start3A_429 = arith.constant 0 : i32
    %dma_start3A_430 = tpu.memref_slice %arg6[%dma_start3A_424, %dma_start3A_429] : memref<40x128xi32, #tpu.memory_space<vmem>> -> memref<1x128xi32, #tpu.memory_space<vmem>>
    %dma_start3A_431 = tpu.memref_squeeze %dma_start3A_430 : memref<1x128xi32, #tpu.memory_space<vmem>> -> memref<128xi32, #tpu.memory_space<vmem>>
    %dma_start3A_432 = arith.constant 0 : i32
    %dma_start3A_433 = arith.constant 0 : i32
    %dma_start3A_434 = tpu.memref_slice %arg8[%dma_start3A_432, %dma_start3A_433] : memref<10000x16xf32, #tpu.memory_space<vmem_shared>> -> memref<10000x16xf32, #tpu.memory_space<vmem_shared>>
    tpu.enqueue_indirect_dma source(%dma_start3A_428 : memref<128x16xf32, #tpu.memory_space<vmem>>) target(%dma_start3A_434 : memref<10000x16xf32, #tpu.memory_space<vmem_shared>>) offsets(%dma_start3A_431 : memref<128xi32, #tpu.memory_space<vmem>>) semaphore(%arg9 : memref<!tpu.dma_semaphore, #tpu.memory_space<semaphore_mem>>) {add = true}
    %dma_start3A_435 = arith.constant 20 : i32
    %dma_start3A_436 = arith.constant 20 : i32
    %dma_start3A_437 = arith.constant 0 : i32
    %dma_start3A_438 = arith.constant 0 : i32
    %dma_start3A_439 = tpu.memref_slice %arg7[%dma_start3A_435, %dma_start3A_437, %dma_start3A_438] : memref<40x128x16xf32, #tpu.memory_space<vmem>> -> memref<1x128x16xf32, #tpu.memory_space<vmem>>
    %dma_start3A_440 = tpu.memref_squeeze %dma_start3A_439 : memref<1x128x16xf32, #tpu.memory_space<vmem>> -> memref<128x16xf32, #tpu.memory_space<vmem>>
    %dma_start3A_441 = arith.constant 0 : i32
    %dma_start3A_442 = tpu.memref_slice %arg6[%dma_start3A_436, %dma_start3A_441] : memref<40x128xi32, #tpu.memory_space<vmem>> -> memref<1x128xi32, #tpu.memory_space<vmem>>
    %dma_start3A_443 = tpu.memref_squeeze %dma_start3A_442 : memref<1x128xi32, #tpu.memory_space<vmem>> -> memref<128xi32, #tpu.memory_space<vmem>>
    %dma_start3A_444 = arith.constant 0 : i32
    %dma_start3A_445 = arith.constant 0 : i32
    %dma_start3A_446 = tpu.memref_slice %arg8[%dma_start3A_444, %dma_start3A_445] : memref<10000x16xf32, #tpu.memory_space<vmem_shared>> -> memref<10000x16xf32, #tpu.memory_space<vmem_shared>>
    tpu.enqueue_indirect_dma source(%dma_start3A_440 : memref<128x16xf32, #tpu.memory_space<vmem>>) target(%dma_start3A_446 : memref<10000x16xf32, #tpu.memory_space<vmem_shared>>) offsets(%dma_start3A_443 : memref<128xi32, #tpu.memory_space<vmem>>) semaphore(%arg9 : memref<!tpu.dma_semaphore, #tpu.memory_space<semaphore_mem>>) {add = true}
    %dma_start3A_447 = arith.constant 21 : i32
    %dma_start3A_448 = arith.constant 21 : i32
    %dma_start3A_449 = arith.constant 0 : i32
    %dma_start3A_450 = arith.constant 0 : i32
    %dma_start3A_451 = tpu.memref_slice %arg7[%dma_start3A_447, %dma_start3A_449, %dma_start3A_450] : memref<40x128x16xf32, #tpu.memory_space<vmem>> -> memref<1x128x16xf32, #tpu.memory_space<vmem>>
    %dma_start3A_452 = tpu.memref_squeeze %dma_start3A_451 : memref<1x128x16xf32, #tpu.memory_space<vmem>> -> memref<128x16xf32, #tpu.memory_space<vmem>>
    %dma_start3A_453 = arith.constant 0 : i32
    %dma_start3A_454 = tpu.memref_slice %arg6[%dma_start3A_448, %dma_start3A_453] : memref<40x128xi32, #tpu.memory_space<vmem>> -> memref<1x128xi32, #tpu.memory_space<vmem>>
    %dma_start3A_455 = tpu.memref_squeeze %dma_start3A_454 : memref<1x128xi32, #tpu.memory_space<vmem>> -> memref<128xi32, #tpu.memory_space<vmem>>
    %dma_start3A_456 = arith.constant 0 : i32
    %dma_start3A_457 = arith.constant 0 : i32
    %dma_start3A_458 = tpu.memref_slice %arg8[%dma_start3A_456, %dma_start3A_457] : memref<10000x16xf32, #tpu.memory_space<vmem_shared>> -> memref<10000x16xf32, #tpu.memory_space<vmem_shared>>
    tpu.enqueue_indirect_dma source(%dma_start3A_452 : memref<128x16xf32, #tpu.memory_space<vmem>>) target(%dma_start3A_458 : memref<10000x16xf32, #tpu.memory_space<vmem_shared>>) offsets(%dma_start3A_455 : memref<128xi32, #tpu.memory_space<vmem>>) semaphore(%arg9 : memref<!tpu.dma_semaphore, #tpu.memory_space<semaphore_mem>>) {add = true}
    %dma_start3A_459 = arith.constant 22 : i32
    %dma_start3A_460 = arith.constant 22 : i32
    %dma_start3A_461 = arith.constant 0 : i32
    %dma_start3A_462 = arith.constant 0 : i32
    %dma_start3A_463 = tpu.memref_slice %arg7[%dma_start3A_459, %dma_start3A_461, %dma_start3A_462] : memref<40x128x16xf32, #tpu.memory_space<vmem>> -> memref<1x128x16xf32, #tpu.memory_space<vmem>>
    %dma_start3A_464 = tpu.memref_squeeze %dma_start3A_463 : memref<1x128x16xf32, #tpu.memory_space<vmem>> -> memref<128x16xf32, #tpu.memory_space<vmem>>
    %dma_start3A_465 = arith.constant 0 : i32
    %dma_start3A_466 = tpu.memref_slice %arg6[%dma_start3A_460, %dma_start3A_465] : memref<40x128xi32, #tpu.memory_space<vmem>> -> memref<1x128xi32, #tpu.memory_space<vmem>>
    %dma_start3A_467 = tpu.memref_squeeze %dma_start3A_466 : memref<1x128xi32, #tpu.memory_space<vmem>> -> memref<128xi32, #tpu.memory_space<vmem>>
    %dma_start3A_468 = arith.constant 0 : i32
    %dma_start3A_469 = arith.constant 0 : i32
    %dma_start3A_470 = tpu.memref_slice %arg8[%dma_start3A_468, %dma_start3A_469] : memref<10000x16xf32, #tpu.memory_space<vmem_shared>> -> memref<10000x16xf32, #tpu.memory_space<vmem_shared>>
    tpu.enqueue_indirect_dma source(%dma_start3A_464 : memref<128x16xf32, #tpu.memory_space<vmem>>) target(%dma_start3A_470 : memref<10000x16xf32, #tpu.memory_space<vmem_shared>>) offsets(%dma_start3A_467 : memref<128xi32, #tpu.memory_space<vmem>>) semaphore(%arg9 : memref<!tpu.dma_semaphore, #tpu.memory_space<semaphore_mem>>) {add = true}
    %dma_start3A_471 = arith.constant 23 : i32
    %dma_start3A_472 = arith.constant 23 : i32
    %dma_start3A_473 = arith.constant 0 : i32
    %dma_start3A_474 = arith.constant 0 : i32
    %dma_start3A_475 = tpu.memref_slice %arg7[%dma_start3A_471, %dma_start3A_473, %dma_start3A_474] : memref<40x128x16xf32, #tpu.memory_space<vmem>> -> memref<1x128x16xf32, #tpu.memory_space<vmem>>
    %dma_start3A_476 = tpu.memref_squeeze %dma_start3A_475 : memref<1x128x16xf32, #tpu.memory_space<vmem>> -> memref<128x16xf32, #tpu.memory_space<vmem>>
    %dma_start3A_477 = arith.constant 0 : i32
    %dma_start3A_478 = tpu.memref_slice %arg6[%dma_start3A_472, %dma_start3A_477] : memref<40x128xi32, #tpu.memory_space<vmem>> -> memref<1x128xi32, #tpu.memory_space<vmem>>
    %dma_start3A_479 = tpu.memref_squeeze %dma_start3A_478 : memref<1x128xi32, #tpu.memory_space<vmem>> -> memref<128xi32, #tpu.memory_space<vmem>>
    %dma_start3A_480 = arith.constant 0 : i32
    %dma_start3A_481 = arith.constant 0 : i32
    %dma_start3A_482 = tpu.memref_slice %arg8[%dma_start3A_480, %dma_start3A_481] : memref<10000x16xf32, #tpu.memory_space<vmem_shared>> -> memref<10000x16xf32, #tpu.memory_space<vmem_shared>>
    tpu.enqueue_indirect_dma source(%dma_start3A_476 : memref<128x16xf32, #tpu.memory_space<vmem>>) target(%dma_start3A_482 : memref<10000x16xf32, #tpu.memory_space<vmem_shared>>) offsets(%dma_start3A_479 : memref<128xi32, #tpu.memory_space<vmem>>) semaphore(%arg9 : memref<!tpu.dma_semaphore, #tpu.memory_space<semaphore_mem>>) {add = true}
    %dma_wait3A_483 = arith.constant 16 : i32
    %dma_wait3A_484 = arith.constant 16 : i32
    %dma_wait3A_485 = arith.constant 0 : i32
    %dma_wait3A_486 = arith.constant 0 : i32
    %dma_wait3A_487 = tpu.memref_slice %arg7[%dma_wait3A_483, %dma_wait3A_485, %dma_wait3A_486] : memref<40x128x16xf32, #tpu.memory_space<vmem>> -> memref<1x128x16xf32, #tpu.memory_space<vmem>>
    %dma_wait3A_488 = tpu.memref_squeeze %dma_wait3A_487 : memref<1x128x16xf32, #tpu.memory_space<vmem>> -> memref<128x16xf32, #tpu.memory_space<vmem>>
    %dma_wait3A_489 = arith.constant 0 : i32
    %dma_wait3A_490 = tpu.memref_slice %arg6[%dma_wait3A_484, %dma_wait3A_489] : memref<40x128xi32, #tpu.memory_space<vmem>> -> memref<1x128xi32, #tpu.memory_space<vmem>>
    %dma_wait3A_491 = tpu.memref_squeeze %dma_wait3A_490 : memref<1x128xi32, #tpu.memory_space<vmem>> -> memref<128xi32, #tpu.memory_space<vmem>>
    %dma_wait3A_492 = arith.constant 0 : i32
    %dma_wait3A_493 = arith.constant 0 : i32
    %dma_wait3A_494 = tpu.memref_slice %arg8[%dma_wait3A_492, %dma_wait3A_493] : memref<10000x16xf32, #tpu.memory_space<vmem_shared>> -> memref<10000x16xf32, #tpu.memory_space<vmem_shared>>
    tpu.wait_indirect_dma semaphore(%arg9 : memref<!tpu.dma_semaphore, #tpu.memory_space<semaphore_mem>>) src(%dma_wait3A_488 : memref<128x16xf32, #tpu.memory_space<vmem>>) dst(%dma_wait3A_494 : memref<10000x16xf32, #tpu.memory_space<vmem_shared>>)
    %dma_wait3A_495 = arith.constant 17 : i32
    %dma_wait3A_496 = arith.constant 17 : i32
    %dma_wait3A_497 = arith.constant 0 : i32
    %dma_wait3A_498 = arith.constant 0 : i32
    %dma_wait3A_499 = tpu.memref_slice %arg7[%dma_wait3A_495, %dma_wait3A_497, %dma_wait3A_498] : memref<40x128x16xf32, #tpu.memory_space<vmem>> -> memref<1x128x16xf32, #tpu.memory_space<vmem>>
    %dma_wait3A_500 = tpu.memref_squeeze %dma_wait3A_499 : memref<1x128x16xf32, #tpu.memory_space<vmem>> -> memref<128x16xf32, #tpu.memory_space<vmem>>
    %dma_wait3A_501 = arith.constant 0 : i32
    %dma_wait3A_502 = tpu.memref_slice %arg6[%dma_wait3A_496, %dma_wait3A_501] : memref<40x128xi32, #tpu.memory_space<vmem>> -> memref<1x128xi32, #tpu.memory_space<vmem>>
    %dma_wait3A_503 = tpu.memref_squeeze %dma_wait3A_502 : memref<1x128xi32, #tpu.memory_space<vmem>> -> memref<128xi32, #tpu.memory_space<vmem>>
    %dma_wait3A_504 = arith.constant 0 : i32
    %dma_wait3A_505 = arith.constant 0 : i32
    %dma_wait3A_506 = tpu.memref_slice %arg8[%dma_wait3A_504, %dma_wait3A_505] : memref<10000x16xf32, #tpu.memory_space<vmem_shared>> -> memref<10000x16xf32, #tpu.memory_space<vmem_shared>>
    tpu.wait_indirect_dma semaphore(%arg9 : memref<!tpu.dma_semaphore, #tpu.memory_space<semaphore_mem>>) src(%dma_wait3A_500 : memref<128x16xf32, #tpu.memory_space<vmem>>) dst(%dma_wait3A_506 : memref<10000x16xf32, #tpu.memory_space<vmem_shared>>)
    %dma_wait3A_507 = arith.constant 18 : i32
    %dma_wait3A_508 = arith.constant 18 : i32
    %dma_wait3A_509 = arith.constant 0 : i32
    %dma_wait3A_510 = arith.constant 0 : i32
    %dma_wait3A_511 = tpu.memref_slice %arg7[%dma_wait3A_507, %dma_wait3A_509, %dma_wait3A_510] : memref<40x128x16xf32, #tpu.memory_space<vmem>> -> memref<1x128x16xf32, #tpu.memory_space<vmem>>
    %dma_wait3A_512 = tpu.memref_squeeze %dma_wait3A_511 : memref<1x128x16xf32, #tpu.memory_space<vmem>> -> memref<128x16xf32, #tpu.memory_space<vmem>>
    %dma_wait3A_513 = arith.constant 0 : i32
    %dma_wait3A_514 = tpu.memref_slice %arg6[%dma_wait3A_508, %dma_wait3A_513] : memref<40x128xi32, #tpu.memory_space<vmem>> -> memref<1x128xi32, #tpu.memory_space<vmem>>
    %dma_wait3A_515 = tpu.memref_squeeze %dma_wait3A_514 : memref<1x128xi32, #tpu.memory_space<vmem>> -> memref<128xi32, #tpu.memory_space<vmem>>
    %dma_wait3A_516 = arith.constant 0 : i32
    %dma_wait3A_517 = arith.constant 0 : i32
    %dma_wait3A_518 = tpu.memref_slice %arg8[%dma_wait3A_516, %dma_wait3A_517] : memref<10000x16xf32, #tpu.memory_space<vmem_shared>> -> memref<10000x16xf32, #tpu.memory_space<vmem_shared>>
    tpu.wait_indirect_dma semaphore(%arg9 : memref<!tpu.dma_semaphore, #tpu.memory_space<semaphore_mem>>) src(%dma_wait3A_512 : memref<128x16xf32, #tpu.memory_space<vmem>>) dst(%dma_wait3A_518 : memref<10000x16xf32, #tpu.memory_space<vmem_shared>>)
    %dma_wait3A_519 = arith.constant 19 : i32
    %dma_wait3A_520 = arith.constant 19 : i32
    %dma_wait3A_521 = arith.constant 0 : i32
    %dma_wait3A_522 = arith.constant 0 : i32
    %dma_wait3A_523 = tpu.memref_slice %arg7[%dma_wait3A_519, %dma_wait3A_521, %dma_wait3A_522] : memref<40x128x16xf32, #tpu.memory_space<vmem>> -> memref<1x128x16xf32, #tpu.memory_space<vmem>>
    %dma_wait3A_524 = tpu.memref_squeeze %dma_wait3A_523 : memref<1x128x16xf32, #tpu.memory_space<vmem>> -> memref<128x16xf32, #tpu.memory_space<vmem>>
    %dma_wait3A_525 = arith.constant 0 : i32
    %dma_wait3A_526 = tpu.memref_slice %arg6[%dma_wait3A_520, %dma_wait3A_525] : memref<40x128xi32, #tpu.memory_space<vmem>> -> memref<1x128xi32, #tpu.memory_space<vmem>>
    %dma_wait3A_527 = tpu.memref_squeeze %dma_wait3A_526 : memref<1x128xi32, #tpu.memory_space<vmem>> -> memref<128xi32, #tpu.memory_space<vmem>>
    %dma_wait3A_528 = arith.constant 0 : i32
    %dma_wait3A_529 = arith.constant 0 : i32
    %dma_wait3A_530 = tpu.memref_slice %arg8[%dma_wait3A_528, %dma_wait3A_529] : memref<10000x16xf32, #tpu.memory_space<vmem_shared>> -> memref<10000x16xf32, #tpu.memory_space<vmem_shared>>
    tpu.wait_indirect_dma semaphore(%arg9 : memref<!tpu.dma_semaphore, #tpu.memory_space<semaphore_mem>>) src(%dma_wait3A_524 : memref<128x16xf32, #tpu.memory_space<vmem>>) dst(%dma_wait3A_530 : memref<10000x16xf32, #tpu.memory_space<vmem_shared>>)
    %dma_wait3A_531 = arith.constant 20 : i32
    %dma_wait3A_532 = arith.constant 20 : i32
    %dma_wait3A_533 = arith.constant 0 : i32
    %dma_wait3A_534 = arith.constant 0 : i32
    %dma_wait3A_535 = tpu.memref_slice %arg7[%dma_wait3A_531, %dma_wait3A_533, %dma_wait3A_534] : memref<40x128x16xf32, #tpu.memory_space<vmem>> -> memref<1x128x16xf32, #tpu.memory_space<vmem>>
    %dma_wait3A_536 = tpu.memref_squeeze %dma_wait3A_535 : memref<1x128x16xf32, #tpu.memory_space<vmem>> -> memref<128x16xf32, #tpu.memory_space<vmem>>
    %dma_wait3A_537 = arith.constant 0 : i32
    %dma_wait3A_538 = tpu.memref_slice %arg6[%dma_wait3A_532, %dma_wait3A_537] : memref<40x128xi32, #tpu.memory_space<vmem>> -> memref<1x128xi32, #tpu.memory_space<vmem>>
    %dma_wait3A_539 = tpu.memref_squeeze %dma_wait3A_538 : memref<1x128xi32, #tpu.memory_space<vmem>> -> memref<128xi32, #tpu.memory_space<vmem>>
    %dma_wait3A_540 = arith.constant 0 : i32
    %dma_wait3A_541 = arith.constant 0 : i32
    %dma_wait3A_542 = tpu.memref_slice %arg8[%dma_wait3A_540, %dma_wait3A_541] : memref<10000x16xf32, #tpu.memory_space<vmem_shared>> -> memref<10000x16xf32, #tpu.memory_space<vmem_shared>>
    tpu.wait_indirect_dma semaphore(%arg9 : memref<!tpu.dma_semaphore, #tpu.memory_space<semaphore_mem>>) src(%dma_wait3A_536 : memref<128x16xf32, #tpu.memory_space<vmem>>) dst(%dma_wait3A_542 : memref<10000x16xf32, #tpu.memory_space<vmem_shared>>)
    %dma_wait3A_543 = arith.constant 21 : i32
    %dma_wait3A_544 = arith.constant 21 : i32
    %dma_wait3A_545 = arith.constant 0 : i32
    %dma_wait3A_546 = arith.constant 0 : i32
    %dma_wait3A_547 = tpu.memref_slice %arg7[%dma_wait3A_543, %dma_wait3A_545, %dma_wait3A_546] : memref<40x128x16xf32, #tpu.memory_space<vmem>> -> memref<1x128x16xf32, #tpu.memory_space<vmem>>
    %dma_wait3A_548 = tpu.memref_squeeze %dma_wait3A_547 : memref<1x128x16xf32, #tpu.memory_space<vmem>> -> memref<128x16xf32, #tpu.memory_space<vmem>>
    %dma_wait3A_549 = arith.constant 0 : i32
    %dma_wait3A_550 = tpu.memref_slice %arg6[%dma_wait3A_544, %dma_wait3A_549] : memref<40x128xi32, #tpu.memory_space<vmem>> -> memref<1x128xi32, #tpu.memory_space<vmem>>
    %dma_wait3A_551 = tpu.memref_squeeze %dma_wait3A_550 : memref<1x128xi32, #tpu.memory_space<vmem>> -> memref<128xi32, #tpu.memory_space<vmem>>
    %dma_wait3A_552 = arith.constant 0 : i32
    %dma_wait3A_553 = arith.constant 0 : i32
    %dma_wait3A_554 = tpu.memref_slice %arg8[%dma_wait3A_552, %dma_wait3A_553] : memref<10000x16xf32, #tpu.memory_space<vmem_shared>> -> memref<10000x16xf32, #tpu.memory_space<vmem_shared>>
    tpu.wait_indirect_dma semaphore(%arg9 : memref<!tpu.dma_semaphore, #tpu.memory_space<semaphore_mem>>) src(%dma_wait3A_548 : memref<128x16xf32, #tpu.memory_space<vmem>>) dst(%dma_wait3A_554 : memref<10000x16xf32, #tpu.memory_space<vmem_shared>>)
    %dma_wait3A_555 = arith.constant 22 : i32
    %dma_wait3A_556 = arith.constant 22 : i32
    %dma_wait3A_557 = arith.constant 0 : i32
    %dma_wait3A_558 = arith.constant 0 : i32
    %dma_wait3A_559 = tpu.memref_slice %arg7[%dma_wait3A_555, %dma_wait3A_557, %dma_wait3A_558] : memref<40x128x16xf32, #tpu.memory_space<vmem>> -> memref<1x128x16xf32, #tpu.memory_space<vmem>>
    %dma_wait3A_560 = tpu.memref_squeeze %dma_wait3A_559 : memref<1x128x16xf32, #tpu.memory_space<vmem>> -> memref<128x16xf32, #tpu.memory_space<vmem>>
    %dma_wait3A_561 = arith.constant 0 : i32
    %dma_wait3A_562 = tpu.memref_slice %arg6[%dma_wait3A_556, %dma_wait3A_561] : memref<40x128xi32, #tpu.memory_space<vmem>> -> memref<1x128xi32, #tpu.memory_space<vmem>>
    %dma_wait3A_563 = tpu.memref_squeeze %dma_wait3A_562 : memref<1x128xi32, #tpu.memory_space<vmem>> -> memref<128xi32, #tpu.memory_space<vmem>>
    %dma_wait3A_564 = arith.constant 0 : i32
    %dma_wait3A_565 = arith.constant 0 : i32
    %dma_wait3A_566 = tpu.memref_slice %arg8[%dma_wait3A_564, %dma_wait3A_565] : memref<10000x16xf32, #tpu.memory_space<vmem_shared>> -> memref<10000x16xf32, #tpu.memory_space<vmem_shared>>
    tpu.wait_indirect_dma semaphore(%arg9 : memref<!tpu.dma_semaphore, #tpu.memory_space<semaphore_mem>>) src(%dma_wait3A_560 : memref<128x16xf32, #tpu.memory_space<vmem>>) dst(%dma_wait3A_566 : memref<10000x16xf32, #tpu.memory_space<vmem_shared>>)
    %dma_wait3A_567 = arith.constant 23 : i32
    %dma_wait3A_568 = arith.constant 23 : i32
    %dma_wait3A_569 = arith.constant 0 : i32
    %dma_wait3A_570 = arith.constant 0 : i32
    %dma_wait3A_571 = tpu.memref_slice %arg7[%dma_wait3A_567, %dma_wait3A_569, %dma_wait3A_570] : memref<40x128x16xf32, #tpu.memory_space<vmem>> -> memref<1x128x16xf32, #tpu.memory_space<vmem>>
    %dma_wait3A_572 = tpu.memref_squeeze %dma_wait3A_571 : memref<1x128x16xf32, #tpu.memory_space<vmem>> -> memref<128x16xf32, #tpu.memory_space<vmem>>
    %dma_wait3A_573 = arith.constant 0 : i32
    %dma_wait3A_574 = tpu.memref_slice %arg6[%dma_wait3A_568, %dma_wait3A_573] : memref<40x128xi32, #tpu.memory_space<vmem>> -> memref<1x128xi32, #tpu.memory_space<vmem>>
    %dma_wait3A_575 = tpu.memref_squeeze %dma_wait3A_574 : memref<1x128xi32, #tpu.memory_space<vmem>> -> memref<128xi32, #tpu.memory_space<vmem>>
    %dma_wait3A_576 = arith.constant 0 : i32
    %dma_wait3A_577 = arith.constant 0 : i32
    %dma_wait3A_578 = tpu.memref_slice %arg8[%dma_wait3A_576, %dma_wait3A_577] : memref<10000x16xf32, #tpu.memory_space<vmem_shared>> -> memref<10000x16xf32, #tpu.memory_space<vmem_shared>>
    tpu.wait_indirect_dma semaphore(%arg9 : memref<!tpu.dma_semaphore, #tpu.memory_space<semaphore_mem>>) src(%dma_wait3A_572 : memref<128x16xf32, #tpu.memory_space<vmem>>) dst(%dma_wait3A_578 : memref<10000x16xf32, #tpu.memory_space<vmem_shared>>)
    %dma_start3A_579 = arith.constant 24 : i32
    %dma_start3A_580 = arith.constant 24 : i32
    %dma_start3A_581 = arith.constant 0 : i32
    %dma_start3A_582 = arith.constant 0 : i32
    %dma_start3A_583 = tpu.memref_slice %arg7[%dma_start3A_579, %dma_start3A_581, %dma_start3A_582] : memref<40x128x16xf32, #tpu.memory_space<vmem>> -> memref<1x128x16xf32, #tpu.memory_space<vmem>>
    %dma_start3A_584 = tpu.memref_squeeze %dma_start3A_583 : memref<1x128x16xf32, #tpu.memory_space<vmem>> -> memref<128x16xf32, #tpu.memory_space<vmem>>
    %dma_start3A_585 = arith.constant 0 : i32
    %dma_start3A_586 = tpu.memref_slice %arg6[%dma_start3A_580, %dma_start3A_585] : memref<40x128xi32, #tpu.memory_space<vmem>> -> memref<1x128xi32, #tpu.memory_space<vmem>>
    %dma_start3A_587 = tpu.memref_squeeze %dma_start3A_586 : memref<1x128xi32, #tpu.memory_space<vmem>> -> memref<128xi32, #tpu.memory_space<vmem>>
    %dma_start3A_588 = arith.constant 0 : i32
    %dma_start3A_589 = arith.constant 0 : i32
    %dma_start3A_590 = tpu.memref_slice %arg8[%dma_start3A_588, %dma_start3A_589] : memref<10000x16xf32, #tpu.memory_space<vmem_shared>> -> memref<10000x16xf32, #tpu.memory_space<vmem_shared>>
    tpu.enqueue_indirect_dma source(%dma_start3A_584 : memref<128x16xf32, #tpu.memory_space<vmem>>) target(%dma_start3A_590 : memref<10000x16xf32, #tpu.memory_space<vmem_shared>>) offsets(%dma_start3A_587 : memref<128xi32, #tpu.memory_space<vmem>>) semaphore(%arg9 : memref<!tpu.dma_semaphore, #tpu.memory_space<semaphore_mem>>) {add = true}
    %dma_start3A_591 = arith.constant 25 : i32
    %dma_start3A_592 = arith.constant 25 : i32
    %dma_start3A_593 = arith.constant 0 : i32
    %dma_start3A_594 = arith.constant 0 : i32
    %dma_start3A_595 = tpu.memref_slice %arg7[%dma_start3A_591, %dma_start3A_593, %dma_start3A_594] : memref<40x128x16xf32, #tpu.memory_space<vmem>> -> memref<1x128x16xf32, #tpu.memory_space<vmem>>
    %dma_start3A_596 = tpu.memref_squeeze %dma_start3A_595 : memref<1x128x16xf32, #tpu.memory_space<vmem>> -> memref<128x16xf32, #tpu.memory_space<vmem>>
    %dma_start3A_597 = arith.constant 0 : i32
    %dma_start3A_598 = tpu.memref_slice %arg6[%dma_start3A_592, %dma_start3A_597] : memref<40x128xi32, #tpu.memory_space<vmem>> -> memref<1x128xi32, #tpu.memory_space<vmem>>
    %dma_start3A_599 = tpu.memref_squeeze %dma_start3A_598 : memref<1x128xi32, #tpu.memory_space<vmem>> -> memref<128xi32, #tpu.memory_space<vmem>>
    %dma_start3A_600 = arith.constant 0 : i32
    %dma_start3A_601 = arith.constant 0 : i32
    %dma_start3A_602 = tpu.memref_slice %arg8[%dma_start3A_600, %dma_start3A_601] : memref<10000x16xf32, #tpu.memory_space<vmem_shared>> -> memref<10000x16xf32, #tpu.memory_space<vmem_shared>>
    tpu.enqueue_indirect_dma source(%dma_start3A_596 : memref<128x16xf32, #tpu.memory_space<vmem>>) target(%dma_start3A_602 : memref<10000x16xf32, #tpu.memory_space<vmem_shared>>) offsets(%dma_start3A_599 : memref<128xi32, #tpu.memory_space<vmem>>) semaphore(%arg9 : memref<!tpu.dma_semaphore, #tpu.memory_space<semaphore_mem>>) {add = true}
    %dma_start3A_603 = arith.constant 26 : i32
    %dma_start3A_604 = arith.constant 26 : i32
    %dma_start3A_605 = arith.constant 0 : i32
    %dma_start3A_606 = arith.constant 0 : i32
    %dma_start3A_607 = tpu.memref_slice %arg7[%dma_start3A_603, %dma_start3A_605, %dma_start3A_606] : memref<40x128x16xf32, #tpu.memory_space<vmem>> -> memref<1x128x16xf32, #tpu.memory_space<vmem>>
    %dma_start3A_608 = tpu.memref_squeeze %dma_start3A_607 : memref<1x128x16xf32, #tpu.memory_space<vmem>> -> memref<128x16xf32, #tpu.memory_space<vmem>>
    %dma_start3A_609 = arith.constant 0 : i32
    %dma_start3A_610 = tpu.memref_slice %arg6[%dma_start3A_604, %dma_start3A_609] : memref<40x128xi32, #tpu.memory_space<vmem>> -> memref<1x128xi32, #tpu.memory_space<vmem>>
    %dma_start3A_611 = tpu.memref_squeeze %dma_start3A_610 : memref<1x128xi32, #tpu.memory_space<vmem>> -> memref<128xi32, #tpu.memory_space<vmem>>
    %dma_start3A_612 = arith.constant 0 : i32
    %dma_start3A_613 = arith.constant 0 : i32
    %dma_start3A_614 = tpu.memref_slice %arg8[%dma_start3A_612, %dma_start3A_613] : memref<10000x16xf32, #tpu.memory_space<vmem_shared>> -> memref<10000x16xf32, #tpu.memory_space<vmem_shared>>
    tpu.enqueue_indirect_dma source(%dma_start3A_608 : memref<128x16xf32, #tpu.memory_space<vmem>>) target(%dma_start3A_614 : memref<10000x16xf32, #tpu.memory_space<vmem_shared>>) offsets(%dma_start3A_611 : memref<128xi32, #tpu.memory_space<vmem>>) semaphore(%arg9 : memref<!tpu.dma_semaphore, #tpu.memory_space<semaphore_mem>>) {add = true}
    %dma_start3A_615 = arith.constant 27 : i32
    %dma_start3A_616 = arith.constant 27 : i32
    %dma_start3A_617 = arith.constant 0 : i32
    %dma_start3A_618 = arith.constant 0 : i32
    %dma_start3A_619 = tpu.memref_slice %arg7[%dma_start3A_615, %dma_start3A_617, %dma_start3A_618] : memref<40x128x16xf32, #tpu.memory_space<vmem>> -> memref<1x128x16xf32, #tpu.memory_space<vmem>>
    %dma_start3A_620 = tpu.memref_squeeze %dma_start3A_619 : memref<1x128x16xf32, #tpu.memory_space<vmem>> -> memref<128x16xf32, #tpu.memory_space<vmem>>
    %dma_start3A_621 = arith.constant 0 : i32
    %dma_start3A_622 = tpu.memref_slice %arg6[%dma_start3A_616, %dma_start3A_621] : memref<40x128xi32, #tpu.memory_space<vmem>> -> memref<1x128xi32, #tpu.memory_space<vmem>>
    %dma_start3A_623 = tpu.memref_squeeze %dma_start3A_622 : memref<1x128xi32, #tpu.memory_space<vmem>> -> memref<128xi32, #tpu.memory_space<vmem>>
    %dma_start3A_624 = arith.constant 0 : i32
    %dma_start3A_625 = arith.constant 0 : i32
    %dma_start3A_626 = tpu.memref_slice %arg8[%dma_start3A_624, %dma_start3A_625] : memref<10000x16xf32, #tpu.memory_space<vmem_shared>> -> memref<10000x16xf32, #tpu.memory_space<vmem_shared>>
    tpu.enqueue_indirect_dma source(%dma_start3A_620 : memref<128x16xf32, #tpu.memory_space<vmem>>) target(%dma_start3A_626 : memref<10000x16xf32, #tpu.memory_space<vmem_shared>>) offsets(%dma_start3A_623 : memref<128xi32, #tpu.memory_space<vmem>>) semaphore(%arg9 : memref<!tpu.dma_semaphore, #tpu.memory_space<semaphore_mem>>) {add = true}
    %dma_start3A_627 = arith.constant 28 : i32
    %dma_start3A_628 = arith.constant 28 : i32
    %dma_start3A_629 = arith.constant 0 : i32
    %dma_start3A_630 = arith.constant 0 : i32
    %dma_start3A_631 = tpu.memref_slice %arg7[%dma_start3A_627, %dma_start3A_629, %dma_start3A_630] : memref<40x128x16xf32, #tpu.memory_space<vmem>> -> memref<1x128x16xf32, #tpu.memory_space<vmem>>
    %dma_start3A_632 = tpu.memref_squeeze %dma_start3A_631 : memref<1x128x16xf32, #tpu.memory_space<vmem>> -> memref<128x16xf32, #tpu.memory_space<vmem>>
    %dma_start3A_633 = arith.constant 0 : i32
    %dma_start3A_634 = tpu.memref_slice %arg6[%dma_start3A_628, %dma_start3A_633] : memref<40x128xi32, #tpu.memory_space<vmem>> -> memref<1x128xi32, #tpu.memory_space<vmem>>
    %dma_start3A_635 = tpu.memref_squeeze %dma_start3A_634 : memref<1x128xi32, #tpu.memory_space<vmem>> -> memref<128xi32, #tpu.memory_space<vmem>>
    %dma_start3A_636 = arith.constant 0 : i32
    %dma_start3A_637 = arith.constant 0 : i32
    %dma_start3A_638 = tpu.memref_slice %arg8[%dma_start3A_636, %dma_start3A_637] : memref<10000x16xf32, #tpu.memory_space<vmem_shared>> -> memref<10000x16xf32, #tpu.memory_space<vmem_shared>>
    tpu.enqueue_indirect_dma source(%dma_start3A_632 : memref<128x16xf32, #tpu.memory_space<vmem>>) target(%dma_start3A_638 : memref<10000x16xf32, #tpu.memory_space<vmem_shared>>) offsets(%dma_start3A_635 : memref<128xi32, #tpu.memory_space<vmem>>) semaphore(%arg9 : memref<!tpu.dma_semaphore, #tpu.memory_space<semaphore_mem>>) {add = true}
    %dma_start3A_639 = arith.constant 29 : i32
    %dma_start3A_640 = arith.constant 29 : i32
    %dma_start3A_641 = arith.constant 0 : i32
    %dma_start3A_642 = arith.constant 0 : i32
    %dma_start3A_643 = tpu.memref_slice %arg7[%dma_start3A_639, %dma_start3A_641, %dma_start3A_642] : memref<40x128x16xf32, #tpu.memory_space<vmem>> -> memref<1x128x16xf32, #tpu.memory_space<vmem>>
    %dma_start3A_644 = tpu.memref_squeeze %dma_start3A_643 : memref<1x128x16xf32, #tpu.memory_space<vmem>> -> memref<128x16xf32, #tpu.memory_space<vmem>>
    %dma_start3A_645 = arith.constant 0 : i32
    %dma_start3A_646 = tpu.memref_slice %arg6[%dma_start3A_640, %dma_start3A_645] : memref<40x128xi32, #tpu.memory_space<vmem>> -> memref<1x128xi32, #tpu.memory_space<vmem>>
    %dma_start3A_647 = tpu.memref_squeeze %dma_start3A_646 : memref<1x128xi32, #tpu.memory_space<vmem>> -> memref<128xi32, #tpu.memory_space<vmem>>
    %dma_start3A_648 = arith.constant 0 : i32
    %dma_start3A_649 = arith.constant 0 : i32
    %dma_start3A_650 = tpu.memref_slice %arg8[%dma_start3A_648, %dma_start3A_649] : memref<10000x16xf32, #tpu.memory_space<vmem_shared>> -> memref<10000x16xf32, #tpu.memory_space<vmem_shared>>
    tpu.enqueue_indirect_dma source(%dma_start3A_644 : memref<128x16xf32, #tpu.memory_space<vmem>>) target(%dma_start3A_650 : memref<10000x16xf32, #tpu.memory_space<vmem_shared>>) offsets(%dma_start3A_647 : memref<128xi32, #tpu.memory_space<vmem>>) semaphore(%arg9 : memref<!tpu.dma_semaphore, #tpu.memory_space<semaphore_mem>>) {add = true}
    %dma_start3A_651 = arith.constant 30 : i32
    %dma_start3A_652 = arith.constant 30 : i32
    %dma_start3A_653 = arith.constant 0 : i32
    %dma_start3A_654 = arith.constant 0 : i32
    %dma_start3A_655 = tpu.memref_slice %arg7[%dma_start3A_651, %dma_start3A_653, %dma_start3A_654] : memref<40x128x16xf32, #tpu.memory_space<vmem>> -> memref<1x128x16xf32, #tpu.memory_space<vmem>>
    %dma_start3A_656 = tpu.memref_squeeze %dma_start3A_655 : memref<1x128x16xf32, #tpu.memory_space<vmem>> -> memref<128x16xf32, #tpu.memory_space<vmem>>
    %dma_start3A_657 = arith.constant 0 : i32
    %dma_start3A_658 = tpu.memref_slice %arg6[%dma_start3A_652, %dma_start3A_657] : memref<40x128xi32, #tpu.memory_space<vmem>> -> memref<1x128xi32, #tpu.memory_space<vmem>>
    %dma_start3A_659 = tpu.memref_squeeze %dma_start3A_658 : memref<1x128xi32, #tpu.memory_space<vmem>> -> memref<128xi32, #tpu.memory_space<vmem>>
    %dma_start3A_660 = arith.constant 0 : i32
    %dma_start3A_661 = arith.constant 0 : i32
    %dma_start3A_662 = tpu.memref_slice %arg8[%dma_start3A_660, %dma_start3A_661] : memref<10000x16xf32, #tpu.memory_space<vmem_shared>> -> memref<10000x16xf32, #tpu.memory_space<vmem_shared>>
    tpu.enqueue_indirect_dma source(%dma_start3A_656 : memref<128x16xf32, #tpu.memory_space<vmem>>) target(%dma_start3A_662 : memref<10000x16xf32, #tpu.memory_space<vmem_shared>>) offsets(%dma_start3A_659 : memref<128xi32, #tpu.memory_space<vmem>>) semaphore(%arg9 : memref<!tpu.dma_semaphore, #tpu.memory_space<semaphore_mem>>) {add = true}
    %dma_start3A_663 = arith.constant 31 : i32
    %dma_start3A_664 = arith.constant 31 : i32
    %dma_start3A_665 = arith.constant 0 : i32
    %dma_start3A_666 = arith.constant 0 : i32
    %dma_start3A_667 = tpu.memref_slice %arg7[%dma_start3A_663, %dma_start3A_665, %dma_start3A_666] : memref<40x128x16xf32, #tpu.memory_space<vmem>> -> memref<1x128x16xf32, #tpu.memory_space<vmem>>
    %dma_start3A_668 = tpu.memref_squeeze %dma_start3A_667 : memref<1x128x16xf32, #tpu.memory_space<vmem>> -> memref<128x16xf32, #tpu.memory_space<vmem>>
    %dma_start3A_669 = arith.constant 0 : i32
    %dma_start3A_670 = tpu.memref_slice %arg6[%dma_start3A_664, %dma_start3A_669] : memref<40x128xi32, #tpu.memory_space<vmem>> -> memref<1x128xi32, #tpu.memory_space<vmem>>
    %dma_start3A_671 = tpu.memref_squeeze %dma_start3A_670 : memref<1x128xi32, #tpu.memory_space<vmem>> -> memref<128xi32, #tpu.memory_space<vmem>>
    %dma_start3A_672 = arith.constant 0 : i32
    %dma_start3A_673 = arith.constant 0 : i32
    %dma_start3A_674 = tpu.memref_slice %arg8[%dma_start3A_672, %dma_start3A_673] : memref<10000x16xf32, #tpu.memory_space<vmem_shared>> -> memref<10000x16xf32, #tpu.memory_space<vmem_shared>>
    tpu.enqueue_indirect_dma source(%dma_start3A_668 : memref<128x16xf32, #tpu.memory_space<vmem>>) target(%dma_start3A_674 : memref<10000x16xf32, #tpu.memory_space<vmem_shared>>) offsets(%dma_start3A_671 : memref<128xi32, #tpu.memory_space<vmem>>) semaphore(%arg9 : memref<!tpu.dma_semaphore, #tpu.memory_space<semaphore_mem>>) {add = true}
    %dma_wait3A_675 = arith.constant 24 : i32
    %dma_wait3A_676 = arith.constant 24 : i32
    %dma_wait3A_677 = arith.constant 0 : i32
    %dma_wait3A_678 = arith.constant 0 : i32
    %dma_wait3A_679 = tpu.memref_slice %arg7[%dma_wait3A_675, %dma_wait3A_677, %dma_wait3A_678] : memref<40x128x16xf32, #tpu.memory_space<vmem>> -> memref<1x128x16xf32, #tpu.memory_space<vmem>>
    %dma_wait3A_680 = tpu.memref_squeeze %dma_wait3A_679 : memref<1x128x16xf32, #tpu.memory_space<vmem>> -> memref<128x16xf32, #tpu.memory_space<vmem>>
    %dma_wait3A_681 = arith.constant 0 : i32
    %dma_wait3A_682 = tpu.memref_slice %arg6[%dma_wait3A_676, %dma_wait3A_681] : memref<40x128xi32, #tpu.memory_space<vmem>> -> memref<1x128xi32, #tpu.memory_space<vmem>>
    %dma_wait3A_683 = tpu.memref_squeeze %dma_wait3A_682 : memref<1x128xi32, #tpu.memory_space<vmem>> -> memref<128xi32, #tpu.memory_space<vmem>>
    %dma_wait3A_684 = arith.constant 0 : i32
    %dma_wait3A_685 = arith.constant 0 : i32
    %dma_wait3A_686 = tpu.memref_slice %arg8[%dma_wait3A_684, %dma_wait3A_685] : memref<10000x16xf32, #tpu.memory_space<vmem_shared>> -> memref<10000x16xf32, #tpu.memory_space<vmem_shared>>
    tpu.wait_indirect_dma semaphore(%arg9 : memref<!tpu.dma_semaphore, #tpu.memory_space<semaphore_mem>>) src(%dma_wait3A_680 : memref<128x16xf32, #tpu.memory_space<vmem>>) dst(%dma_wait3A_686 : memref<10000x16xf32, #tpu.memory_space<vmem_shared>>)
    %dma_wait3A_687 = arith.constant 25 : i32
    %dma_wait3A_688 = arith.constant 25 : i32
    %dma_wait3A_689 = arith.constant 0 : i32
    %dma_wait3A_690 = arith.constant 0 : i32
    %dma_wait3A_691 = tpu.memref_slice %arg7[%dma_wait3A_687, %dma_wait3A_689, %dma_wait3A_690] : memref<40x128x16xf32, #tpu.memory_space<vmem>> -> memref<1x128x16xf32, #tpu.memory_space<vmem>>
    %dma_wait3A_692 = tpu.memref_squeeze %dma_wait3A_691 : memref<1x128x16xf32, #tpu.memory_space<vmem>> -> memref<128x16xf32, #tpu.memory_space<vmem>>
    %dma_wait3A_693 = arith.constant 0 : i32
    %dma_wait3A_694 = tpu.memref_slice %arg6[%dma_wait3A_688, %dma_wait3A_693] : memref<40x128xi32, #tpu.memory_space<vmem>> -> memref<1x128xi32, #tpu.memory_space<vmem>>
    %dma_wait3A_695 = tpu.memref_squeeze %dma_wait3A_694 : memref<1x128xi32, #tpu.memory_space<vmem>> -> memref<128xi32, #tpu.memory_space<vmem>>
    %dma_wait3A_696 = arith.constant 0 : i32
    %dma_wait3A_697 = arith.constant 0 : i32
    %dma_wait3A_698 = tpu.memref_slice %arg8[%dma_wait3A_696, %dma_wait3A_697] : memref<10000x16xf32, #tpu.memory_space<vmem_shared>> -> memref<10000x16xf32, #tpu.memory_space<vmem_shared>>
    tpu.wait_indirect_dma semaphore(%arg9 : memref<!tpu.dma_semaphore, #tpu.memory_space<semaphore_mem>>) src(%dma_wait3A_692 : memref<128x16xf32, #tpu.memory_space<vmem>>) dst(%dma_wait3A_698 : memref<10000x16xf32, #tpu.memory_space<vmem_shared>>)
    %dma_wait3A_699 = arith.constant 26 : i32
    %dma_wait3A_700 = arith.constant 26 : i32
    %dma_wait3A_701 = arith.constant 0 : i32
    %dma_wait3A_702 = arith.constant 0 : i32
    %dma_wait3A_703 = tpu.memref_slice %arg7[%dma_wait3A_699, %dma_wait3A_701, %dma_wait3A_702] : memref<40x128x16xf32, #tpu.memory_space<vmem>> -> memref<1x128x16xf32, #tpu.memory_space<vmem>>
    %dma_wait3A_704 = tpu.memref_squeeze %dma_wait3A_703 : memref<1x128x16xf32, #tpu.memory_space<vmem>> -> memref<128x16xf32, #tpu.memory_space<vmem>>
    %dma_wait3A_705 = arith.constant 0 : i32
    %dma_wait3A_706 = tpu.memref_slice %arg6[%dma_wait3A_700, %dma_wait3A_705] : memref<40x128xi32, #tpu.memory_space<vmem>> -> memref<1x128xi32, #tpu.memory_space<vmem>>
    %dma_wait3A_707 = tpu.memref_squeeze %dma_wait3A_706 : memref<1x128xi32, #tpu.memory_space<vmem>> -> memref<128xi32, #tpu.memory_space<vmem>>
    %dma_wait3A_708 = arith.constant 0 : i32
    %dma_wait3A_709 = arith.constant 0 : i32
    %dma_wait3A_710 = tpu.memref_slice %arg8[%dma_wait3A_708, %dma_wait3A_709] : memref<10000x16xf32, #tpu.memory_space<vmem_shared>> -> memref<10000x16xf32, #tpu.memory_space<vmem_shared>>
    tpu.wait_indirect_dma semaphore(%arg9 : memref<!tpu.dma_semaphore, #tpu.memory_space<semaphore_mem>>) src(%dma_wait3A_704 : memref<128x16xf32, #tpu.memory_space<vmem>>) dst(%dma_wait3A_710 : memref<10000x16xf32, #tpu.memory_space<vmem_shared>>)
    %dma_wait3A_711 = arith.constant 27 : i32
    %dma_wait3A_712 = arith.constant 27 : i32
    %dma_wait3A_713 = arith.constant 0 : i32
    %dma_wait3A_714 = arith.constant 0 : i32
    %dma_wait3A_715 = tpu.memref_slice %arg7[%dma_wait3A_711, %dma_wait3A_713, %dma_wait3A_714] : memref<40x128x16xf32, #tpu.memory_space<vmem>> -> memref<1x128x16xf32, #tpu.memory_space<vmem>>
    %dma_wait3A_716 = tpu.memref_squeeze %dma_wait3A_715 : memref<1x128x16xf32, #tpu.memory_space<vmem>> -> memref<128x16xf32, #tpu.memory_space<vmem>>
    %dma_wait3A_717 = arith.constant 0 : i32
    %dma_wait3A_718 = tpu.memref_slice %arg6[%dma_wait3A_712, %dma_wait3A_717] : memref<40x128xi32, #tpu.memory_space<vmem>> -> memref<1x128xi32, #tpu.memory_space<vmem>>
    %dma_wait3A_719 = tpu.memref_squeeze %dma_wait3A_718 : memref<1x128xi32, #tpu.memory_space<vmem>> -> memref<128xi32, #tpu.memory_space<vmem>>
    %dma_wait3A_720 = arith.constant 0 : i32
    %dma_wait3A_721 = arith.constant 0 : i32
    %dma_wait3A_722 = tpu.memref_slice %arg8[%dma_wait3A_720, %dma_wait3A_721] : memref<10000x16xf32, #tpu.memory_space<vmem_shared>> -> memref<10000x16xf32, #tpu.memory_space<vmem_shared>>
    tpu.wait_indirect_dma semaphore(%arg9 : memref<!tpu.dma_semaphore, #tpu.memory_space<semaphore_mem>>) src(%dma_wait3A_716 : memref<128x16xf32, #tpu.memory_space<vmem>>) dst(%dma_wait3A_722 : memref<10000x16xf32, #tpu.memory_space<vmem_shared>>)
    %dma_wait3A_723 = arith.constant 28 : i32
    %dma_wait3A_724 = arith.constant 28 : i32
    %dma_wait3A_725 = arith.constant 0 : i32
    %dma_wait3A_726 = arith.constant 0 : i32
    %dma_wait3A_727 = tpu.memref_slice %arg7[%dma_wait3A_723, %dma_wait3A_725, %dma_wait3A_726] : memref<40x128x16xf32, #tpu.memory_space<vmem>> -> memref<1x128x16xf32, #tpu.memory_space<vmem>>
    %dma_wait3A_728 = tpu.memref_squeeze %dma_wait3A_727 : memref<1x128x16xf32, #tpu.memory_space<vmem>> -> memref<128x16xf32, #tpu.memory_space<vmem>>
    %dma_wait3A_729 = arith.constant 0 : i32
    %dma_wait3A_730 = tpu.memref_slice %arg6[%dma_wait3A_724, %dma_wait3A_729] : memref<40x128xi32, #tpu.memory_space<vmem>> -> memref<1x128xi32, #tpu.memory_space<vmem>>
    %dma_wait3A_731 = tpu.memref_squeeze %dma_wait3A_730 : memref<1x128xi32, #tpu.memory_space<vmem>> -> memref<128xi32, #tpu.memory_space<vmem>>
    %dma_wait3A_732 = arith.constant 0 : i32
    %dma_wait3A_733 = arith.constant 0 : i32
    %dma_wait3A_734 = tpu.memref_slice %arg8[%dma_wait3A_732, %dma_wait3A_733] : memref<10000x16xf32, #tpu.memory_space<vmem_shared>> -> memref<10000x16xf32, #tpu.memory_space<vmem_shared>>
    tpu.wait_indirect_dma semaphore(%arg9 : memref<!tpu.dma_semaphore, #tpu.memory_space<semaphore_mem>>) src(%dma_wait3A_728 : memref<128x16xf32, #tpu.memory_space<vmem>>) dst(%dma_wait3A_734 : memref<10000x16xf32, #tpu.memory_space<vmem_shared>>)
    %dma_wait3A_735 = arith.constant 29 : i32
    %dma_wait3A_736 = arith.constant 29 : i32
    %dma_wait3A_737 = arith.constant 0 : i32
    %dma_wait3A_738 = arith.constant 0 : i32
    %dma_wait3A_739 = tpu.memref_slice %arg7[%dma_wait3A_735, %dma_wait3A_737, %dma_wait3A_738] : memref<40x128x16xf32, #tpu.memory_space<vmem>> -> memref<1x128x16xf32, #tpu.memory_space<vmem>>
    %dma_wait3A_740 = tpu.memref_squeeze %dma_wait3A_739 : memref<1x128x16xf32, #tpu.memory_space<vmem>> -> memref<128x16xf32, #tpu.memory_space<vmem>>
    %dma_wait3A_741 = arith.constant 0 : i32
    %dma_wait3A_742 = tpu.memref_slice %arg6[%dma_wait3A_736, %dma_wait3A_741] : memref<40x128xi32, #tpu.memory_space<vmem>> -> memref<1x128xi32, #tpu.memory_space<vmem>>
    %dma_wait3A_743 = tpu.memref_squeeze %dma_wait3A_742 : memref<1x128xi32, #tpu.memory_space<vmem>> -> memref<128xi32, #tpu.memory_space<vmem>>
    %dma_wait3A_744 = arith.constant 0 : i32
    %dma_wait3A_745 = arith.constant 0 : i32
    %dma_wait3A_746 = tpu.memref_slice %arg8[%dma_wait3A_744, %dma_wait3A_745] : memref<10000x16xf32, #tpu.memory_space<vmem_shared>> -> memref<10000x16xf32, #tpu.memory_space<vmem_shared>>
    tpu.wait_indirect_dma semaphore(%arg9 : memref<!tpu.dma_semaphore, #tpu.memory_space<semaphore_mem>>) src(%dma_wait3A_740 : memref<128x16xf32, #tpu.memory_space<vmem>>) dst(%dma_wait3A_746 : memref<10000x16xf32, #tpu.memory_space<vmem_shared>>)
    %dma_wait3A_747 = arith.constant 30 : i32
    %dma_wait3A_748 = arith.constant 30 : i32
    %dma_wait3A_749 = arith.constant 0 : i32
    %dma_wait3A_750 = arith.constant 0 : i32
    %dma_wait3A_751 = tpu.memref_slice %arg7[%dma_wait3A_747, %dma_wait3A_749, %dma_wait3A_750] : memref<40x128x16xf32, #tpu.memory_space<vmem>> -> memref<1x128x16xf32, #tpu.memory_space<vmem>>
    %dma_wait3A_752 = tpu.memref_squeeze %dma_wait3A_751 : memref<1x128x16xf32, #tpu.memory_space<vmem>> -> memref<128x16xf32, #tpu.memory_space<vmem>>
    %dma_wait3A_753 = arith.constant 0 : i32
    %dma_wait3A_754 = tpu.memref_slice %arg6[%dma_wait3A_748, %dma_wait3A_753] : memref<40x128xi32, #tpu.memory_space<vmem>> -> memref<1x128xi32, #tpu.memory_space<vmem>>
    %dma_wait3A_755 = tpu.memref_squeeze %dma_wait3A_754 : memref<1x128xi32, #tpu.memory_space<vmem>> -> memref<128xi32, #tpu.memory_space<vmem>>
    %dma_wait3A_756 = arith.constant 0 : i32
    %dma_wait3A_757 = arith.constant 0 : i32
    %dma_wait3A_758 = tpu.memref_slice %arg8[%dma_wait3A_756, %dma_wait3A_757] : memref<10000x16xf32, #tpu.memory_space<vmem_shared>> -> memref<10000x16xf32, #tpu.memory_space<vmem_shared>>
    tpu.wait_indirect_dma semaphore(%arg9 : memref<!tpu.dma_semaphore, #tpu.memory_space<semaphore_mem>>) src(%dma_wait3A_752 : memref<128x16xf32, #tpu.memory_space<vmem>>) dst(%dma_wait3A_758 : memref<10000x16xf32, #tpu.memory_space<vmem_shared>>)
    %dma_wait3A_759 = arith.constant 31 : i32
    %dma_wait3A_760 = arith.constant 31 : i32
    %dma_wait3A_761 = arith.constant 0 : i32
    %dma_wait3A_762 = arith.constant 0 : i32
    %dma_wait3A_763 = tpu.memref_slice %arg7[%dma_wait3A_759, %dma_wait3A_761, %dma_wait3A_762] : memref<40x128x16xf32, #tpu.memory_space<vmem>> -> memref<1x128x16xf32, #tpu.memory_space<vmem>>
    %dma_wait3A_764 = tpu.memref_squeeze %dma_wait3A_763 : memref<1x128x16xf32, #tpu.memory_space<vmem>> -> memref<128x16xf32, #tpu.memory_space<vmem>>
    %dma_wait3A_765 = arith.constant 0 : i32
    %dma_wait3A_766 = tpu.memref_slice %arg6[%dma_wait3A_760, %dma_wait3A_765] : memref<40x128xi32, #tpu.memory_space<vmem>> -> memref<1x128xi32, #tpu.memory_space<vmem>>
    %dma_wait3A_767 = tpu.memref_squeeze %dma_wait3A_766 : memref<1x128xi32, #tpu.memory_space<vmem>> -> memref<128xi32, #tpu.memory_space<vmem>>
    %dma_wait3A_768 = arith.constant 0 : i32
    %dma_wait3A_769 = arith.constant 0 : i32
    %dma_wait3A_770 = tpu.memref_slice %arg8[%dma_wait3A_768, %dma_wait3A_769] : memref<10000x16xf32, #tpu.memory_space<vmem_shared>> -> memref<10000x16xf32, #tpu.memory_space<vmem_shared>>
    tpu.wait_indirect_dma semaphore(%arg9 : memref<!tpu.dma_semaphore, #tpu.memory_space<semaphore_mem>>) src(%dma_wait3A_764 : memref<128x16xf32, #tpu.memory_space<vmem>>) dst(%dma_wait3A_770 : memref<10000x16xf32, #tpu.memory_space<vmem_shared>>)
    %dma_start3A_771 = arith.constant 32 : i32
    %dma_start3A_772 = arith.constant 32 : i32
    %dma_start3A_773 = arith.constant 0 : i32
    %dma_start3A_774 = arith.constant 0 : i32
    %dma_start3A_775 = tpu.memref_slice %arg7[%dma_start3A_771, %dma_start3A_773, %dma_start3A_774] : memref<40x128x16xf32, #tpu.memory_space<vmem>> -> memref<1x128x16xf32, #tpu.memory_space<vmem>>
    %dma_start3A_776 = tpu.memref_squeeze %dma_start3A_775 : memref<1x128x16xf32, #tpu.memory_space<vmem>> -> memref<128x16xf32, #tpu.memory_space<vmem>>
    %dma_start3A_777 = arith.constant 0 : i32
    %dma_start3A_778 = tpu.memref_slice %arg6[%dma_start3A_772, %dma_start3A_777] : memref<40x128xi32, #tpu.memory_space<vmem>> -> memref<1x128xi32, #tpu.memory_space<vmem>>
    %dma_start3A_779 = tpu.memref_squeeze %dma_start3A_778 : memref<1x128xi32, #tpu.memory_space<vmem>> -> memref<128xi32, #tpu.memory_space<vmem>>
    %dma_start3A_780 = arith.constant 0 : i32
    %dma_start3A_781 = arith.constant 0 : i32
    %dma_start3A_782 = tpu.memref_slice %arg8[%dma_start3A_780, %dma_start3A_781] : memref<10000x16xf32, #tpu.memory_space<vmem_shared>> -> memref<10000x16xf32, #tpu.memory_space<vmem_shared>>
    tpu.enqueue_indirect_dma source(%dma_start3A_776 : memref<128x16xf32, #tpu.memory_space<vmem>>) target(%dma_start3A_782 : memref<10000x16xf32, #tpu.memory_space<vmem_shared>>) offsets(%dma_start3A_779 : memref<128xi32, #tpu.memory_space<vmem>>) semaphore(%arg9 : memref<!tpu.dma_semaphore, #tpu.memory_space<semaphore_mem>>) {add = true}
    %dma_start3A_783 = arith.constant 33 : i32
    %dma_start3A_784 = arith.constant 33 : i32
    %dma_start3A_785 = arith.constant 0 : i32
    %dma_start3A_786 = arith.constant 0 : i32
    %dma_start3A_787 = tpu.memref_slice %arg7[%dma_start3A_783, %dma_start3A_785, %dma_start3A_786] : memref<40x128x16xf32, #tpu.memory_space<vmem>> -> memref<1x128x16xf32, #tpu.memory_space<vmem>>
    %dma_start3A_788 = tpu.memref_squeeze %dma_start3A_787 : memref<1x128x16xf32, #tpu.memory_space<vmem>> -> memref<128x16xf32, #tpu.memory_space<vmem>>
    %dma_start3A_789 = arith.constant 0 : i32
    %dma_start3A_790 = tpu.memref_slice %arg6[%dma_start3A_784, %dma_start3A_789] : memref<40x128xi32, #tpu.memory_space<vmem>> -> memref<1x128xi32, #tpu.memory_space<vmem>>
    %dma_start3A_791 = tpu.memref_squeeze %dma_start3A_790 : memref<1x128xi32, #tpu.memory_space<vmem>> -> memref<128xi32, #tpu.memory_space<vmem>>
    %dma_start3A_792 = arith.constant 0 : i32
    %dma_start3A_793 = arith.constant 0 : i32
    %dma_start3A_794 = tpu.memref_slice %arg8[%dma_start3A_792, %dma_start3A_793] : memref<10000x16xf32, #tpu.memory_space<vmem_shared>> -> memref<10000x16xf32, #tpu.memory_space<vmem_shared>>
    tpu.enqueue_indirect_dma source(%dma_start3A_788 : memref<128x16xf32, #tpu.memory_space<vmem>>) target(%dma_start3A_794 : memref<10000x16xf32, #tpu.memory_space<vmem_shared>>) offsets(%dma_start3A_791 : memref<128xi32, #tpu.memory_space<vmem>>) semaphore(%arg9 : memref<!tpu.dma_semaphore, #tpu.memory_space<semaphore_mem>>) {add = true}
    %dma_start3A_795 = arith.constant 34 : i32
    %dma_start3A_796 = arith.constant 34 : i32
    %dma_start3A_797 = arith.constant 0 : i32
    %dma_start3A_798 = arith.constant 0 : i32
    %dma_start3A_799 = tpu.memref_slice %arg7[%dma_start3A_795, %dma_start3A_797, %dma_start3A_798] : memref<40x128x16xf32, #tpu.memory_space<vmem>> -> memref<1x128x16xf32, #tpu.memory_space<vmem>>
    %dma_start3A_800 = tpu.memref_squeeze %dma_start3A_799 : memref<1x128x16xf32, #tpu.memory_space<vmem>> -> memref<128x16xf32, #tpu.memory_space<vmem>>
    %dma_start3A_801 = arith.constant 0 : i32
    %dma_start3A_802 = tpu.memref_slice %arg6[%dma_start3A_796, %dma_start3A_801] : memref<40x128xi32, #tpu.memory_space<vmem>> -> memref<1x128xi32, #tpu.memory_space<vmem>>
    %dma_start3A_803 = tpu.memref_squeeze %dma_start3A_802 : memref<1x128xi32, #tpu.memory_space<vmem>> -> memref<128xi32, #tpu.memory_space<vmem>>
    %dma_start3A_804 = arith.constant 0 : i32
    %dma_start3A_805 = arith.constant 0 : i32
    %dma_start3A_806 = tpu.memref_slice %arg8[%dma_start3A_804, %dma_start3A_805] : memref<10000x16xf32, #tpu.memory_space<vmem_shared>> -> memref<10000x16xf32, #tpu.memory_space<vmem_shared>>
    tpu.enqueue_indirect_dma source(%dma_start3A_800 : memref<128x16xf32, #tpu.memory_space<vmem>>) target(%dma_start3A_806 : memref<10000x16xf32, #tpu.memory_space<vmem_shared>>) offsets(%dma_start3A_803 : memref<128xi32, #tpu.memory_space<vmem>>) semaphore(%arg9 : memref<!tpu.dma_semaphore, #tpu.memory_space<semaphore_mem>>) {add = true}
    %dma_start3A_807 = arith.constant 35 : i32
    %dma_start3A_808 = arith.constant 35 : i32
    %dma_start3A_809 = arith.constant 0 : i32
    %dma_start3A_810 = arith.constant 0 : i32
    %dma_start3A_811 = tpu.memref_slice %arg7[%dma_start3A_807, %dma_start3A_809, %dma_start3A_810] : memref<40x128x16xf32, #tpu.memory_space<vmem>> -> memref<1x128x16xf32, #tpu.memory_space<vmem>>
    %dma_start3A_812 = tpu.memref_squeeze %dma_start3A_811 : memref<1x128x16xf32, #tpu.memory_space<vmem>> -> memref<128x16xf32, #tpu.memory_space<vmem>>
    %dma_start3A_813 = arith.constant 0 : i32
    %dma_start3A_814 = tpu.memref_slice %arg6[%dma_start3A_808, %dma_start3A_813] : memref<40x128xi32, #tpu.memory_space<vmem>> -> memref<1x128xi32, #tpu.memory_space<vmem>>
    %dma_start3A_815 = tpu.memref_squeeze %dma_start3A_814 : memref<1x128xi32, #tpu.memory_space<vmem>> -> memref<128xi32, #tpu.memory_space<vmem>>
    %dma_start3A_816 = arith.constant 0 : i32
    %dma_start3A_817 = arith.constant 0 : i32
    %dma_start3A_818 = tpu.memref_slice %arg8[%dma_start3A_816, %dma_start3A_817] : memref<10000x16xf32, #tpu.memory_space<vmem_shared>> -> memref<10000x16xf32, #tpu.memory_space<vmem_shared>>
    tpu.enqueue_indirect_dma source(%dma_start3A_812 : memref<128x16xf32, #tpu.memory_space<vmem>>) target(%dma_start3A_818 : memref<10000x16xf32, #tpu.memory_space<vmem_shared>>) offsets(%dma_start3A_815 : memref<128xi32, #tpu.memory_space<vmem>>) semaphore(%arg9 : memref<!tpu.dma_semaphore, #tpu.memory_space<semaphore_mem>>) {add = true}
    %dma_start3A_819 = arith.constant 36 : i32
    %dma_start3A_820 = arith.constant 36 : i32
    %dma_start3A_821 = arith.constant 0 : i32
    %dma_start3A_822 = arith.constant 0 : i32
    %dma_start3A_823 = tpu.memref_slice %arg7[%dma_start3A_819, %dma_start3A_821, %dma_start3A_822] : memref<40x128x16xf32, #tpu.memory_space<vmem>> -> memref<1x128x16xf32, #tpu.memory_space<vmem>>
    %dma_start3A_824 = tpu.memref_squeeze %dma_start3A_823 : memref<1x128x16xf32, #tpu.memory_space<vmem>> -> memref<128x16xf32, #tpu.memory_space<vmem>>
    %dma_start3A_825 = arith.constant 0 : i32
    %dma_start3A_826 = tpu.memref_slice %arg6[%dma_start3A_820, %dma_start3A_825] : memref<40x128xi32, #tpu.memory_space<vmem>> -> memref<1x128xi32, #tpu.memory_space<vmem>>
    %dma_start3A_827 = tpu.memref_squeeze %dma_start3A_826 : memref<1x128xi32, #tpu.memory_space<vmem>> -> memref<128xi32, #tpu.memory_space<vmem>>
    %dma_start3A_828 = arith.constant 0 : i32
    %dma_start3A_829 = arith.constant 0 : i32
    %dma_start3A_830 = tpu.memref_slice %arg8[%dma_start3A_828, %dma_start3A_829] : memref<10000x16xf32, #tpu.memory_space<vmem_shared>> -> memref<10000x16xf32, #tpu.memory_space<vmem_shared>>
    tpu.enqueue_indirect_dma source(%dma_start3A_824 : memref<128x16xf32, #tpu.memory_space<vmem>>) target(%dma_start3A_830 : memref<10000x16xf32, #tpu.memory_space<vmem_shared>>) offsets(%dma_start3A_827 : memref<128xi32, #tpu.memory_space<vmem>>) semaphore(%arg9 : memref<!tpu.dma_semaphore, #tpu.memory_space<semaphore_mem>>) {add = true}
    %dma_start3A_831 = arith.constant 37 : i32
    %dma_start3A_832 = arith.constant 37 : i32
    %dma_start3A_833 = arith.constant 0 : i32
    %dma_start3A_834 = arith.constant 0 : i32
    %dma_start3A_835 = tpu.memref_slice %arg7[%dma_start3A_831, %dma_start3A_833, %dma_start3A_834] : memref<40x128x16xf32, #tpu.memory_space<vmem>> -> memref<1x128x16xf32, #tpu.memory_space<vmem>>
    %dma_start3A_836 = tpu.memref_squeeze %dma_start3A_835 : memref<1x128x16xf32, #tpu.memory_space<vmem>> -> memref<128x16xf32, #tpu.memory_space<vmem>>
    %dma_start3A_837 = arith.constant 0 : i32
    %dma_start3A_838 = tpu.memref_slice %arg6[%dma_start3A_832, %dma_start3A_837] : memref<40x128xi32, #tpu.memory_space<vmem>> -> memref<1x128xi32, #tpu.memory_space<vmem>>
    %dma_start3A_839 = tpu.memref_squeeze %dma_start3A_838 : memref<1x128xi32, #tpu.memory_space<vmem>> -> memref<128xi32, #tpu.memory_space<vmem>>
    %dma_start3A_840 = arith.constant 0 : i32
    %dma_start3A_841 = arith.constant 0 : i32
    %dma_start3A_842 = tpu.memref_slice %arg8[%dma_start3A_840, %dma_start3A_841] : memref<10000x16xf32, #tpu.memory_space<vmem_shared>> -> memref<10000x16xf32, #tpu.memory_space<vmem_shared>>
    tpu.enqueue_indirect_dma source(%dma_start3A_836 : memref<128x16xf32, #tpu.memory_space<vmem>>) target(%dma_start3A_842 : memref<10000x16xf32, #tpu.memory_space<vmem_shared>>) offsets(%dma_start3A_839 : memref<128xi32, #tpu.memory_space<vmem>>) semaphore(%arg9 : memref<!tpu.dma_semaphore, #tpu.memory_space<semaphore_mem>>) {add = true}
    %dma_start3A_843 = arith.constant 38 : i32
    %dma_start3A_844 = arith.constant 38 : i32
    %dma_start3A_845 = arith.constant 0 : i32
    %dma_start3A_846 = arith.constant 0 : i32
    %dma_start3A_847 = tpu.memref_slice %arg7[%dma_start3A_843, %dma_start3A_845, %dma_start3A_846] : memref<40x128x16xf32, #tpu.memory_space<vmem>> -> memref<1x128x16xf32, #tpu.memory_space<vmem>>
    %dma_start3A_848 = tpu.memref_squeeze %dma_start3A_847 : memref<1x128x16xf32, #tpu.memory_space<vmem>> -> memref<128x16xf32, #tpu.memory_space<vmem>>
    %dma_start3A_849 = arith.constant 0 : i32
    %dma_start3A_850 = tpu.memref_slice %arg6[%dma_start3A_844, %dma_start3A_849] : memref<40x128xi32, #tpu.memory_space<vmem>> -> memref<1x128xi32, #tpu.memory_space<vmem>>
    %dma_start3A_851 = tpu.memref_squeeze %dma_start3A_850 : memref<1x128xi32, #tpu.memory_space<vmem>> -> memref<128xi32, #tpu.memory_space<vmem>>
    %dma_start3A_852 = arith.constant 0 : i32
    %dma_start3A_853 = arith.constant 0 : i32
    %dma_start3A_854 = tpu.memref_slice %arg8[%dma_start3A_852, %dma_start3A_853] : memref<10000x16xf32, #tpu.memory_space<vmem_shared>> -> memref<10000x16xf32, #tpu.memory_space<vmem_shared>>
    tpu.enqueue_indirect_dma source(%dma_start3A_848 : memref<128x16xf32, #tpu.memory_space<vmem>>) target(%dma_start3A_854 : memref<10000x16xf32, #tpu.memory_space<vmem_shared>>) offsets(%dma_start3A_851 : memref<128xi32, #tpu.memory_space<vmem>>) semaphore(%arg9 : memref<!tpu.dma_semaphore, #tpu.memory_space<semaphore_mem>>) {add = true}
    %dma_start3A_855 = arith.constant 39 : i32
    %dma_start3A_856 = arith.constant 39 : i32
    %dma_start3A_857 = arith.constant 0 : i32
    %dma_start3A_858 = arith.constant 0 : i32
    %dma_start3A_859 = tpu.memref_slice %arg7[%dma_start3A_855, %dma_start3A_857, %dma_start3A_858] : memref<40x128x16xf32, #tpu.memory_space<vmem>> -> memref<1x128x16xf32, #tpu.memory_space<vmem>>
    %dma_start3A_860 = tpu.memref_squeeze %dma_start3A_859 : memref<1x128x16xf32, #tpu.memory_space<vmem>> -> memref<128x16xf32, #tpu.memory_space<vmem>>
    %dma_start3A_861 = arith.constant 0 : i32
    %dma_start3A_862 = tpu.memref_slice %arg6[%dma_start3A_856, %dma_start3A_861] : memref<40x128xi32, #tpu.memory_space<vmem>> -> memref<1x128xi32, #tpu.memory_space<vmem>>
    %dma_start3A_863 = tpu.memref_squeeze %dma_start3A_862 : memref<1x128xi32, #tpu.memory_space<vmem>> -> memref<128xi32, #tpu.memory_space<vmem>>
    %dma_start3A_864 = arith.constant 0 : i32
    %dma_start3A_865 = arith.constant 0 : i32
    %dma_start3A_866 = tpu.memref_slice %arg8[%dma_start3A_864, %dma_start3A_865] : memref<10000x16xf32, #tpu.memory_space<vmem_shared>> -> memref<10000x16xf32, #tpu.memory_space<vmem_shared>>
    tpu.enqueue_indirect_dma source(%dma_start3A_860 : memref<128x16xf32, #tpu.memory_space<vmem>>) target(%dma_start3A_866 : memref<10000x16xf32, #tpu.memory_space<vmem_shared>>) offsets(%dma_start3A_863 : memref<128xi32, #tpu.memory_space<vmem>>) semaphore(%arg9 : memref<!tpu.dma_semaphore, #tpu.memory_space<semaphore_mem>>) {add = true}
    %dma_wait3A_867 = arith.constant 32 : i32
    %dma_wait3A_868 = arith.constant 32 : i32
    %dma_wait3A_869 = arith.constant 0 : i32
    %dma_wait3A_870 = arith.constant 0 : i32
    %dma_wait3A_871 = tpu.memref_slice %arg7[%dma_wait3A_867, %dma_wait3A_869, %dma_wait3A_870] : memref<40x128x16xf32, #tpu.memory_space<vmem>> -> memref<1x128x16xf32, #tpu.memory_space<vmem>>
    %dma_wait3A_872 = tpu.memref_squeeze %dma_wait3A_871 : memref<1x128x16xf32, #tpu.memory_space<vmem>> -> memref<128x16xf32, #tpu.memory_space<vmem>>
    %dma_wait3A_873 = arith.constant 0 : i32
    %dma_wait3A_874 = tpu.memref_slice %arg6[%dma_wait3A_868, %dma_wait3A_873] : memref<40x128xi32, #tpu.memory_space<vmem>> -> memref<1x128xi32, #tpu.memory_space<vmem>>
    %dma_wait3A_875 = tpu.memref_squeeze %dma_wait3A_874 : memref<1x128xi32, #tpu.memory_space<vmem>> -> memref<128xi32, #tpu.memory_space<vmem>>
    %dma_wait3A_876 = arith.constant 0 : i32
    %dma_wait3A_877 = arith.constant 0 : i32
    %dma_wait3A_878 = tpu.memref_slice %arg8[%dma_wait3A_876, %dma_wait3A_877] : memref<10000x16xf32, #tpu.memory_space<vmem_shared>> -> memref<10000x16xf32, #tpu.memory_space<vmem_shared>>
    tpu.wait_indirect_dma semaphore(%arg9 : memref<!tpu.dma_semaphore, #tpu.memory_space<semaphore_mem>>) src(%dma_wait3A_872 : memref<128x16xf32, #tpu.memory_space<vmem>>) dst(%dma_wait3A_878 : memref<10000x16xf32, #tpu.memory_space<vmem_shared>>)
    %dma_wait3A_879 = arith.constant 33 : i32
    %dma_wait3A_880 = arith.constant 33 : i32
    %dma_wait3A_881 = arith.constant 0 : i32
    %dma_wait3A_882 = arith.constant 0 : i32
    %dma_wait3A_883 = tpu.memref_slice %arg7[%dma_wait3A_879, %dma_wait3A_881, %dma_wait3A_882] : memref<40x128x16xf32, #tpu.memory_space<vmem>> -> memref<1x128x16xf32, #tpu.memory_space<vmem>>
    %dma_wait3A_884 = tpu.memref_squeeze %dma_wait3A_883 : memref<1x128x16xf32, #tpu.memory_space<vmem>> -> memref<128x16xf32, #tpu.memory_space<vmem>>
    %dma_wait3A_885 = arith.constant 0 : i32
    %dma_wait3A_886 = tpu.memref_slice %arg6[%dma_wait3A_880, %dma_wait3A_885] : memref<40x128xi32, #tpu.memory_space<vmem>> -> memref<1x128xi32, #tpu.memory_space<vmem>>
    %dma_wait3A_887 = tpu.memref_squeeze %dma_wait3A_886 : memref<1x128xi32, #tpu.memory_space<vmem>> -> memref<128xi32, #tpu.memory_space<vmem>>
    %dma_wait3A_888 = arith.constant 0 : i32
    %dma_wait3A_889 = arith.constant 0 : i32
    %dma_wait3A_890 = tpu.memref_slice %arg8[%dma_wait3A_888, %dma_wait3A_889] : memref<10000x16xf32, #tpu.memory_space<vmem_shared>> -> memref<10000x16xf32, #tpu.memory_space<vmem_shared>>
    tpu.wait_indirect_dma semaphore(%arg9 : memref<!tpu.dma_semaphore, #tpu.memory_space<semaphore_mem>>) src(%dma_wait3A_884 : memref<128x16xf32, #tpu.memory_space<vmem>>) dst(%dma_wait3A_890 : memref<10000x16xf32, #tpu.memory_space<vmem_shared>>)
    %dma_wait3A_891 = arith.constant 34 : i32
    %dma_wait3A_892 = arith.constant 34 : i32
    %dma_wait3A_893 = arith.constant 0 : i32
    %dma_wait3A_894 = arith.constant 0 : i32
    %dma_wait3A_895 = tpu.memref_slice %arg7[%dma_wait3A_891, %dma_wait3A_893, %dma_wait3A_894] : memref<40x128x16xf32, #tpu.memory_space<vmem>> -> memref<1x128x16xf32, #tpu.memory_space<vmem>>
    %dma_wait3A_896 = tpu.memref_squeeze %dma_wait3A_895 : memref<1x128x16xf32, #tpu.memory_space<vmem>> -> memref<128x16xf32, #tpu.memory_space<vmem>>
    %dma_wait3A_897 = arith.constant 0 : i32
    %dma_wait3A_898 = tpu.memref_slice %arg6[%dma_wait3A_892, %dma_wait3A_897] : memref<40x128xi32, #tpu.memory_space<vmem>> -> memref<1x128xi32, #tpu.memory_space<vmem>>
    %dma_wait3A_899 = tpu.memref_squeeze %dma_wait3A_898 : memref<1x128xi32, #tpu.memory_space<vmem>> -> memref<128xi32, #tpu.memory_space<vmem>>
    %dma_wait3A_900 = arith.constant 0 : i32
    %dma_wait3A_901 = arith.constant 0 : i32
    %dma_wait3A_902 = tpu.memref_slice %arg8[%dma_wait3A_900, %dma_wait3A_901] : memref<10000x16xf32, #tpu.memory_space<vmem_shared>> -> memref<10000x16xf32, #tpu.memory_space<vmem_shared>>
    tpu.wait_indirect_dma semaphore(%arg9 : memref<!tpu.dma_semaphore, #tpu.memory_space<semaphore_mem>>) src(%dma_wait3A_896 : memref<128x16xf32, #tpu.memory_space<vmem>>) dst(%dma_wait3A_902 : memref<10000x16xf32, #tpu.memory_space<vmem_shared>>)
    %dma_wait3A_903 = arith.constant 35 : i32
    %dma_wait3A_904 = arith.constant 35 : i32
    %dma_wait3A_905 = arith.constant 0 : i32
    %dma_wait3A_906 = arith.constant 0 : i32
    %dma_wait3A_907 = tpu.memref_slice %arg7[%dma_wait3A_903, %dma_wait3A_905, %dma_wait3A_906] : memref<40x128x16xf32, #tpu.memory_space<vmem>> -> memref<1x128x16xf32, #tpu.memory_space<vmem>>
    %dma_wait3A_908 = tpu.memref_squeeze %dma_wait3A_907 : memref<1x128x16xf32, #tpu.memory_space<vmem>> -> memref<128x16xf32, #tpu.memory_space<vmem>>
    %dma_wait3A_909 = arith.constant 0 : i32
    %dma_wait3A_910 = tpu.memref_slice %arg6[%dma_wait3A_904, %dma_wait3A_909] : memref<40x128xi32, #tpu.memory_space<vmem>> -> memref<1x128xi32, #tpu.memory_space<vmem>>
    %dma_wait3A_911 = tpu.memref_squeeze %dma_wait3A_910 : memref<1x128xi32, #tpu.memory_space<vmem>> -> memref<128xi32, #tpu.memory_space<vmem>>
    %dma_wait3A_912 = arith.constant 0 : i32
    %dma_wait3A_913 = arith.constant 0 : i32
    %dma_wait3A_914 = tpu.memref_slice %arg8[%dma_wait3A_912, %dma_wait3A_913] : memref<10000x16xf32, #tpu.memory_space<vmem_shared>> -> memref<10000x16xf32, #tpu.memory_space<vmem_shared>>
    tpu.wait_indirect_dma semaphore(%arg9 : memref<!tpu.dma_semaphore, #tpu.memory_space<semaphore_mem>>) src(%dma_wait3A_908 : memref<128x16xf32, #tpu.memory_space<vmem>>) dst(%dma_wait3A_914 : memref<10000x16xf32, #tpu.memory_space<vmem_shared>>)
    %dma_wait3A_915 = arith.constant 36 : i32
    %dma_wait3A_916 = arith.constant 36 : i32
    %dma_wait3A_917 = arith.constant 0 : i32
    %dma_wait3A_918 = arith.constant 0 : i32
    %dma_wait3A_919 = tpu.memref_slice %arg7[%dma_wait3A_915, %dma_wait3A_917, %dma_wait3A_918] : memref<40x128x16xf32, #tpu.memory_space<vmem>> -> memref<1x128x16xf32, #tpu.memory_space<vmem>>
    %dma_wait3A_920 = tpu.memref_squeeze %dma_wait3A_919 : memref<1x128x16xf32, #tpu.memory_space<vmem>> -> memref<128x16xf32, #tpu.memory_space<vmem>>
    %dma_wait3A_921 = arith.constant 0 : i32
    %dma_wait3A_922 = tpu.memref_slice %arg6[%dma_wait3A_916, %dma_wait3A_921] : memref<40x128xi32, #tpu.memory_space<vmem>> -> memref<1x128xi32, #tpu.memory_space<vmem>>
    %dma_wait3A_923 = tpu.memref_squeeze %dma_wait3A_922 : memref<1x128xi32, #tpu.memory_space<vmem>> -> memref<128xi32, #tpu.memory_space<vmem>>
    %dma_wait3A_924 = arith.constant 0 : i32
    %dma_wait3A_925 = arith.constant 0 : i32
    %dma_wait3A_926 = tpu.memref_slice %arg8[%dma_wait3A_924, %dma_wait3A_925] : memref<10000x16xf32, #tpu.memory_space<vmem_shared>> -> memref<10000x16xf32, #tpu.memory_space<vmem_shared>>
    tpu.wait_indirect_dma semaphore(%arg9 : memref<!tpu.dma_semaphore, #tpu.memory_space<semaphore_mem>>) src(%dma_wait3A_920 : memref<128x16xf32, #tpu.memory_space<vmem>>) dst(%dma_wait3A_926 : memref<10000x16xf32, #tpu.memory_space<vmem_shared>>)
    %dma_wait3A_927 = arith.constant 37 : i32
    %dma_wait3A_928 = arith.constant 37 : i32
    %dma_wait3A_929 = arith.constant 0 : i32
    %dma_wait3A_930 = arith.constant 0 : i32
    %dma_wait3A_931 = tpu.memref_slice %arg7[%dma_wait3A_927, %dma_wait3A_929, %dma_wait3A_930] : memref<40x128x16xf32, #tpu.memory_space<vmem>> -> memref<1x128x16xf32, #tpu.memory_space<vmem>>
    %dma_wait3A_932 = tpu.memref_squeeze %dma_wait3A_931 : memref<1x128x16xf32, #tpu.memory_space<vmem>> -> memref<128x16xf32, #tpu.memory_space<vmem>>
    %dma_wait3A_933 = arith.constant 0 : i32
    %dma_wait3A_934 = tpu.memref_slice %arg6[%dma_wait3A_928, %dma_wait3A_933] : memref<40x128xi32, #tpu.memory_space<vmem>> -> memref<1x128xi32, #tpu.memory_space<vmem>>
    %dma_wait3A_935 = tpu.memref_squeeze %dma_wait3A_934 : memref<1x128xi32, #tpu.memory_space<vmem>> -> memref<128xi32, #tpu.memory_space<vmem>>
    %dma_wait3A_936 = arith.constant 0 : i32
    %dma_wait3A_937 = arith.constant 0 : i32
    %dma_wait3A_938 = tpu.memref_slice %arg8[%dma_wait3A_936, %dma_wait3A_937] : memref<10000x16xf32, #tpu.memory_space<vmem_shared>> -> memref<10000x16xf32, #tpu.memory_space<vmem_shared>>
    tpu.wait_indirect_dma semaphore(%arg9 : memref<!tpu.dma_semaphore, #tpu.memory_space<semaphore_mem>>) src(%dma_wait3A_932 : memref<128x16xf32, #tpu.memory_space<vmem>>) dst(%dma_wait3A_938 : memref<10000x16xf32, #tpu.memory_space<vmem_shared>>)
    %dma_wait3A_939 = arith.constant 38 : i32
    %dma_wait3A_940 = arith.constant 38 : i32
    %dma_wait3A_941 = arith.constant 0 : i32
    %dma_wait3A_942 = arith.constant 0 : i32
    %dma_wait3A_943 = tpu.memref_slice %arg7[%dma_wait3A_939, %dma_wait3A_941, %dma_wait3A_942] : memref<40x128x16xf32, #tpu.memory_space<vmem>> -> memref<1x128x16xf32, #tpu.memory_space<vmem>>
    %dma_wait3A_944 = tpu.memref_squeeze %dma_wait3A_943 : memref<1x128x16xf32, #tpu.memory_space<vmem>> -> memref<128x16xf32, #tpu.memory_space<vmem>>
    %dma_wait3A_945 = arith.constant 0 : i32
    %dma_wait3A_946 = tpu.memref_slice %arg6[%dma_wait3A_940, %dma_wait3A_945] : memref<40x128xi32, #tpu.memory_space<vmem>> -> memref<1x128xi32, #tpu.memory_space<vmem>>
    %dma_wait3A_947 = tpu.memref_squeeze %dma_wait3A_946 : memref<1x128xi32, #tpu.memory_space<vmem>> -> memref<128xi32, #tpu.memory_space<vmem>>
    %dma_wait3A_948 = arith.constant 0 : i32
    %dma_wait3A_949 = arith.constant 0 : i32
    %dma_wait3A_950 = tpu.memref_slice %arg8[%dma_wait3A_948, %dma_wait3A_949] : memref<10000x16xf32, #tpu.memory_space<vmem_shared>> -> memref<10000x16xf32, #tpu.memory_space<vmem_shared>>
    tpu.wait_indirect_dma semaphore(%arg9 : memref<!tpu.dma_semaphore, #tpu.memory_space<semaphore_mem>>) src(%dma_wait3A_944 : memref<128x16xf32, #tpu.memory_space<vmem>>) dst(%dma_wait3A_950 : memref<10000x16xf32, #tpu.memory_space<vmem_shared>>)
    %dma_wait3A_951 = arith.constant 39 : i32
    %dma_wait3A_952 = arith.constant 39 : i32
    %dma_wait3A_953 = arith.constant 0 : i32
    %dma_wait3A_954 = arith.constant 0 : i32
    %dma_wait3A_955 = tpu.memref_slice %arg7[%dma_wait3A_951, %dma_wait3A_953, %dma_wait3A_954] : memref<40x128x16xf32, #tpu.memory_space<vmem>> -> memref<1x128x16xf32, #tpu.memory_space<vmem>>
    %dma_wait3A_956 = tpu.memref_squeeze %dma_wait3A_955 : memref<1x128x16xf32, #tpu.memory_space<vmem>> -> memref<128x16xf32, #tpu.memory_space<vmem>>
    %dma_wait3A_957 = arith.constant 0 : i32
    %dma_wait3A_958 = tpu.memref_slice %arg6[%dma_wait3A_952, %dma_wait3A_957] : memref<40x128xi32, #tpu.memory_space<vmem>> -> memref<1x128xi32, #tpu.memory_space<vmem>>
    %dma_wait3A_959 = tpu.memref_squeeze %dma_wait3A_958 : memref<1x128xi32, #tpu.memory_space<vmem>> -> memref<128xi32, #tpu.memory_space<vmem>>
    %dma_wait3A_960 = arith.constant 0 : i32
    %dma_wait3A_961 = arith.constant 0 : i32
    %dma_wait3A_962 = tpu.memref_slice %arg8[%dma_wait3A_960, %dma_wait3A_961] : memref<10000x16xf32, #tpu.memory_space<vmem_shared>> -> memref<10000x16xf32, #tpu.memory_space<vmem_shared>>
    tpu.wait_indirect_dma semaphore(%arg9 : memref<!tpu.dma_semaphore, #tpu.memory_space<semaphore_mem>>) src(%dma_wait3A_956 : memref<128x16xf32, #tpu.memory_space<vmem>>) dst(%dma_wait3A_962 : memref<10000x16xf32, #tpu.memory_space<vmem_shared>>)
    %barrier3A_963 = arith.constant 0 : index
    tpu.barrier barrier_id(%barrier3A_963)
    %mul3A_964 = arith.constant 625 : i32
    %mul3A_965 = arith.muli %arg1, %mul3A_964 : i32
    %mul3A_966 = arith.constant 625 : i32
    %mul3A_967 = arith.muli %arg1, %mul3A_966 : i32
    "tpu.region"() ({
      %run_scoped3A = tpu.sem_alloc : memref<!tpu.dma_semaphore, #tpu.memory_space<semaphore_mem>>
      %dma_start3A_968 = arith.constant 0 : i32
      %dma_start3A_969 = tpu.memref_slice %arg5[%arg0, %mul3A_967, %dma_start3A_968] : memref<2x10000x16xf32, #tpu.memory_space<hbm>> -> memref<1x625x16xf32, #tpu.memory_space<hbm>>
      %dma_start3A_970 = tpu.memref_squeeze %dma_start3A_969 : memref<1x625x16xf32, #tpu.memory_space<hbm>> -> memref<625x16xf32, #tpu.memory_space<hbm>>
      %dma_start3A_971 = arith.constant 0 : i32
      %dma_start3A_972 = tpu.memref_slice %arg8[%mul3A_965, %dma_start3A_971] : memref<10000x16xf32, #tpu.memory_space<vmem_shared>> -> memref<625x16xf32, #tpu.memory_space<vmem_shared>>
      tpu.enqueue_dma source(%dma_start3A_972 : memref<625x16xf32, #tpu.memory_space<vmem_shared>>) target(%dma_start3A_970 : memref<625x16xf32, #tpu.memory_space<hbm>>) target_semaphore(%run_scoped3A : memref<!tpu.dma_semaphore, #tpu.memory_space<semaphore_mem>>)
      %dma_wait3A_973 = arith.constant 0 : i32
      %dma_wait3A_974 = tpu.memref_slice %arg5[%arg0, %mul3A_967, %dma_wait3A_973] : memref<2x10000x16xf32, #tpu.memory_space<hbm>> -> memref<1x625x16xf32, #tpu.memory_space<hbm>>
      %dma_wait3A_975 = tpu.memref_squeeze %dma_wait3A_974 : memref<1x625x16xf32, #tpu.memory_space<hbm>> -> memref<625x16xf32, #tpu.memory_space<hbm>>
      %dma_wait3A_976 = arith.constant 0 : i32
      %dma_wait3A_977 = tpu.memref_slice %arg8[%mul3A_965, %dma_wait3A_976] : memref<10000x16xf32, #tpu.memory_space<vmem_shared>> -> memref<625x16xf32, #tpu.memory_space<vmem_shared>>
      tpu.wait_dma2 semaphore(%run_scoped3A : memref<!tpu.dma_semaphore, #tpu.memory_space<semaphore_mem>>) src(%dma_wait3A_977 : memref<625x16xf32, #tpu.memory_space<vmem_shared>>) dst(%dma_wait3A_975 : memref<625x16xf32, #tpu.memory_space<hbm>>)
      tpu.yield
    }) : () -> ()
    return
  }
}

module attributes {stable_mosaic.version = 14 : i64} {
  func.func @_tc_edge_body(%arg0: i32, %arg1: memref<3x16384xf32, #tpu.memory_space<vmem>>, %arg2: memref<2048x128xf32, #tpu.memory_space<vmem>>, %arg3: memref<2048x8xf32, #tpu.memory_space<vmem>>, %arg4: memref<256x3xbf16, #tpu.memory_space<vmem>>, %arg5: memref<256x256xbf16, #tpu.memory_space<vmem>>, %arg6: memref<8x128xf32, #tpu.memory_space<vmem>>, %arg7: memref<128x2048xbf16, #tpu.memory_space<vmem>>, %arg8: memref<2048x128xbf16, #tpu.memory_space<vmem>>, %arg9: memref<2048x128xf32, #tpu.memory_space<vmem>>) attributes {dimension_semantics = [#tpu.dimension_semantics<arbitrary>], iteration_bounds = array<i64: 10>, scalar_prefetch = 0 : i64, scratch_operands = 0 : i64, tpu.core_type = #tpu.core_type<tc>, window_params = [{transform_indices = @transform_0, window_bounds = array<i64: 3, 16384>}, {transform_indices = @transform_1, window_bounds = array<i64: 2048, 128>}, {transform_indices = @transform_2, window_bounds = array<i64: 2048, 8>}, {pipeline_mode = #tpu.pipeline_mode<synchronous>, transform_indices = @transform_3, window_bounds = array<i64: 256, 3>}, {pipeline_mode = #tpu.pipeline_mode<synchronous>, transform_indices = @transform_4, window_bounds = array<i64: 256, 256>}, {pipeline_mode = #tpu.pipeline_mode<synchronous>, transform_indices = @transform_5, window_bounds = array<i64: 8, 128>}, {pipeline_mode = #tpu.pipeline_mode<synchronous>, transform_indices = @transform_6, window_bounds = array<i64: 128, 2048>}, {pipeline_mode = #tpu.pipeline_mode<synchronous>, transform_indices = @transform_7, window_bounds = array<i64: 2048, 128>}, {transform_indices = @transform_8, window_bounds = array<i64: 2048, 128>}]} {
    %get3A = arith.constant 0 : index
    %get3A_0 = arith.constant 0 : index
    %get3A_1 = vector.load %arg4[%get3A, %get3A_0] : memref<256x3xbf16, #tpu.memory_space<vmem>>, vector<256x3xbf16>
    %get3A_2 = arith.constant 0 : index
    %get3A_3 = arith.constant 0 : index
    %get3A_4 = vector.load %arg1[%get3A_2, %get3A_3] : memref<3x16384xf32, #tpu.memory_space<vmem>>, vector<3x16384xf32>
    %convert_element_type3A = arith.truncf %get3A_4 : vector<3x16384xf32> to vector<3x16384xbf16>
    %dot_general3A = arith.constant dense<0.000000e+00> : vector<256x16384xf32>
    %dot_general3A_5 = tpu.matmul %get3A_1, %convert_element_type3A, %dot_general3A {dimension_numbers = #tpu.dot_dimension_numbers<[1], [0], [0], [1], [0, 0, 1, 1], [], []>, transpose_lhs_hint = false} : vector<256x3xbf16>, vector<3x16384xbf16>, vector<256x16384xf32> -> vector<256x16384xf32>
    %max3A = arith.constant 0.000000e+00 : f32
    %max3A_6 = vector.broadcast %max3A : f32 to vector<256x16384xf32>
    %max3A_7 = arith.maximumf %dot_general3A_5, %max3A_6 : vector<256x16384xf32>
    %convert_element_type3A_8 = arith.truncf %max3A_7 : vector<256x16384xf32> to vector<256x16384xbf16>
    %get3A_9 = arith.constant 0 : index
    %get3A_10 = arith.constant 0 : index
    %get3A_11 = vector.load %arg5[%get3A_9, %get3A_10] : memref<256x256xbf16, #tpu.memory_space<vmem>>, vector<256x256xbf16>
    %dot_general3A_12 = arith.constant dense<0.000000e+00> : vector<16384x256xf32>
    %dot_general3A_13 = tpu.matmul %convert_element_type3A_8, %get3A_11, %dot_general3A_12 {dimension_numbers = #tpu.dot_dimension_numbers<[0], [0], [1], [1], [0, 1, 1, 1], [], []>, transpose_lhs_hint = false} : vector<256x16384xbf16>, vector<256x256xbf16>, vector<16384x256xf32> -> vector<16384x256xf32>
    %reshape3A = vector.shape_cast %dot_general3A_13 : vector<16384x256xf32> to vector<2048x2048xf32>
    %get3A_14 = arith.constant 0 : index
    %get3A_15 = arith.constant 0 : index
    %get3A_16 = vector.load %arg3[%get3A_14, %get3A_15] : memref<2048x8xf32, #tpu.memory_space<vmem>>, vector<2048x8xf32>
    %get3A_17 = arith.constant 0 : index
    %get3A_18 = arith.constant 0 : index
    %get3A_19 = vector.load %arg6[%get3A_17, %get3A_18] : memref<8x128xf32, #tpu.memory_space<vmem>>, vector<8x128xf32>
    %dot_general3A_20 = arith.constant dense<0.000000e+00> : vector<2048x128xf32>
    %dot_general3A_21 = tpu.matmul %get3A_16, %get3A_19, %dot_general3A_20 {dimension_numbers = #tpu.dot_dimension_numbers<[1], [0], [0], [1], [0, 0, 1, 1], [], []>, transpose_lhs_hint = false} : vector<2048x8xf32>, vector<8x128xf32>, vector<2048x128xf32> -> vector<2048x128xf32>
    %get3A_22 = arith.constant 0 : index
    %get3A_23 = arith.constant 0 : index
    %get3A_24 = vector.load %arg2[%get3A_22, %get3A_23] : memref<2048x128xf32, #tpu.memory_space<vmem>>, vector<2048x128xf32>
    %mul3A = arith.mulf %get3A_24, %dot_general3A_21 : vector<2048x128xf32>
    %convert_element_type3A_25 = arith.truncf %mul3A : vector<2048x128xf32> to vector<2048x128xbf16>
    %get3A_26 = arith.constant 0 : index
    %get3A_27 = arith.constant 0 : index
    %get3A_28 = vector.load %arg7[%get3A_26, %get3A_27] : memref<128x2048xbf16, #tpu.memory_space<vmem>>, vector<128x2048xbf16>
    %dot_general3A_29 = arith.constant dense<0.000000e+00> : vector<2048x2048xf32>
    %dot_general3A_30 = tpu.matmul %convert_element_type3A_25, %get3A_28, %dot_general3A_29 {dimension_numbers = #tpu.dot_dimension_numbers<[1], [0], [0], [1], [0, 0, 1, 1], [], []>, transpose_lhs_hint = false} : vector<2048x128xbf16>, vector<128x2048xbf16>, vector<2048x2048xf32> -> vector<2048x2048xf32>
    %mul3A_31 = arith.mulf %dot_general3A_30, %reshape3A : vector<2048x2048xf32>
    %convert_element_type3A_32 = arith.truncf %mul3A_31 : vector<2048x2048xf32> to vector<2048x2048xbf16>
    %get3A_33 = arith.constant 0 : index
    %get3A_34 = arith.constant 0 : index
    %get3A_35 = vector.load %arg8[%get3A_33, %get3A_34] : memref<2048x128xbf16, #tpu.memory_space<vmem>>, vector<2048x128xbf16>
    %dot_general3A_36 = arith.constant dense<0.000000e+00> : vector<2048x128xf32>
    %dot_general3A_37 = tpu.matmul %convert_element_type3A_32, %get3A_35, %dot_general3A_36 {dimension_numbers = #tpu.dot_dimension_numbers<[1], [0], [0], [1], [0, 0, 1, 1], [], []>, transpose_lhs_hint = false} : vector<2048x2048xbf16>, vector<2048x128xbf16>, vector<2048x128xf32> -> vector<2048x128xf32>
    %swap3A = arith.constant 0 : index
    %swap3A_38 = arith.constant 0 : index
    %swap3A_39 = vector.load %arg9[%swap3A, %swap3A_38] : memref<2048x128xf32, #tpu.memory_space<vmem>>, vector<2048x128xf32>
    tpu.vector_store %arg9[%swap3A, %swap3A_38], %dot_general3A_37 {strides = array<i32>} : memref<2048x128xf32, #tpu.memory_space<vmem>>, vector<2048x128xf32>,
    return
  }
  func.func @transform_0(%arg0: i32) -> (i32, i32) {
    %c0_i32 = arith.constant 0 : i32
    %c0_i32_0 = arith.constant 0 : i32
    return %c0_i32, %arg0 : i32, i32
  }
  func.func @transform_1(%arg0: i32) -> (i32, i32) {
    %c0_i32 = arith.constant 0 : i32
    %c0_i32_0 = arith.constant 0 : i32
    return %arg0, %c0_i32 : i32, i32
  }
  func.func @transform_2(%arg0: i32) -> (i32, i32) {
    %c0_i32 = arith.constant 0 : i32
    %c0_i32_0 = arith.constant 0 : i32
    return %arg0, %c0_i32 : i32, i32
  }
  func.func @transform_3(%arg0: i32) -> (i32, i32) {
    %c0_i32 = arith.constant 0 : i32
    %c0_i32_0 = arith.constant 0 : i32
    %c0_i32_1 = arith.constant 0 : i32
    return %c0_i32, %c0_i32_0 : i32, i32
  }
  func.func @transform_4(%arg0: i32) -> (i32, i32) {
    %c0_i32 = arith.constant 0 : i32
    %c0_i32_0 = arith.constant 0 : i32
    %c0_i32_1 = arith.constant 0 : i32
    return %c0_i32, %c0_i32_0 : i32, i32
  }
  func.func @transform_5(%arg0: i32) -> (i32, i32) {
    %c0_i32 = arith.constant 0 : i32
    %c0_i32_0 = arith.constant 0 : i32
    %c0_i32_1 = arith.constant 0 : i32
    return %c0_i32, %c0_i32_0 : i32, i32
  }
  func.func @transform_6(%arg0: i32) -> (i32, i32) {
    %c0_i32 = arith.constant 0 : i32
    %c0_i32_0 = arith.constant 0 : i32
    %c0_i32_1 = arith.constant 0 : i32
    return %c0_i32, %c0_i32_0 : i32, i32
  }
  func.func @transform_7(%arg0: i32) -> (i32, i32) {
    %c0_i32 = arith.constant 0 : i32
    %c0_i32_0 = arith.constant 0 : i32
    %c0_i32_1 = arith.constant 0 : i32
    return %c0_i32, %c0_i32_0 : i32, i32
  }
  func.func @transform_8(%arg0: i32) -> (i32, i32) {
    %c0_i32 = arith.constant 0 : i32
    %c0_i32_0 = arith.constant 0 : i32
    return %arg0, %c0_i32 : i32, i32
  }
}

module attributes {stable_mosaic.version = 14 : i64} {
  func.func @_tc_combine_body(%arg0: memref<2x1250x128xf32, #tpu.memory_space<vmem>>, %arg1: memref<1250x128xf32, #tpu.memory_space<vmem>>) attributes {dimension_semantics = [], scalar_prefetch = 0 : i64, scratch_operands = 0 : i64, tpu.core_type = #tpu.core_type<tc>} {
    %get3A = arith.constant 0 : index
    %get3A_0 = arith.constant 0 : index
    %get3A_1 = arith.constant 0 : index
    %get3A_2 = vector.load %arg0[%get3A, %get3A_0, %get3A_1] : memref<2x1250x128xf32, #tpu.memory_space<vmem>>, vector<1x1250x128xf32>
    %get3A_3 = vector.shape_cast %get3A_2 : vector<1x1250x128xf32> to vector<1250x128xf32>
    %get3A_4 = arith.constant 1 : index
    %get3A_5 = arith.constant 0 : index
    %get3A_6 = arith.constant 0 : index
    %get3A_7 = vector.load %arg0[%get3A_4, %get3A_5, %get3A_6] : memref<2x1250x128xf32, #tpu.memory_space<vmem>>, vector<1x1250x128xf32>
    %get3A_8 = vector.shape_cast %get3A_7 : vector<1x1250x128xf32> to vector<1250x128xf32>
    %add3A = arith.addf %get3A_3, %get3A_8 : vector<1250x128xf32>
    %swap3A = arith.constant 0 : index
    %swap3A_9 = arith.constant 0 : index
    %swap3A_10 = vector.load %arg1[%swap3A, %swap3A_9] : memref<1250x128xf32, #tpu.memory_space<vmem>>, vector<1250x128xf32>
    tpu.vector_store %arg1[%swap3A, %swap3A_9], %add3A {strides = array<i32>} : memref<1250x128xf32, #tpu.memory_space<vmem>>, vector<1250x128xf32>,
    return
  }
}

</mosaic_0001>

<sc_bundles>
// kernel: kernel.6.cloned.1.call-start
scs
__scs_entry_jumppad:
0x0: {  	(pc) =	sbr.rel $0x88, $3  }
0x1: {  	(tag) =	ssettag $0x0;
	lr =	simm.s32 $0x1  }
0x2: {  	[smem:$0x3F9A] =	sst lr;
	_ =	strace $0xD0000000  }
0x3: {  	_ = 	snop  }
0x4: {  	_ = 	snop  }
0x5: {  	_ = 	snop  }
0x6: {  	_ = 	snop  }
0x7: {  	_ = 	snop  }
__scs_overlays_trampoline_lowered:
0x8: {  	[smem:$0x3FA9] =	sst s0  }
0x9: {  	[smem:$0x3FAA] =	sst s1  }
0xa: {  	[smem:$0x3FAB] =	sst s2  }
0xb: {  	[smem:$0x3FAC] =	sst s3  }
0xc: {  	[smem:$0x3FAD] =	sst s4  }
0xd: {  	[smem:$0x3FAE] =	sst s5  }
0xe: {  	[smem:$0x3FAF] =	sst s6  }
0xf: {  	[smem:$0x3FB0] =	sst s7  }
0x10: {  	[smem:$0x3FB1] =	sst s8  }
0x11: {  	[smem:$0x3FB2] =	sst s9;
	s0 =	simm.s32 @!p0 $0x0  }
0x12: {  	s1 =	sld [smem:$0x3F98];
	s0 =	simm.s32 @p0 $0x1  }
0x13: {  	[smem:$0x3FB3] =	sst s0;
	s0 =	simm.s32 @!p1 $0x0  }
0x14: {  	s2 =	sld [smem:$0x3F97];
	s0 =	simm.s32 @p1 $0x1  }
0x15: {  	[smem:$0x3FB4] =	sst s0;
	s0 =	simm.s32 @!p2 $0x0  }
0x16: {  	s3 =	sld [smem:$0x3FDB];
	s0 =	simm.s32 @p2 $0x1  }
0x17: {  	s4 =	simm.s32 $0x1BF5;
	[smem:$0x3FB6] =	sst s0  }
0x18: {  	s0 =	sld [smem:$0x3F99];
	_ =	swait.ge [sflag:s4], $0x0  }
0x19: {  	s7 =	sld [smem:$0x3F9A]  }
0x1a: {  	s8 =	sadd.s32 $0xFFFFE003, lr  }
0x1b: {  	s9 =	sadd.s32 $0xFFFFFEF7, lr;
	s5 =	simm.s32 $0xFFFFFFFF;
	p2 =	slt.u32 s8, $0xFFFFF086  }
0x1c: {  	p1 =	slt.u32 s9, $0xF7A;
	s5 =	simm.s32 @!p2 $0x0  }
0x1d: {  	s5 =	simm.s32 @p1 $0x1;
	p0 =	seq.s32 s7, s2  }
0x1e: {  	s7 =	smul.u32 @!p0 $0xF7A, s2;
	p2 =	seq.s32 @!p0 s5, $0x0  }
0x1f: {  	s9 =	smul.u32 $0xF7A, s1;
	s8 =	simm.s32 @!p0 $0x1BF5;
	p2 =	por !p2, p0  }
0x20: {  	[sflag:s8] =	ssyncset.s32 @!p0 $0xFFFFF086;
	s6 =	sadd.s32 @!p0 s3, s7;
	s7 =	simm.s32 @!p0 $0x108  }
0x21: {  	s3 =	sadd.s32 s3, s9;
	s6 =	sadd.s32 @!p0 $0x88, s6;
	s7 =	simm.s32 @p2 $0x1082  }
0x22: {  	[simem:s7], [sflag:s8] =	dma.local @!p0 [hbm:s6], $0xF7A  }
0x23: {  	s9 =	sor.u32 $0xD0000000, s2;
	s6 =	simm.s32 $0x108;
	_ =	swait.ge @!p0 [sflag:s8], $0x0  }
0x24: {  	s3 =	sadd.s32 $0x88, s3;
	s6 =	simm.s32 @!p1 $0x1082;
	[sflag:s4] =	ssyncset.s32 $0xFFFFF086  }
0x25: {  	[simem:s6], [sflag:s4] =	dma.local [hbm:s3], $0xF7A  }
0x26: {  	[smem:$0x3F9A] =	sst s1;
	(tag) =	ssettag s2;
	_ =	strace s9  }
0x27: {  	s1 =	sld [smem:$0x3FAA]  }
0x28: {  	s2 =	sld [smem:$0x3FAB]  }
0x29: {  	s4 =	sld [smem:$0x3FAD]  }
0x2a: {  	p0 =	seq.s32 s5, $0x0;
	s5 =	sld [smem:$0x3FAE]  }
0x2b: {  	s6 =	sld [smem:$0x3FAF]  }
0x2c: {  	s7 =	sld [smem:$0x3FB0]  }
0x2d: {  	s3 =	simm.s32 $0x108;
	s8 =	sld [smem:$0x3FB1]  }
0x2e: {  	s3 =	simm.s32 @!p0 $0x1082;
	s9 =	sld [smem:$0x3FB2]  }
0x2f: {  	lr =	sadd.s32 s0, s3;
	s0 =	sld [smem:$0x3FA9]  }
0x30: {  	s3 =	sld [smem:$0x3FAC]  }
0x31: {  	[smem:$0x3FB5] =	sst s10  }
0x32: {  	s10 =	sld [smem:$0x3FB3];
	_ =	sdelay $0x3  }
0x33: {  	p0 =	seq.s32 s10, $0x1;
	s10 =	sld [smem:$0x3FB5];
	_ =	sdelay $0x3  }
0x34: {  	[smem:$0x3FB5] =	sst s10  }
0x35: {  	s10 =	sld [smem:$0x3FB4];
	_ =	sdelay $0x3  }
0x36: {  	p1 =	seq.s32 s10, $0x1;
	s10 =	sld [smem:$0x3FB5];
	_ =	sdelay $0x3  }
0x37: {  	[smem:$0x3FB5] =	sst s10  }
0x38: {  	s10 =	sld [smem:$0x3FB6]  }
0x39: {  	_ = 	snop;
	(pc) =	sbr.ind lr, $3  }
0x3a: {  	_ = 	snop  }
0x3b: {  	_ = 	snop  }
0x3c: {  	p2 =	seq.s32 s10, $0x1;
	s10 =	sld [smem:$0x3FB5]  }
0x3d: {  	_ =	shalt  }
0x3e: {  	_ =	shalt  }
0x3f: {  	_ =	shalt  }
0x40: {  	_ =	shalt  }
0x41: {  	_ =	shalt  }
0x42: {  	_ =	shalt  }
0x43: {  	_ =	shalt  }
0x44: {  	_ =	shalt  }
0x45: {  	_ =	shalt  }
0x46: {  	_ =	shalt  }
0x47: {  	_ =	shalt  }
0x48: {  	_ =	shalt  }
0x49: {  	_ =	shalt  }
0x4a: {  	_ =	shalt  }
0x4b: {  	_ =	shalt  }
0x4c: {  	_ =	shalt  }
0x4d: {  	_ =	shalt  }
0x4e: {  	_ =	shalt  }
0x4f: {  	_ =	shalt  }
0x50: {  	_ =	shalt  }
0x51: {  	_ =	shalt  }
0x52: {  	_ =	shalt  }
0x53: {  	_ =	shalt  }
0x54: {  	_ =	shalt  }
0x55: {  	_ =	shalt  }
0x56: {  	_ =	shalt  }
0x57: {  	_ =	shalt  }
0x58: {  	_ =	shalt  }
0x59: {  	_ =	shalt  }
0x5a: {  	_ =	shalt  }
0x5b: {  	_ =	shalt  }
0x5c: {  	_ =	shalt  }
0x5d: {  	_ =	shalt  }
0x5e: {  	_ =	shalt  }
0x5f: {  	_ =	shalt  }
0x60: {  	_ =	shalt  }
0x61: {  	_ =	shalt  }
0x62: {  	_ =	shalt  }
0x63: {  	_ =	shalt  }
0x64: {  	_ =	shalt  }
0x65: {  	_ =	shalt  }
0x66: {  	_ =	shalt  }
0x67: {  	_ =	shalt  }
0x68: {  	_ =	shalt  }
0x69: {  	_ =	shalt  }
0x6a: {  	_ =	shalt  }
0x6b: {  	_ =	shalt  }
0x6c: {  	_ =	shalt  }
0x6d: {  	_ =	shalt  }
0x6e: {  	_ =	shalt  }
0x6f: {  	_ =	shalt  }
0x70: {  	_ =	shalt  }
0x71: {  	_ =	shalt  }
0x72: {  	_ =	shalt  }
0x73: {  	_ =	shalt  }
0x74: {  	_ =	shalt  }
0x75: {  	_ =	shalt  }
0x76: {  	_ =	shalt  }
0x77: {  	_ =	shalt  }
0x78: {  	_ =	shalt  }
0x79: {  	_ =	shalt  }
0x7a: {  	_ =	shalt  }
0x7b: {  	_ =	shalt  }
0x7c: {  	_ =	shalt  }
0x7d: {  	_ =	shalt  }
0x7e: {  	_ =	shalt  }
0x7f: {  	_ =	shalt  }
0x80: {  	_ =	shalt  }
0x81: {  	_ =	shalt  }
0x82: {  	_ =	shalt  }
0x83: {  	_ =	shalt  }
0x84: {  	_ =	shalt  }
0x85: {  	_ =	shalt  }
0x86: {  	_ =	shalt  }
0x87: {  	_ =	shalt  }
.Lfunc_end0:
.L_simem_size_0:
called_computation_lowered:
.L_overlay_start_0:
0x88: {  	s2 =	sld [smem:$0x3FD9]  }
0x89: {  	s3 =	sld [smem:$0x3FFE];
	_ =	sdelay $0x1  }
0x8a: {  	s1 =	srdreg.scid  }
0x8b: {  	s0 =	sand.u32 $0x1, s1  }
0x8c: {  	s17 =	sshll.u32 s0, $0xA;
	s2 =	sadd.s32 s3, s2  }
0x8d: {  	s2 =	sadd.s32 s2, s17  }
0x8e: {  	[smem:$0x3FC1] =	sst s2  }
0x8f: {  	_ = 	snop  }
0x90: {  	s2 =	sld [smem:$0x3FD0];
	(tm) =	ssettm $0x1  }
0x91: {  	s18 =	sld [smem:$0x3FFB];
	_ =	sdelay $0x3  }
0x92: {  	_ =	strace s18  }
0x93: {  	s3 =	sld [smem:$0x3FFC];
	_ =	sdelay $0x3  }
0x94: {  	_ =	strace s3  }
0x95: {  	s3 =	sld [smem:$0x3FFD];
	_ =	sdelay $0x3  }
0x96: {  	_ =	strace s3  }
0x97: {  	_ =	strace $0x8FFFFFFF  }
0x98: {  	s19 =	sld [smem:$0x3FDB];
	_ =	sdelay $0x1  }
0x99: {  	s4 =	simm.s32 $_scs_section_size  }
0x9a: {  	s5 =	simm.s32 $_size__tile_overlayer_lowered;
	s6 =	simm.s32 $_tile_overlayer_lowered  }
0x9b: {  	s22 =	simm.s32 $0x1BFF;
	s21 =	sshll.u32 s6, $0x1;
	s3 =	sadd.s32 s4, s19  }
0x9c: {  	s7 =	simm.s32 $0x0;
	s20 =	sshll.u32 s5, $0x1;
	s5 =	sadd.s32 s21, s3  }
0x9d: {  	[timem:s7], [sflag:s22] =	dma.local [hbm:s5], s20  }
0x9e: {  	_ =	swait.ge [sflag:s22], s20  }
0x9f: {  	s4 =	ssub.s32 $0x0, s20;
	[sflag:s22] =	ssyncset.done $0x0  }
0xa0: {  	[sflag:s22] =	ssyncadd.s32 s4;
	_ =	sdelay $0x1  }
0xa1: {  	s23 =	simm.s32 $0x1B8B  }
0xa2: {  	_ =	swait.ge [sflag:s23], $0x1  }
0xa3: {  	[sflag:s23] =	ssyncset.done $0x0  }
0xa4: {  	s25 =	simm.s32 $0x1B8E;
	s24 =	sld [smem:$0x3FFE];
	[sflag:s23] =	ssyncadd.s32 $0xFFFFFFFF  }
0xa5: {  	s26 =	simm.s32 $execute0_lowered;
	[smem:$0x3FD2] =	sst s25  }
0xa6: {  	s5 =	sshll.u32 s26, $0x1;
	_ =	strace $0x80000046;
	[dreg:$0x1] =	wrdreg $0xFFFFFFFF  }
0xa7: {  	s28 =	simm.s32 $_size_execute0_lowered;
	s3 =	sadd.s32 s3, s5;
	[dreg:$0x0] =	wrdreg $0x0  }
0xa8: {  	s5 =	sshll.u32 s28, $0x1;
	[dreg:$0x2] =	wrdreg s3  }
0xa9: {  	[dreg:$0x3] =	wrdreg s5  }
0xaa: {  	[dreg:$0x4] =	wrdreg $0xC0  }
0xab: {  	_ =	task [dreg:s7], $0x5FFFF  }
0xac: {  	[dreg:$0x1] =	wrdreg $0xFFFFFFFF  }
0xad: {  	[dreg:$0x0] =	wrdreg $0x60  }
0xae: {  	[dreg:$0x2] =	wrdreg s2  }
0xaf: {  	[dreg:$0x3] =	wrdreg s24  }
0xb0: {  	[dreg:$0x4] =	wrdreg $0x9  }
0xb1: {  	_ =	task.clear_ibuf [dreg:s7], $0x5FFFF;
	_ =	strace $0x90000046  }
0xb2: {  	s29 =	simm.s32 $0x9;
	_ =	strace $0x80000048  }
0xb3: {  	_ =	swait.ge [sflag:s29], $0x1  }
0xb4: {  	[sflag:s29] =	ssyncadd.s32 $0xFFFFFFFF  }
0xb5: {  	_ =	strace $0x90000048  }
0xb6: {  	_ =	sfence  }
0xb7: {  	s30 =	sld [smem:$0x0];
	_ =	sdelay $0x2  }
0xb8: {  	s31 =	sshll.u32 s1, $0xD;
	s1 =	sshrl.u32 s1, $0x2  }
0xb9: {  	s3 =	sand.u32 $0x4000, s31;
	s1 =	sadd.s32 s1, s30  }
0xba: {  	s0 =	sor.u32 s3, s0;
	s1 =	sshll.u32 s1, $0x11  }
0xbb: {  	s0 =	sor.u32 s1, s0  }
0xbc: {  	s0 =	sadd.s32 $0x8F2B, s0  }
0xbd: {  	[sflag:s0] =	ssyncadd.remote.s32 $0x1  }
0xbe: {  	_ =	sfence.sel $0xFFFF  }
0xbf: {  	[dreg:$0x0] =	wrdreg $0xFFFFFFFF;
	(pc) =	sbr.abs _section_cstart, $3  }
0xc0: {  	[dreg:$0x1] =	wrdreg $0xFFFFFFFF  }
0xc1: {  	_ =	task.clear_ibuf [dreg:s7], $0x2FFFF;
	_ =	strace $0x9FFFFFFF  }
0xc2: {  	(tm) =	ssettm $0x7FFFFFFF  }
0xc3: {  	_ =	shalt  }
tec
execute0_lowered:
.L_overlay_start_1:
0x0: {  	(tag) =	ssettag $0x1  }
0x1: {  	s1 =	srdreg.scid;
	s0 =	stileid.u32  }
0x2: {  	s3 =	rddreg [dreg:$0x0];
	s1 =	sand.u32 $0x1, s1;
	s2 =	sshll.u32 s0, $0x1  }
0x3: {  	s5 =	rddreg [dreg:$0x1];
	s4 =	sor.u32 s1, s2;
	s2 =	simm.s32 $0x0  }
0x4: {  	s18 =	simm.s32 $0x1C00;
	[smem:$0x7FF] =	sst s2  }
0x5: {  	s19 =	simm.s32 $0x100;
	_ =	strace $0x80000047;
	[dreg:$0x5] =	wrdreg s18  }
0x6: {  	s20 =	simm.s32 $0x2400;
	[dreg:$0x6] =	wrdreg s19  }
0x7: {  	s21 =	simm.s32 $0x180;
	[dreg:$0x7] =	wrdreg s20  }
0x8: {  	s22 =	simm.s32 $0x2C00;
	[dreg:$0x8] =	wrdreg s21  }
0x9: {  	s23 =	simm.s32 $0x200;
	[dreg:$0x9] =	wrdreg s22  }
0xa: {  	s24 =	simm.s32 $0x3400;
	[dreg:$0xa] =	wrdreg s23  }
0xb: {  	s25 =	simm.s32 $0x280;
	[dreg:$0xb] =	wrdreg s24  }
0xc: {  	s26 =	simm.s32 $0x3C00;
	[dreg:$0xc] =	wrdreg s25  }
0xd: {  	s0 =	simm.s32 $0x300;
	[dreg:$0xd] =	wrdreg s26  }
0xe: {  	s7 =	simm.s32 $0x4C00;
	[dreg:$0xe] =	wrdreg s0  }
0xf: {  	s8 =	simm.s32 $0x400;
	[dreg:$0x11] =	wrdreg s7  }
0x10: {  	s9 =	simm.s32 $0x5400;
	[dreg:$0x12] =	wrdreg s8  }
0x11: {  	s10 =	simm.s32 $0x480;
	[dreg:$0x13] =	wrdreg s9  }
0x12: {  	s11 =	simm.s32 $0x5C00;
	[dreg:$0x14] =	wrdreg s10  }
0x13: {  	s12 =	simm.s32 $0x500;
	[dreg:$0x15] =	wrdreg s11  }
0x14: {  	s13 =	simm.s32 $0x6400;
	[dreg:$0x16] =	wrdreg s12  }
0x15: {  	s14 =	simm.s32 $0x580;
	[dreg:$0x17] =	wrdreg s13  }
0x16: {  	s15 =	simm.s32 $0x6C00;
	[dreg:$0x18] =	wrdreg s14  }
0x17: {  	s16 =	simm.s32 $0x600;
	[dreg:$0x19] =	wrdreg s15  }
0x18: {  	[dreg:$0x1a] =	wrdreg s16;
	s18 =	simm.s32 $0x680  }
0x19: {  	s19 =	simm.s32 $0x7C00;
	[dreg:$0x1c] =	wrdreg s18  }
0x1a: {  	s20 =	simm.s32 $0x700;
	[dreg:$0x1d] =	wrdreg s19  }
0x1b: {  	s21 =	simm.s32 $0x8400;
	[dreg:$0x1e] =	wrdreg s20  }
0x1c: {  	s22 =	simm.s32 $0x780;
	[dreg:$0x1f] =	wrdreg s21  }
0x1d: {  	s23 =	simm.s32 $0x8C00;
	[smem:$0x7E4] =	sst s22  }
0x1e: {  	s24 =	simm.s32 $0x800;
	[smem:$0x7E3] =	sst s23  }
0x1f: {  	s25 =	simm.s32 $0x9400;
	[smem:$0x7EB] =	sst s24  }
0x20: {  	s26 =	simm.s32 $0x880;
	[smem:$0x7E9] =	sst s25  }
0x21: {  	s0 =	simm.s32 $0x9C00;
	[smem:$0x7ED] =	sst s26  }
0x22: {  	s7 =	simm.s32 $0x980;
	[smem:$0x7E7] =	sst s0  }
0x23: {  	s8 =	simm.s32 $0xAC00;
	[smem:$0x7EE] =	sst s7  }
0x24: {  	s9 =	simm.s32 $0xA00;
	[smem:$0x7EC] =	sst s8  }
0x25: {  	s10 =	simm.s32 $0xB400;
	[smem:$0x7EF] =	sst s9  }
0x26: {  	s11 =	simm.s32 $0xA80;
	[smem:$0x7E8] =	sst s10  }
0x27: {  	s12 =	simm.s32 $0xBC00;
	[smem:$0x7F1] =	sst s11  }
0x28: {  	s13 =	simm.s32 $0xB00;
	[smem:$0x7F0] =	sst s12  }
0x29: {  	s6 =	smul.u32 $0x280, s4;
	s14 =	simm.s32 $0xC400;
	[smem:$0x7F2] =	sst s13  }
0x2a: {  	s4 =	smul.u32 $0x2800, s4;
	s15 =	simm.s32 $0xB80;
	[smem:$0x7E6] =	sst s14  }
0x2b: {  	s16 =	simm.s32 $0xCC00;
	s6 =	sadd.s32 s6, s5;
	[smem:$0x7F4] =	sst s15  }
0x2c: {  	s4 =	sadd.s32 s4, s5;
	s5 =	simm.s32 $0x4400;
	[smem:$0x7F3] =	sst s16  }
0x2d: {  	s18 =	simm.s32 $0xD400;
	[dreg:$0xf] =	wrdreg s5  }
0x2e: {  	s19 =	simm.s32 $0xC80;
	[smem:$0x7F8] =	sst s18  }
0x2f: {  	s20 =	simm.s32 $0xDC00;
	[smem:$0x7F7] =	sst s19  }
0x30: {  	s21 =	simm.s32 $0xD00;
	[smem:$0x7F5] =	sst s20  }
0x31: {  	s22 =	simm.s32 $0xE400;
	[smem:$0x7FB] =	sst s21  }
0x32: {  	s23 =	simm.s32 $0xD80;
	[smem:$0x7F9] =	sst s22  }
0x33: {  	s24 =	simm.s32 $0xEC00;
	[smem:$0x7FC] =	sst s23  }
0x34: {  	s25 =	simm.s32 $0xE00;
	[smem:$0x7FA] =	sst s24  }
0x35: {  	s17 =	sadd.s32 $0x1800, s6;
	[smem:$0x7FD] =	sst s25  }
0x36: {  	s4 =	sadd.s32 $0x6800, s4;
	[dreg:$0x3] =	wrdreg s17  }
0x37: {  	s6 =	simm.s32 $0x380;
	[dreg:$0x4] =	wrdreg s4  }
0x38: {  	s5 =	simm.s32 $0x900;
	[dreg:$0x10] =	wrdreg s6  }
0x39: {  	s17 =	simm.s32 $0x7400;
	[smem:$0x7E5] =	sst s5  }
0x3a: {  	s6 =	simm.s32 $0xA400;
	[dreg:$0x1b] =	wrdreg s17  }
0x3b: {  	[smem:$0x7EA] =	sst s6  }
0x3c: {  	s17 =	simm.s32 $0xC00;
	s5 =	rddreg [dreg:$0x3]  }
0x3d: {  	s4 =	simm.s32 $0x2;
	[smem:$0x7F6] =	sst s17  }
0x3e: {  	[tilespmem:s2], [sflag:$0x2] =	stream.linear.gather [hbm4b:s5+s2], $0x1400, $0x38;
	[tilespmem:$0x15400] =	vst v63  }
0x3f: {  	_ =	swait.ge [sflag:s4], $0x1400  }
0x40: {  	s26 =	rddreg [dreg:$0x8]  }
0x41: {  	s8 =	rddreg [dreg:$0xb]  }
0x42: {  	s9 =	rddreg [dreg:$0xd]  }
0x43: {  	s10 =	rddreg [dreg:$0x6]  }
0x44: {  	s7 =	simm.s32 $0x80;
	[sflag:s4] =	ssyncset.done $0x0;
	s11 =	rddreg [dreg:$0x5]  }
0x45: {  	s5 =	simm.s32 $0x1400;
	s12 =	rddreg [dreg:$0x7];
	[sflag:s4] =	ssyncadd.s32 $0xFFFFEC00  }
0x46: {  	[tilespmem:s5], [sflag:$0x1] =	stream.indirect.gather [hbm4b:s3+s7], $0x10, s2, s7, $0xb8;
	[tilespmem:$0x15400] =	vst v63  }
0x47: {  	s13 =	rddreg [dreg:$0x9]  }
0x48: {  	[tilespmem:s11], [sflag:$0x1] =	stream.indirect.gather [hbm4b:s3+s7], $0x10, s7, s7, $0xb8;
	[tilespmem:$0x15400] =	vst v63  }
0x49: {  	s14 =	rddreg [dreg:$0xa]  }
0x4a: {  	[tilespmem:s12], [sflag:$0x1] =	stream.indirect.gather [hbm4b:s3+s7], $0x10, s10, s7, $0xb8;
	[tilespmem:$0x15400] =	vst v63  }
0x4b: {  	s0 =	rddreg [dreg:$0xc]  }
0x4c: {  	[tilespmem:s13], [sflag:$0x1] =	stream.indirect.gather [hbm4b:s3+s7], $0x10, s26, s7, $0xb8;
	[tilespmem:$0x15400] =	vst v63  }
0x4d: {  	s15 =	rddreg [dreg:$0xf]  }
0x4e: {  	[tilespmem:s8], [sflag:$0x1] =	stream.indirect.gather [hbm4b:s3+s7], $0x10, s14, s7, $0xb8;
	[tilespmem:$0x15400] =	vst v63  }
0x4f: {  	s16 =	rddreg [dreg:$0xe]  }
0x50: {  	[tilespmem:s9], [sflag:$0x1] =	stream.indirect.gather [hbm4b:s3+s7], $0x10, s0, s7, $0xb8;
	[tilespmem:$0x15400] =	vst v63  }
0x51: {  	s17 =	rddreg [dreg:$0x10]  }
0x52: {  	[tilespmem:s15], [sflag:$0x1] =	stream.indirect.gather [hbm4b:s3+s7], $0x10, s16, s7, $0xb8;
	[tilespmem:$0x15400] =	vst v63  }
0x53: {  	s6 =	simm.s32 $0x1;
	s18 =	rddreg [dreg:$0x11]  }
0x54: {  	[tilespmem:s18], [sflag:$0x1] =	stream.indirect.gather [hbm4b:s3+s7], $0x10, s17, s7, $0xb8;
	[tilespmem:$0x15400] =	vst v63  }
0x55: {  	_ =	swait.ge [sflag:s6], $0x800  }
0x56: {  	[sflag:s6] =	ssyncset.done $0x0  }
0x57: {  	[sflag:s6] =	ssyncadd.s32 $0xFFFFF800  }
0x58: {  	_ =	swait.ge [sflag:s6], $0x800  }
0x59: {  	[sflag:s6] =	ssyncset.done $0x0  }
0x5a: {  	[sflag:s6] =	ssyncadd.s32 $0xFFFFF800  }
0x5b: {  	_ =	swait.ge [sflag:s6], $0x800  }
0x5c: {  	[sflag:s6] =	ssyncset.done $0x0  }
0x5d: {  	[sflag:s6] =	ssyncadd.s32 $0xFFFFF800  }
0x5e: {  	_ =	swait.ge [sflag:s6], $0x800  }
0x5f: {  	[sflag:s6] =	ssyncset.done $0x0  }
0x60: {  	[sflag:s6] =	ssyncadd.s32 $0xFFFFF800  }
0x61: {  	_ =	swait.ge [sflag:s6], $0x800  }
0x62: {  	[sflag:s6] =	ssyncset.done $0x0  }
0x63: {  	[sflag:s6] =	ssyncadd.s32 $0xFFFFF800  }
0x64: {  	_ =	swait.ge [sflag:s6], $0x800  }
0x65: {  	[sflag:s6] =	ssyncset.done $0x0  }
0x66: {  	[sflag:s6] =	ssyncadd.s32 $0xFFFFF800  }
0x67: {  	_ =	swait.ge [sflag:s6], $0x800  }
0x68: {  	[sflag:s6] =	ssyncset.done $0x0  }
0x69: {  	[sflag:s6] =	ssyncadd.s32 $0xFFFFF800  }
0x6a: {  	_ =	swait.ge [sflag:s6], $0x800  }
0x6b: {  	s19 =	rddreg [dreg:$0x18]  }
0x6c: {  	s20 =	rddreg [dreg:$0x1f]  }
0x6d: {  	s21 =	rddreg [dreg:$0x16]  }
0x6e: {  	s22 =	rddreg [dreg:$0x15]  }
0x6f: {  	s23 =	rddreg [dreg:$0x12]  }
0x70: {  	s24 =	rddreg [dreg:$0x14]  }
0x71: {  	s25 =	rddreg [dreg:$0x13]  }
0x72: {  	s15 =	rddreg [dreg:$0x19]  }
0x73: {  	[sflag:s6] =	ssyncset.done $0x0;
	s16 =	rddreg [dreg:$0x1b]  }
0x74: {  	s17 =	rddreg [dreg:$0x17];
	[sflag:s6] =	ssyncadd.s32 $0xFFFFF800  }
0x75: {  	[tilespmem:s25], [sflag:$0x1] =	stream.indirect.gather [hbm4b:s3+s7], $0x10, s23, s7, $0xb8;
	[tilespmem:$0x15400] =	vst v63  }
0x76: {  	s26 =	rddreg [dreg:$0x1c]  }
0x77: {  	[tilespmem:s22], [sflag:$0x1] =	stream.indirect.gather [hbm4b:s3+s7], $0x10, s24, s7, $0xb8;
	[tilespmem:$0x15400] =	vst v63  }
0x78: {  	s0 =	rddreg [dreg:$0x1a]  }
0x79: {  	[tilespmem:s17], [sflag:$0x1] =	stream.indirect.gather [hbm4b:s3+s7], $0x10, s21, s7, $0xb8;
	[tilespmem:$0x15400] =	vst v63  }
0x7a: {  	s13 =	rddreg [dreg:$0x1d]  }
0x7b: {  	[tilespmem:s15], [sflag:$0x1] =	stream.indirect.gather [hbm4b:s3+s7], $0x10, s19, s7, $0xb8;
	[tilespmem:$0x15400] =	vst v63  }
0x7c: {  	s14 =	rddreg [dreg:$0x1e]  }
0x7d: {  	[tilespmem:s16], [sflag:$0x1] =	stream.indirect.gather [hbm4b:s3+s7], $0x10, s0, s7, $0xb8;
	[tilespmem:$0x15400] =	vst v63  }
0x7e: {  	s15 =	sld [smem:$0x7E3]  }
0x7f: {  	[tilespmem:s13], [sflag:$0x1] =	stream.indirect.gather [hbm4b:s3+s7], $0x10, s26, s7, $0xb8;
	[tilespmem:$0x15400] =	vst v63  }
0x80: {  	s16 =	sld [smem:$0x7E4]  }
0x81: {  	[tilespmem:s20], [sflag:$0x1] =	stream.indirect.gather [hbm4b:s3+s7], $0x10, s14, s7, $0xb8;
	[tilespmem:$0x15400] =	vst v63  }
0x82: {  	_ = 	snop  }
0x83: {  	[tilespmem:s15], [sflag:$0x1] =	stream.indirect.gather [hbm4b:s3+s7], $0x10, s16, s7, $0xb8;
	[tilespmem:$0x15400] =	vst v63  }
0x84: {  	_ =	swait.ge [sflag:s6], $0x800  }
0x85: {  	[sflag:s6] =	ssyncset.done $0x0  }
0x86: {  	[sflag:s6] =	ssyncadd.s32 $0xFFFFF800  }
0x87: {  	_ =	swait.ge [sflag:s6], $0x800  }
0x88: {  	[sflag:s6] =	ssyncset.done $0x0  }
0x89: {  	[sflag:s6] =	ssyncadd.s32 $0xFFFFF800  }
0x8a: {  	_ =	swait.ge [sflag:s6], $0x800  }
0x8b: {  	[sflag:s6] =	ssyncset.done $0x0  }
0x8c: {  	[sflag:s6] =	ssyncadd.s32 $0xFFFFF800  }
0x8d: {  	_ =	swait.ge [sflag:s6], $0x800  }
0x8e: {  	[sflag:s6] =	ssyncset.done $0x0  }
0x8f: {  	[sflag:s6] =	ssyncadd.s32 $0xFFFFF800  }
0x90: {  	_ =	swait.ge [sflag:s6], $0x800  }
0x91: {  	[sflag:s6] =	ssyncset.done $0x0  }
0x92: {  	[sflag:s6] =	ssyncadd.s32 $0xFFFFF800  }
0x93: {  	_ =	swait.ge [sflag:s6], $0x800  }
0x94: {  	[sflag:s6] =	ssyncset.done $0x0  }
0x95: {  	[sflag:s6] =	ssyncadd.s32 $0xFFFFF800  }
0x96: {  	_ =	swait.ge [sflag:s6], $0x800  }
0x97: {  	[sflag:s6] =	ssyncset.done $0x0  }
0x98: {  	[sflag:s6] =	ssyncadd.s32 $0xFFFFF800  }
0x99: {  	_ =	swait.ge [sflag:s6], $0x800  }
0x9a: {  	s17 =	sld [smem:$0x7E5]  }
0x9b: {  	s9 =	sld [smem:$0x7E6]  }
0x9c: {  	s18 =	sld [smem:$0x7E7]  }
0x9d: {  	s19 =	sld [smem:$0x7E8]  }
0x9e: {  	s20 =	sld [smem:$0x7E9]  }
0x9f: {  	s21 =	sld [smem:$0x7EA]  }
0xa0: {  	s22 =	sld [smem:$0x7EB]  }
0xa1: {  	s23 =	sld [smem:$0x7EC]  }
0xa2: {  	[sflag:s6] =	ssyncset.done $0x0;
	s24 =	sld [smem:$0x7ED]  }
0xa3: {  	s25 =	sld [smem:$0x7EE];
	[sflag:s6] =	ssyncadd.s32 $0xFFFFF800  }
0xa4: {  	[tilespmem:s20], [sflag:$0x1] =	stream.indirect.gather [hbm4b:s3+s7], $0x10, s22, s7, $0xb8;
	[tilespmem:$0x15400] =	vst v63  }
0xa5: {  	s26 =	sld [smem:$0x7EF]  }
0xa6: {  	[tilespmem:s18], [sflag:$0x1] =	stream.indirect.gather [hbm4b:s3+s7], $0x10, s24, s7, $0xb8;
	[tilespmem:$0x15400] =	vst v63  }
0xa7: {  	s0 =	sld [smem:$0x7F0]  }
0xa8: {  	[tilespmem:s21], [sflag:$0x1] =	stream.indirect.gather [hbm4b:s3+s7], $0x10, s17, s7, $0xb8;
	[tilespmem:$0x15400] =	vst v63  }
0xa9: {  	s13 =	sld [smem:$0x7F1]  }
0xaa: {  	[tilespmem:s23], [sflag:$0x1] =	stream.indirect.gather [hbm4b:s3+s7], $0x10, s25, s7, $0xb8;
	[tilespmem:$0x15400] =	vst v63  }
0xab: {  	s14 =	sld [smem:$0x7F2]  }
0xac: {  	[tilespmem:s19], [sflag:$0x1] =	stream.indirect.gather [hbm4b:s3+s7], $0x10, s26, s7, $0xb8;
	[tilespmem:$0x15400] =	vst v63  }
0xad: {  	s15 =	sld [smem:$0x7F3]  }
0xae: {  	[tilespmem:s0], [sflag:$0x1] =	stream.indirect.gather [hbm4b:s3+s7], $0x10, s13, s7, $0xb8;
	[tilespmem:$0x15400] =	vst v63  }
0xaf: {  	s16 =	sld [smem:$0x7F4]  }
0xb0: {  	[tilespmem:s9], [sflag:$0x1] =	stream.indirect.gather [hbm4b:s3+s7], $0x10, s14, s7, $0xb8;
	[tilespmem:$0x15400] =	vst v63  }
0xb1: {  	_ = 	snop  }
0xb2: {  	[tilespmem:s15], [sflag:$0x1] =	stream.indirect.gather [hbm4b:s3+s7], $0x10, s16, s7, $0xb8;
	[tilespmem:$0x15400] =	vst v63  }
0xb3: {  	_ =	swait.ge [sflag:s6], $0x800  }
0xb4: {  	[sflag:s6] =	ssyncset.done $0x0  }
0xb5: {  	[sflag:s6] =	ssyncadd.s32 $0xFFFFF800  }
0xb6: {  	_ =	swait.ge [sflag:s6], $0x800  }
0xb7: {  	[sflag:s6] =	ssyncset.done $0x0  }
0xb8: {  	[sflag:s6] =	ssyncadd.s32 $0xFFFFF800  }
0xb9: {  	_ =	swait.ge [sflag:s6], $0x800  }
0xba: {  	[sflag:s6] =	ssyncset.done $0x0  }
0xbb: {  	[sflag:s6] =	ssyncadd.s32 $0xFFFFF800  }
0xbc: {  	_ =	swait.ge [sflag:s6], $0x800  }
0xbd: {  	[sflag:s6] =	ssyncset.done $0x0  }
0xbe: {  	[sflag:s6] =	ssyncadd.s32 $0xFFFFF800  }
0xbf: {  	_ =	swait.ge [sflag:s6], $0x800  }
0xc0: {  	[sflag:s6] =	ssyncset.done $0x0  }
0xc1: {  	[sflag:s6] =	ssyncadd.s32 $0xFFFFF800  }
0xc2: {  	_ =	swait.ge [sflag:s6], $0x800  }
0xc3: {  	[sflag:s6] =	ssyncset.done $0x0  }
0xc4: {  	[sflag:s6] =	ssyncadd.s32 $0xFFFFF800  }
0xc5: {  	_ =	swait.ge [sflag:s6], $0x800  }
0xc6: {  	[sflag:s6] =	ssyncset.done $0x0  }
0xc7: {  	[sflag:s6] =	ssyncadd.s32 $0xFFFFF800  }
0xc8: {  	_ =	swait.ge [sflag:s6], $0x800  }
0xc9: {  	s17 =	sld [smem:$0x7F5]  }
0xca: {  	s18 =	sld [smem:$0x7F6]  }
0xcb: {  	s19 =	sld [smem:$0x7F7]  }
0xcc: {  	s20 =	sld [smem:$0x7F8]  }
0xcd: {  	[sflag:s6] =	ssyncset.done $0x0;
	s21 =	sld [smem:$0x7F9]  }
0xce: {  	s22 =	sld [smem:$0x7FA];
	[sflag:s6] =	ssyncadd.s32 $0xFFFFF800  }
0xcf: {  	[tilespmem:s20], [sflag:$0x1] =	stream.indirect.gather [hbm4b:s3+s7], $0x10, s18, s7, $0xb8;
	[tilespmem:$0x15400] =	vst v63  }
0xd0: {  	s23 =	sld [smem:$0x7FB]  }
0xd1: {  	[tilespmem:s17], [sflag:$0x1] =	stream.indirect.gather [hbm4b:s3+s7], $0x10, s19, s7, $0xb8;
	[tilespmem:$0x15400] =	vst v63  }
0xd2: {  	s24 =	sld [smem:$0x7FC]  }
0xd3: {  	[tilespmem:s21], [sflag:$0x1] =	stream.indirect.gather [hbm4b:s3+s7], $0x10, s23, s7, $0xb8;
	[tilespmem:$0x15400] =	vst v63  }
0xd4: {  	s25 =	sld [smem:$0x7FD]  }
0xd5: {  	[tilespmem:s22], [sflag:$0x1] =	stream.indirect.gather [hbm4b:s3+s7], $0x10, s24, s7, $0xb8;
	[tilespmem:$0x15400] =	vst v63  }
0xd6: {  	s26 =	simm.s32 $0xF400  }
0xd7: {  	[tilespmem:s26], [sflag:$0x1] =	stream.indirect.gather [hbm4b:s3+s7], $0x10, s25, s7, $0xb8;
	[tilespmem:$0x15400] =	vst v63  }
0xd8: {  	s8 =	simm.s32 $0xE80;
	s9 =	simm.s32 $0xFC00  }
0xd9: {  	[tilespmem:s9], [sflag:$0x1] =	stream.indirect.gather [hbm4b:s3+s7], $0x10, s8, s7, $0xb8;
	[tilespmem:$0x15400] =	vst v63  }
0xda: {  	s11 =	simm.s32 $0x10400;
	s10 =	simm.s32 $0xF00  }
0xdb: {  	[tilespmem:s11], [sflag:$0x1] =	stream.indirect.gather [hbm4b:s3+s7], $0x10, s10, s7, $0xb8;
	[tilespmem:$0x15400] =	vst v63  }
0xdc: {  	s12 =	simm.s32 $0xF80;
	s13 =	simm.s32 $0x10C00  }
0xdd: {  	[tilespmem:s13], [sflag:$0x1] =	stream.indirect.gather [hbm4b:s3+s7], $0x10, s12, s7, $0xb8;
	[tilespmem:$0x15400] =	vst v63  }
0xde: {  	_ =	swait.ge [sflag:s6], $0x800  }
0xdf: {  	[sflag:s6] =	ssyncset.done $0x0  }
0xe0: {  	[sflag:s6] =	ssyncadd.s32 $0xFFFFF800  }
0xe1: {  	_ =	swait.ge [sflag:s6], $0x800  }
0xe2: {  	[sflag:s6] =	ssyncset.done $0x0  }
0xe3: {  	[sflag:s6] =	ssyncadd.s32 $0xFFFFF800  }
0xe4: {  	_ =	swait.ge [sflag:s6], $0x800  }
0xe5: {  	[sflag:s6] =	ssyncset.done $0x0  }
0xe6: {  	[sflag:s6] =	ssyncadd.s32 $0xFFFFF800  }
0xe7: {  	_ =	swait.ge [sflag:s6], $0x800  }
0xe8: {  	[sflag:s6] =	ssyncset.done $0x0  }
0xe9: {  	[sflag:s6] =	ssyncadd.s32 $0xFFFFF800  }
0xea: {  	_ =	swait.ge [sflag:s6], $0x800  }
0xeb: {  	[sflag:s6] =	ssyncset.done $0x0  }
0xec: {  	[sflag:s6] =	ssyncadd.s32 $0xFFFFF800  }
0xed: {  	_ =	swait.ge [sflag:s6], $0x800  }
0xee: {  	[sflag:s6] =	ssyncset.done $0x0  }
0xef: {  	[sflag:s6] =	ssyncadd.s32 $0xFFFFF800  }
0xf0: {  	_ =	swait.ge [sflag:s6], $0x800  }
0xf1: {  	[sflag:s6] =	ssyncset.done $0x0  }
0xf2: {  	[sflag:s6] =	ssyncadd.s32 $0xFFFFF800  }
0xf3: {  	_ =	swait.ge [sflag:s6], $0x800  }
0xf4: {  	[sflag:s6] =	ssyncset.done $0x0  }
0xf5: {  	s14 =	simm.s32 $0x1000;
	s15 =	simm.s32 $0x11400;
	[sflag:s6] =	ssyncadd.s32 $0xFFFFF800  }
0xf6: {  	[tilespmem:s15], [sflag:$0x1] =	stream.indirect.gather [hbm4b:s3+s7], $0x10, s14, s7, $0xb8;
	[tilespmem:$0x15400] =	vst v63  }
0xf7: {  	s18 =	simm.s32 $0x11C00;
	s17 =	simm.s32 $0x1080  }
0xf8: {  	[tilespmem:s18], [sflag:$0x1] =	stream.indirect.gather [hbm4b:s3+s7], $0x10, s17, s7, $0xb8;
	[tilespmem:$0x15400] =	vst v63  }
0xf9: {  	s20 =	simm.s32 $0x12400;
	s19 =	simm.s32 $0x1100  }
0xfa: {  	[tilespmem:s20], [sflag:$0x1] =	stream.indirect.gather [hbm4b:s3+s7], $0x10, s19, s7, $0xb8;
	[tilespmem:$0x15400] =	vst v63  }
0xfb: {  	s1 =	ssub.s32 $0x2, s1;
	s21 =	simm.s32 $0x1180;
	s22 =	simm.s32 $0x12C00  }
0xfc: {  	[tilespmem:s22], [sflag:$0x1] =	stream.indirect.gather [hbm4b:s3+s7], $0x10, s21, s7, $0xb8;
	[tilespmem:$0x15400] =	vst v63  }
0xfd: {  	s16 =	sshrl.u32 s1, $0x1;
	s23 =	simm.s32 $0x1200;
	s24 =	simm.s32 $0x13400  }
0xfe: {  	[tilespmem:s24], [sflag:$0x1] =	stream.indirect.gather [hbm4b:s3+s7], $0x10, s23, s7, $0xb8;
	[tilespmem:$0x15400] =	vst v63  }
0xff: {  	s0 =	ssub.s32 s1, s16;
	s25 =	simm.s32 $0x1280;
	s26 =	simm.s32 $0x13C00  }
0x100: {  	[tilespmem:s26], [sflag:$0x1] =	stream.indirect.gather [hbm4b:s3+s7], $0x10, s25, s7, $0xb8;
	[tilespmem:$0x15400] =	vst v63  }
0x101: {  	s28 =	simm.s32 $0x1300;
	s29 =	simm.s32 $0x14400;
	s0 =	smax.u32 s0, $0x1  }
0x102: {  	[tilespmem:s29], [sflag:$0x1] =	stream.indirect.gather [hbm4b:s3+s7], $0x10, s28, s7, $0xb8;
	[tilespmem:$0x15400] =	vst v63  }
0x103: {  	s30 =	simm.s32 $0x1380;
	s31 =	simm.s32 $0x14C00;
	p0 =	sne.s32 s0, $0x1  }
0x104: {  	[tilespmem:s31], [sflag:$0x1] =	stream.indirect.gather [hbm4b:s3+s7], $0x10, s30, s7, $0xb8;
	[tilespmem:$0x15400] =	vst v63  }
.Ltmp0:
0x105: {  	_ = 	snop;
	(pc) =	sbr.rel @!p0 .LBB2_2-.Ltmp0, $4  }
0x106: {  	_ =	swait.ge [sflag:s6], $0x800  }
0x107: {  	[sflag:s6] =	ssyncset.done $0x0  }
0x108: {  	[sflag:s6] =	ssyncadd.s32 $0xFFFFF800  }
0x109: {  	s1 =	sadd.s32 $0xFFFFFFFF, s0;
	_ =	swait.ge [sflag:s6], $0x800  }
.LBB2_1:
0x10a: {  	[sflag:s6] =	ssyncset.done $0x0  }
0x10b: {  	[sflag:s6] =	ssyncadd.s32 $0xFFFFF800  }
0x10c: {  	_ =	swait.ge [sflag:s6], $0x800  }
0x10d: {  	[sflag:s6] =	ssyncset.done $0x0  }
0x10e: {  	[sflag:s6] =	ssyncadd.s32 $0xFFFFF800  }
0x10f: {  	_ =	swait.ge [sflag:s6], $0x800  }
0x110: {  	[sflag:s6] =	ssyncset.done $0x0  }
0x111: {  	[sflag:s6] =	ssyncadd.s32 $0xFFFFF800  }
0x112: {  	_ =	swait.ge [sflag:s6], $0x800  }
0x113: {  	[sflag:s6] =	ssyncset.done $0x0  }
0x114: {  	[sflag:s6] =	ssyncadd.s32 $0xFFFFF800  }
0x115: {  	_ =	swait.ge [sflag:s6], $0x800  }
0x116: {  	[sflag:s6] =	ssyncset.done $0x0  }
0x117: {  	[sflag:s6] =	ssyncadd.s32 $0xFFFFF800  }
0x118: {  	_ =	swait.ge [sflag:s6], $0x800  }
0x119: {  	[sflag:s6] =	ssyncset.done $0x0  }
0x11a: {  	[sflag:s6] =	ssyncadd.s32 $0xFFFFF800  }
0x11b: {  	_ =	swait.ge [sflag:s6], $0x800  }
0x11c: {  	[sflag:s6] =	ssyncset.done $0x0  }
0x11d: {  	s0 =	rddreg [dreg:$0x4];
	[sflag:s6] =	ssyncadd.s32 $0xFFFFF800  }
0x11e: {  	[hbm4b:s0+s2] =	stream.linear.scatter [tilespmem:s5], [sflag:$0x2], $0x14000, $0x38;
	[tilespmem:$0x15400] =	vst v63  }
0x11f: {  	_ =	swait.ge [sflag:s4], $0x14000  }
0x120: {  	[sflag:s4] =	ssyncset.done $0x0  }
0x121: {  	s15 =	rddreg [dreg:$0x3];
	[sflag:s4] =	ssyncadd.s32 $0xFFFEC000  }
0x122: {  	[tilespmem:s2], [sflag:$0x2] =	stream.linear.gather [hbm4b:s15+s2], $0x1400, $0x38;
	[tilespmem:$0x15400] =	vst v63  }
0x123: {  	_ =	swait.ge [sflag:s4], $0x1400  }
0x124: {  	s16 =	rddreg [dreg:$0x8]  }
0x125: {  	s8 =	rddreg [dreg:$0xb]  }
0x126: {  	s9 =	rddreg [dreg:$0xd]  }
0x127: {  	s10 =	rddreg [dreg:$0x6]  }
0x128: {  	[sflag:s4] =	ssyncset.done $0x0;
	s11 =	rddreg [dreg:$0x5]  }
0x129: {  	s12 =	rddreg [dreg:$0x7];
	[sflag:s4] =	ssyncadd.s32 $0xFFFFEC00  }
0x12a: {  	[tilespmem:s5], [sflag:$0x1] =	stream.indirect.gather [hbm4b:s3+s7], $0x10, s2, s7, $0xb8;
	[tilespmem:$0x15400] =	vst v63  }
0x12b: {  	s13 =	rddreg [dreg:$0x9]  }
0x12c: {  	[tilespmem:s11], [sflag:$0x1] =	stream.indirect.gather [hbm4b:s3+s7], $0x10, s7, s7, $0xb8;
	[tilespmem:$0x15400] =	vst v63  }
0x12d: {  	s14 =	rddreg [dreg:$0xa]  }
0x12e: {  	[tilespmem:s12], [sflag:$0x1] =	stream.indirect.gather [hbm4b:s3+s7], $0x10, s10, s7, $0xb8;
	[tilespmem:$0x15400] =	vst v63  }
0x12f: {  	s15 =	rddreg [dreg:$0xe]  }
0x130: {  	[tilespmem:s13], [sflag:$0x1] =	stream.indirect.gather [hbm4b:s3+s7], $0x10, s16, s7, $0xb8;
	[tilespmem:$0x15400] =	vst v63  }
0x131: {  	s11 =	rddreg [dreg:$0xc]  }
0x132: {  	[tilespmem:s8], [sflag:$0x1] =	stream.indirect.gather [hbm4b:s3+s7], $0x10, s14, s7, $0xb8;
	[tilespmem:$0x15400] =	vst v63  }
0x133: {  	s12 =	rddreg [dreg:$0xf]  }
0x134: {  	[tilespmem:s9], [sflag:$0x1] =	stream.indirect.gather [hbm4b:s3+s7], $0x10, s11, s7, $0xb8;
	[tilespmem:$0x15400] =	vst v63  }
0x135: {  	s16 =	rddreg [dreg:$0x10]  }
0x136: {  	[tilespmem:s12], [sflag:$0x1] =	stream.indirect.gather [hbm4b:s3+s7], $0x10, s15, s7, $0xb8;
	[tilespmem:$0x15400] =	vst v63  }
0x137: {  	s11 =	rddreg [dreg:$0x11]  }
0x138: {  	[tilespmem:s11], [sflag:$0x1] =	stream.indirect.gather [hbm4b:s3+s7], $0x10, s16, s7, $0xb8;
	[tilespmem:$0x15400] =	vst v63  }
0x139: {  	_ =	swait.ge [sflag:s6], $0x800  }
0x13a: {  	[sflag:s6] =	ssyncset.done $0x0  }
0x13b: {  	[sflag:s6] =	ssyncadd.s32 $0xFFFFF800  }
0x13c: {  	_ =	swait.ge [sflag:s6], $0x800  }
0x13d: {  	[sflag:s6] =	ssyncset.done $0x0  }
0x13e: {  	[sflag:s6] =	ssyncadd.s32 $0xFFFFF800  }
0x13f: {  	_ =	swait.ge [sflag:s6], $0x800  }
0x140: {  	[sflag:s6] =	ssyncset.done $0x0  }
0x141: {  	[sflag:s6] =	ssyncadd.s32 $0xFFFFF800  }
0x142: {  	_ =	swait.ge [sflag:s6], $0x800  }
0x143: {  	[sflag:s6] =	ssyncset.done $0x0  }
0x144: {  	[sflag:s6] =	ssyncadd.s32 $0xFFFFF800  }
0x145: {  	_ =	swait.ge [sflag:s6], $0x800  }
0x146: {  	[sflag:s6] =	ssyncset.done $0x0  }
0x147: {  	[sflag:s6] =	ssyncadd.s32 $0xFFFFF800  }
0x148: {  	_ =	swait.ge [sflag:s6], $0x800  }
0x149: {  	[sflag:s6] =	ssyncset.done $0x0  }
0x14a: {  	[sflag:s6] =	ssyncadd.s32 $0xFFFFF800  }
0x14b: {  	_ =	swait.ge [sflag:s6], $0x800  }
0x14c: {  	[sflag:s6] =	ssyncset.done $0x0  }
0x14d: {  	[sflag:s6] =	ssyncadd.s32 $0xFFFFF800  }
0x14e: {  	_ =	swait.ge [sflag:s6], $0x800  }
0x14f: {  	s0 =	rddreg [dreg:$0x18]  }
0x150: {  	s8 =	rddreg [dreg:$0x1f]  }
0x151: {  	s9 =	rddreg [dreg:$0x16]  }
0x152: {  	s10 =	rddreg [dreg:$0x15]  }
0x153: {  	s11 =	rddreg [dreg:$0x12]  }
0x154: {  	s12 =	rddreg [dreg:$0x14]  }
0x155: {  	s13 =	rddreg [dreg:$0x13]  }
0x156: {  	s14 =	rddreg [dreg:$0x19]  }
0x157: {  	[sflag:s6] =	ssyncset.done $0x0;
	s15 =	rddreg [dreg:$0x1b]  }
0x158: {  	s16 =	rddreg [dreg:$0x17];
	[sflag:s6] =	ssyncadd.s32 $0xFFFFF800  }
0x159: {  	[tilespmem:s13], [sflag:$0x1] =	stream.indirect.gather [hbm4b:s3+s7], $0x10, s11, s7, $0xb8;
	[tilespmem:$0x15400] =	vst v63  }
0x15a: {  	s11 =	rddreg [dreg:$0x1c]  }
0x15b: {  	[tilespmem:s10], [sflag:$0x1] =	stream.indirect.gather [hbm4b:s3+s7], $0x10, s12, s7, $0xb8;
	[tilespmem:$0x15400] =	vst v63  }
0x15c: {  	s13 =	rddreg [dreg:$0x1d]  }
0x15d: {  	[tilespmem:s16], [sflag:$0x1] =	stream.indirect.gather [hbm4b:s3+s7], $0x10, s9, s7, $0xb8;
	[tilespmem:$0x15400] =	vst v63  }
0x15e: {  	s12 =	rddreg [dreg:$0x1a]  }
0x15f: {  	[tilespmem:s14], [sflag:$0x1] =	stream.indirect.gather [hbm4b:s3+s7], $0x10, s0, s7, $0xb8;
	[tilespmem:$0x15400] =	vst v63  }
0x160: {  	s16 =	sld [smem:$0x7E3]  }
0x161: {  	[tilespmem:s15], [sflag:$0x1] =	stream.indirect.gather [hbm4b:s3+s7], $0x10, s12, s7, $0xb8;
	[tilespmem:$0x15400] =	vst v63  }
0x162: {  	s14 =	rddreg [dreg:$0x1e]  }
0x163: {  	[tilespmem:s13], [sflag:$0x1] =	stream.indirect.gather [hbm4b:s3+s7], $0x10, s11, s7, $0xb8;
	[tilespmem:$0x15400] =	vst v63  }
0x164: {  	s12 =	sld [smem:$0x7E4]  }
0x165: {  	[tilespmem:s8], [sflag:$0x1] =	stream.indirect.gather [hbm4b:s3+s7], $0x10, s14, s7, $0xb8;
	[tilespmem:$0x15400] =	vst v63  }
0x166: {  	_ = 	snop  }
0x167: {  	[tilespmem:s16], [sflag:$0x1] =	stream.indirect.gather [hbm4b:s3+s7], $0x10, s12, s7, $0xb8;
	[tilespmem:$0x15400] =	vst v63  }
0x168: {  	_ =	swait.ge [sflag:s6], $0x800  }
0x169: {  	[sflag:s6] =	ssyncset.done $0x0  }
0x16a: {  	[sflag:s6] =	ssyncadd.s32 $0xFFFFF800  }
0x16b: {  	_ =	swait.ge [sflag:s6], $0x800  }
0x16c: {  	[sflag:s6] =	ssyncset.done $0x0  }
0x16d: {  	[sflag:s6] =	ssyncadd.s32 $0xFFFFF800  }
0x16e: {  	_ =	swait.ge [sflag:s6], $0x800  }
0x16f: {  	[sflag:s6] =	ssyncset.done $0x0  }
0x170: {  	[sflag:s6] =	ssyncadd.s32 $0xFFFFF800  }
0x171: {  	_ =	swait.ge [sflag:s6], $0x800  }
0x172: {  	[sflag:s6] =	ssyncset.done $0x0  }
0x173: {  	[sflag:s6] =	ssyncadd.s32 $0xFFFFF800  }
0x174: {  	_ =	swait.ge [sflag:s6], $0x800  }
0x175: {  	[sflag:s6] =	ssyncset.done $0x0  }
0x176: {  	[sflag:s6] =	ssyncadd.s32 $0xFFFFF800  }
0x177: {  	_ =	swait.ge [sflag:s6], $0x800  }
0x178: {  	[sflag:s6] =	ssyncset.done $0x0  }
0x179: {  	[sflag:s6] =	ssyncadd.s32 $0xFFFFF800  }
0x17a: {  	_ =	swait.ge [sflag:s6], $0x800  }
0x17b: {  	[sflag:s6] =	ssyncset.done $0x0  }
0x17c: {  	[sflag:s6] =	ssyncadd.s32 $0xFFFFF800  }
0x17d: {  	_ =	swait.ge [sflag:s6], $0x800  }
0x17e: {  	s0 =	sld [smem:$0x7E5]  }
0x17f: {  	s8 =	sld [smem:$0x7E6]  }
0x180: {  	s9 =	sld [smem:$0x7E7]  }
0x181: {  	s10 =	sld [smem:$0x7E8]  }
0x182: {  	s11 =	sld [smem:$0x7E9]  }
0x183: {  	s12 =	sld [smem:$0x7EA]  }
0x184: {  	s13 =	sld [smem:$0x7EB]  }
0x185: {  	s14 =	sld [smem:$0x7EC]  }
0x186: {  	[sflag:s6] =	ssyncset.done $0x0;
	s15 =	sld [smem:$0x7ED]  }
0x187: {  	s16 =	sld [smem:$0x7EE];
	[sflag:s6] =	ssyncadd.s32 $0xFFFFF800  }
0x188: {  	[tilespmem:s11], [sflag:$0x1] =	stream.indirect.gather [hbm4b:s3+s7], $0x10, s13, s7, $0xb8;
	[tilespmem:$0x15400] =	vst v63  }
0x189: {  	s11 =	sld [smem:$0x7EF]  }
0x18a: {  	[tilespmem:s9], [sflag:$0x1] =	stream.indirect.gather [hbm4b:s3+s7], $0x10, s15, s7, $0xb8;
	[tilespmem:$0x15400] =	vst v63  }
0x18b: {  	s13 =	sld [smem:$0x7F1]  }
0x18c: {  	[tilespmem:s12], [sflag:$0x1] =	stream.indirect.gather [hbm4b:s3+s7], $0x10, s0, s7, $0xb8;
	[tilespmem:$0x15400] =	vst v63  }
0x18d: {  	s9 =	sld [smem:$0x7F0]  }
0x18e: {  	[tilespmem:s14], [sflag:$0x1] =	stream.indirect.gather [hbm4b:s3+s7], $0x10, s16, s7, $0xb8;
	[tilespmem:$0x15400] =	vst v63  }
0x18f: {  	s15 =	sld [smem:$0x7F2]  }
0x190: {  	[tilespmem:s10], [sflag:$0x1] =	stream.indirect.gather [hbm4b:s3+s7], $0x10, s11, s7, $0xb8;
	[tilespmem:$0x15400] =	vst v63  }
0x191: {  	s16 =	sld [smem:$0x7F3]  }
0x192: {  	[tilespmem:s9], [sflag:$0x1] =	stream.indirect.gather [hbm4b:s3+s7], $0x10, s13, s7, $0xb8;
	[tilespmem:$0x15400] =	vst v63  }
0x193: {  	s9 =	sld [smem:$0x7F4]  }
0x194: {  	[tilespmem:s8], [sflag:$0x1] =	stream.indirect.gather [hbm4b:s3+s7], $0x10, s15, s7, $0xb8;
	[tilespmem:$0x15400] =	vst v63  }
0x195: {  	_ = 	snop  }
0x196: {  	[tilespmem:s16], [sflag:$0x1] =	stream.indirect.gather [hbm4b:s3+s7], $0x10, s9, s7, $0xb8;
	[tilespmem:$0x15400] =	vst v63  }
0x197: {  	_ =	swait.ge [sflag:s6], $0x800  }
0x198: {  	[sflag:s6] =	ssyncset.done $0x0  }
0x199: {  	[sflag:s6] =	ssyncadd.s32 $0xFFFFF800  }
0x19a: {  	_ =	swait.ge [sflag:s6], $0x800  }
0x19b: {  	[sflag:s6] =	ssyncset.done $0x0  }
0x19c: {  	[sflag:s6] =	ssyncadd.s32 $0xFFFFF800  }
0x19d: {  	_ =	swait.ge [sflag:s6], $0x800  }
0x19e: {  	[sflag:s6] =	ssyncset.done $0x0  }
0x19f: {  	[sflag:s6] =	ssyncadd.s32 $0xFFFFF800  }
0x1a0: {  	_ =	swait.ge [sflag:s6], $0x800  }
0x1a1: {  	[sflag:s6] =	ssyncset.done $0x0  }
0x1a2: {  	[sflag:s6] =	ssyncadd.s32 $0xFFFFF800  }
0x1a3: {  	_ =	swait.ge [sflag:s6], $0x800  }
0x1a4: {  	[sflag:s6] =	ssyncset.done $0x0  }
0x1a5: {  	[sflag:s6] =	ssyncadd.s32 $0xFFFFF800  }
0x1a6: {  	_ =	swait.ge [sflag:s6], $0x800  }
0x1a7: {  	[sflag:s6] =	ssyncset.done $0x0  }
0x1a8: {  	[sflag:s6] =	ssyncadd.s32 $0xFFFFF800  }
0x1a9: {  	_ =	swait.ge [sflag:s6], $0x800  }
0x1aa: {  	[sflag:s6] =	ssyncset.done $0x0  }
0x1ab: {  	[sflag:s6] =	ssyncadd.s32 $0xFFFFF800  }
0x1ac: {  	_ =	swait.ge [sflag:s6], $0x800  }
0x1ad: {  	s10 =	sld [smem:$0x7F5]  }
0x1ae: {  	s14 =	sld [smem:$0x7F6]  }
0x1af: {  	s15 =	sld [smem:$0x7F7]  }
0x1b0: {  	s12 =	sld [smem:$0x7F8]  }
0x1b1: {  	[sflag:s6] =	ssyncset.done $0x0;
	s13 =	sld [smem:$0x7F9]  }
0x1b2: {  	s16 =	sld [smem:$0x7FA];
	[sflag:s6] =	ssyncadd.s32 $0xFFFFF800  }
0x1b3: {  	[tilespmem:s12], [sflag:$0x1] =	stream.indirect.gather [hbm4b:s3+s7], $0x10, s14, s7, $0xb8;
	[tilespmem:$0x15400] =	vst v63  }
0x1b4: {  	s14 =	sld [smem:$0x7FB]  }
0x1b5: {  	[tilespmem:s10], [sflag:$0x1] =	stream.indirect.gather [hbm4b:s3+s7], $0x10, s15, s7, $0xb8;
	[tilespmem:$0x15400] =	vst v63  }
0x1b6: {  	s15 =	sld [smem:$0x7FC]  }
0x1b7: {  	[tilespmem:s13], [sflag:$0x1] =	stream.indirect.gather [hbm4b:s3+s7], $0x10, s14, s7, $0xb8;
	[tilespmem:$0x15400] =	vst v63  }
0x1b8: {  	s0 =	sld [smem:$0x7FD]  }
0x1b9: {  	[tilespmem:s16], [sflag:$0x1] =	stream.indirect.gather [hbm4b:s3+s7], $0x10, s15, s7, $0xb8;
	[tilespmem:$0x15400] =	vst v63  }
0x1ba: {  	s16 =	simm.s32 $0xF400  }
0x1bb: {  	[tilespmem:s16], [sflag:$0x1] =	stream.indirect.gather [hbm4b:s3+s7], $0x10, s0, s7, $0xb8;
	[tilespmem:$0x15400] =	vst v63  }
0x1bc: {  	s9 =	simm.s32 $0xE80;
	s10 =	simm.s32 $0xFC00  }
0x1bd: {  	[tilespmem:s10], [sflag:$0x1] =	stream.indirect.gather [hbm4b:s3+s7], $0x10, s9, s7, $0xb8;
	[tilespmem:$0x15400] =	vst v63  }
0x1be: {  	s11 =	simm.s32 $0xF00;
	s12 =	simm.s32 $0x10400  }
0x1bf: {  	[tilespmem:s12], [sflag:$0x1] =	stream.indirect.gather [hbm4b:s3+s7], $0x10, s11, s7, $0xb8;
	[tilespmem:$0x15400] =	vst v63  }
0x1c0: {  	s13 =	simm.s32 $0xF80;
	s14 =	simm.s32 $0x10C00  }
0x1c1: {  	[tilespmem:s14], [sflag:$0x1] =	stream.indirect.gather [hbm4b:s3+s7], $0x10, s13, s7, $0xb8;
	[tilespmem:$0x15400] =	vst v63  }
0x1c2: {  	_ =	swait.ge [sflag:s6], $0x800  }
0x1c3: {  	[sflag:s6] =	ssyncset.done $0x0  }
0x1c4: {  	[sflag:s6] =	ssyncadd.s32 $0xFFFFF800  }
0x1c5: {  	_ =	swait.ge [sflag:s6], $0x800  }
0x1c6: {  	[sflag:s6] =	ssyncset.done $0x0  }
0x1c7: {  	[sflag:s6] =	ssyncadd.s32 $0xFFFFF800  }
0x1c8: {  	_ =	swait.ge [sflag:s6], $0x800  }
0x1c9: {  	[sflag:s6] =	ssyncset.done $0x0  }
0x1ca: {  	[sflag:s6] =	ssyncadd.s32 $0xFFFFF800  }
0x1cb: {  	_ =	swait.ge [sflag:s6], $0x800  }
0x1cc: {  	[sflag:s6] =	ssyncset.done $0x0  }
0x1cd: {  	[sflag:s6] =	ssyncadd.s32 $0xFFFFF800  }
0x1ce: {  	_ =	swait.ge [sflag:s6], $0x800  }
0x1cf: {  	[sflag:s6] =	ssyncset.done $0x0  }
0x1d0: {  	[sflag:s6] =	ssyncadd.s32 $0xFFFFF800  }
0x1d1: {  	_ =	swait.ge [sflag:s6], $0x800  }
0x1d2: {  	[sflag:s6] =	ssyncset.done $0x0  }
0x1d3: {  	[sflag:s6] =	ssyncadd.s32 $0xFFFFF800  }
0x1d4: {  	_ =	swait.ge [sflag:s6], $0x800  }
0x1d5: {  	[sflag:s6] =	ssyncset.done $0x0  }
0x1d6: {  	[sflag:s6] =	ssyncadd.s32 $0xFFFFF800  }
0x1d7: {  	_ =	swait.ge [sflag:s6], $0x800  }
0x1d8: {  	[sflag:s6] =	ssyncset.done $0x0  }
0x1d9: {  	s15 =	simm.s32 $0x1000;
	s16 =	simm.s32 $0x11400;
	[sflag:s6] =	ssyncadd.s32 $0xFFFFF800  }
0x1da: {  	[tilespmem:s16], [sflag:$0x1] =	stream.indirect.gather [hbm4b:s3+s7], $0x10, s15, s7, $0xb8;
	[tilespmem:$0x15400] =	vst v63  }
0x1db: {  	_ = 	snop  }
0x1dc: {  	[tilespmem:s18], [sflag:$0x1] =	stream.indirect.gather [hbm4b:s3+s7], $0x10, s17, s7, $0xb8;
	[tilespmem:$0x15400] =	vst v63  }
0x1dd: {  	_ = 	snop  }
0x1de: {  	[tilespmem:s20], [sflag:$0x1] =	stream.indirect.gather [hbm4b:s3+s7], $0x10, s19, s7, $0xb8;
	[tilespmem:$0x15400] =	vst v63  }
0x1df: {  	_ = 	snop  }
0x1e0: {  	[tilespmem:s22], [sflag:$0x1] =	stream.indirect.gather [hbm4b:s3+s7], $0x10, s21, s7, $0xb8;
	[tilespmem:$0x15400] =	vst v63  }
0x1e1: {  	_ = 	snop  }
0x1e2: {  	[tilespmem:s24], [sflag:$0x1] =	stream.indirect.gather [hbm4b:s3+s7], $0x10, s23, s7, $0xb8;
	[tilespmem:$0x15400] =	vst v63  }
0x1e3: {  	_ = 	snop  }
0x1e4: {  	[tilespmem:s26], [sflag:$0x1] =	stream.indirect.gather [hbm4b:s3+s7], $0x10, s25, s7, $0xb8;
	[tilespmem:$0x15400] =	vst v63  }
0x1e5: {  	_ = 	snop  }
0x1e6: {  	[tilespmem:s29], [sflag:$0x1] =	stream.indirect.gather [hbm4b:s3+s7], $0x10, s28, s7, $0xb8;
	[tilespmem:$0x15400] =	vst v63  }
0x1e7: {  	p0 =	sne.s32 s1, $0x1  }
0x1e8: {  	[tilespmem:s31], [sflag:$0x1] =	stream.indirect.gather [hbm4b:s3+s7], $0x10, s30, s7, $0xb8;
	[tilespmem:$0x15400] =	vst v63  }
.Ltmp1:
0x1e9: {  	_ = 	snop;
	(pc) =	sbr.rel @p0 .LBB2_1-.Ltmp1, $4  }
0x1ea: {  	_ =	swait.ge [sflag:s6], $0x800  }
0x1eb: {  	[sflag:s6] =	ssyncset.done $0x0  }
0x1ec: {  	[sflag:s6] =	ssyncadd.s32 $0xFFFFF800  }
0x1ed: {  	s1 =	sadd.s32 $0xFFFFFFFF, s1;
	_ =	swait.ge [sflag:s6], $0x800  }
.LBB2_2:
0x1ee: {  	[sflag:s6] =	ssyncset.done $0x0  }
0x1ef: {  	[sflag:s6] =	ssyncadd.s32 $0xFFFFF800  }
0x1f0: {  	_ =	swait.ge [sflag:s6], $0x800  }
0x1f1: {  	[sflag:s6] =	ssyncset.done $0x0  }
0x1f2: {  	[sflag:s6] =	ssyncadd.s32 $0xFFFFF800  }
0x1f3: {  	_ =	swait.ge [sflag:s6], $0x800  }
0x1f4: {  	[sflag:s6] =	ssyncset.done $0x0  }
0x1f5: {  	[sflag:s6] =	ssyncadd.s32 $0xFFFFF800  }
0x1f6: {  	_ =	swait.ge [sflag:s6], $0x800  }
0x1f7: {  	[sflag:s6] =	ssyncset.done $0x0  }
0x1f8: {  	[sflag:s6] =	ssyncadd.s32 $0xFFFFF800  }
0x1f9: {  	_ =	swait.ge [sflag:s6], $0x800  }
0x1fa: {  	[sflag:s6] =	ssyncset.done $0x0  }
0x1fb: {  	[sflag:s6] =	ssyncadd.s32 $0xFFFFF800  }
0x1fc: {  	_ =	swait.ge [sflag:s6], $0x800  }
0x1fd: {  	[sflag:s6] =	ssyncset.done $0x0  }
0x1fe: {  	[sflag:s6] =	ssyncadd.s32 $0xFFFFF800  }
0x1ff: {  	_ =	swait.ge [sflag:s6], $0x800  }
0x200: {  	[sflag:s6] =	ssyncset.done $0x0  }
0x201: {  	s0 =	rddreg [dreg:$0x4];
	[sflag:s6] =	ssyncadd.s32 $0xFFFFF800  }
0x202: {  	[hbm4b:s0+s2] =	stream.linear.scatter [tilespmem:s5], [sflag:$0x2], $0x14000, $0x38;
	[tilespmem:$0x15400] =	vst v63  }
0x203: {  	_ =	swait.ge [sflag:s4], $0x14000  }
0x204: {  	[sflag:s4] =	ssyncset.done $0x0  }
0x205: {  	[sflag:s4] =	ssyncadd.s32 $0xFFFEC000  }
0x206: {  	_ =	sfence.sel $0x180000  }
0x207: {  	[bflag:$0x0] =	sbarrier.arrive $0xFFFF  }
0x208: {  	_ =	strace $0x90000047  }
0x209: {  	s31 =	stileid.u32;
	[bflag:$0x2] =	sbarrier.arrive $0xFFFF  }
0x20a: {  	p0 =	sne.s32 s31, $0x0;
	s0 =	rddreg [dreg:$0x2]  }
0x20b: {  	s0 =	sadd.s32 @!p0 $0x100000, s0  }
0x20c: {  	[sflag:s0] =	ssyncadd.tile.s32 @!p0 $0x1;
	_ =	shalt  }
.Lfunc_end2:
_tile_overlayer_lowered:
.L_overlay_start_2:
0x20d: {  	(tag) =	ssettag $0x2  }
0x20e: {  	s0 =	rddreg [dreg:$0x0];
	s2 =	stileid.u32  }
0x20f: {  	s1 =	rddreg [dreg:$0x1];
	p0 =	sne.s32 s2, $0x0  }
0x210: {  	s3 =	rddreg [dreg:$0x2];
	[bflag:$0x3] =	sbarrier.arrive $0xFFFF;
	s2 =	simm.s32 @!p0 $0x1C02  }
0x211: {  	[timem:s3], [sflag:s2] =	dma.local @!p0 [hbm:s0], s1  }
0x212: {  	s0 =	simm.s32 @!p0 $0x2  }
0x213: {  	_ =	swait.ge @!p0 [sflag:s0], s1  }
0x214: {  	s1 =	ssub.s32 @!p0 $0x0, s1;
	[sflag:s0] =	ssyncset.done @!p0 $0x0  }
0x215: {  	[sflag:s0] =	ssyncadd.s32 @!p0 s1  }
0x216: {  	[bflag:$0x3] =	sbarrier.arrive $0xFFFF  }
0x217: {  	_ =	shalt  }

// kernel: kernel.9.cloned.1.call-start
scs
__scs_entry_jumppad:
0x0: {  	(pc) =	sbr.rel $0x88, $3  }
0x1: {  	(tag) =	ssettag $0x0;
	lr =	simm.s32 $0x1  }
0x2: {  	[smem:$0x3F9A] =	sst lr;
	_ =	strace $0xD0000000  }
0x3: {  	_ = 	snop  }
0x4: {  	_ = 	snop  }
0x5: {  	_ = 	snop  }
0x6: {  	_ = 	snop  }
0x7: {  	_ = 	snop  }
__scs_overlays_trampoline_lowered:
0x8: {  	[smem:$0x3FA9] =	sst s0  }
0x9: {  	[smem:$0x3FAA] =	sst s1  }
0xa: {  	[smem:$0x3FAB] =	sst s2  }
0xb: {  	[smem:$0x3FAC] =	sst s3  }
0xc: {  	[smem:$0x3FAD] =	sst s4  }
0xd: {  	[smem:$0x3FAE] =	sst s5  }
0xe: {  	[smem:$0x3FAF] =	sst s6  }
0xf: {  	[smem:$0x3FB0] =	sst s7  }
0x10: {  	[smem:$0x3FB1] =	sst s8  }
0x11: {  	[smem:$0x3FB2] =	sst s9;
	s0 =	simm.s32 @!p0 $0x0  }
0x12: {  	s1 =	sld [smem:$0x3F98];
	s0 =	simm.s32 @p0 $0x1  }
0x13: {  	[smem:$0x3FB3] =	sst s0;
	s0 =	simm.s32 @!p1 $0x0  }
0x14: {  	s2 =	sld [smem:$0x3F97];
	s0 =	simm.s32 @p1 $0x1  }
0x15: {  	[smem:$0x3FB4] =	sst s0;
	s0 =	simm.s32 @!p2 $0x0  }
0x16: {  	s3 =	sld [smem:$0x3FDB];
	s0 =	simm.s32 @p2 $0x1  }
0x17: {  	s4 =	simm.s32 $0x1BF5;
	[smem:$0x3FB6] =	sst s0  }
0x18: {  	s0 =	sld [smem:$0x3F99];
	_ =	swait.ge [sflag:s4], $0x0  }
0x19: {  	s7 =	sld [smem:$0x3F9A]  }
0x1a: {  	s8 =	sadd.s32 $0xFFFFE003, lr  }
0x1b: {  	s9 =	sadd.s32 $0xFFFFFEF7, lr;
	s5 =	simm.s32 $0xFFFFFFFF;
	p2 =	slt.u32 s8, $0xFFFFF086  }
0x1c: {  	p1 =	slt.u32 s9, $0xF7A;
	s5 =	simm.s32 @!p2 $0x0  }
0x1d: {  	s5 =	simm.s32 @p1 $0x1;
	p0 =	seq.s32 s7, s2  }
0x1e: {  	s7 =	smul.u32 @!p0 $0xF7A, s2;
	p2 =	seq.s32 @!p0 s5, $0x0  }
0x1f: {  	s9 =	smul.u32 $0xF7A, s1;
	s8 =	simm.s32 @!p0 $0x1BF5;
	p2 =	por !p2, p0  }
0x20: {  	[sflag:s8] =	ssyncset.s32 @!p0 $0xFFFFF086;
	s6 =	sadd.s32 @!p0 s3, s7;
	s7 =	simm.s32 @!p0 $0x108  }
0x21: {  	s3 =	sadd.s32 s3, s9;
	s6 =	sadd.s32 @!p0 $0x88, s6;
	s7 =	simm.s32 @p2 $0x1082  }
0x22: {  	[simem:s7], [sflag:s8] =	dma.local @!p0 [hbm:s6], $0xF7A  }
0x23: {  	s9 =	sor.u32 $0xD0000000, s2;
	s6 =	simm.s32 $0x108;
	_ =	swait.ge @!p0 [sflag:s8], $0x0  }
0x24: {  	s3 =	sadd.s32 $0x88, s3;
	s6 =	simm.s32 @!p1 $0x1082;
	[sflag:s4] =	ssyncset.s32 $0xFFFFF086  }
0x25: {  	[simem:s6], [sflag:s4] =	dma.local [hbm:s3], $0xF7A  }
0x26: {  	[smem:$0x3F9A] =	sst s1;
	(tag) =	ssettag s2;
	_ =	strace s9  }
0x27: {  	s1 =	sld [smem:$0x3FAA]  }
0x28: {  	s2 =	sld [smem:$0x3FAB]  }
0x29: {  	s4 =	sld [smem:$0x3FAD]  }
0x2a: {  	p0 =	seq.s32 s5, $0x0;
	s5 =	sld [smem:$0x3FAE]  }
0x2b: {  	s6 =	sld [smem:$0x3FAF]  }
0x2c: {  	s7 =	sld [smem:$0x3FB0]  }
0x2d: {  	s3 =	simm.s32 $0x108;
	s8 =	sld [smem:$0x3FB1]  }
0x2e: {  	s3 =	simm.s32 @!p0 $0x1082;
	s9 =	sld [smem:$0x3FB2]  }
0x2f: {  	lr =	sadd.s32 s0, s3;
	s0 =	sld [smem:$0x3FA9]  }
0x30: {  	s3 =	sld [smem:$0x3FAC]  }
0x31: {  	[smem:$0x3FB5] =	sst s10  }
0x32: {  	s10 =	sld [smem:$0x3FB3];
	_ =	sdelay $0x3  }
0x33: {  	p0 =	seq.s32 s10, $0x1;
	s10 =	sld [smem:$0x3FB5];
	_ =	sdelay $0x3  }
0x34: {  	[smem:$0x3FB5] =	sst s10  }
0x35: {  	s10 =	sld [smem:$0x3FB4];
	_ =	sdelay $0x3  }
0x36: {  	p1 =	seq.s32 s10, $0x1;
	s10 =	sld [smem:$0x3FB5];
	_ =	sdelay $0x3  }
0x37: {  	[smem:$0x3FB5] =	sst s10  }
0x38: {  	s10 =	sld [smem:$0x3FB6]  }
0x39: {  	_ = 	snop;
	(pc) =	sbr.ind lr, $3  }
0x3a: {  	_ = 	snop  }
0x3b: {  	_ = 	snop  }
0x3c: {  	p2 =	seq.s32 s10, $0x1;
	s10 =	sld [smem:$0x3FB5]  }
0x3d: {  	_ =	shalt  }
0x3e: {  	_ =	shalt  }
0x3f: {  	_ =	shalt  }
0x40: {  	_ =	shalt  }
0x41: {  	_ =	shalt  }
0x42: {  	_ =	shalt  }
0x43: {  	_ =	shalt  }
0x44: {  	_ =	shalt  }
0x45: {  	_ =	shalt  }
0x46: {  	_ =	shalt  }
0x47: {  	_ =	shalt  }
0x48: {  	_ =	shalt  }
0x49: {  	_ =	shalt  }
0x4a: {  	_ =	shalt  }
0x4b: {  	_ =	shalt  }
0x4c: {  	_ =	shalt  }
0x4d: {  	_ =	shalt  }
0x4e: {  	_ =	shalt  }
0x4f: {  	_ =	shalt  }
0x50: {  	_ =	shalt  }
0x51: {  	_ =	shalt  }
0x52: {  	_ =	shalt  }
0x53: {  	_ =	shalt  }
0x54: {  	_ =	shalt  }
0x55: {  	_ =	shalt  }
0x56: {  	_ =	shalt  }
0x57: {  	_ =	shalt  }
0x58: {  	_ =	shalt  }
0x59: {  	_ =	shalt  }
0x5a: {  	_ =	shalt  }
0x5b: {  	_ =	shalt  }
0x5c: {  	_ =	shalt  }
0x5d: {  	_ =	shalt  }
0x5e: {  	_ =	shalt  }
0x5f: {  	_ =	shalt  }
0x60: {  	_ =	shalt  }
0x61: {  	_ =	shalt  }
0x62: {  	_ =	shalt  }
0x63: {  	_ =	shalt  }
0x64: {  	_ =	shalt  }
0x65: {  	_ =	shalt  }
0x66: {  	_ =	shalt  }
0x67: {  	_ =	shalt  }
0x68: {  	_ =	shalt  }
0x69: {  	_ =	shalt  }
0x6a: {  	_ =	shalt  }
0x6b: {  	_ =	shalt  }
0x6c: {  	_ =	shalt  }
0x6d: {  	_ =	shalt  }
0x6e: {  	_ =	shalt  }
0x6f: {  	_ =	shalt  }
0x70: {  	_ =	shalt  }
0x71: {  	_ =	shalt  }
0x72: {  	_ =	shalt  }
0x73: {  	_ =	shalt  }
0x74: {  	_ =	shalt  }
0x75: {  	_ =	shalt  }
0x76: {  	_ =	shalt  }
0x77: {  	_ =	shalt  }
0x78: {  	_ =	shalt  }
0x79: {  	_ =	shalt  }
0x7a: {  	_ =	shalt  }
0x7b: {  	_ =	shalt  }
0x7c: {  	_ =	shalt  }
0x7d: {  	_ =	shalt  }
0x7e: {  	_ =	shalt  }
0x7f: {  	_ =	shalt  }
0x80: {  	_ =	shalt  }
0x81: {  	_ =	shalt  }
0x82: {  	_ =	shalt  }
0x83: {  	_ =	shalt  }
0x84: {  	_ =	shalt  }
0x85: {  	_ =	shalt  }
0x86: {  	_ =	shalt  }
0x87: {  	_ =	shalt  }
.Lfunc_end0:
.L_simem_size_0:
called_computation.1_lowered:
.L_overlay_start_0:
0x88: {  	s2 =	sld [smem:$0x3FD9]  }
0x89: {  	s3 =	sld [smem:$0x3FFE];
	_ =	sdelay $0x1  }
0x8a: {  	s1 =	srdreg.scid  }
0x8b: {  	s0 =	sand.u32 $0x1, s1  }
0x8c: {  	s17 =	sshll.u32 s0, $0xA;
	s2 =	sadd.s32 s3, s2  }
0x8d: {  	s2 =	sadd.s32 s2, s17  }
0x8e: {  	[smem:$0x3FC1] =	sst s2  }
0x8f: {  	_ = 	snop  }
0x90: {  	s2 =	sld [smem:$0x3FD0];
	(tm) =	ssettm $0x1  }
0x91: {  	s18 =	sld [smem:$0x3FFB];
	_ =	sdelay $0x3  }
0x92: {  	_ =	strace s18  }
0x93: {  	s3 =	sld [smem:$0x3FFC];
	_ =	sdelay $0x3  }
0x94: {  	_ =	strace s3  }
0x95: {  	s3 =	sld [smem:$0x3FFD];
	_ =	sdelay $0x3  }
0x96: {  	_ =	strace s3  }
0x97: {  	_ =	strace $0x8FFFFFFF  }
0x98: {  	s19 =	sld [smem:$0x3FDB];
	_ =	sdelay $0x1  }
0x99: {  	s4 =	simm.s32 $_scs_section_size  }
0x9a: {  	s5 =	simm.s32 $_size__tile_overlayer_lowered;
	s6 =	simm.s32 $_tile_overlayer_lowered  }
0x9b: {  	s22 =	simm.s32 $0x1BFF;
	s21 =	sshll.u32 s6, $0x1;
	s3 =	sadd.s32 s4, s19  }
0x9c: {  	s7 =	simm.s32 $0x0;
	s20 =	sshll.u32 s5, $0x1;
	s5 =	sadd.s32 s21, s3  }
0x9d: {  	[timem:s7], [sflag:s22] =	dma.local [hbm:s5], s20  }
0x9e: {  	_ =	swait.ge [sflag:s22], s20  }
0x9f: {  	s4 =	ssub.s32 $0x0, s20;
	[sflag:s22] =	ssyncset.done $0x0  }
0xa0: {  	[sflag:s22] =	ssyncadd.s32 s4;
	_ =	sdelay $0x1  }
0xa1: {  	s23 =	simm.s32 $0x1B8B  }
0xa2: {  	_ =	swait.ge [sflag:s23], $0x1  }
0xa3: {  	[sflag:s23] =	ssyncset.done $0x0  }
0xa4: {  	s25 =	simm.s32 $0x1B8E;
	s24 =	sld [smem:$0x3FFE];
	[sflag:s23] =	ssyncadd.s32 $0xFFFFFFFF  }
0xa5: {  	s26 =	simm.s32 $execute0_lowered;
	[smem:$0x3FD2] =	sst s25  }
0xa6: {  	s5 =	sshll.u32 s26, $0x1;
	_ =	strace $0x80000049;
	[dreg:$0x1] =	wrdreg $0xFFFFFFFF  }
0xa7: {  	s28 =	simm.s32 $_size_execute0_lowered;
	s3 =	sadd.s32 s3, s5;
	[dreg:$0x0] =	wrdreg $0x0  }
0xa8: {  	s5 =	sshll.u32 s28, $0x1;
	[dreg:$0x2] =	wrdreg s3  }
0xa9: {  	[dreg:$0x3] =	wrdreg s5  }
0xaa: {  	[dreg:$0x4] =	wrdreg $0xC0  }
0xab: {  	_ =	task [dreg:s7], $0x5FFFF  }
0xac: {  	[dreg:$0x1] =	wrdreg $0xFFFFFFFF  }
0xad: {  	[dreg:$0x0] =	wrdreg $0x60  }
0xae: {  	[dreg:$0x2] =	wrdreg s24  }
0xaf: {  	[dreg:$0x3] =	wrdreg s2  }
0xb0: {  	[dreg:$0x4] =	wrdreg $0x154000  }
0xb1: {  	[dreg:$0x5] =	wrdreg $0x9  }
0xb2: {  	_ =	task.clear_ibuf [dreg:s7], $0x6FFFF;
	_ =	strace $0x90000049  }
0xb3: {  	s29 =	simm.s32 $0x9;
	_ =	strace $0x8000004B  }
0xb4: {  	_ =	swait.ge [sflag:s29], $0x1  }
0xb5: {  	[sflag:s29] =	ssyncadd.s32 $0xFFFFFFFF  }
0xb6: {  	_ =	strace $0x9000004B  }
0xb7: {  	_ =	sfence  }
0xb8: {  	s30 =	sld [smem:$0x0];
	_ =	sdelay $0x2  }
0xb9: {  	s31 =	sshll.u32 s1, $0xD;
	s1 =	sshrl.u32 s1, $0x2  }
0xba: {  	s3 =	sand.u32 $0x4000, s31;
	s1 =	sadd.s32 s1, s30  }
0xbb: {  	s0 =	sor.u32 s3, s0;
	s1 =	sshll.u32 s1, $0x11  }
0xbc: {  	s0 =	sor.u32 s1, s0  }
0xbd: {  	s0 =	sadd.s32 $0x8F2B, s0  }
0xbe: {  	[sflag:s0] =	ssyncadd.remote.s32 $0x1  }
0xbf: {  	_ =	sfence.sel $0xFFFF  }
0xc0: {  	[dreg:$0x0] =	wrdreg $0xFFFFFFFF;
	(pc) =	sbr.abs _section_cstart, $3  }
0xc1: {  	[dreg:$0x1] =	wrdreg $0xFFFFFFFF  }
0xc2: {  	_ =	task.clear_ibuf [dreg:s7], $0x2FFFF;
	_ =	strace $0x9FFFFFFF  }
0xc3: {  	(tm) =	ssettm $0x7FFFFFFF  }
tec
execute0_lowered:
.L_overlay_start_1:
0x0: {  	(tag) =	ssettag $0x1  }
0x1: {  	s1 =	srdreg.scid;
	s0 =	stileid.u32  }
0x2: {  	s5 =	rddreg [dreg:$0x0];
	s1 =	sand.u32 $0x1, s1;
	s2 =	sshll.u32 s0, $0x1  }
0x3: {  	s6 =	rddreg [dreg:$0x1];
	s4 =	smul.u32 $0x2710, s0;
	s3 =	sor.u32 s1, s2  }
0x4: {  	s2 =	rddreg [dreg:$0x2];
	s7 =	smul.u32 $0x2800, s3  }
0x5: {  	s8 =	smul.u32 $0x280, s3;
	s3 =	simm.s32 $0x0;
	s10 =	sshrl.u32 s4, $0x3  }
0x6: {  	[smem:$0x7FF] =	sst s3;
	s6 =	sadd.s32 s6, s10  }
0x7: {  	s10 =	simm.s32 $0x180;
	_ =	strace $0x8000004A;
	[dreg:$0x4] =	wrdreg s6  }
0x8: {  	s11 =	simm.s32 $0x2C00;
	[dreg:$0xb] =	wrdreg s10  }
0x9: {  	s12 =	simm.s32 $0x200;
	[dreg:$0xc] =	wrdreg s11  }
0xa: {  	s13 =	simm.s32 $0x3400;
	[dreg:$0xd] =	wrdreg s12  }
0xb: {  	s14 =	simm.s32 $0x280;
	[dreg:$0xe] =	wrdreg s13  }
0xc: {  	s15 =	simm.s32 $0x3C00;
	[dreg:$0xf] =	wrdreg s14  }
0xd: {  	s16 =	simm.s32 $0x300;
	[dreg:$0x10] =	wrdreg s15  }
0xe: {  	s17 =	simm.s32 $0x4400;
	[dreg:$0x11] =	wrdreg s16  }
0xf: {  	s18 =	simm.s32 $0x380;
	[dreg:$0x12] =	wrdreg s17  }
0x10: {  	s19 =	simm.s32 $0x4C00;
	[dreg:$0x13] =	wrdreg s18  }
0x11: {  	s20 =	simm.s32 $0x400;
	[dreg:$0x14] =	wrdreg s19  }
0x12: {  	s21 =	simm.s32 $0x5400;
	[dreg:$0x15] =	wrdreg s20  }
0x13: {  	s22 =	simm.s32 $0x480;
	[dreg:$0x16] =	wrdreg s21  }
0x14: {  	s23 =	simm.s32 $0x5C00;
	[dreg:$0x17] =	wrdreg s22  }
0x15: {  	s24 =	simm.s32 $0x500;
	[dreg:$0x18] =	wrdreg s23  }
0x16: {  	[dreg:$0x19] =	wrdreg s24;
	s6 =	simm.s32 $0x6C00  }
0x17: {  	s10 =	simm.s32 $0x7C00;
	[dreg:$0x1c] =	wrdreg s6  }
0x18: {  	s11 =	simm.s32 $0x700;
	[smem:$0x7DF] =	sst s10  }
0x19: {  	s12 =	simm.s32 $0x8400;
	[smem:$0x7E0] =	sst s11  }
0x1a: {  	s13 =	simm.s32 $0x780;
	[smem:$0x7DE] =	sst s12  }
0x1b: {  	s14 =	simm.s32 $0x8C00;
	[smem:$0x7E2] =	sst s13  }
0x1c: {  	s15 =	simm.s32 $0x800;
	[smem:$0x7E1] =	sst s14  }
0x1d: {  	s16 =	simm.s32 $0x9400;
	[smem:$0x7E8] =	sst s15  }
0x1e: {  	s17 =	simm.s32 $0x880;
	[smem:$0x7E9] =	sst s16  }
0x1f: {  	s18 =	simm.s32 $0x9C00;
	[smem:$0x7E7] =	sst s17  }
0x20: {  	s19 =	simm.s32 $0x900;
	[smem:$0x7E5] =	sst s18  }
0x21: {  	s20 =	simm.s32 $0xA400;
	[smem:$0x7E3] =	sst s19  }
0x22: {  	s21 =	simm.s32 $0x980;
	[smem:$0x7EA] =	sst s20  }
0x23: {  	s22 =	simm.s32 $0xAC00;
	[smem:$0x7EC] =	sst s21  }
0x24: {  	s23 =	simm.s32 $0xA00;
	[smem:$0x7EB] =	sst s22  }
0x25: {  	s24 =	simm.s32 $0xB400;
	[smem:$0x7ED] =	sst s23  }
0x26: {  	s9 =	smul.u32 $0x27100, s1;
	s8 =	sadd.s32 s8, s5;
	[smem:$0x7E6] =	sst s24  }
0x27: {  	s7 =	sadd.s32 s7, s5;
	s25 =	sadd.s32 $0xA6800, s8;
	s22 =	rddreg [dreg:$0x4]  }
0x28: {  	s26 =	sadd.s32 $0x1800, s7;
	[dreg:$0x5] =	wrdreg s25  }
0x29: {  	s9 =	sadd.s32 s4, s9;
	s7 =	simm.s32 $0x1C00;
	[dreg:$0x6] =	wrdreg s26  }
0x2a: {  	s9 =	sshrl.u32 s9, $0x3;
	s8 =	simm.s32 $0x100;
	[dreg:$0x8] =	wrdreg s7  }
0x2b: {  	s5 =	sadd.s32 s9, s5;
	s9 =	simm.s32 $0x2400;
	[dreg:$0x9] =	wrdreg s8  }
0x2c: {  	s6 =	simm.s32 $0xB00;
	[dreg:$0xa] =	wrdreg s9  }
0x2d: {  	s10 =	simm.s32 $0xC00;
	[smem:$0x7F0] =	sst s6  }
0x2e: {  	s11 =	simm.s32 $0xD400;
	[smem:$0x7F7] =	sst s10  }
0x2f: {  	s12 =	simm.s32 $0xC80;
	[smem:$0x7F5] =	sst s11  }
0x30: {  	s13 =	simm.s32 $0xDC00;
	[smem:$0x7F3] =	sst s12  }
0x31: {  	s14 =	simm.s32 $0xD00;
	[smem:$0x7F4] =	sst s13  }
0x32: {  	s15 =	simm.s32 $0xE400;
	[smem:$0x7F9] =	sst s14  }
0x33: {  	s16 =	simm.s32 $0xD80;
	[smem:$0x7F8] =	sst s15  }
0x34: {  	s17 =	simm.s32 $0xEC00;
	[smem:$0x7FA] =	sst s16  }
0x35: {  	s18 =	simm.s32 $0xE00;
	[smem:$0x7F6] =	sst s17  }
0x36: {  	s21 =	simm.s32 $0xF400;
	[smem:$0x7FB] =	sst s18  }
0x37: {  	s23 =	simm.s32 $0xE80;
	[smem:$0x7FC] =	sst s21  }
0x38: {  	s5 =	sadd.s32 $0x51800, s5;
	[smem:$0x7FD] =	sst s23  }
0x39: {  	s25 =	simm.s32 $0x6400;
	[dreg:$0x7] =	wrdreg s5  }
0x3a: {  	s26 =	simm.s32 $0x580;
	[dreg:$0x1a] =	wrdreg s25  }
0x3b: {  	s7 =	simm.s32 $0x600;
	[dreg:$0x1b] =	wrdreg s26  }
0x3c: {  	s8 =	simm.s32 $0x7400;
	[dreg:$0x1d] =	wrdreg s7  }
0x3d: {  	s9 =	simm.s32 $0x680;
	[dreg:$0x1e] =	wrdreg s8  }
0x3e: {  	[dreg:$0x1f] =	wrdreg s9;
	s25 =	simm.s32 $0xA80  }
0x3f: {  	s26 =	simm.s32 $0xBC00;
	[smem:$0x7EF] =	sst s25  }
0x40: {  	s19 =	sadd.s32 s4, s2;
	s7 =	simm.s32 $0xC400;
	[smem:$0x7EE] =	sst s26  }
0x41: {  	s20 =	sshll.u32 s0, $0x6;
	s8 =	simm.s32 $0xB80;
	[smem:$0x7E4] =	sst s7  }
0x42: {  	s4 =	sor.u32 $0x1C02, s20;
	s9 =	simm.s32 $0xCC00;
	[smem:$0x7F2] =	sst s8  }
0x43: {  	s6 =	sshrl.u32 s19, $0x3;
	s5 =	simm.s32 $0x2;
	[smem:$0x7F1] =	sst s9  }
0x44: {  	[spmem:s6], [sflag:s4] =	dma.local [hbm:s22], $0x4E2  }
0x45: {  	_ =	swait.ge [sflag:s5], $0x4E2  }
0x46: {  	[sflag:s5] =	ssyncset.done $0x0  }
0x47: {  	s24 =	rddreg [dreg:$0x5];
	[sflag:s5] =	ssyncadd.s32 $0xFFFFFB1E  }
0x48: {  	[tilespmem:s3], [sflag:$0x2] =	stream.linear.gather [hbm4b:s24+s3], $0x1400, $0x38;
	[tilespmem:$0x17B10] =	vst v63  }
0x49: {  	_ =	swait.ge [sflag:s5], $0x1400  }
0x4a: {  	[sflag:s5] =	ssyncset.done $0x0  }
0x4b: {  	s7 =	simm.s32 $0x1400;
	s25 =	rddreg [dreg:$0x6];
	[sflag:s5] =	ssyncadd.s32 $0xFFFFEC00  }
0x4c: {  	[tilespmem:s7], [sflag:$0x2] =	stream.linear.gather [hbm4b:s25+s3], $0x14000, $0x38;
	[tilespmem:$0x17B10] =	vst v63  }
0x4d: {  	_ =	swait.ge [sflag:s5], $0x14000  }
0x4e: {  	[sflag:s5] =	ssyncset.done $0x0  }
0x4f: {  	[sflag:s5] =	ssyncadd.s32 $0xFFFEC000  }
0x50: {  	[bflag:$0x0] =	sbarrier.arrive $0xFFFF  }
0x51: {  	s26 =	rddreg [dreg:$0xb]  }
0x52: {  	s0 =	rddreg [dreg:$0x10]  }
0x53: {  	s11 =	rddreg [dreg:$0xc]  }
0x54: {  	s9 =	simm.s32 $0x80;
	s12 =	rddreg [dreg:$0xa]  }
0x55: {  	[spmem:s2] =	stream.indirect.scatter.add.f32 [tilespmem:s7], [sflag:$0x1], $0x10, s3, s9, $0xb8;
	[tilespmem:$0x17B10] =	vst v63  }
0x56: {  	s13 =	rddreg [dreg:$0x8]  }
0x57: {  	s14 =	rddreg [dreg:$0xe]  }
0x58: {  	s15 =	rddreg [dreg:$0x9]  }
0x59: {  	[spmem:s2] =	stream.indirect.scatter.add.f32 [tilespmem:s13], [sflag:$0x1], $0x10, s9, s9, $0xb8;
	[tilespmem:$0x17B10] =	vst v63  }
0x5a: {  	s16 =	rddreg [dreg:$0xd]  }
0x5b: {  	[spmem:s2] =	stream.indirect.scatter.add.f32 [tilespmem:s12], [sflag:$0x1], $0x10, s15, s9, $0xb8;
	[tilespmem:$0x17B10] =	vst v63  }
0x5c: {  	s17 =	rddreg [dreg:$0xf]  }
0x5d: {  	[spmem:s2] =	stream.indirect.scatter.add.f32 [tilespmem:s11], [sflag:$0x1], $0x10, s26, s9, $0xb8;
	[tilespmem:$0x17B10] =	vst v63  }
0x5e: {  	s18 =	rddreg [dreg:$0x12]  }
0x5f: {  	[spmem:s2] =	stream.indirect.scatter.add.f32 [tilespmem:s14], [sflag:$0x1], $0x10, s16, s9, $0xb8;
	[tilespmem:$0x17B10] =	vst v63  }
0x60: {  	s19 =	rddreg [dreg:$0x11]  }
0x61: {  	[spmem:s2] =	stream.indirect.scatter.add.f32 [tilespmem:s0], [sflag:$0x1], $0x10, s17, s9, $0xb8;
	[tilespmem:$0x17B10] =	vst v63  }
0x62: {  	s20 =	rddreg [dreg:$0x13]  }
0x63: {  	[spmem:s2] =	stream.indirect.scatter.add.f32 [tilespmem:s18], [sflag:$0x1], $0x10, s19, s9, $0xb8;
	[tilespmem:$0x17B10] =	vst v63  }
0x64: {  	s8 =	simm.s32 $0x1;
	s21 =	rddreg [dreg:$0x14]  }
0x65: {  	[spmem:s2] =	stream.indirect.scatter.add.f32 [tilespmem:s21], [sflag:$0x1], $0x10, s20, s9, $0xb8;
	[tilespmem:$0x17B10] =	vst v63  }
0x66: {  	_ =	swait.ge [sflag:s8], $0x800  }
0x67: {  	[sflag:s8] =	ssyncset.done $0x0  }
0x68: {  	[sflag:s8] =	ssyncadd.s32 $0xFFFFF800  }
0x69: {  	_ =	swait.ge [sflag:s8], $0x800  }
0x6a: {  	[sflag:s8] =	ssyncset.done $0x0  }
0x6b: {  	[sflag:s8] =	ssyncadd.s32 $0xFFFFF800  }
0x6c: {  	_ =	swait.ge [sflag:s8], $0x800  }
0x6d: {  	[sflag:s8] =	ssyncset.done $0x0  }
0x6e: {  	[sflag:s8] =	ssyncadd.s32 $0xFFFFF800  }
0x6f: {  	_ =	swait.ge [sflag:s8], $0x800  }
0x70: {  	[sflag:s8] =	ssyncset.done $0x0  }
0x71: {  	[sflag:s8] =	ssyncadd.s32 $0xFFFFF800  }
0x72: {  	_ =	swait.ge [sflag:s8], $0x800  }
0x73: {  	[sflag:s8] =	ssyncset.done $0x0  }
0x74: {  	[sflag:s8] =	ssyncadd.s32 $0xFFFFF800  }
0x75: {  	_ =	swait.ge [sflag:s8], $0x800  }
0x76: {  	[sflag:s8] =	ssyncset.done $0x0  }
0x77: {  	[sflag:s8] =	ssyncadd.s32 $0xFFFFF800  }
0x78: {  	_ =	swait.ge [sflag:s8], $0x800  }
0x79: {  	[sflag:s8] =	ssyncset.done $0x0  }
0x7a: {  	[sflag:s8] =	ssyncadd.s32 $0xFFFFF800  }
0x7b: {  	_ =	swait.ge [sflag:s8], $0x800  }
0x7c: {  	s22 =	rddreg [dreg:$0x1b]  }
0x7d: {  	s11 =	sld [smem:$0x7DE]  }
0x7e: {  	s23 =	rddreg [dreg:$0x19]  }
0x7f: {  	s24 =	rddreg [dreg:$0x16]  }
0x80: {  	s25 =	rddreg [dreg:$0x18]  }
0x81: {  	s26 =	rddreg [dreg:$0x17]  }
0x82: {  	s0 =	rddreg [dreg:$0x15]  }
0x83: {  	s17 =	rddreg [dreg:$0x1c]  }
0x84: {  	[sflag:s8] =	ssyncset.done $0x0;
	s18 =	rddreg [dreg:$0x1e]  }
0x85: {  	s19 =	rddreg [dreg:$0x1a];
	[sflag:s8] =	ssyncadd.s32 $0xFFFFF800  }
0x86: {  	[spmem:s2] =	stream.indirect.scatter.add.f32 [tilespmem:s24], [sflag:$0x1], $0x10, s0, s9, $0xb8;
	[tilespmem:$0x17B10] =	vst v63  }
0x87: {  	s16 =	rddreg [dreg:$0x1f]  }
0x88: {  	[spmem:s2] =	stream.indirect.scatter.add.f32 [tilespmem:s25], [sflag:$0x1], $0x10, s26, s9, $0xb8;
	[tilespmem:$0x17B10] =	vst v63  }
0x89: {  	s20 =	rddreg [dreg:$0x1d]  }
0x8a: {  	[spmem:s2] =	stream.indirect.scatter.add.f32 [tilespmem:s19], [sflag:$0x1], $0x10, s23, s9, $0xb8;
	[tilespmem:$0x17B10] =	vst v63  }
0x8b: {  	s21 =	sld [smem:$0x7DF]  }
0x8c: {  	[spmem:s2] =	stream.indirect.scatter.add.f32 [tilespmem:s17], [sflag:$0x1], $0x10, s22, s9, $0xb8;
	[tilespmem:$0x17B10] =	vst v63  }
0x8d: {  	s24 =	sld [smem:$0x7E2]  }
0x8e: {  	[spmem:s2] =	stream.indirect.scatter.add.f32 [tilespmem:s18], [sflag:$0x1], $0x10, s20, s9, $0xb8;
	[tilespmem:$0x17B10] =	vst v63  }
0x8f: {  	s22 =	sld [smem:$0x7E0]  }
0x90: {  	[spmem:s2] =	stream.indirect.scatter.add.f32 [tilespmem:s21], [sflag:$0x1], $0x10, s16, s9, $0xb8;
	[tilespmem:$0x17B10] =	vst v63  }
0x91: {  	s23 =	sld [smem:$0x7E1]  }
0x92: {  	[spmem:s2] =	stream.indirect.scatter.add.f32 [tilespmem:s11], [sflag:$0x1], $0x10, s22, s9, $0xb8;
	[tilespmem:$0x17B10] =	vst v63  }
0x93: {  	_ = 	snop  }
0x94: {  	[spmem:s2] =	stream.indirect.scatter.add.f32 [tilespmem:s23], [sflag:$0x1], $0x10, s24, s9, $0xb8;
	[tilespmem:$0x17B10] =	vst v63  }
0x95: {  	_ =	swait.ge [sflag:s8], $0x800  }
0x96: {  	[sflag:s8] =	ssyncset.done $0x0  }
0x97: {  	[sflag:s8] =	ssyncadd.s32 $0xFFFFF800  }
0x98: {  	_ =	swait.ge [sflag:s8], $0x800  }
0x99: {  	[sflag:s8] =	ssyncset.done $0x0  }
0x9a: {  	[sflag:s8] =	ssyncadd.s32 $0xFFFFF800  }
0x9b: {  	_ =	swait.ge [sflag:s8], $0x800  }
0x9c: {  	[sflag:s8] =	ssyncset.done $0x0  }
0x9d: {  	[sflag:s8] =	ssyncadd.s32 $0xFFFFF800  }
0x9e: {  	_ =	swait.ge [sflag:s8], $0x800  }
0x9f: {  	[sflag:s8] =	ssyncset.done $0x0  }
0xa0: {  	[sflag:s8] =	ssyncadd.s32 $0xFFFFF800  }
0xa1: {  	_ =	swait.ge [sflag:s8], $0x800  }
0xa2: {  	[sflag:s8] =	ssyncset.done $0x0  }
0xa3: {  	[sflag:s8] =	ssyncadd.s32 $0xFFFFF800  }
0xa4: {  	_ =	swait.ge [sflag:s8], $0x800  }
0xa5: {  	[sflag:s8] =	ssyncset.done $0x0  }
0xa6: {  	[sflag:s8] =	ssyncadd.s32 $0xFFFFF800  }
0xa7: {  	_ =	swait.ge [sflag:s8], $0x800  }
0xa8: {  	[sflag:s8] =	ssyncset.done $0x0  }
0xa9: {  	[sflag:s8] =	ssyncadd.s32 $0xFFFFF800  }
0xaa: {  	_ =	swait.ge [sflag:s8], $0x800  }
0xab: {  	s25 =	sld [smem:$0x7E3]  }
0xac: {  	s11 =	sld [smem:$0x7E4]  }
0xad: {  	s26 =	sld [smem:$0x7E5]  }
0xae: {  	s0 =	sld [smem:$0x7E6]  }
0xaf: {  	s17 =	sld [smem:$0x7E7]  }
0xb0: {  	s18 =	sld [smem:$0x7E8]  }
0xb1: {  	s19 =	sld [smem:$0x7E9]  }
0xb2: {  	s20 =	sld [smem:$0x7EA]  }
0xb3: {  	[sflag:s8] =	ssyncset.done $0x0;
	s21 =	sld [smem:$0x7EB]  }
0xb4: {  	s22 =	sld [smem:$0x7EC];
	[sflag:s8] =	ssyncadd.s32 $0xFFFFF800  }
0xb5: {  	[spmem:s2] =	stream.indirect.scatter.add.f32 [tilespmem:s19], [sflag:$0x1], $0x10, s18, s9, $0xb8;
	[tilespmem:$0x17B10] =	vst v63  }
0xb6: {  	s23 =	sld [smem:$0x7ED]  }
0xb7: {  	[spmem:s2] =	stream.indirect.scatter.add.f32 [tilespmem:s26], [sflag:$0x1], $0x10, s17, s9, $0xb8;
	[tilespmem:$0x17B10] =	vst v63  }
0xb8: {  	s24 =	sld [smem:$0x7EE]  }
0xb9: {  	[spmem:s2] =	stream.indirect.scatter.add.f32 [tilespmem:s20], [sflag:$0x1], $0x10, s25, s9, $0xb8;
	[tilespmem:$0x17B10] =	vst v63  }
0xba: {  	s12 =	sld [smem:$0x7F2]  }
0xbb: {  	[spmem:s2] =	stream.indirect.scatter.add.f32 [tilespmem:s21], [sflag:$0x1], $0x10, s22, s9, $0xb8;
	[tilespmem:$0x17B10] =	vst v63  }
0xbc: {  	s25 =	sld [smem:$0x7EF]  }
0xbd: {  	[spmem:s2] =	stream.indirect.scatter.add.f32 [tilespmem:s0], [sflag:$0x1], $0x10, s23, s9, $0xb8;
	[tilespmem:$0x17B10] =	vst v63  }
0xbe: {  	s26 =	sld [smem:$0x7F0]  }
0xbf: {  	[spmem:s2] =	stream.indirect.scatter.add.f32 [tilespmem:s24], [sflag:$0x1], $0x10, s25, s9, $0xb8;
	[tilespmem:$0x17B10] =	vst v63  }
0xc0: {  	s0 =	sld [smem:$0x7F1]  }
0xc1: {  	[spmem:s2] =	stream.indirect.scatter.add.f32 [tilespmem:s11], [sflag:$0x1], $0x10, s26, s9, $0xb8;
	[tilespmem:$0x17B10] =	vst v63  }
0xc2: {  	_ = 	snop  }
0xc3: {  	[spmem:s2] =	stream.indirect.scatter.add.f32 [tilespmem:s0], [sflag:$0x1], $0x10, s12, s9, $0xb8;
	[tilespmem:$0x17B10] =	vst v63  }
0xc4: {  	_ =	swait.ge [sflag:s8], $0x800  }
0xc5: {  	[sflag:s8] =	ssyncset.done $0x0  }
0xc6: {  	[sflag:s8] =	ssyncadd.s32 $0xFFFFF800  }
0xc7: {  	_ =	swait.ge [sflag:s8], $0x800  }
0xc8: {  	[sflag:s8] =	ssyncset.done $0x0  }
0xc9: {  	[sflag:s8] =	ssyncadd.s32 $0xFFFFF800  }
0xca: {  	_ =	swait.ge [sflag:s8], $0x800  }
0xcb: {  	[sflag:s8] =	ssyncset.done $0x0  }
0xcc: {  	[sflag:s8] =	ssyncadd.s32 $0xFFFFF800  }
0xcd: {  	_ =	swait.ge [sflag:s8], $0x800  }
0xce: {  	[sflag:s8] =	ssyncset.done $0x0  }
0xcf: {  	[sflag:s8] =	ssyncadd.s32 $0xFFFFF800  }
0xd0: {  	_ =	swait.ge [sflag:s8], $0x800  }
0xd1: {  	[sflag:s8] =	ssyncset.done $0x0  }
0xd2: {  	[sflag:s8] =	ssyncadd.s32 $0xFFFFF800  }
0xd3: {  	_ =	swait.ge [sflag:s8], $0x800  }
0xd4: {  	[sflag:s8] =	ssyncset.done $0x0  }
0xd5: {  	[sflag:s8] =	ssyncadd.s32 $0xFFFFF800  }
0xd6: {  	_ =	swait.ge [sflag:s8], $0x800  }
0xd7: {  	[sflag:s8] =	ssyncset.done $0x0  }
0xd8: {  	[sflag:s8] =	ssyncadd.s32 $0xFFFFF800  }
0xd9: {  	_ =	swait.ge [sflag:s8], $0x800  }
0xda: {  	s15 =	sld [smem:$0x7F3]  }
0xdb: {  	s16 =	sld [smem:$0x7F4]  }
0xdc: {  	s17 =	sld [smem:$0x7F5]  }
0xdd: {  	s18 =	sld [smem:$0x7F6]  }
0xde: {  	s19 =	sld [smem:$0x7F7]  }
0xdf: {  	[sflag:s8] =	ssyncset.done $0x0;
	s20 =	sld [smem:$0x7F8]  }
0xe0: {  	s21 =	sld [smem:$0x7F9];
	[sflag:s8] =	ssyncadd.s32 $0xFFFFF800  }
0xe1: {  	[spmem:s2] =	stream.indirect.scatter.add.f32 [tilespmem:s17], [sflag:$0x1], $0x10, s19, s9, $0xb8;
	[tilespmem:$0x17B10] =	vst v63  }
0xe2: {  	s22 =	sld [smem:$0x7FA]  }
0xe3: {  	[spmem:s2] =	stream.indirect.scatter.add.f32 [tilespmem:s16], [sflag:$0x1], $0x10, s15, s9, $0xb8;
	[tilespmem:$0x17B10] =	vst v63  }
0xe4: {  	s23 =	sld [smem:$0x7FB]  }
0xe5: {  	[spmem:s2] =	stream.indirect.scatter.add.f32 [tilespmem:s20], [sflag:$0x1], $0x10, s21, s9, $0xb8;
	[tilespmem:$0x17B10] =	vst v63  }
0xe6: {  	s24 =	sld [smem:$0x7FC]  }
0xe7: {  	[spmem:s2] =	stream.indirect.scatter.add.f32 [tilespmem:s18], [sflag:$0x1], $0x10, s22, s9, $0xb8;
	[tilespmem:$0x17B10] =	vst v63  }
0xe8: {  	s25 =	sld [smem:$0x7FD]  }
0xe9: {  	[spmem:s2] =	stream.indirect.scatter.add.f32 [tilespmem:s24], [sflag:$0x1], $0x10, s23, s9, $0xb8;
	[tilespmem:$0x17B10] =	vst v63  }
0xea: {  	s26 =	simm.s32 $0xFC00  }
0xeb: {  	[spmem:s2] =	stream.indirect.scatter.add.f32 [tilespmem:s26], [sflag:$0x1], $0x10, s25, s9, $0xb8;
	[tilespmem:$0x17B10] =	vst v63  }
0xec: {  	s10 =	simm.s32 $0xF00;
	s11 =	simm.s32 $0x10400  }
0xed: {  	[spmem:s2] =	stream.indirect.scatter.add.f32 [tilespmem:s11], [sflag:$0x1], $0x10, s10, s9, $0xb8;
	[tilespmem:$0x17B10] =	vst v63  }
0xee: {  	s13 =	simm.s32 $0x10C00;
	s12 =	simm.s32 $0xF80  }
0xef: {  	[spmem:s2] =	stream.indirect.scatter.add.f32 [tilespmem:s13], [sflag:$0x1], $0x10, s12, s9, $0xb8;
	[tilespmem:$0x17B10] =	vst v63  }
0xf0: {  	_ =	swait.ge [sflag:s8], $0x800  }
0xf1: {  	[sflag:s8] =	ssyncset.done $0x0  }
0xf2: {  	[sflag:s8] =	ssyncadd.s32 $0xFFFFF800  }
0xf3: {  	_ =	swait.ge [sflag:s8], $0x800  }
0xf4: {  	[sflag:s8] =	ssyncset.done $0x0  }
0xf5: {  	[sflag:s8] =	ssyncadd.s32 $0xFFFFF800  }
0xf6: {  	_ =	swait.ge [sflag:s8], $0x800  }
0xf7: {  	[sflag:s8] =	ssyncset.done $0x0  }
0xf8: {  	[sflag:s8] =	ssyncadd.s32 $0xFFFFF800  }
0xf9: {  	_ =	swait.ge [sflag:s8], $0x800  }
0xfa: {  	[sflag:s8] =	ssyncset.done $0x0  }
0xfb: {  	[sflag:s8] =	ssyncadd.s32 $0xFFFFF800  }
0xfc: {  	_ =	swait.ge [sflag:s8], $0x800  }
0xfd: {  	[sflag:s8] =	ssyncset.done $0x0  }
0xfe: {  	[sflag:s8] =	ssyncadd.s32 $0xFFFFF800  }
0xff: {  	_ =	swait.ge [sflag:s8], $0x800  }
0x100: {  	[sflag:s8] =	ssyncset.done $0x0  }
0x101: {  	[sflag:s8] =	ssyncadd.s32 $0xFFFFF800  }
0x102: {  	_ =	swait.ge [sflag:s8], $0x800  }
0x103: {  	[sflag:s8] =	ssyncset.done $0x0  }
0x104: {  	[sflag:s8] =	ssyncadd.s32 $0xFFFFF800  }
0x105: {  	_ =	swait.ge [sflag:s8], $0x800  }
0x106: {  	[sflag:s8] =	ssyncset.done $0x0  }
0x107: {  	s14 =	simm.s32 $0x1000;
	s15 =	simm.s32 $0x11400;
	[sflag:s8] =	ssyncadd.s32 $0xFFFFF800  }
0x108: {  	[spmem:s2] =	stream.indirect.scatter.add.f32 [tilespmem:s15], [sflag:$0x1], $0x10, s14, s9, $0xb8;
	[tilespmem:$0x17B10] =	vst v63  }
0x109: {  	s17 =	simm.s32 $0x11C00;
	s16 =	simm.s32 $0x1080  }
0x10a: {  	[spmem:s2] =	stream.indirect.scatter.add.f32 [tilespmem:s17], [sflag:$0x1], $0x10, s16, s9, $0xb8;
	[tilespmem:$0x17B10] =	vst v63  }
0x10b: {  	s19 =	simm.s32 $0x1100;
	s20 =	simm.s32 $0x12400  }
0x10c: {  	[spmem:s2] =	stream.indirect.scatter.add.f32 [tilespmem:s20], [sflag:$0x1], $0x10, s19, s9, $0xb8;
	[tilespmem:$0x17B10] =	vst v63  }
0x10d: {  	s21 =	simm.s32 $0x1180;
	s22 =	simm.s32 $0x12C00  }
0x10e: {  	[spmem:s2] =	stream.indirect.scatter.add.f32 [tilespmem:s22], [sflag:$0x1], $0x10, s21, s9, $0xb8;
	[tilespmem:$0x17B10] =	vst v63  }
0x10f: {  	s1 =	ssub.s32 $0x2, s1;
	s23 =	simm.s32 $0x1200;
	s24 =	simm.s32 $0x13400  }
0x110: {  	[spmem:s2] =	stream.indirect.scatter.add.f32 [tilespmem:s24], [sflag:$0x1], $0x10, s23, s9, $0xb8;
	[tilespmem:$0x17B10] =	vst v63  }
0x111: {  	s18 =	sshrl.u32 s1, $0x1;
	s25 =	simm.s32 $0x1280;
	s26 =	simm.s32 $0x13C00  }
0x112: {  	[spmem:s2] =	stream.indirect.scatter.add.f32 [tilespmem:s26], [sflag:$0x1], $0x10, s25, s9, $0xb8;
	[tilespmem:$0x17B10] =	vst v63  }
0x113: {  	s28 =	simm.s32 $0x1300;
	s29 =	simm.s32 $0x14400;
	s0 =	ssub.s32 s1, s18  }
0x114: {  	[spmem:s2] =	stream.indirect.scatter.add.f32 [tilespmem:s29], [sflag:$0x1], $0x10, s28, s9, $0xb8;
	[tilespmem:$0x17B10] =	vst v63  }
0x115: {  	s30 =	simm.s32 $0x1380;
	s31 =	simm.s32 $0x14C00;
	s0 =	smax.u32 s0, $0x1  }
0x116: {  	[spmem:s2] =	stream.indirect.scatter.add.f32 [tilespmem:s31], [sflag:$0x1], $0x10, s30, s9, $0xb8;
	[tilespmem:$0x17B10] =	vst v63  }
0x117: {  	p0 =	sne.s32 s0, $0x1;
	_ =	swait.ge [sflag:s8], $0x800  }
.Ltmp0:
0x118: {  	[sflag:s8] =	ssyncset.done $0x0;
	(pc) =	sbr.rel @!p0 .LBB2_2-.Ltmp0, $4  }
0x119: {  	[sflag:s8] =	ssyncadd.s32 $0xFFFFF800  }
0x11a: {  	_ =	swait.ge [sflag:s8], $0x800  }
0x11b: {  	[sflag:s8] =	ssyncset.done $0x0  }
0x11c: {  	s1 =	sadd.s32 $0xFFFFFFFF, s0;
	[sflag:s8] =	ssyncadd.s32 $0xFFFFF800  }
.LBB2_1:
0x11d: {  	_ =	swait.ge [sflag:s8], $0x800  }
0x11e: {  	[sflag:s8] =	ssyncset.done $0x0  }
0x11f: {  	[sflag:s8] =	ssyncadd.s32 $0xFFFFF800  }
0x120: {  	_ =	swait.ge [sflag:s8], $0x800  }
0x121: {  	[sflag:s8] =	ssyncset.done $0x0  }
0x122: {  	[sflag:s8] =	ssyncadd.s32 $0xFFFFF800  }
0x123: {  	_ =	swait.ge [sflag:s8], $0x800  }
0x124: {  	[sflag:s8] =	ssyncset.done $0x0  }
0x125: {  	[sflag:s8] =	ssyncadd.s32 $0xFFFFF800  }
0x126: {  	_ =	swait.ge [sflag:s8], $0x800  }
0x127: {  	[sflag:s8] =	ssyncset.done $0x0  }
0x128: {  	[sflag:s8] =	ssyncadd.s32 $0xFFFFF800  }
0x129: {  	_ =	swait.ge [sflag:s8], $0x800  }
0x12a: {  	[sflag:s8] =	ssyncset.done $0x0  }
0x12b: {  	[sflag:s8] =	ssyncadd.s32 $0xFFFFF800  }
0x12c: {  	_ =	swait.ge [sflag:s8], $0x800  }
0x12d: {  	[sflag:s8] =	ssyncset.done $0x0  }
0x12e: {  	[sflag:s8] =	ssyncadd.s32 $0xFFFFF800  }
0x12f: {  	[bflag:$0x0] =	sbarrier.arrive $0xFFFF  }
0x130: {  	s0 =	rddreg [dreg:$0x7]  }
0x131: {  	[hbm:s0], [sflag:s4] =	dma.local [spmem:s6], $0x4E2  }
0x132: {  	_ =	swait.ge [sflag:s5], $0x4E2  }
0x133: {  	[sflag:s5] =	ssyncset.done $0x0  }
0x134: {  	s15 =	rddreg [dreg:$0x4];
	[sflag:s5] =	ssyncadd.s32 $0xFFFFFB1E  }
0x135: {  	[spmem:s6], [sflag:s4] =	dma.local [hbm:s15], $0x4E2  }
0x136: {  	_ =	swait.ge [sflag:s5], $0x4E2  }
0x137: {  	[sflag:s5] =	ssyncset.done $0x0  }
0x138: {  	s16 =	rddreg [dreg:$0x5];
	[sflag:s5] =	ssyncadd.s32 $0xFFFFFB1E  }
0x139: {  	[tilespmem:s3], [sflag:$0x2] =	stream.linear.gather [hbm4b:s16+s3], $0x1400, $0x38;
	[tilespmem:$0x17B10] =	vst v63  }
0x13a: {  	_ =	swait.ge [sflag:s5], $0x1400  }
0x13b: {  	[sflag:s5] =	ssyncset.done $0x0  }
0x13c: {  	s17 =	rddreg [dreg:$0x6];
	[sflag:s5] =	ssyncadd.s32 $0xFFFFEC00  }
0x13d: {  	[tilespmem:s7], [sflag:$0x2] =	stream.linear.gather [hbm4b:s17+s3], $0x14000, $0x38;
	[tilespmem:$0x17B10] =	vst v63  }
0x13e: {  	_ =	swait.ge [sflag:s5], $0x14000  }
0x13f: {  	[sflag:s5] =	ssyncset.done $0x0  }
0x140: {  	[sflag:s5] =	ssyncadd.s32 $0xFFFEC000  }
0x141: {  	[bflag:$0x0] =	sbarrier.arrive $0xFFFF  }
0x142: {  	s18 =	rddreg [dreg:$0xb]  }
0x143: {  	s10 =	rddreg [dreg:$0x10]  }
0x144: {  	s11 =	rddreg [dreg:$0xc]  }
0x145: {  	s12 =	rddreg [dreg:$0xa]  }
0x146: {  	[spmem:s2] =	stream.indirect.scatter.add.f32 [tilespmem:s7], [sflag:$0x1], $0x10, s3, s9, $0xb8;
	[tilespmem:$0x17B10] =	vst v63  }
0x147: {  	s13 =	rddreg [dreg:$0x8]  }
0x148: {  	s14 =	rddreg [dreg:$0xe]  }
0x149: {  	s15 =	rddreg [dreg:$0x9]  }
0x14a: {  	[spmem:s2] =	stream.indirect.scatter.add.f32 [tilespmem:s13], [sflag:$0x1], $0x10, s9, s9, $0xb8;
	[tilespmem:$0x17B10] =	vst v63  }
0x14b: {  	s16 =	rddreg [dreg:$0xd]  }
0x14c: {  	[spmem:s2] =	stream.indirect.scatter.add.f32 [tilespmem:s12], [sflag:$0x1], $0x10, s15, s9, $0xb8;
	[tilespmem:$0x17B10] =	vst v63  }
0x14d: {  	s17 =	rddreg [dreg:$0x11]  }
0x14e: {  	[spmem:s2] =	stream.indirect.scatter.add.f32 [tilespmem:s11], [sflag:$0x1], $0x10, s18, s9, $0xb8;
	[tilespmem:$0x17B10] =	vst v63  }
0x14f: {  	s13 =	rddreg [dreg:$0xf]  }
0x150: {  	[spmem:s2] =	stream.indirect.scatter.add.f32 [tilespmem:s14], [sflag:$0x1], $0x10, s16, s9, $0xb8;
	[tilespmem:$0x17B10] =	vst v63  }
0x151: {  	s15 =	rddreg [dreg:$0x12]  }
0x152: {  	[spmem:s2] =	stream.indirect.scatter.add.f32 [tilespmem:s10], [sflag:$0x1], $0x10, s13, s9, $0xb8;
	[tilespmem:$0x17B10] =	vst v63  }
0x153: {  	s18 =	rddreg [dreg:$0x13]  }
0x154: {  	[spmem:s2] =	stream.indirect.scatter.add.f32 [tilespmem:s15], [sflag:$0x1], $0x10, s17, s9, $0xb8;
	[tilespmem:$0x17B10] =	vst v63  }
0x155: {  	s13 =	rddreg [dreg:$0x14]  }
0x156: {  	[spmem:s2] =	stream.indirect.scatter.add.f32 [tilespmem:s13], [sflag:$0x1], $0x10, s18, s9, $0xb8;
	[tilespmem:$0x17B10] =	vst v63  }
0x157: {  	_ =	swait.ge [sflag:s8], $0x800  }
0x158: {  	[sflag:s8] =	ssyncset.done $0x0  }
0x159: {  	[sflag:s8] =	ssyncadd.s32 $0xFFFFF800  }
0x15a: {  	_ =	swait.ge [sflag:s8], $0x800  }
0x15b: {  	[sflag:s8] =	ssyncset.done $0x0  }
0x15c: {  	[sflag:s8] =	ssyncadd.s32 $0xFFFFF800  }
0x15d: {  	_ =	swait.ge [sflag:s8], $0x800  }
0x15e: {  	[sflag:s8] =	ssyncset.done $0x0  }
0x15f: {  	[sflag:s8] =	ssyncadd.s32 $0xFFFFF800  }
0x160: {  	_ =	swait.ge [sflag:s8], $0x800  }
0x161: {  	[sflag:s8] =	ssyncset.done $0x0  }
0x162: {  	[sflag:s8] =	ssyncadd.s32 $0xFFFFF800  }
0x163: {  	_ =	swait.ge [sflag:s8], $0x800  }
0x164: {  	[sflag:s8] =	ssyncset.done $0x0  }
0x165: {  	[sflag:s8] =	ssyncadd.s32 $0xFFFFF800  }
0x166: {  	_ =	swait.ge [sflag:s8], $0x800  }
0x167: {  	[sflag:s8] =	ssyncset.done $0x0  }
0x168: {  	[sflag:s8] =	ssyncadd.s32 $0xFFFFF800  }
0x169: {  	_ =	swait.ge [sflag:s8], $0x800  }
0x16a: {  	[sflag:s8] =	ssyncset.done $0x0  }
0x16b: {  	[sflag:s8] =	ssyncadd.s32 $0xFFFFF800  }
0x16c: {  	_ =	swait.ge [sflag:s8], $0x800  }
0x16d: {  	s0 =	rddreg [dreg:$0x1b]  }
0x16e: {  	s10 =	sld [smem:$0x7DE]  }
0x16f: {  	s11 =	rddreg [dreg:$0x19]  }
0x170: {  	s12 =	rddreg [dreg:$0x16]  }
0x171: {  	s13 =	rddreg [dreg:$0x18]  }
0x172: {  	s14 =	rddreg [dreg:$0x17]  }
0x173: {  	s15 =	rddreg [dreg:$0x15]  }
0x174: {  	s16 =	rddreg [dreg:$0x1c]  }
0x175: {  	[sflag:s8] =	ssyncset.done $0x0;
	s17 =	rddreg [dreg:$0x1e]  }
0x176: {  	s18 =	rddreg [dreg:$0x1a];
	[sflag:s8] =	ssyncadd.s32 $0xFFFFF800  }
0x177: {  	[spmem:s2] =	stream.indirect.scatter.add.f32 [tilespmem:s12], [sflag:$0x1], $0x10, s15, s9, $0xb8;
	[tilespmem:$0x17B10] =	vst v63  }
0x178: {  	s12 =	rddreg [dreg:$0x1f]  }
0x179: {  	[spmem:s2] =	stream.indirect.scatter.add.f32 [tilespmem:s13], [sflag:$0x1], $0x10, s14, s9, $0xb8;
	[tilespmem:$0x17B10] =	vst v63  }
0x17a: {  	s15 =	sld [smem:$0x7DF]  }
0x17b: {  	[spmem:s2] =	stream.indirect.scatter.add.f32 [tilespmem:s18], [sflag:$0x1], $0x10, s11, s9, $0xb8;
	[tilespmem:$0x17B10] =	vst v63  }
0x17c: {  	s14 =	rddreg [dreg:$0x1d]  }
0x17d: {  	[spmem:s2] =	stream.indirect.scatter.add.f32 [tilespmem:s16], [sflag:$0x1], $0x10, s0, s9, $0xb8;
	[tilespmem:$0x17B10] =	vst v63  }
0x17e: {  	s18 =	sld [smem:$0x7E1]  }
0x17f: {  	[spmem:s2] =	stream.indirect.scatter.add.f32 [tilespmem:s17], [sflag:$0x1], $0x10, s14, s9, $0xb8;
	[tilespmem:$0x17B10] =	vst v63  }
0x180: {  	s16 =	sld [smem:$0x7E0]  }
0x181: {  	[spmem:s2] =	stream.indirect.scatter.add.f32 [tilespmem:s15], [sflag:$0x1], $0x10, s12, s9, $0xb8;
	[tilespmem:$0x17B10] =	vst v63  }
0x182: {  	s12 =	sld [smem:$0x7E2]  }
0x183: {  	[spmem:s2] =	stream.indirect.scatter.add.f32 [tilespmem:s10], [sflag:$0x1], $0x10, s16, s9, $0xb8;
	[tilespmem:$0x17B10] =	vst v63  }
0x184: {  	_ = 	snop  }
0x185: {  	[spmem:s2] =	stream.indirect.scatter.add.f32 [tilespmem:s18], [sflag:$0x1], $0x10, s12, s9, $0xb8;
	[tilespmem:$0x17B10] =	vst v63  }
0x186: {  	_ =	swait.ge [sflag:s8], $0x800  }
0x187: {  	[sflag:s8] =	ssyncset.done $0x0  }
0x188: {  	[sflag:s8] =	ssyncadd.s32 $0xFFFFF800  }
0x189: {  	_ =	swait.ge [sflag:s8], $0x800  }
0x18a: {  	[sflag:s8] =	ssyncset.done $0x0  }
0x18b: {  	[sflag:s8] =	ssyncadd.s32 $0xFFFFF800  }
0x18c: {  	_ =	swait.ge [sflag:s8], $0x800  }
0x18d: {  	[sflag:s8] =	ssyncset.done $0x0  }
0x18e: {  	[sflag:s8] =	ssyncadd.s32 $0xFFFFF800  }
0x18f: {  	_ =	swait.ge [sflag:s8], $0x800  }
0x190: {  	[sflag:s8] =	ssyncset.done $0x0  }
0x191: {  	[sflag:s8] =	ssyncadd.s32 $0xFFFFF800  }
0x192: {  	_ =	swait.ge [sflag:s8], $0x800  }
0x193: {  	[sflag:s8] =	ssyncset.done $0x0  }
0x194: {  	[sflag:s8] =	ssyncadd.s32 $0xFFFFF800  }
0x195: {  	_ =	swait.ge [sflag:s8], $0x800  }
0x196: {  	[sflag:s8] =	ssyncset.done $0x0  }
0x197: {  	[sflag:s8] =	ssyncadd.s32 $0xFFFFF800  }
0x198: {  	_ =	swait.ge [sflag:s8], $0x800  }
0x199: {  	[sflag:s8] =	ssyncset.done $0x0  }
0x19a: {  	[sflag:s8] =	ssyncadd.s32 $0xFFFFF800  }
0x19b: {  	_ =	swait.ge [sflag:s8], $0x800  }
0x19c: {  	s0 =	sld [smem:$0x7E3]  }
0x19d: {  	s10 =	sld [smem:$0x7E4]  }
0x19e: {  	s11 =	sld [smem:$0x7E5]  }
0x19f: {  	s12 =	sld [smem:$0x7E6]  }
0x1a0: {  	s13 =	sld [smem:$0x7E7]  }
0x1a1: {  	s14 =	sld [smem:$0x7E8]  }
0x1a2: {  	s15 =	sld [smem:$0x7E9]  }
0x1a3: {  	s16 =	sld [smem:$0x7EA]  }
0x1a4: {  	[sflag:s8] =	ssyncset.done $0x0;
	s17 =	sld [smem:$0x7EB]  }
0x1a5: {  	s18 =	sld [smem:$0x7EC];
	[sflag:s8] =	ssyncadd.s32 $0xFFFFF800  }
0x1a6: {  	[spmem:s2] =	stream.indirect.scatter.add.f32 [tilespmem:s15], [sflag:$0x1], $0x10, s14, s9, $0xb8;
	[tilespmem:$0x17B10] =	vst v63  }
0x1a7: {  	s14 =	sld [smem:$0x7ED]  }
0x1a8: {  	[spmem:s2] =	stream.indirect.scatter.add.f32 [tilespmem:s11], [sflag:$0x1], $0x10, s13, s9, $0xb8;
	[tilespmem:$0x17B10] =	vst v63  }
0x1a9: {  	s15 =	sld [smem:$0x7EF]  }
0x1aa: {  	[spmem:s2] =	stream.indirect.scatter.add.f32 [tilespmem:s16], [sflag:$0x1], $0x10, s0, s9, $0xb8;
	[tilespmem:$0x17B10] =	vst v63  }
0x1ab: {  	s13 =	sld [smem:$0x7EE]  }
0x1ac: {  	[spmem:s2] =	stream.indirect.scatter.add.f32 [tilespmem:s17], [sflag:$0x1], $0x10, s18, s9, $0xb8;
	[tilespmem:$0x17B10] =	vst v63  }
0x1ad: {  	s16 =	sld [smem:$0x7F0]  }
0x1ae: {  	[spmem:s2] =	stream.indirect.scatter.add.f32 [tilespmem:s12], [sflag:$0x1], $0x10, s14, s9, $0xb8;
	[tilespmem:$0x17B10] =	vst v63  }
0x1af: {  	s17 =	sld [smem:$0x7F1]  }
0x1b0: {  	[spmem:s2] =	stream.indirect.scatter.add.f32 [tilespmem:s13], [sflag:$0x1], $0x10, s15, s9, $0xb8;
	[tilespmem:$0x17B10] =	vst v63  }
0x1b1: {  	s18 =	sld [smem:$0x7F2]  }
0x1b2: {  	[spmem:s2] =	stream.indirect.scatter.add.f32 [tilespmem:s10], [sflag:$0x1], $0x10, s16, s9, $0xb8;
	[tilespmem:$0x17B10] =	vst v63  }
0x1b3: {  	_ = 	snop  }
0x1b4: {  	[spmem:s2] =	stream.indirect.scatter.add.f32 [tilespmem:s17], [sflag:$0x1], $0x10, s18, s9, $0xb8;
	[tilespmem:$0x17B10] =	vst v63  }
0x1b5: {  	_ =	swait.ge [sflag:s8], $0x800  }
0x1b6: {  	[sflag:s8] =	ssyncset.done $0x0  }
0x1b7: {  	[sflag:s8] =	ssyncadd.s32 $0xFFFFF800  }
0x1b8: {  	_ =	swait.ge [sflag:s8], $0x800  }
0x1b9: {  	[sflag:s8] =	ssyncset.done $0x0  }
0x1ba: {  	[sflag:s8] =	ssyncadd.s32 $0xFFFFF800  }
0x1bb: {  	_ =	swait.ge [sflag:s8], $0x800  }
0x1bc: {  	[sflag:s8] =	ssyncset.done $0x0  }
0x1bd: {  	[sflag:s8] =	ssyncadd.s32 $0xFFFFF800  }
0x1be: {  	_ =	swait.ge [sflag:s8], $0x800  }
0x1bf: {  	[sflag:s8] =	ssyncset.done $0x0  }
0x1c0: {  	[sflag:s8] =	ssyncadd.s32 $0xFFFFF800  }
0x1c1: {  	_ =	swait.ge [sflag:s8], $0x800  }
0x1c2: {  	[sflag:s8] =	ssyncset.done $0x0  }
0x1c3: {  	[sflag:s8] =	ssyncadd.s32 $0xFFFFF800  }
0x1c4: {  	_ =	swait.ge [sflag:s8], $0x800  }
0x1c5: {  	[sflag:s8] =	ssyncset.done $0x0  }
0x1c6: {  	[sflag:s8] =	ssyncadd.s32 $0xFFFFF800  }
0x1c7: {  	_ =	swait.ge [sflag:s8], $0x800  }
0x1c8: {  	[sflag:s8] =	ssyncset.done $0x0  }
0x1c9: {  	[sflag:s8] =	ssyncadd.s32 $0xFFFFF800  }
0x1ca: {  	_ =	swait.ge [sflag:s8], $0x800  }
0x1cb: {  	s10 =	sld [smem:$0x7F3]  }
0x1cc: {  	s14 =	sld [smem:$0x7F4]  }
0x1cd: {  	s15 =	sld [smem:$0x7F5]  }
0x1ce: {  	s12 =	sld [smem:$0x7F6]  }
0x1cf: {  	s16 =	sld [smem:$0x7F7]  }
0x1d0: {  	[sflag:s8] =	ssyncset.done $0x0;
	s17 =	sld [smem:$0x7F8]  }
0x1d1: {  	s18 =	sld [smem:$0x7F9];
	[sflag:s8] =	ssyncadd.s32 $0xFFFFF800  }
0x1d2: {  	[spmem:s2] =	stream.indirect.scatter.add.f32 [tilespmem:s15], [sflag:$0x1], $0x10, s16, s9, $0xb8;
	[tilespmem:$0x17B10] =	vst v63  }
0x1d3: {  	s13 =	sld [smem:$0x7FA]  }
0x1d4: {  	[spmem:s2] =	stream.indirect.scatter.add.f32 [tilespmem:s14], [sflag:$0x1], $0x10, s10, s9, $0xb8;
	[tilespmem:$0x17B10] =	vst v63  }
0x1d5: {  	s16 =	sld [smem:$0x7FB]  }
0x1d6: {  	[spmem:s2] =	stream.indirect.scatter.add.f32 [tilespmem:s17], [sflag:$0x1], $0x10, s18, s9, $0xb8;
	[tilespmem:$0x17B10] =	vst v63  }
0x1d7: {  	s17 =	sld [smem:$0x7FC]  }
0x1d8: {  	[spmem:s2] =	stream.indirect.scatter.add.f32 [tilespmem:s12], [sflag:$0x1], $0x10, s13, s9, $0xb8;
	[tilespmem:$0x17B10] =	vst v63  }
0x1d9: {  	s18 =	sld [smem:$0x7FD]  }
0x1da: {  	[spmem:s2] =	stream.indirect.scatter.add.f32 [tilespmem:s17], [sflag:$0x1], $0x10, s16, s9, $0xb8;
	[tilespmem:$0x17B10] =	vst v63  }
0x1db: {  	s10 =	simm.s32 $0xFC00  }
0x1dc: {  	[spmem:s2] =	stream.indirect.scatter.add.f32 [tilespmem:s10], [sflag:$0x1], $0x10, s18, s9, $0xb8;
	[tilespmem:$0x17B10] =	vst v63  }
0x1dd: {  	s11 =	simm.s32 $0xF00;
	s12 =	simm.s32 $0x10400  }
0x1de: {  	[spmem:s2] =	stream.indirect.scatter.add.f32 [tilespmem:s12], [sflag:$0x1], $0x10, s11, s9, $0xb8;
	[tilespmem:$0x17B10] =	vst v63  }
0x1df: {  	s14 =	simm.s32 $0x10C00;
	s13 =	simm.s32 $0xF80  }
0x1e0: {  	[spmem:s2] =	stream.indirect.scatter.add.f32 [tilespmem:s14], [sflag:$0x1], $0x10, s13, s9, $0xb8;
	[tilespmem:$0x17B10] =	vst v63  }
0x1e1: {  	_ =	swait.ge [sflag:s8], $0x800  }
0x1e2: {  	[sflag:s8] =	ssyncset.done $0x0  }
0x1e3: {  	[sflag:s8] =	ssyncadd.s32 $0xFFFFF800  }
0x1e4: {  	_ =	swait.ge [sflag:s8], $0x800  }
0x1e5: {  	[sflag:s8] =	ssyncset.done $0x0  }
0x1e6: {  	[sflag:s8] =	ssyncadd.s32 $0xFFFFF800  }
0x1e7: {  	_ =	swait.ge [sflag:s8], $0x800  }
0x1e8: {  	[sflag:s8] =	ssyncset.done $0x0  }
0x1e9: {  	[sflag:s8] =	ssyncadd.s32 $0xFFFFF800  }
0x1ea: {  	_ =	swait.ge [sflag:s8], $0x800  }
0x1eb: {  	[sflag:s8] =	ssyncset.done $0x0  }
0x1ec: {  	[sflag:s8] =	ssyncadd.s32 $0xFFFFF800  }
0x1ed: {  	_ =	swait.ge [sflag:s8], $0x800  }
0x1ee: {  	[sflag:s8] =	ssyncset.done $0x0  }
0x1ef: {  	[sflag:s8] =	ssyncadd.s32 $0xFFFFF800  }
0x1f0: {  	_ =	swait.ge [sflag:s8], $0x800  }
0x1f1: {  	[sflag:s8] =	ssyncset.done $0x0  }
0x1f2: {  	[sflag:s8] =	ssyncadd.s32 $0xFFFFF800  }
0x1f3: {  	_ =	swait.ge [sflag:s8], $0x800  }
0x1f4: {  	[sflag:s8] =	ssyncset.done $0x0  }
0x1f5: {  	[sflag:s8] =	ssyncadd.s32 $0xFFFFF800  }
0x1f6: {  	_ =	swait.ge [sflag:s8], $0x800  }
0x1f7: {  	[sflag:s8] =	ssyncset.done $0x0  }
0x1f8: {  	s15 =	simm.s32 $0x1000;
	s16 =	simm.s32 $0x11400;
	[sflag:s8] =	ssyncadd.s32 $0xFFFFF800  }
0x1f9: {  	[spmem:s2] =	stream.indirect.scatter.add.f32 [tilespmem:s16], [sflag:$0x1], $0x10, s15, s9, $0xb8;
	[tilespmem:$0x17B10] =	vst v63  }
0x1fa: {  	s17 =	simm.s32 $0x1080;
	s18 =	simm.s32 $0x11C00  }
0x1fb: {  	[spmem:s2] =	stream.indirect.scatter.add.f32 [tilespmem:s18], [sflag:$0x1], $0x10, s17, s9, $0xb8;
	[tilespmem:$0x17B10] =	vst v63  }
0x1fc: {  	_ = 	snop  }
0x1fd: {  	[spmem:s2] =	stream.indirect.scatter.add.f32 [tilespmem:s20], [sflag:$0x1], $0x10, s19, s9, $0xb8;
	[tilespmem:$0x17B10] =	vst v63  }
0x1fe: {  	_ = 	snop  }
0x1ff: {  	[spmem:s2] =	stream.indirect.scatter.add.f32 [tilespmem:s22], [sflag:$0x1], $0x10, s21, s9, $0xb8;
	[tilespmem:$0x17B10] =	vst v63  }
0x200: {  	_ = 	snop  }
0x201: {  	[spmem:s2] =	stream.indirect.scatter.add.f32 [tilespmem:s24], [sflag:$0x1], $0x10, s23, s9, $0xb8;
	[tilespmem:$0x17B10] =	vst v63  }
0x202: {  	_ = 	snop  }
0x203: {  	[spmem:s2] =	stream.indirect.scatter.add.f32 [tilespmem:s26], [sflag:$0x1], $0x10, s25, s9, $0xb8;
	[tilespmem:$0x17B10] =	vst v63  }
0x204: {  	_ = 	snop  }
0x205: {  	[spmem:s2] =	stream.indirect.scatter.add.f32 [tilespmem:s29], [sflag:$0x1], $0x10, s28, s9, $0xb8;
	[tilespmem:$0x17B10] =	vst v63  }
0x206: {  	_ = 	snop  }
0x207: {  	[spmem:s2] =	stream.indirect.scatter.add.f32 [tilespmem:s31], [sflag:$0x1], $0x10, s30, s9, $0xb8;
	[tilespmem:$0x17B10] =	vst v63  }
0x208: {  	p0 =	sne.s32 s1, $0x1;
	_ =	swait.ge [sflag:s8], $0x800  }
.Ltmp1:
0x209: {  	[sflag:s8] =	ssyncset.done $0x0;
	(pc) =	sbr.rel @p0 .LBB2_1-.Ltmp1, $4  }
0x20a: {  	[sflag:s8] =	ssyncadd.s32 $0xFFFFF800  }
0x20b: {  	_ =	swait.ge [sflag:s8], $0x800  }
0x20c: {  	[sflag:s8] =	ssyncset.done $0x0  }
0x20d: {  	s1 =	sadd.s32 $0xFFFFFFFF, s1;
	[sflag:s8] =	ssyncadd.s32 $0xFFFFF800  }
.LBB2_2:
0x20e: {  	_ =	swait.ge [sflag:s8], $0x800  }
0x20f: {  	[sflag:s8] =	ssyncset.done $0x0  }
0x210: {  	[sflag:s8] =	ssyncadd.s32 $0xFFFFF800  }
0x211: {  	_ =	swait.ge [sflag:s8], $0x800  }
0x212: {  	[sflag:s8] =	ssyncset.done $0x0  }
0x213: {  	[sflag:s8] =	ssyncadd.s32 $0xFFFFF800  }
0x214: {  	_ =	swait.ge [sflag:s8], $0x800  }
0x215: {  	[sflag:s8] =	ssyncset.done $0x0  }
0x216: {  	[sflag:s8] =	ssyncadd.s32 $0xFFFFF800  }
0x217: {  	_ =	swait.ge [sflag:s8], $0x800  }
0x218: {  	[sflag:s8] =	ssyncset.done $0x0  }
0x219: {  	[sflag:s8] =	ssyncadd.s32 $0xFFFFF800  }
0x21a: {  	_ =	swait.ge [sflag:s8], $0x800  }
0x21b: {  	[sflag:s8] =	ssyncset.done $0x0  }
0x21c: {  	[sflag:s8] =	ssyncadd.s32 $0xFFFFF800  }
0x21d: {  	_ =	swait.ge [sflag:s8], $0x800  }
0x21e: {  	[sflag:s8] =	ssyncset.done $0x0  }
0x21f: {  	[sflag:s8] =	ssyncadd.s32 $0xFFFFF800  }
0x220: {  	[bflag:$0x0] =	sbarrier.arrive $0xFFFF  }
0x221: {  	s0 =	rddreg [dreg:$0x7]  }
0x222: {  	[hbm:s0], [sflag:s4] =	dma.local [spmem:s6], $0x4E2  }
0x223: {  	_ =	swait.ge [sflag:s5], $0x4E2  }
0x224: {  	[sflag:s5] =	ssyncset.done $0x0  }
0x225: {  	[sflag:s5] =	ssyncadd.s32 $0xFFFFFB1E  }
0x226: {  	_ =	sfence.sel $0x180000  }
0x227: {  	[bflag:$0x0] =	sbarrier.arrive $0xFFFF  }
0x228: {  	_ =	strace $0x9000004A  }
0x229: {  	s31 =	stileid.u32;
	[bflag:$0x2] =	sbarrier.arrive $0xFFFF  }
0x22a: {  	p0 =	sne.s32 s31, $0x0;
	s0 =	rddreg [dreg:$0x3]  }
0x22b: {  	s0 =	sadd.s32 @!p0 $0x100000, s0  }
0x22c: {  	[sflag:s0] =	ssyncadd.tile.s32 @!p0 $0x1;
	_ =	shalt  }
.Lfunc_end2:
_tile_overlayer_lowered:
.L_overlay_start_2:
0x22d: {  	(tag) =	ssettag $0x2  }
0x22e: {  	s0 =	rddreg [dreg:$0x0];
	s2 =	stileid.u32  }
0x22f: {  	s1 =	rddreg [dreg:$0x1];
	p0 =	sne.s32 s2, $0x0  }
0x230: {  	s3 =	rddreg [dreg:$0x2];
	[bflag:$0x3] =	sbarrier.arrive $0xFFFF;
	s2 =	simm.s32 @!p0 $0x1C02  }
0x231: {  	[timem:s3], [sflag:s2] =	dma.local @!p0 [hbm:s0], s1  }
0x232: {  	s0 =	simm.s32 @!p0 $0x2  }
0x233: {  	_ =	swait.ge @!p0 [sflag:s0], s1  }
0x234: {  	s1 =	ssub.s32 @!p0 $0x0, s1;
	[sflag:s0] =	ssyncset.done @!p0 $0x0  }
0x235: {  	[sflag:s0] =	ssyncadd.s32 @!p0 s1  }
0x236: {  	[bflag:$0x3] =	sbarrier.arrive $0xFFFF  }
0x237: {  	_ =	shalt  }

</sc_bundles>
